<compile_context>
chip_gen: v7x
topology: tpu7x:2x2x1
jax: 0.10.2.dev20260603
libtpu: 0.0.44.dev20260713+nightly
codegen_flags: <defaults>
</compile_context>

<pallas_src>
import functools

import jax
import jax.numpy as jnp
from jax import lax
from jax.experimental import pallas as pl
from jax.experimental.pallas import tpu as pltpu
from jax.experimental.pallas import tpu_sc as plsc

N_NODES = 10000
N_EDGES = 160000
IN_DIM = 256
H_DIM = 256
OUT_DIM = 10
NUM_GRAPHS = 64
K_ITERS = 10
ALPHA = 0.1

NC = 2
NS = 16
HALF = H_DIM // NC
N_PAD = 10240
CHUNK = 64
NCHUNK = 160
E_TILE = NCHUNK * CHUNK
E_PAD = NS * E_TILE
ROWS_TILE = N_PAD // NS
PIECE = 128
NPIECE = ROWS_TILE // PIECE
NSLOT = 4
WXROWS = CHUNK * 16 // 128
EROWS = E_TILE // 128
OUT_PAD = 128


def _lin_body(ft_ref, w1_ref, b1_ref, w2_ref, b2_ref, o_ref):
    x = ft_ref[...]
    h1 = lax.dot_general(x, w1_ref[...], (((1,), (1,)), ((), ())),
                         preferred_element_type=jnp.float32) + b1_ref[...]
    h2 = lax.dot_general(h1, w2_ref[...], (((1,), (1,)), ((), ())),
                         preferred_element_type=jnp.float32) + b2_ref[...]
    o_ref[0, :, :] = h2[:, :HALF]
    o_ref[1, :, :] = h2[:, HALF:]


def _linear_layers(ft, W1, b1, W2, b2):
    return pl.pallas_call(
        _lin_body,
        out_shape=jax.ShapeDtypeStruct((NC, N_PAD, HALF), jnp.float32),
    )(ft, W1, b1.reshape(1, H_DIM), W2, b2.reshape(1, H_DIM))


def _prop_body(x0_hbm, edges_hbm, wx_hbm, x_hbm,
               e32, rows_v, wx_v, src32, dst32, acc_sh, *sems):
    c = lax.axis_index("c")
    s = lax.axis_index("s")
    row0 = c * N_PAD + s * ROWS_TILE
    coff = c * N_PAD
    ebase = s * NCHUNK
    gsem = sems[0:NSLOT]
    wsem = sems[NSLOT:2 * NSLOT]
    ssem = sems[2 * NSLOT:3 * NSLOT]

    pltpu.sync_copy(edges_hbm.at[pl.ds(s * EROWS, EROWS)], e32)

    def rows_slot(p):
        return rows_v.at[pl.ds(p * CHUNK, CHUNK)]

    def convert(j, p):
        r = j // 2
        c0 = (j % 2) * 64
        for g in range(CHUNK // 16):
            v = e32[r, pl.ds(c0 + g * 16, 16)]
            src32[p, pl.ds(g * 16, 16)] = (v & 0xFFFF) + coff
            dst32[p, pl.ds(g * 16, 16)] = lax.shift_right_logical(v, 16)

    def fire(j, p):
        pltpu.async_copy(x_hbm.at[src32.at[p]], rows_slot(p), gsem[p])
        pltpu.async_copy(wx_hbm.at[pl.ds((ebase + j) * WXROWS, WXROWS)],
                         wx_v.at[pl.ds(p * WXROWS, WXROWS)], wsem[p])

    def wait_g(p):
        pltpu.make_async_copy(x_hbm.at[src32.at[p]], rows_slot(p), gsem[p]).wait()
        pltpu.make_async_copy(wx_hbm.at[pl.ds(ebase * WXROWS, WXROWS)],
                              wx_v.at[pl.ds(p * WXROWS, WXROWS)], wsem[p]).wait()

    def fire_sc(p):
        pltpu.async_copy(rows_slot(p), acc_sh.at[dst32.at[p]], ssem[p], add=True)

    def wait_sc(p):
        pltpu.make_async_copy(rows_slot(p), acc_sh.at[dst32.at[p]], ssem[p]).wait()

    def compute(p):
        base = p * CHUNK
        wbase = p * WXROWS
        def _pair(e2, _):
            for u in range(2):
                e = e2 * 2 + u
                wvec = wx_v[wbase + e // 8, pl.ds((e % 8) * 16, 16)]
                for fj in range(HALF // 16):
                    sl = pl.ds(fj * 16, 16)
                    rows_v[base + e, sl] = rows_v[base + e, sl] * wvec
            return 0
        lax.fori_loop(0, CHUNK // 2, _pair, 0)

    lo = rows_v.at[pl.ds(0, PIECE)]
    hi = rows_v.at[pl.ds(PIECE, PIECE)]

    def _init_piece(p, _):
        r0 = row0 + p * PIECE
        a0 = s * ROWS_TILE + p * PIECE
        pltpu.sync_copy(x0_hbm.at[pl.ds(r0, PIECE)], hi)
        pltpu.sync_copy(hi, x_hbm.at[pl.ds(r0, PIECE)])
        def _rows(i, _):
            for fj in range(HALF // 16):
                sl = pl.ds(fj * 16, 16)
                rows_v[PIECE + i, sl] = rows_v[PIECE + i, sl] * (ALPHA / (1.0 - ALPHA))
            return 0
        lax.fori_loop(0, PIECE, _rows, 0)
        pltpu.sync_copy(hi, acc_sh.at[pl.ds(a0, PIECE)])
        return 0
    lax.fori_loop(0, NPIECE, _init_piece, 0)
    plsc.subcore_barrier()

    def _iter(_k, _):
        for j in (0, 1, 2, 3):
            convert(j, j)
            fire(j, j)
        for j in (0, 1):
            wait_g(j)
            compute(j)
            fire_sc(j)
        def _grp(g, _):
            for u in range(4):
                j = 2 + 4 * g + u
                b = (2 + u) % 4
                p = u
                wait_sc(p)
                convert(j + 2, p)
                fire(j + 2, p)
                wait_g(b)
                compute(b)
                fire_sc(b)
            return 0
        lax.fori_loop(0, (NCHUNK - 4) // 4, _grp, 0)
        for b in (2, 3):
            wait_g(b)
            compute(b)
            fire_sc(b)
        for p in range(4):
            wait_sc(p)
        plsc.subcore_barrier()

        def _wb(p, _):
            r0 = row0 + p * PIECE
            a0 = s * ROWS_TILE + p * PIECE
            pltpu.sync_copy(acc_sh.at[pl.ds(a0, PIECE)], lo)
            pltpu.sync_copy(x0_hbm.at[pl.ds(r0, PIECE)], hi)
            def _rows(i, _):
                for fj in range(HALF // 16):
                    sl = pl.ds(fj * 16, 16)
                    rows_v[i, sl] = rows_v[i, sl] * (1.0 - ALPHA)
                    rows_v[PIECE + i, sl] = rows_v[PIECE + i, sl] * (ALPHA / (1.0 - ALPHA))
                return 0
            lax.fori_loop(0, PIECE, _rows, 0)
            pltpu.sync_copy(lo, x_hbm.at[pl.ds(r0, PIECE)])
            pltpu.sync_copy(hi, acc_sh.at[pl.ds(a0, PIECE)])
            return 0
        lax.fori_loop(0, NPIECE, _wb, 0)
        plsc.subcore_barrier()
        return 0
    lax.fori_loop(0, K_ITERS, _iter, 0)


def _propagate(x0_split, epk, wx):
    mesh = plsc.VectorSubcoreMesh(core_axis_name="c", subcore_axis_name="s")
    kern = functools.partial(
        pl.kernel,
        out_type=jax.ShapeDtypeStruct((NC * N_PAD, HALF), jnp.float32),
        mesh=mesh,
        scratch_types=[
            pltpu.VMEM((EROWS, 128), jnp.int32),
            pltpu.VMEM((NSLOT * CHUNK, HALF), jnp.float32),
            pltpu.VMEM((NSLOT * WXROWS, 128), jnp.float32),
            pltpu.VMEM((NSLOT, CHUNK), jnp.int32),
            pltpu.VMEM((NSLOT, CHUNK), jnp.int32),
            pltpu.VMEM_SHARED((N_PAD, HALF), jnp.float32),
        ] + [pltpu.SemaphoreType.DMA] * (3 * NSLOT),
    )(_prop_body)
    return kern(x0_split.reshape(NC * N_PAD, HALF), epk, wx)


def _head_body(x2_ref, batch_ref, v0w_ref, v0b_ref, v1w_ref, v1b_ref, o_ref):
    b = batch_ref[...]
    g = lax.broadcasted_iota(jnp.int32, (NUM_GRAPHS, N_PAD), 0)
    P = (g == b).astype(jnp.float32)
    lo = jnp.dot(P, x2_ref[0], preferred_element_type=jnp.float32)
    hi = jnp.dot(P, x2_ref[1], preferred_element_type=jnp.float32)
    pooled = jnp.concatenate([lo, hi], axis=1)
    y = lax.dot_general(pooled, v0w_ref[...], (((1,), (1,)), ((), ())),
                        preferred_element_type=jnp.float32) + v0b_ref[...]
    y = jnp.maximum(y, 0.0)
    z = lax.dot_general(y, v1w_ref[...], (((1,), (1,)), ((), ())),
                        preferred_element_type=jnp.float32) + v1b_ref[...]
    col = lax.broadcasted_iota(jnp.int32, (NUM_GRAPHS, OUT_PAD), 1)
    valid = col < OUT_DIM
    zm = jnp.where(valid, z, -jnp.inf)
    m = jnp.max(zm, axis=1, keepdims=True)
    e = jnp.where(valid, jnp.exp(zm - m), 0.0)
    lse = jnp.log(jnp.sum(e, axis=1, keepdims=True)) + m
    o_ref[...] = z - lse


def _pool_head(x2, batch2d, V0w, V0b, V1w, V1b):
    v1w_pad = jnp.zeros((OUT_PAD, H_DIM), jnp.float32).at[:OUT_DIM].set(V1w)
    v1b_pad = jnp.zeros((1, OUT_PAD), jnp.float32).at[0, :OUT_DIM].set(V1b)
    return pl.pallas_call(
        _head_body,
        out_shape=jax.ShapeDtypeStruct((NUM_GRAPHS, OUT_PAD), jnp.float32),
    )(x2, batch2d, V0w, V0b.reshape(1, H_DIM), v1w_pad, v1b_pad)


def kernel(features, edge_index, edge_weight, batch,
           W1, b1, W2, b2, V0w, V0b, V1w, V1b):
    ft = jnp.zeros((N_PAD, IN_DIM), jnp.float32).at[:N_NODES].set(
        features.T.astype(jnp.float32))
    x0 = _linear_layers(ft, W1, b1, W2, b2)

    pad = E_PAD - N_EDGES
    packed = (edge_index[0].astype(jnp.int32)
              | (edge_index[1].astype(jnp.int32) << 16))
    epk = jnp.concatenate(
        [packed, jnp.zeros((pad,), jnp.int32)]
    ).reshape(NS * EROWS, 128)
    w = jnp.concatenate(
        [edge_weight.astype(jnp.float32), jnp.zeros((pad,), jnp.float32)]
    )
    wx = jnp.broadcast_to(w[:, None], (E_PAD, 16)).reshape(E_PAD * 16 // 128, 128)

    xk = _propagate(x0, epk, wx)
    x2 = xk.reshape(NC, N_PAD, HALF)

    batch_pad = jnp.full((N_PAD,), NUM_GRAPHS, jnp.int32).at[:N_NODES].set(
        batch.astype(jnp.int32))
    logits = _pool_head(x2, batch_pad.reshape(1, N_PAD), V0w, V0b, V1w, V1b)
    return (logits[:, :OUT_DIM], 10)

# --- scband reference (transcript-rebuilt; emitter-appended) ---
"""Pipeline reference for scband-appnp-gc-38981123178701 (READ-ONLY COPY).

The authoritative reference and input builder live on the scoring server;
editing this copy changes nothing except your own understanding.
"""

import jax, jax.numpy as jnp
import numpy as np

N_NODES = 10000
N_EDGES = 160000
IN_DIM = 256
H_DIM = 256
OUT_DIM = 10
NUM_GRAPHS = 64
K_ITERS = 10
ALPHA = 0.1


def setup_inputs(seed: int = 0) -> dict:
    key = jax.random.key(seed)
    ks = jax.random.split(key, 12)
    features = jax.random.normal(ks[0], (IN_DIM, N_NODES), dtype=jnp.float32)
    edge_index = jax.random.randint(ks[1], (2, N_EDGES), 0, N_NODES, dtype=jnp.int64)
    edge_weight = jax.random.uniform(ks[2], (N_EDGES,), dtype=jnp.float32)
    batch = jnp.sort(jax.random.randint(ks[3], (N_NODES,), 0, NUM_GRAPHS, dtype=jnp.int64))
    s1 = 1.0 / np.sqrt(IN_DIM)
    s2 = 1.0 / np.sqrt(H_DIM)
    W1 = jax.random.uniform(ks[4], (H_DIM, IN_DIM), jnp.float32, -s1, s1)
    b1 = jax.random.uniform(ks[5], (H_DIM,), jnp.float32, -s1, s1)
    W2 = jax.random.uniform(ks[6], (H_DIM, H_DIM), jnp.float32, -s2, s2)
    b2 = jax.random.uniform(ks[7], (H_DIM,), jnp.float32, -s2, s2)
    V0w = jax.random.uniform(ks[8], (H_DIM, H_DIM), jnp.float32, -s2, s2)
    V0b = jax.random.uniform(ks[9], (H_DIM,), jnp.float32, -s2, s2)
    V1w = jax.random.uniform(ks[10], (OUT_DIM, H_DIM), jnp.float32, -s2, s2)
    V1b = jax.random.uniform(ks[11], (OUT_DIM,), jnp.float32, -s2, s2)
    return {"features": features, "edge_index": edge_index, "edge_weight": edge_weight,
            "batch": batch, "W1": W1, "b1": b1, "W2": W2, "b2": b2,
            "V0w": V0w, "V0b": V0b, "V1w": V1w, "V1b": V1b}


def reference(features, edge_index, edge_weight, batch, W1, b1, W2, b2, V0w, V0b, V1w, V1b):
    # x = features.T
    x = features.T
    # lin1, lin2
    x = x @ W1.T + b1
    x = x @ W2.T + b2
    # APPNP K=10, alpha=0.1, dropout=0, normalize=False
    h = x
    src = edge_index[0]
    dst = edge_index[1]
    for _ in range(K_ITERS):
        msg = x[src] * edge_weight[:, None]
        agg = jax.ops.segment_sum(msg, dst, num_segments=N_NODES)
        x = (1.0 - ALPHA) * agg + ALPHA * h
    # global_add_pool
    pooled = jax.ops.segment_sum(x, batch, num_segments=NUM_GRAPHS)
    # V_0 -> relu -> (dropout is identity in eval) -> V_1
    y = jax.nn.relu(pooled @ V0w.T + V0b)
    y = y @ V1w.T + V1b
    return (jax.nn.log_softmax(y, axis=1), 10)

if __name__ == "__main__":
    import jax
    _d = setup_inputs()
    print(jax.jit(kernel)(*tuple(_d.values())))

</pallas_src>

<mosaic_0001>
#map = affine_map<(d0, d1) -> (0, 0)>
module attributes {stable_mosaic.version = 14 : i64} {
  func.func @_prop_body(%arg0: i32, %arg1: i32, %arg2: memref<20480x128xf32, #tpu.memory_space<hbm>>, %arg3: memref<1280x128xi32, #tpu.memory_space<hbm>>, %arg4: memref<20480x128xf32, #tpu.memory_space<hbm>>, %arg5: memref<20480x128xf32, #tpu.memory_space<hbm>>, %arg6: memref<80x128xi32, #tpu.memory_space<vmem>>, %arg7: memref<256x128xf32, #tpu.memory_space<vmem>>, %arg8: memref<32x128xf32, #tpu.memory_space<vmem>>, %arg9: memref<4x64xi32, #tpu.memory_space<vmem>>, %arg10: memref<4x64xi32, #tpu.memory_space<vmem>>, %arg11: memref<10240x128xf32, #tpu.memory_space<vmem_shared>>, %arg12: memref<!tpu.dma_semaphore, #tpu.memory_space<semaphore_mem>>, %arg13: memref<!tpu.dma_semaphore, #tpu.memory_space<semaphore_mem>>, %arg14: memref<!tpu.dma_semaphore, #tpu.memory_space<semaphore_mem>>, %arg15: memref<!tpu.dma_semaphore, #tpu.memory_space<semaphore_mem>>, %arg16: memref<!tpu.dma_semaphore, #tpu.memory_space<semaphore_mem>>, %arg17: memref<!tpu.dma_semaphore, #tpu.memory_space<semaphore_mem>>, %arg18: memref<!tpu.dma_semaphore, #tpu.memory_space<semaphore_mem>>, %arg19: memref<!tpu.dma_semaphore, #tpu.memory_space<semaphore_mem>>, %arg20: memref<!tpu.dma_semaphore, #tpu.memory_space<semaphore_mem>>, %arg21: memref<!tpu.dma_semaphore, #tpu.memory_space<semaphore_mem>>, %arg22: memref<!tpu.dma_semaphore, #tpu.memory_space<semaphore_mem>>, %arg23: memref<!tpu.dma_semaphore, #tpu.memory_space<semaphore_mem>>) attributes {dimension_semantics = [#tpu.dimension_semantics<core_parallel>, #tpu.dimension_semantics<subcore_parallel>], iteration_bounds = array<i64: 2, 16>, scalar_prefetch = 0 : i64, scratch_operands = 18 : i64, tpu.core_type = #tpu.core_type<sc_vector_subcore>, window_params = [{transform_indices = #map}, {transform_indices = #map}, {transform_indices = #map}, {transform_indices = #map}]} {
    %mul3A = arith.constant 10240 : i32
    %mul3A_0 = arith.muli %arg0, %mul3A : i32
    %mul3A_1 = arith.constant 640 : i32
    %mul3A_2 = arith.muli %arg1, %mul3A_1 : i32
    %add3A = arith.addi %mul3A_0, %mul3A_2 : i32
    %mul3A_3 = arith.constant 10240 : i32
    %mul3A_4 = arith.muli %arg0, %mul3A_3 : i32
    %mul3A_5 = arith.constant 160 : i32
    %mul3A_6 = arith.muli %arg1, %mul3A_5 : i32
    %mul3A_7 = arith.constant 80 : i32
    %mul3A_8 = arith.muli %arg1, %mul3A_7 : i32
    "tpu.region"() ({
      %run_scoped3A = tpu.sem_alloc : memref<!tpu.dma_semaphore, #tpu.memory_space<semaphore_mem>>
      %dma_start3A = arith.constant 0 : i32
      %dma_start3A_22 = tpu.memref_slice %arg3[%mul3A_8, %dma_start3A] : memref<1280x128xi32, #tpu.memory_space<hbm>> -> memref<80x128xi32, #tpu.memory_space<hbm>>
      %dma_start3A_23 = arith.constant 0 : i32
      %dma_start3A_24 = tpu.memref_slice %arg3[%mul3A_8, %dma_start3A_23] : memref<1280x128xi32, #tpu.memory_space<hbm>> -> memref<80x128xi32, #tpu.memory_space<hbm>>
      tpu.enqueue_dma source(%dma_start3A_24 : memref<80x128xi32, #tpu.memory_space<hbm>>) target(%arg6 : memref<80x128xi32, #tpu.memory_space<vmem>>) target_semaphore(%run_scoped3A : memref<!tpu.dma_semaphore, #tpu.memory_space<semaphore_mem>>)
      %dma_wait3A = arith.constant 0 : i32
      %dma_wait3A_25 = tpu.memref_slice %arg3[%mul3A_8, %dma_wait3A] : memref<1280x128xi32, #tpu.memory_space<hbm>> -> memref<80x128xi32, #tpu.memory_space<hbm>>
      %dma_wait3A_26 = arith.constant 0 : i32
      %dma_wait3A_27 = tpu.memref_slice %arg3[%mul3A_8, %dma_wait3A_26] : memref<1280x128xi32, #tpu.memory_space<hbm>> -> memref<80x128xi32, #tpu.memory_space<hbm>>
      tpu.wait_dma2 semaphore(%run_scoped3A : memref<!tpu.dma_semaphore, #tpu.memory_space<semaphore_mem>>) src(%dma_wait3A_27 : memref<80x128xi32, #tpu.memory_space<hbm>>) dst(%arg6 : memref<80x128xi32, #tpu.memory_space<vmem>>)
      tpu.yield
    }) : () -> ()
    %scan3A = arith.constant 0 : i32
    %scan3A_9 = arith.constant 0 : i32
    %scan3A_10 = arith.constant 5 : i32
    %scan3A_11 = arith.addi %scan3A_9, %scan3A_10 : i32
    %scan3A_12 = arith.constant 1 : i32
    %scan3A_13 = scf.for %scan3A_22 = %scan3A_9 to %scan3A_11 step %scan3A_12 iter_args(%scan3A_23 = %scan3A) -> (i32)  : i32 {
      %mul3A_24 = arith.constant 128 : i32
      %mul3A_25 = arith.muli %scan3A_22, %mul3A_24 : i32
      %add3A_26 = arith.addi %add3A, %mul3A_25 : i32
      %mul3A_27 = arith.constant 640 : i32
      %mul3A_28 = arith.muli %arg1, %mul3A_27 : i32
      %mul3A_29 = arith.constant 128 : i32
      %mul3A_30 = arith.muli %scan3A_22, %mul3A_29 : i32
      %add3A_31 = arith.addi %mul3A_28, %mul3A_30 : i32
      "tpu.region"() ({
        %run_scoped3A = tpu.sem_alloc : memref<!tpu.dma_semaphore, #tpu.memory_space<semaphore_mem>>
        %dma_start3A = arith.constant 128 : i32
        %dma_start3A_40 = arith.constant 0 : i32
        %dma_start3A_41 = tpu.memref_slice %arg7[%dma_start3A, %dma_start3A_40] : memref<256x128xf32, #tpu.memory_space<vmem>> -> memref<128x128xf32, #tpu.memory_space<vmem>>
        %dma_start3A_42 = arith.constant 0 : i32
        %dma_start3A_43 = tpu.memref_slice %arg2[%add3A_26, %dma_start3A_42] : memref<20480x128xf32, #tpu.memory_space<hbm>> -> memref<128x128xf32, #tpu.memory_space<hbm>>
        %dma_start3A_44 = arith.constant 128 : i32
        %dma_start3A_45 = arith.constant 0 : i32
        %dma_start3A_46 = tpu.memref_slice %arg7[%dma_start3A_44, %dma_start3A_45] : memref<256x128xf32, #tpu.memory_space<vmem>> -> memref<128x128xf32, #tpu.memory_space<vmem>>
        %dma_start3A_47 = arith.constant 0 : i32
        %dma_start3A_48 = tpu.memref_slice %arg2[%add3A_26, %dma_start3A_47] : memref<20480x128xf32, #tpu.memory_space<hbm>> -> memref<128x128xf32, #tpu.memory_space<hbm>>
        tpu.enqueue_dma source(%dma_start3A_48 : memref<128x128xf32, #tpu.memory_space<hbm>>) target(%dma_start3A_46 : memref<128x128xf32, #tpu.memory_space<vmem>>) target_semaphore(%run_scoped3A : memref<!tpu.dma_semaphore, #tpu.memory_space<semaphore_mem>>)
        %dma_wait3A = arith.constant 128 : i32
        %dma_wait3A_49 = arith.constant 0 : i32
        %dma_wait3A_50 = tpu.memref_slice %arg7[%dma_wait3A, %dma_wait3A_49] : memref<256x128xf32, #tpu.memory_space<vmem>> -> memref<128x128xf32, #tpu.memory_space<vmem>>
        %dma_wait3A_51 = arith.constant 0 : i32
        %dma_wait3A_52 = tpu.memref_slice %arg2[%add3A_26, %dma_wait3A_51] : memref<20480x128xf32, #tpu.memory_space<hbm>> -> memref<128x128xf32, #tpu.memory_space<hbm>>
        %dma_wait3A_53 = arith.constant 128 : i32
        %dma_wait3A_54 = arith.constant 0 : i32
        %dma_wait3A_55 = tpu.memref_slice %arg7[%dma_wait3A_53, %dma_wait3A_54] : memref<256x128xf32, #tpu.memory_space<vmem>> -> memref<128x128xf32, #tpu.memory_space<vmem>>
        %dma_wait3A_56 = arith.constant 0 : i32
        %dma_wait3A_57 = tpu.memref_slice %arg2[%add3A_26, %dma_wait3A_56] : memref<20480x128xf32, #tpu.memory_space<hbm>> -> memref<128x128xf32, #tpu.memory_space<hbm>>
        tpu.wait_dma2 semaphore(%run_scoped3A : memref<!tpu.dma_semaphore, #tpu.memory_space<semaphore_mem>>) src(%dma_wait3A_57 : memref<128x128xf32, #tpu.memory_space<hbm>>) dst(%dma_wait3A_55 : memref<128x128xf32, #tpu.memory_space<vmem>>)
        tpu.yield
      }) : () -> ()
      "tpu.region"() ({
        %run_scoped3A = tpu.sem_alloc : memref<!tpu.dma_semaphore, #tpu.memory_space<semaphore_mem>>
        %dma_start3A = arith.constant 128 : i32
        %dma_start3A_40 = arith.constant 0 : i32
        %dma_start3A_41 = tpu.memref_slice %arg7[%dma_start3A, %dma_start3A_40] : memref<256x128xf32, #tpu.memory_space<vmem>> -> memref<128x128xf32, #tpu.memory_space<vmem>>
        %dma_start3A_42 = arith.constant 0 : i32
        %dma_start3A_43 = tpu.memref_slice %arg5[%add3A_26, %dma_start3A_42] : memref<20480x128xf32, #tpu.memory_space<hbm>> -> memref<128x128xf32, #tpu.memory_space<hbm>>
        %dma_start3A_44 = arith.constant 0 : i32
        %dma_start3A_45 = tpu.memref_slice %arg5[%add3A_26, %dma_start3A_44] : memref<20480x128xf32, #tpu.memory_space<hbm>> -> memref<128x128xf32, #tpu.memory_space<hbm>>
        %dma_start3A_46 = arith.constant 128 : i32
        %dma_start3A_47 = arith.constant 0 : i32
        %dma_start3A_48 = tpu.memref_slice %arg7[%dma_start3A_46, %dma_start3A_47] : memref<256x128xf32, #tpu.memory_space<vmem>> -> memref<128x128xf32, #tpu.memory_space<vmem>>
        tpu.enqueue_dma source(%dma_start3A_48 : memref<128x128xf32, #tpu.memory_space<vmem>>) target(%dma_start3A_45 : memref<128x128xf32, #tpu.memory_space<hbm>>) target_semaphore(%run_scoped3A : memref<!tpu.dma_semaphore, #tpu.memory_space<semaphore_mem>>)
        %dma_wait3A = arith.constant 128 : i32
        %dma_wait3A_49 = arith.constant 0 : i32
        %dma_wait3A_50 = tpu.memref_slice %arg7[%dma_wait3A, %dma_wait3A_49] : memref<256x128xf32, #tpu.memory_space<vmem>> -> memref<128x128xf32, #tpu.memory_space<vmem>>
        %dma_wait3A_51 = arith.constant 0 : i32
        %dma_wait3A_52 = tpu.memref_slice %arg5[%add3A_26, %dma_wait3A_51] : memref<20480x128xf32, #tpu.memory_space<hbm>> -> memref<128x128xf32, #tpu.memory_space<hbm>>
        %dma_wait3A_53 = arith.constant 0 : i32
        %dma_wait3A_54 = tpu.memref_slice %arg5[%add3A_26, %dma_wait3A_53] : memref<20480x128xf32, #tpu.memory_space<hbm>> -> memref<128x128xf32, #tpu.memory_space<hbm>>
        %dma_wait3A_55 = arith.constant 128 : i32
        %dma_wait3A_56 = arith.constant 0 : i32
        %dma_wait3A_57 = tpu.memref_slice %arg7[%dma_wait3A_55, %dma_wait3A_56] : memref<256x128xf32, #tpu.memory_space<vmem>> -> memref<128x128xf32, #tpu.memory_space<vmem>>
        tpu.wait_dma2 semaphore(%run_scoped3A : memref<!tpu.dma_semaphore, #tpu.memory_space<semaphore_mem>>) src(%dma_wait3A_57 : memref<128x128xf32, #tpu.memory_space<vmem>>) dst(%dma_wait3A_54 : memref<128x128xf32, #tpu.memory_space<hbm>>)
        tpu.yield
      }) : () -> ()
      %scan3A_32 = arith.constant 0 : i32
      %scan3A_33 = arith.constant 0 : i32
      %scan3A_34 = arith.constant 128 : i32
      %scan3A_35 = arith.addi %scan3A_33, %scan3A_34 : i32
      %scan3A_36 = arith.constant 1 : i32
      %scan3A_37 = scf.for %scan3A_40 = %scan3A_33 to %scan3A_35 step %scan3A_36 iter_args(%scan3A_41 = %scan3A_32) -> (i32)  : i32 {
        %add3A_42 = arith.constant 128 : i32
        %add3A_43 = arith.addi %add3A_42, %scan3A_40 : i32
        %get3A = arith.index_cast %add3A_43 : i32 to index
        %get3A_44 = arith.constant 0 : index
        %get3A_45 = tpu.vector_load %arg7[%get3A, %get3A_44] {strides = array<i32>} : memref<256x128xf32, #tpu.memory_space<vmem>>, vector<1x16xf32>,
        %get3A_46 = vector.shape_cast %get3A_45 : vector<1x16xf32> to vector<16xf32>
        %mul3A_47 = arith.constant 0.111111112 : f32
        %mul3A_48 = vector.broadcast %mul3A_47 : f32 to vector<16xf32>
        %mul3A_49 = arith.mulf %get3A_46, %mul3A_48 : vector<16xf32>
        %add3A_50 = arith.constant 128 : i32
        %add3A_51 = arith.addi %add3A_50, %scan3A_40 : i32
        %swap3A = arith.index_cast %add3A_51 : i32 to index
        %swap3A_52 = arith.constant 0 : index
        %swap3A_53 = tpu.vector_load %arg7[%swap3A, %swap3A_52] {strides = array<i32>} : memref<256x128xf32, #tpu.memory_space<vmem>>, vector<1x16xf32>,
        %swap3A_54 = vector.shape_cast %swap3A_53 : vector<1x16xf32> to vector<16xf32>
        %swap3A_55 = vector.shape_cast %mul3A_49 : vector<16xf32> to vector<1x16xf32>
        tpu.vector_store %arg7[%swap3A, %swap3A_52], %swap3A_55 {strides = array<i32>} : memref<256x128xf32, #tpu.memory_space<vmem>>, vector<1x16xf32>,
        %add3A_56 = arith.constant 128 : i32
        %add3A_57 = arith.addi %add3A_56, %scan3A_40 : i32
        %get3A_58 = arith.index_cast %add3A_57 : i32 to index
        %get3A_59 = arith.constant 16 : index
        %get3A_60 = tpu.vector_load %arg7[%get3A_58, %get3A_59] {strides = array<i32>} : memref<256x128xf32, #tpu.memory_space<vmem>>, vector<1x16xf32>,
        %get3A_61 = vector.shape_cast %get3A_60 : vector<1x16xf32> to vector<16xf32>
        %mul3A_62 = arith.constant 0.111111112 : f32
        %mul3A_63 = vector.broadcast %mul3A_62 : f32 to vector<16xf32>
        %mul3A_64 = arith.mulf %get3A_61, %mul3A_63 : vector<16xf32>
        %add3A_65 = arith.constant 128 : i32
        %add3A_66 = arith.addi %add3A_65, %scan3A_40 : i32
        %swap3A_67 = arith.index_cast %add3A_66 : i32 to index
        %swap3A_68 = arith.constant 16 : index
        %swap3A_69 = tpu.vector_load %arg7[%swap3A_67, %swap3A_68] {strides = array<i32>} : memref<256x128xf32, #tpu.memory_space<vmem>>, vector<1x16xf32>,
        %swap3A_70 = vector.shape_cast %swap3A_69 : vector<1x16xf32> to vector<16xf32>
        %swap3A_71 = vector.shape_cast %mul3A_64 : vector<16xf32> to vector<1x16xf32>
        tpu.vector_store %arg7[%swap3A_67, %swap3A_68], %swap3A_71 {strides = array<i32>} : memref<256x128xf32, #tpu.memory_space<vmem>>, vector<1x16xf32>,
        %add3A_72 = arith.constant 128 : i32
        %add3A_73 = arith.addi %add3A_72, %scan3A_40 : i32
        %get3A_74 = arith.index_cast %add3A_73 : i32 to index
        %get3A_75 = arith.constant 32 : index
        %get3A_76 = tpu.vector_load %arg7[%get3A_74, %get3A_75] {strides = array<i32>} : memref<256x128xf32, #tpu.memory_space<vmem>>, vector<1x16xf32>,
        %get3A_77 = vector.shape_cast %get3A_76 : vector<1x16xf32> to vector<16xf32>
        %mul3A_78 = arith.constant 0.111111112 : f32
        %mul3A_79 = vector.broadcast %mul3A_78 : f32 to vector<16xf32>
        %mul3A_80 = arith.mulf %get3A_77, %mul3A_79 : vector<16xf32>
        %add3A_81 = arith.constant 128 : i32
        %add3A_82 = arith.addi %add3A_81, %scan3A_40 : i32
        %swap3A_83 = arith.index_cast %add3A_82 : i32 to index
        %swap3A_84 = arith.constant 32 : index
        %swap3A_85 = tpu.vector_load %arg7[%swap3A_83, %swap3A_84] {strides = array<i32>} : memref<256x128xf32, #tpu.memory_space<vmem>>, vector<1x16xf32>,
        %swap3A_86 = vector.shape_cast %swap3A_85 : vector<1x16xf32> to vector<16xf32>
        %swap3A_87 = vector.shape_cast %mul3A_80 : vector<16xf32> to vector<1x16xf32>
        tpu.vector_store %arg7[%swap3A_83, %swap3A_84], %swap3A_87 {strides = array<i32>} : memref<256x128xf32, #tpu.memory_space<vmem>>, vector<1x16xf32>,
        %add3A_88 = arith.constant 128 : i32
        %add3A_89 = arith.addi %add3A_88, %scan3A_40 : i32
        %get3A_90 = arith.index_cast %add3A_89 : i32 to index
        %get3A_91 = arith.constant 48 : index
        %get3A_92 = tpu.vector_load %arg7[%get3A_90, %get3A_91] {strides = array<i32>} : memref<256x128xf32, #tpu.memory_space<vmem>>, vector<1x16xf32>,
        %get3A_93 = vector.shape_cast %get3A_92 : vector<1x16xf32> to vector<16xf32>
        %mul3A_94 = arith.constant 0.111111112 : f32
        %mul3A_95 = vector.broadcast %mul3A_94 : f32 to vector<16xf32>
        %mul3A_96 = arith.mulf %get3A_93, %mul3A_95 : vector<16xf32>
        %add3A_97 = arith.constant 128 : i32
        %add3A_98 = arith.addi %add3A_97, %scan3A_40 : i32
        %swap3A_99 = arith.index_cast %add3A_98 : i32 to index
        %swap3A_100 = arith.constant 48 : index
        %swap3A_101 = tpu.vector_load %arg7[%swap3A_99, %swap3A_100] {strides = array<i32>} : memref<256x128xf32, #tpu.memory_space<vmem>>, vector<1x16xf32>,
        %swap3A_102 = vector.shape_cast %swap3A_101 : vector<1x16xf32> to vector<16xf32>
        %swap3A_103 = vector.shape_cast %mul3A_96 : vector<16xf32> to vector<1x16xf32>
        tpu.vector_store %arg7[%swap3A_99, %swap3A_100], %swap3A_103 {strides = array<i32>} : memref<256x128xf32, #tpu.memory_space<vmem>>, vector<1x16xf32>,
        %add3A_104 = arith.constant 128 : i32
        %add3A_105 = arith.addi %add3A_104, %scan3A_40 : i32
        %get3A_106 = arith.index_cast %add3A_105 : i32 to index
        %get3A_107 = arith.constant 64 : index
        %get3A_108 = tpu.vector_load %arg7[%get3A_106, %get3A_107] {strides = array<i32>} : memref<256x128xf32, #tpu.memory_space<vmem>>, vector<1x16xf32>,
        %get3A_109 = vector.shape_cast %get3A_108 : vector<1x16xf32> to vector<16xf32>
        %mul3A_110 = arith.constant 0.111111112 : f32
        %mul3A_111 = vector.broadcast %mul3A_110 : f32 to vector<16xf32>
        %mul3A_112 = arith.mulf %get3A_109, %mul3A_111 : vector<16xf32>
        %add3A_113 = arith.constant 128 : i32
        %add3A_114 = arith.addi %add3A_113, %scan3A_40 : i32
        %swap3A_115 = arith.index_cast %add3A_114 : i32 to index
        %swap3A_116 = arith.constant 64 : index
        %swap3A_117 = tpu.vector_load %arg7[%swap3A_115, %swap3A_116] {strides = array<i32>} : memref<256x128xf32, #tpu.memory_space<vmem>>, vector<1x16xf32>,
        %swap3A_118 = vector.shape_cast %swap3A_117 : vector<1x16xf32> to vector<16xf32>
        %swap3A_119 = vector.shape_cast %mul3A_112 : vector<16xf32> to vector<1x16xf32>
        tpu.vector_store %arg7[%swap3A_115, %swap3A_116], %swap3A_119 {strides = array<i32>} : memref<256x128xf32, #tpu.memory_space<vmem>>, vector<1x16xf32>,
        %add3A_120 = arith.constant 128 : i32
        %add3A_121 = arith.addi %add3A_120, %scan3A_40 : i32
        %get3A_122 = arith.index_cast %add3A_121 : i32 to index
        %get3A_123 = arith.constant 80 : index
        %get3A_124 = tpu.vector_load %arg7[%get3A_122, %get3A_123] {strides = array<i32>} : memref<256x128xf32, #tpu.memory_space<vmem>>, vector<1x16xf32>,
        %get3A_125 = vector.shape_cast %get3A_124 : vector<1x16xf32> to vector<16xf32>
        %mul3A_126 = arith.constant 0.111111112 : f32
        %mul3A_127 = vector.broadcast %mul3A_126 : f32 to vector<16xf32>
        %mul3A_128 = arith.mulf %get3A_125, %mul3A_127 : vector<16xf32>
        %add3A_129 = arith.constant 128 : i32
        %add3A_130 = arith.addi %add3A_129, %scan3A_40 : i32
        %swap3A_131 = arith.index_cast %add3A_130 : i32 to index
        %swap3A_132 = arith.constant 80 : index
        %swap3A_133 = tpu.vector_load %arg7[%swap3A_131, %swap3A_132] {strides = array<i32>} : memref<256x128xf32, #tpu.memory_space<vmem>>, vector<1x16xf32>,
        %swap3A_134 = vector.shape_cast %swap3A_133 : vector<1x16xf32> to vector<16xf32>
        %swap3A_135 = vector.shape_cast %mul3A_128 : vector<16xf32> to vector<1x16xf32>
        tpu.vector_store %arg7[%swap3A_131, %swap3A_132], %swap3A_135 {strides = array<i32>} : memref<256x128xf32, #tpu.memory_space<vmem>>, vector<1x16xf32>,
        %add3A_136 = arith.constant 128 : i32
        %add3A_137 = arith.addi %add3A_136, %scan3A_40 : i32
        %get3A_138 = arith.index_cast %add3A_137 : i32 to index
        %get3A_139 = arith.constant 96 : index
        %get3A_140 = tpu.vector_load %arg7[%get3A_138, %get3A_139] {strides = array<i32>} : memref<256x128xf32, #tpu.memory_space<vmem>>, vector<1x16xf32>,
        %get3A_141 = vector.shape_cast %get3A_140 : vector<1x16xf32> to vector<16xf32>
        %mul3A_142 = arith.constant 0.111111112 : f32
        %mul3A_143 = vector.broadcast %mul3A_142 : f32 to vector<16xf32>
        %mul3A_144 = arith.mulf %get3A_141, %mul3A_143 : vector<16xf32>
        %add3A_145 = arith.constant 128 : i32
        %add3A_146 = arith.addi %add3A_145, %scan3A_40 : i32
        %swap3A_147 = arith.index_cast %add3A_146 : i32 to index
        %swap3A_148 = arith.constant 96 : index
        %swap3A_149 = tpu.vector_load %arg7[%swap3A_147, %swap3A_148] {strides = array<i32>} : memref<256x128xf32, #tpu.memory_space<vmem>>, vector<1x16xf32>,
        %swap3A_150 = vector.shape_cast %swap3A_149 : vector<1x16xf32> to vector<16xf32>
        %swap3A_151 = vector.shape_cast %mul3A_144 : vector<16xf32> to vector<1x16xf32>
        tpu.vector_store %arg7[%swap3A_147, %swap3A_148], %swap3A_151 {strides = array<i32>} : memref<256x128xf32, #tpu.memory_space<vmem>>, vector<1x16xf32>,
        %add3A_152 = arith.constant 128 : i32
        %add3A_153 = arith.addi %add3A_152, %scan3A_40 : i32
        %get3A_154 = arith.index_cast %add3A_153 : i32 to index
        %get3A_155 = arith.constant 112 : index
        %get3A_156 = tpu.vector_load %arg7[%get3A_154, %get3A_155] {strides = array<i32>} : memref<256x128xf32, #tpu.memory_space<vmem>>, vector<1x16xf32>,
        %get3A_157 = vector.shape_cast %get3A_156 : vector<1x16xf32> to vector<16xf32>
        %mul3A_158 = arith.constant 0.111111112 : f32
        %mul3A_159 = vector.broadcast %mul3A_158 : f32 to vector<16xf32>
        %mul3A_160 = arith.mulf %get3A_157, %mul3A_159 : vector<16xf32>
        %add3A_161 = arith.constant 128 : i32
        %add3A_162 = arith.addi %add3A_161, %scan3A_40 : i32
        %swap3A_163 = arith.index_cast %add3A_162 : i32 to index
        %swap3A_164 = arith.constant 112 : index
        %swap3A_165 = tpu.vector_load %arg7[%swap3A_163, %swap3A_164] {strides = array<i32>} : memref<256x128xf32, #tpu.memory_space<vmem>>, vector<1x16xf32>,
        %swap3A_166 = vector.shape_cast %swap3A_165 : vector<1x16xf32> to vector<16xf32>
        %swap3A_167 = vector.shape_cast %mul3A_160 : vector<16xf32> to vector<1x16xf32>
        tpu.vector_store %arg7[%swap3A_163, %swap3A_164], %swap3A_167 {strides = array<i32>} : memref<256x128xf32, #tpu.memory_space<vmem>>, vector<1x16xf32>,
        %scan3A_168 = arith.constant 0 : i32
        scf.yield %scan3A_168 : i32
      }
      %scan3A_38 = arith.constant 128 : i32
      "tpu.region"() ({
        %run_scoped3A = tpu.sem_alloc : memref<!tpu.dma_semaphore, #tpu.memory_space<semaphore_mem>>
        %dma_start3A = arith.constant 128 : i32
        %dma_start3A_40 = arith.constant 0 : i32
        %dma_start3A_41 = tpu.memref_slice %arg7[%dma_start3A, %dma_start3A_40] : memref<256x128xf32, #tpu.memory_space<vmem>> -> memref<128x128xf32, #tpu.memory_space<vmem>>
        %dma_start3A_42 = arith.constant 0 : i32
        %dma_start3A_43 = tpu.memref_slice %arg11[%add3A_31, %dma_start3A_42] : memref<10240x128xf32, #tpu.memory_space<vmem_shared>> -> memref<128x128xf32, #tpu.memory_space<vmem_shared>>
        %dma_start3A_44 = arith.constant 0 : i32
        %dma_start3A_45 = tpu.memref_slice %arg11[%add3A_31, %dma_start3A_44] : memref<10240x128xf32, #tpu.memory_space<vmem_shared>> -> memref<128x128xf32, #tpu.memory_space<vmem_shared>>
        %dma_start3A_46 = arith.constant 128 : i32
        %dma_start3A_47 = arith.constant 0 : i32
        %dma_start3A_48 = tpu.memref_slice %arg7[%dma_start3A_46, %dma_start3A_47] : memref<256x128xf32, #tpu.memory_space<vmem>> -> memref<128x128xf32, #tpu.memory_space<vmem>>
        tpu.enqueue_dma source(%dma_start3A_48 : memref<128x128xf32, #tpu.memory_space<vmem>>) target(%dma_start3A_45 : memref<128x128xf32, #tpu.memory_space<vmem_shared>>) target_semaphore(%run_scoped3A : memref<!tpu.dma_semaphore, #tpu.memory_space<semaphore_mem>>)
        %dma_wait3A = arith.constant 128 : i32
        %dma_wait3A_49 = arith.constant 0 : i32
        %dma_wait3A_50 = tpu.memref_slice %arg7[%dma_wait3A, %dma_wait3A_49] : memref<256x128xf32, #tpu.memory_space<vmem>> -> memref<128x128xf32, #tpu.memory_space<vmem>>
        %dma_wait3A_51 = arith.constant 0 : i32
        %dma_wait3A_52 = tpu.memref_slice %arg11[%add3A_31, %dma_wait3A_51] : memref<10240x128xf32, #tpu.memory_space<vmem_shared>> -> memref<128x128xf32, #tpu.memory_space<vmem_shared>>
        %dma_wait3A_53 = arith.constant 0 : i32
        %dma_wait3A_54 = tpu.memref_slice %arg11[%add3A_31, %dma_wait3A_53] : memref<10240x128xf32, #tpu.memory_space<vmem_shared>> -> memref<128x128xf32, #tpu.memory_space<vmem_shared>>
        %dma_wait3A_55 = arith.constant 128 : i32
        %dma_wait3A_56 = arith.constant 0 : i32
        %dma_wait3A_57 = tpu.memref_slice %arg7[%dma_wait3A_55, %dma_wait3A_56] : memref<256x128xf32, #tpu.memory_space<vmem>> -> memref<128x128xf32, #tpu.memory_space<vmem>>
        tpu.wait_dma2 semaphore(%run_scoped3A : memref<!tpu.dma_semaphore, #tpu.memory_space<semaphore_mem>>) src(%dma_wait3A_57 : memref<128x128xf32, #tpu.memory_space<vmem>>) dst(%dma_wait3A_54 : memref<128x128xf32, #tpu.memory_space<vmem_shared>>)
        tpu.yield
      }) : () -> ()
      %scan3A_39 = arith.constant 0 : i32
      scf.yield %scan3A_39 : i32
    }
    %scan3A_14 = arith.constant 5 : i32
    %barrier3A = arith.constant 0 : index
    tpu.barrier barrier_id(%barrier3A)
    %scan3A_15 = arith.constant 0 : i32
    %scan3A_16 = arith.constant 0 : i32
    %scan3A_17 = arith.constant 10 : i32
    %scan3A_18 = arith.addi %scan3A_16, %scan3A_17 : i32
    %scan3A_19 = arith.constant 1 : i32
    %scan3A_20 = scf.for %scan3A_22 = %scan3A_16 to %scan3A_18 step %scan3A_19 iter_args(%scan3A_23 = %scan3A_15) -> (i32)  : i32 {
      %get3A = arith.constant 0 : i32
      %get3A_24 = arith.index_cast %get3A : i32 to index
      %get3A_25 = arith.constant 0 : index
      %get3A_26 = tpu.vector_load %arg6[%get3A_24, %get3A_25] {strides = array<i32>} : memref<80x128xi32, #tpu.memory_space<vmem>>, vector<1x16xi32>,
      %get3A_27 = vector.shape_cast %get3A_26 : vector<1x16xi32> to vector<16xi32>
      %and3A = arith.constant 65535 : i32
      %and3A_28 = vector.broadcast %and3A : i32 to vector<16xi32>
      %and3A_29 = arith.andi %get3A_27, %and3A_28 : vector<16xi32>
      %add3A_30 = vector.broadcast %mul3A_4 : i32 to vector<16xi32>
      %add3A_31 = arith.addi %and3A_29, %add3A_30 : vector<16xi32>
      %swap3A = arith.constant 0 : i32
      %swap3A_32 = arith.index_cast %swap3A : i32 to index
      %swap3A_33 = arith.constant 0 : index
      %swap3A_34 = tpu.vector_load %arg9[%swap3A_32, %swap3A_33] {strides = array<i32>} : memref<4x64xi32, #tpu.memory_space<vmem>>, vector<1x16xi32>,
      %swap3A_35 = vector.shape_cast %swap3A_34 : vector<1x16xi32> to vector<16xi32>
      %swap3A_36 = vector.shape_cast %add3A_31 : vector<16xi32> to vector<1x16xi32>
      tpu.vector_store %arg9[%swap3A_32, %swap3A_33], %swap3A_36 {strides = array<i32>} : memref<4x64xi32, #tpu.memory_space<vmem>>, vector<1x16xi32>,
      %shift_right_logical3A = arith.constant 16 : i32
      %shift_right_logical3A_37 = vector.broadcast %shift_right_logical3A : i32 to vector<16xi32>
      %shift_right_logical3A_38 = arith.shrui %get3A_27, %shift_right_logical3A_37 : vector<16xi32>
      %swap3A_39 = arith.constant 0 : i32
      %swap3A_40 = arith.index_cast %swap3A_39 : i32 to index
      %swap3A_41 = arith.constant 0 : index
      %swap3A_42 = tpu.vector_load %arg10[%swap3A_40, %swap3A_41] {strides = array<i32>} : memref<4x64xi32, #tpu.memory_space<vmem>>, vector<1x16xi32>,
      %swap3A_43 = vector.shape_cast %swap3A_42 : vector<1x16xi32> to vector<16xi32>
      %swap3A_44 = vector.shape_cast %shift_right_logical3A_38 : vector<16xi32> to vector<1x16xi32>
      tpu.vector_store %arg10[%swap3A_40, %swap3A_41], %swap3A_44 {strides = array<i32>} : memref<4x64xi32, #tpu.memory_space<vmem>>, vector<1x16xi32>,
      %get3A_45 = arith.constant 0 : i32
      %get3A_46 = arith.index_cast %get3A_45 : i32 to index
      %get3A_47 = arith.constant 16 : index
      %get3A_48 = tpu.vector_load %arg6[%get3A_46, %get3A_47] {strides = array<i32>} : memref<80x128xi32, #tpu.memory_space<vmem>>, vector<1x16xi32>,
      %get3A_49 = vector.shape_cast %get3A_48 : vector<1x16xi32> to vector<16xi32>
      %and3A_50 = arith.constant 65535 : i32
      %and3A_51 = vector.broadcast %and3A_50 : i32 to vector<16xi32>
      %and3A_52 = arith.andi %get3A_49, %and3A_51 : vector<16xi32>
      %add3A_53 = vector.broadcast %mul3A_4 : i32 to vector<16xi32>
      %add3A_54 = arith.addi %and3A_52, %add3A_53 : vector<16xi32>
      %swap3A_55 = arith.constant 0 : i32
      %swap3A_56 = arith.index_cast %swap3A_55 : i32 to index
      %swap3A_57 = arith.constant 16 : index
      %swap3A_58 = tpu.vector_load %arg9[%swap3A_56, %swap3A_57] {strides = array<i32>} : memref<4x64xi32, #tpu.memory_space<vmem>>, vector<1x16xi32>,
      %swap3A_59 = vector.shape_cast %swap3A_58 : vector<1x16xi32> to vector<16xi32>
      %swap3A_60 = vector.shape_cast %add3A_54 : vector<16xi32> to vector<1x16xi32>
      tpu.vector_store %arg9[%swap3A_56, %swap3A_57], %swap3A_60 {strides = array<i32>} : memref<4x64xi32, #tpu.memory_space<vmem>>, vector<1x16xi32>,
      %shift_right_logical3A_61 = arith.constant 16 : i32
      %shift_right_logical3A_62 = vector.broadcast %shift_right_logical3A_61 : i32 to vector<16xi32>
      %shift_right_logical3A_63 = arith.shrui %get3A_49, %shift_right_logical3A_62 : vector<16xi32>
      %swap3A_64 = arith.constant 0 : i32
      %swap3A_65 = arith.index_cast %swap3A_64 : i32 to index
      %swap3A_66 = arith.constant 16 : index
      %swap3A_67 = tpu.vector_load %arg10[%swap3A_65, %swap3A_66] {strides = array<i32>} : memref<4x64xi32, #tpu.memory_space<vmem>>, vector<1x16xi32>,
      %swap3A_68 = vector.shape_cast %swap3A_67 : vector<1x16xi32> to vector<16xi32>
      %swap3A_69 = vector.shape_cast %shift_right_logical3A_63 : vector<16xi32> to vector<1x16xi32>
      tpu.vector_store %arg10[%swap3A_65, %swap3A_66], %swap3A_69 {strides = array<i32>} : memref<4x64xi32, #tpu.memory_space<vmem>>, vector<1x16xi32>,
      %get3A_70 = arith.constant 0 : i32
      %get3A_71 = arith.index_cast %get3A_70 : i32 to index
      %get3A_72 = arith.constant 32 : index
      %get3A_73 = tpu.vector_load %arg6[%get3A_71, %get3A_72] {strides = array<i32>} : memref<80x128xi32, #tpu.memory_space<vmem>>, vector<1x16xi32>,
      %get3A_74 = vector.shape_cast %get3A_73 : vector<1x16xi32> to vector<16xi32>
      %and3A_75 = arith.constant 65535 : i32
      %and3A_76 = vector.broadcast %and3A_75 : i32 to vector<16xi32>
      %and3A_77 = arith.andi %get3A_74, %and3A_76 : vector<16xi32>
      %add3A_78 = vector.broadcast %mul3A_4 : i32 to vector<16xi32>
      %add3A_79 = arith.addi %and3A_77, %add3A_78 : vector<16xi32>
      %swap3A_80 = arith.constant 0 : i32
      %swap3A_81 = arith.index_cast %swap3A_80 : i32 to index
      %swap3A_82 = arith.constant 32 : index
      %swap3A_83 = tpu.vector_load %arg9[%swap3A_81, %swap3A_82] {strides = array<i32>} : memref<4x64xi32, #tpu.memory_space<vmem>>, vector<1x16xi32>,
      %swap3A_84 = vector.shape_cast %swap3A_83 : vector<1x16xi32> to vector<16xi32>
      %swap3A_85 = vector.shape_cast %add3A_79 : vector<16xi32> to vector<1x16xi32>
      tpu.vector_store %arg9[%swap3A_81, %swap3A_82], %swap3A_85 {strides = array<i32>} : memref<4x64xi32, #tpu.memory_space<vmem>>, vector<1x16xi32>,
      %shift_right_logical3A_86 = arith.constant 16 : i32
      %shift_right_logical3A_87 = vector.broadcast %shift_right_logical3A_86 : i32 to vector<16xi32>
      %shift_right_logical3A_88 = arith.shrui %get3A_74, %shift_right_logical3A_87 : vector<16xi32>
      %swap3A_89 = arith.constant 0 : i32
      %swap3A_90 = arith.index_cast %swap3A_89 : i32 to index
      %swap3A_91 = arith.constant 32 : index
      %swap3A_92 = tpu.vector_load %arg10[%swap3A_90, %swap3A_91] {strides = array<i32>} : memref<4x64xi32, #tpu.memory_space<vmem>>, vector<1x16xi32>,
      %swap3A_93 = vector.shape_cast %swap3A_92 : vector<1x16xi32> to vector<16xi32>
      %swap3A_94 = vector.shape_cast %shift_right_logical3A_88 : vector<16xi32> to vector<1x16xi32>
      tpu.vector_store %arg10[%swap3A_90, %swap3A_91], %swap3A_94 {strides = array<i32>} : memref<4x64xi32, #tpu.memory_space<vmem>>, vector<1x16xi32>,
      %get3A_95 = arith.constant 0 : i32
      %get3A_96 = arith.index_cast %get3A_95 : i32 to index
      %get3A_97 = arith.constant 48 : index
      %get3A_98 = tpu.vector_load %arg6[%get3A_96, %get3A_97] {strides = array<i32>} : memref<80x128xi32, #tpu.memory_space<vmem>>, vector<1x16xi32>,
      %get3A_99 = vector.shape_cast %get3A_98 : vector<1x16xi32> to vector<16xi32>
      %and3A_100 = arith.constant 65535 : i32
      %and3A_101 = vector.broadcast %and3A_100 : i32 to vector<16xi32>
      %and3A_102 = arith.andi %get3A_99, %and3A_101 : vector<16xi32>
      %add3A_103 = vector.broadcast %mul3A_4 : i32 to vector<16xi32>
      %add3A_104 = arith.addi %and3A_102, %add3A_103 : vector<16xi32>
      %swap3A_105 = arith.constant 0 : i32
      %swap3A_106 = arith.index_cast %swap3A_105 : i32 to index
      %swap3A_107 = arith.constant 48 : index
      %swap3A_108 = tpu.vector_load %arg9[%swap3A_106, %swap3A_107] {strides = array<i32>} : memref<4x64xi32, #tpu.memory_space<vmem>>, vector<1x16xi32>,
      %swap3A_109 = vector.shape_cast %swap3A_108 : vector<1x16xi32> to vector<16xi32>
      %swap3A_110 = vector.shape_cast %add3A_104 : vector<16xi32> to vector<1x16xi32>
      tpu.vector_store %arg9[%swap3A_106, %swap3A_107], %swap3A_110 {strides = array<i32>} : memref<4x64xi32, #tpu.memory_space<vmem>>, vector<1x16xi32>,
      %shift_right_logical3A_111 = arith.constant 16 : i32
      %shift_right_logical3A_112 = vector.broadcast %shift_right_logical3A_111 : i32 to vector<16xi32>
      %shift_right_logical3A_113 = arith.shrui %get3A_99, %shift_right_logical3A_112 : vector<16xi32>
      %swap3A_114 = arith.constant 0 : i32
      %swap3A_115 = arith.index_cast %swap3A_114 : i32 to index
      %swap3A_116 = arith.constant 48 : index
      %swap3A_117 = tpu.vector_load %arg10[%swap3A_115, %swap3A_116] {strides = array<i32>} : memref<4x64xi32, #tpu.memory_space<vmem>>, vector<1x16xi32>,
      %swap3A_118 = vector.shape_cast %swap3A_117 : vector<1x16xi32> to vector<16xi32>
      %swap3A_119 = vector.shape_cast %shift_right_logical3A_113 : vector<16xi32> to vector<1x16xi32>
      tpu.vector_store %arg10[%swap3A_115, %swap3A_116], %swap3A_119 {strides = array<i32>} : memref<4x64xi32, #tpu.memory_space<vmem>>, vector<1x16xi32>,
      %dma_start3A = arith.constant 0 : i32
      %dma_start3A_120 = arith.constant 0 : i32
      %dma_start3A_121 = arith.constant 0 : i32
      %dma_start3A_122 = tpu.memref_slice %arg7[%dma_start3A_120, %dma_start3A_121] : memref<256x128xf32, #tpu.memory_space<vmem>> -> memref<64x128xf32, #tpu.memory_space<vmem>>
      %dma_start3A_123 = arith.constant 0 : i32
      %dma_start3A_124 = tpu.memref_slice %arg9[%dma_start3A, %dma_start3A_123] : memref<4x64xi32, #tpu.memory_space<vmem>> -> memref<1x64xi32, #tpu.memory_space<vmem>>
      %dma_start3A_125 = tpu.memref_squeeze %dma_start3A_124 : memref<1x64xi32, #tpu.memory_space<vmem>> -> memref<64xi32, #tpu.memory_space<vmem>>
      %dma_start3A_126 = arith.constant 0 : i32
      %dma_start3A_127 = arith.constant 0 : i32
      %dma_start3A_128 = tpu.memref_slice %arg5[%dma_start3A_126, %dma_start3A_127] : memref<20480x128xf32, #tpu.memory_space<hbm>> -> memref<20480x128xf32, #tpu.memory_space<hbm>>
      tpu.enqueue_indirect_dma source(%dma_start3A_128 : memref<20480x128xf32, #tpu.memory_space<hbm>>) target(%dma_start3A_122 : memref<64x128xf32, #tpu.memory_space<vmem>>) offsets(%dma_start3A_125 : memref<64xi32, #tpu.memory_space<vmem>>) semaphore(%arg12 : memref<!tpu.dma_semaphore, #tpu.memory_space<semaphore_mem>>)
      %add3A_129 = arith.constant 0 : i32
      %add3A_130 = arith.addi %mul3A_6, %add3A_129 : i32
      %mul3A_131 = arith.constant 8 : i32
      %mul3A_132 = arith.muli %add3A_130, %mul3A_131 : i32
      %dma_start3A_133 = arith.constant 0 : i32
      %dma_start3A_134 = arith.constant 0 : i32
      %dma_start3A_135 = tpu.memref_slice %arg8[%dma_start3A_133, %dma_start3A_134] : memref<32x128xf32, #tpu.memory_space<vmem>> -> memref<8x128xf32, #tpu.memory_space<vmem>>
      %dma_start3A_136 = arith.constant 0 : i32
      %dma_start3A_137 = tpu.memref_slice %arg4[%mul3A_132, %dma_start3A_136] : memref<20480x128xf32, #tpu.memory_space<hbm>> -> memref<8x128xf32, #tpu.memory_space<hbm>>
      %dma_start3A_138 = arith.constant 0 : i32
      %dma_start3A_139 = arith.constant 0 : i32
      %dma_start3A_140 = tpu.memref_slice %arg8[%dma_start3A_138, %dma_start3A_139] : memref<32x128xf32, #tpu.memory_space<vmem>> -> memref<8x128xf32, #tpu.memory_space<vmem>>
      %dma_start3A_141 = arith.constant 0 : i32
      %dma_start3A_142 = tpu.memref_slice %arg4[%mul3A_132, %dma_start3A_141] : memref<20480x128xf32, #tpu.memory_space<hbm>> -> memref<8x128xf32, #tpu.memory_space<hbm>>
      tpu.enqueue_dma source(%dma_start3A_142 : memref<8x128xf32, #tpu.memory_space<hbm>>) target(%dma_start3A_140 : memref<8x128xf32, #tpu.memory_space<vmem>>) target_semaphore(%arg16 : memref<!tpu.dma_semaphore, #tpu.memory_space<semaphore_mem>>)
      %get3A_143 = arith.constant 0 : i32
      %get3A_144 = arith.index_cast %get3A_143 : i32 to index
      %get3A_145 = arith.constant 64 : index
      %get3A_146 = tpu.vector_load %arg6[%get3A_144, %get3A_145] {strides = array<i32>} : memref<80x128xi32, #tpu.memory_space<vmem>>, vector<1x16xi32>,
      %get3A_147 = vector.shape_cast %get3A_146 : vector<1x16xi32> to vector<16xi32>
      %and3A_148 = arith.constant 65535 : i32
      %and3A_149 = vector.broadcast %and3A_148 : i32 to vector<16xi32>
      %and3A_150 = arith.andi %get3A_147, %and3A_149 : vector<16xi32>
      %add3A_151 = vector.broadcast %mul3A_4 : i32 to vector<16xi32>
      %add3A_152 = arith.addi %and3A_150, %add3A_151 : vector<16xi32>
      %swap3A_153 = arith.constant 1 : i32
      %swap3A_154 = arith.index_cast %swap3A_153 : i32 to index
      %swap3A_155 = arith.constant 0 : index
      %swap3A_156 = tpu.vector_load %arg9[%swap3A_154, %swap3A_155] {strides = array<i32>} : memref<4x64xi32, #tpu.memory_space<vmem>>, vector<1x16xi32>,
      %swap3A_157 = vector.shape_cast %swap3A_156 : vector<1x16xi32> to vector<16xi32>
      %swap3A_158 = vector.shape_cast %add3A_152 : vector<16xi32> to vector<1x16xi32>
      tpu.vector_store %arg9[%swap3A_154, %swap3A_155], %swap3A_158 {strides = array<i32>} : memref<4x64xi32, #tpu.memory_space<vmem>>, vector<1x16xi32>,
      %shift_right_logical3A_159 = arith.constant 16 : i32
      %shift_right_logical3A_160 = vector.broadcast %shift_right_logical3A_159 : i32 to vector<16xi32>
      %shift_right_logical3A_161 = arith.shrui %get3A_147, %shift_right_logical3A_160 : vector<16xi32>
      %swap3A_162 = arith.constant 1 : i32
      %swap3A_163 = arith.index_cast %swap3A_162 : i32 to index
      %swap3A_164 = arith.constant 0 : index
      %swap3A_165 = tpu.vector_load %arg10[%swap3A_163, %swap3A_164] {strides = array<i32>} : memref<4x64xi32, #tpu.memory_space<vmem>>, vector<1x16xi32>,
      %swap3A_166 = vector.shape_cast %swap3A_165 : vector<1x16xi32> to vector<16xi32>
      %swap3A_167 = vector.shape_cast %shift_right_logical3A_161 : vector<16xi32> to vector<1x16xi32>
      tpu.vector_store %arg10[%swap3A_163, %swap3A_164], %swap3A_167 {strides = array<i32>} : memref<4x64xi32, #tpu.memory_space<vmem>>, vector<1x16xi32>,
      %get3A_168 = arith.constant 0 : i32
      %get3A_169 = arith.index_cast %get3A_168 : i32 to index
      %get3A_170 = arith.constant 80 : index
      %get3A_171 = tpu.vector_load %arg6[%get3A_169, %get3A_170] {strides = array<i32>} : memref<80x128xi32, #tpu.memory_space<vmem>>, vector<1x16xi32>,
      %get3A_172 = vector.shape_cast %get3A_171 : vector<1x16xi32> to vector<16xi32>
      %and3A_173 = arith.constant 65535 : i32
      %and3A_174 = vector.broadcast %and3A_173 : i32 to vector<16xi32>
      %and3A_175 = arith.andi %get3A_172, %and3A_174 : vector<16xi32>
      %add3A_176 = vector.broadcast %mul3A_4 : i32 to vector<16xi32>
      %add3A_177 = arith.addi %and3A_175, %add3A_176 : vector<16xi32>
      %swap3A_178 = arith.constant 1 : i32
      %swap3A_179 = arith.index_cast %swap3A_178 : i32 to index
      %swap3A_180 = arith.constant 16 : index
      %swap3A_181 = tpu.vector_load %arg9[%swap3A_179, %swap3A_180] {strides = array<i32>} : memref<4x64xi32, #tpu.memory_space<vmem>>, vector<1x16xi32>,
      %swap3A_182 = vector.shape_cast %swap3A_181 : vector<1x16xi32> to vector<16xi32>
      %swap3A_183 = vector.shape_cast %add3A_177 : vector<16xi32> to vector<1x16xi32>
      tpu.vector_store %arg9[%swap3A_179, %swap3A_180], %swap3A_183 {strides = array<i32>} : memref<4x64xi32, #tpu.memory_space<vmem>>, vector<1x16xi32>,
      %shift_right_logical3A_184 = arith.constant 16 : i32
      %shift_right_logical3A_185 = vector.broadcast %shift_right_logical3A_184 : i32 to vector<16xi32>
      %shift_right_logical3A_186 = arith.shrui %get3A_172, %shift_right_logical3A_185 : vector<16xi32>
      %swap3A_187 = arith.constant 1 : i32
      %swap3A_188 = arith.index_cast %swap3A_187 : i32 to index
      %swap3A_189 = arith.constant 16 : index
      %swap3A_190 = tpu.vector_load %arg10[%swap3A_188, %swap3A_189] {strides = array<i32>} : memref<4x64xi32, #tpu.memory_space<vmem>>, vector<1x16xi32>,
      %swap3A_191 = vector.shape_cast %swap3A_190 : vector<1x16xi32> to vector<16xi32>
      %swap3A_192 = vector.shape_cast %shift_right_logical3A_186 : vector<16xi32> to vector<1x16xi32>
      tpu.vector_store %arg10[%swap3A_188, %swap3A_189], %swap3A_192 {strides = array<i32>} : memref<4x64xi32, #tpu.memory_space<vmem>>, vector<1x16xi32>,
      %get3A_193 = arith.constant 0 : i32
      %get3A_194 = arith.index_cast %get3A_193 : i32 to index
      %get3A_195 = arith.constant 96 : index
      %get3A_196 = tpu.vector_load %arg6[%get3A_194, %get3A_195] {strides = array<i32>} : memref<80x128xi32, #tpu.memory_space<vmem>>, vector<1x16xi32>,
      %get3A_197 = vector.shape_cast %get3A_196 : vector<1x16xi32> to vector<16xi32>
      %and3A_198 = arith.constant 65535 : i32
      %and3A_199 = vector.broadcast %and3A_198 : i32 to vector<16xi32>
      %and3A_200 = arith.andi %get3A_197, %and3A_199 : vector<16xi32>
      %add3A_201 = vector.broadcast %mul3A_4 : i32 to vector<16xi32>
      %add3A_202 = arith.addi %and3A_200, %add3A_201 : vector<16xi32>
      %swap3A_203 = arith.constant 1 : i32
      %swap3A_204 = arith.index_cast %swap3A_203 : i32 to index
      %swap3A_205 = arith.constant 32 : index
      %swap3A_206 = tpu.vector_load %arg9[%swap3A_204, %swap3A_205] {strides = array<i32>} : memref<4x64xi32, #tpu.memory_space<vmem>>, vector<1x16xi32>,
      %swap3A_207 = vector.shape_cast %swap3A_206 : vector<1x16xi32> to vector<16xi32>
      %swap3A_208 = vector.shape_cast %add3A_202 : vector<16xi32> to vector<1x16xi32>
      tpu.vector_store %arg9[%swap3A_204, %swap3A_205], %swap3A_208 {strides = array<i32>} : memref<4x64xi32, #tpu.memory_space<vmem>>, vector<1x16xi32>,
      %shift_right_logical3A_209 = arith.constant 16 : i32
      %shift_right_logical3A_210 = vector.broadcast %shift_right_logical3A_209 : i32 to vector<16xi32>
      %shift_right_logical3A_211 = arith.shrui %get3A_197, %shift_right_logical3A_210 : vector<16xi32>
      %swap3A_212 = arith.constant 1 : i32
      %swap3A_213 = arith.index_cast %swap3A_212 : i32 to index
      %swap3A_214 = arith.constant 32 : index
      %swap3A_215 = tpu.vector_load %arg10[%swap3A_213, %swap3A_214] {strides = array<i32>} : memref<4x64xi32, #tpu.memory_space<vmem>>, vector<1x16xi32>,
      %swap3A_216 = vector.shape_cast %swap3A_215 : vector<1x16xi32> to vector<16xi32>
      %swap3A_217 = vector.shape_cast %shift_right_logical3A_211 : vector<16xi32> to vector<1x16xi32>
      tpu.vector_store %arg10[%swap3A_213, %swap3A_214], %swap3A_217 {strides = array<i32>} : memref<4x64xi32, #tpu.memory_space<vmem>>, vector<1x16xi32>,
      %get3A_218 = arith.constant 0 : i32
      %get3A_219 = arith.index_cast %get3A_218 : i32 to index
      %get3A_220 = arith.constant 112 : index
      %get3A_221 = tpu.vector_load %arg6[%get3A_219, %get3A_220] {strides = array<i32>} : memref<80x128xi32, #tpu.memory_space<vmem>>, vector<1x16xi32>,
      %get3A_222 = vector.shape_cast %get3A_221 : vector<1x16xi32> to vector<16xi32>
      %and3A_223 = arith.constant 65535 : i32
      %and3A_224 = vector.broadcast %and3A_223 : i32 to vector<16xi32>
      %and3A_225 = arith.andi %get3A_222, %and3A_224 : vector<16xi32>
      %add3A_226 = vector.broadcast %mul3A_4 : i32 to vector<16xi32>
      %add3A_227 = arith.addi %and3A_225, %add3A_226 : vector<16xi32>
      %swap3A_228 = arith.constant 1 : i32
      %swap3A_229 = arith.index_cast %swap3A_228 : i32 to index
      %swap3A_230 = arith.constant 48 : index
      %swap3A_231 = tpu.vector_load %arg9[%swap3A_229, %swap3A_230] {strides = array<i32>} : memref<4x64xi32, #tpu.memory_space<vmem>>, vector<1x16xi32>,
      %swap3A_232 = vector.shape_cast %swap3A_231 : vector<1x16xi32> to vector<16xi32>
      %swap3A_233 = vector.shape_cast %add3A_227 : vector<16xi32> to vector<1x16xi32>
      tpu.vector_store %arg9[%swap3A_229, %swap3A_230], %swap3A_233 {strides = array<i32>} : memref<4x64xi32, #tpu.memory_space<vmem>>, vector<1x16xi32>,
      %shift_right_logical3A_234 = arith.constant 16 : i32
      %shift_right_logical3A_235 = vector.broadcast %shift_right_logical3A_234 : i32 to vector<16xi32>
      %shift_right_logical3A_236 = arith.shrui %get3A_222, %shift_right_logical3A_235 : vector<16xi32>
      %swap3A_237 = arith.constant 1 : i32
      %swap3A_238 = arith.index_cast %swap3A_237 : i32 to index
      %swap3A_239 = arith.constant 48 : index
      %swap3A_240 = tpu.vector_load %arg10[%swap3A_238, %swap3A_239] {strides = array<i32>} : memref<4x64xi32, #tpu.memory_space<vmem>>, vector<1x16xi32>,
      %swap3A_241 = vector.shape_cast %swap3A_240 : vector<1x16xi32> to vector<16xi32>
      %swap3A_242 = vector.shape_cast %shift_right_logical3A_236 : vector<16xi32> to vector<1x16xi32>
      tpu.vector_store %arg10[%swap3A_238, %swap3A_239], %swap3A_242 {strides = array<i32>} : memref<4x64xi32, #tpu.memory_space<vmem>>, vector<1x16xi32>,
      %dma_start3A_243 = arith.constant 1 : i32
      %dma_start3A_244 = arith.constant 64 : i32
      %dma_start3A_245 = arith.constant 0 : i32
      %dma_start3A_246 = tpu.memref_slice %arg7[%dma_start3A_244, %dma_start3A_245] : memref<256x128xf32, #tpu.memory_space<vmem>> -> memref<64x128xf32, #tpu.memory_space<vmem>>
      %dma_start3A_247 = arith.constant 0 : i32
      %dma_start3A_248 = tpu.memref_slice %arg9[%dma_start3A_243, %dma_start3A_247] : memref<4x64xi32, #tpu.memory_space<vmem>> -> memref<1x64xi32, #tpu.memory_space<vmem>>
      %dma_start3A_249 = tpu.memref_squeeze %dma_start3A_248 : memref<1x64xi32, #tpu.memory_space<vmem>> -> memref<64xi32, #tpu.memory_space<vmem>>
      %dma_start3A_250 = arith.constant 0 : i32
      %dma_start3A_251 = arith.constant 0 : i32
      %dma_start3A_252 = tpu.memref_slice %arg5[%dma_start3A_250, %dma_start3A_251] : memref<20480x128xf32, #tpu.memory_space<hbm>> -> memref<20480x128xf32, #tpu.memory_space<hbm>>
      tpu.enqueue_indirect_dma source(%dma_start3A_252 : memref<20480x128xf32, #tpu.memory_space<hbm>>) target(%dma_start3A_246 : memref<64x128xf32, #tpu.memory_space<vmem>>) offsets(%dma_start3A_249 : memref<64xi32, #tpu.memory_space<vmem>>) semaphore(%arg13 : memref<!tpu.dma_semaphore, #tpu.memory_space<semaphore_mem>>)
      %add3A_253 = arith.constant 1 : i32
      %add3A_254 = arith.addi %mul3A_6, %add3A_253 : i32
      %mul3A_255 = arith.constant 8 : i32
      %mul3A_256 = arith.muli %add3A_254, %mul3A_255 : i32
      %dma_start3A_257 = arith.constant 8 : i32
      %dma_start3A_258 = arith.constant 0 : i32
      %dma_start3A_259 = tpu.memref_slice %arg8[%dma_start3A_257, %dma_start3A_258] : memref<32x128xf32, #tpu.memory_space<vmem>> -> memref<8x128xf32, #tpu.memory_space<vmem>>
      %dma_start3A_260 = arith.constant 0 : i32
      %dma_start3A_261 = tpu.memref_slice %arg4[%mul3A_256, %dma_start3A_260] : memref<20480x128xf32, #tpu.memory_space<hbm>> -> memref<8x128xf32, #tpu.memory_space<hbm>>
      %dma_start3A_262 = arith.constant 8 : i32
      %dma_start3A_263 = arith.constant 0 : i32
      %dma_start3A_264 = tpu.memref_slice %arg8[%dma_start3A_262, %dma_start3A_263] : memref<32x128xf32, #tpu.memory_space<vmem>> -> memref<8x128xf32, #tpu.memory_space<vmem>>
      %dma_start3A_265 = arith.constant 0 : i32
      %dma_start3A_266 = tpu.memref_slice %arg4[%mul3A_256, %dma_start3A_265] : memref<20480x128xf32, #tpu.memory_space<hbm>> -> memref<8x128xf32, #tpu.memory_space<hbm>>
      tpu.enqueue_dma source(%dma_start3A_266 : memref<8x128xf32, #tpu.memory_space<hbm>>) target(%dma_start3A_264 : memref<8x128xf32, #tpu.memory_space<vmem>>) target_semaphore(%arg17 : memref<!tpu.dma_semaphore, #tpu.memory_space<semaphore_mem>>)
      %get3A_267 = arith.constant 1 : i32
      %get3A_268 = arith.index_cast %get3A_267 : i32 to index
      %get3A_269 = arith.constant 0 : index
      %get3A_270 = tpu.vector_load %arg6[%get3A_268, %get3A_269] {strides = array<i32>} : memref<80x128xi32, #tpu.memory_space<vmem>>, vector<1x16xi32>,
      %get3A_271 = vector.shape_cast %get3A_270 : vector<1x16xi32> to vector<16xi32>
      %and3A_272 = arith.constant 65535 : i32
      %and3A_273 = vector.broadcast %and3A_272 : i32 to vector<16xi32>
      %and3A_274 = arith.andi %get3A_271, %and3A_273 : vector<16xi32>
      %add3A_275 = vector.broadcast %mul3A_4 : i32 to vector<16xi32>
      %add3A_276 = arith.addi %and3A_274, %add3A_275 : vector<16xi32>
      %swap3A_277 = arith.constant 2 : i32
      %swap3A_278 = arith.index_cast %swap3A_277 : i32 to index
      %swap3A_279 = arith.constant 0 : index
      %swap3A_280 = tpu.vector_load %arg9[%swap3A_278, %swap3A_279] {strides = array<i32>} : memref<4x64xi32, #tpu.memory_space<vmem>>, vector<1x16xi32>,
      %swap3A_281 = vector.shape_cast %swap3A_280 : vector<1x16xi32> to vector<16xi32>
      %swap3A_282 = vector.shape_cast %add3A_276 : vector<16xi32> to vector<1x16xi32>
      tpu.vector_store %arg9[%swap3A_278, %swap3A_279], %swap3A_282 {strides = array<i32>} : memref<4x64xi32, #tpu.memory_space<vmem>>, vector<1x16xi32>,
      %shift_right_logical3A_283 = arith.constant 16 : i32
      %shift_right_logical3A_284 = vector.broadcast %shift_right_logical3A_283 : i32 to vector<16xi32>
      %shift_right_logical3A_285 = arith.shrui %get3A_271, %shift_right_logical3A_284 : vector<16xi32>
      %swap3A_286 = arith.constant 2 : i32
      %swap3A_287 = arith.index_cast %swap3A_286 : i32 to index
      %swap3A_288 = arith.constant 0 : index
      %swap3A_289 = tpu.vector_load %arg10[%swap3A_287, %swap3A_288] {strides = array<i32>} : memref<4x64xi32, #tpu.memory_space<vmem>>, vector<1x16xi32>,
      %swap3A_290 = vector.shape_cast %swap3A_289 : vector<1x16xi32> to vector<16xi32>
      %swap3A_291 = vector.shape_cast %shift_right_logical3A_285 : vector<16xi32> to vector<1x16xi32>
      tpu.vector_store %arg10[%swap3A_287, %swap3A_288], %swap3A_291 {strides = array<i32>} : memref<4x64xi32, #tpu.memory_space<vmem>>, vector<1x16xi32>,
      %get3A_292 = arith.constant 1 : i32
      %get3A_293 = arith.index_cast %get3A_292 : i32 to index
      %get3A_294 = arith.constant 16 : index
      %get3A_295 = tpu.vector_load %arg6[%get3A_293, %get3A_294] {strides = array<i32>} : memref<80x128xi32, #tpu.memory_space<vmem>>, vector<1x16xi32>,
      %get3A_296 = vector.shape_cast %get3A_295 : vector<1x16xi32> to vector<16xi32>
      %and3A_297 = arith.constant 65535 : i32
      %and3A_298 = vector.broadcast %and3A_297 : i32 to vector<16xi32>
      %and3A_299 = arith.andi %get3A_296, %and3A_298 : vector<16xi32>
      %add3A_300 = vector.broadcast %mul3A_4 : i32 to vector<16xi32>
      %add3A_301 = arith.addi %and3A_299, %add3A_300 : vector<16xi32>
      %swap3A_302 = arith.constant 2 : i32
      %swap3A_303 = arith.index_cast %swap3A_302 : i32 to index
      %swap3A_304 = arith.constant 16 : index
      %swap3A_305 = tpu.vector_load %arg9[%swap3A_303, %swap3A_304] {strides = array<i32>} : memref<4x64xi32, #tpu.memory_space<vmem>>, vector<1x16xi32>,
      %swap3A_306 = vector.shape_cast %swap3A_305 : vector<1x16xi32> to vector<16xi32>
      %swap3A_307 = vector.shape_cast %add3A_301 : vector<16xi32> to vector<1x16xi32>
      tpu.vector_store %arg9[%swap3A_303, %swap3A_304], %swap3A_307 {strides = array<i32>} : memref<4x64xi32, #tpu.memory_space<vmem>>, vector<1x16xi32>,
      %shift_right_logical3A_308 = arith.constant 16 : i32
      %shift_right_logical3A_309 = vector.broadcast %shift_right_logical3A_308 : i32 to vector<16xi32>
      %shift_right_logical3A_310 = arith.shrui %get3A_296, %shift_right_logical3A_309 : vector<16xi32>
      %swap3A_311 = arith.constant 2 : i32
      %swap3A_312 = arith.index_cast %swap3A_311 : i32 to index
      %swap3A_313 = arith.constant 16 : index
      %swap3A_314 = tpu.vector_load %arg10[%swap3A_312, %swap3A_313] {strides = array<i32>} : memref<4x64xi32, #tpu.memory_space<vmem>>, vector<1x16xi32>,
      %swap3A_315 = vector.shape_cast %swap3A_314 : vector<1x16xi32> to vector<16xi32>
      %swap3A_316 = vector.shape_cast %shift_right_logical3A_310 : vector<16xi32> to vector<1x16xi32>
      tpu.vector_store %arg10[%swap3A_312, %swap3A_313], %swap3A_316 {strides = array<i32>} : memref<4x64xi32, #tpu.memory_space<vmem>>, vector<1x16xi32>,
      %get3A_317 = arith.constant 1 : i32
      %get3A_318 = arith.index_cast %get3A_317 : i32 to index
      %get3A_319 = arith.constant 32 : index
      %get3A_320 = tpu.vector_load %arg6[%get3A_318, %get3A_319] {strides = array<i32>} : memref<80x128xi32, #tpu.memory_space<vmem>>, vector<1x16xi32>,
      %get3A_321 = vector.shape_cast %get3A_320 : vector<1x16xi32> to vector<16xi32>
      %and3A_322 = arith.constant 65535 : i32
      %and3A_323 = vector.broadcast %and3A_322 : i32 to vector<16xi32>
      %and3A_324 = arith.andi %get3A_321, %and3A_323 : vector<16xi32>
      %add3A_325 = vector.broadcast %mul3A_4 : i32 to vector<16xi32>
      %add3A_326 = arith.addi %and3A_324, %add3A_325 : vector<16xi32>
      %swap3A_327 = arith.constant 2 : i32
      %swap3A_328 = arith.index_cast %swap3A_327 : i32 to index
      %swap3A_329 = arith.constant 32 : index
      %swap3A_330 = tpu.vector_load %arg9[%swap3A_328, %swap3A_329] {strides = array<i32>} : memref<4x64xi32, #tpu.memory_space<vmem>>, vector<1x16xi32>,
      %swap3A_331 = vector.shape_cast %swap3A_330 : vector<1x16xi32> to vector<16xi32>
      %swap3A_332 = vector.shape_cast %add3A_326 : vector<16xi32> to vector<1x16xi32>
      tpu.vector_store %arg9[%swap3A_328, %swap3A_329], %swap3A_332 {strides = array<i32>} : memref<4x64xi32, #tpu.memory_space<vmem>>, vector<1x16xi32>,
      %shift_right_logical3A_333 = arith.constant 16 : i32
      %shift_right_logical3A_334 = vector.broadcast %shift_right_logical3A_333 : i32 to vector<16xi32>
      %shift_right_logical3A_335 = arith.shrui %get3A_321, %shift_right_logical3A_334 : vector<16xi32>
      %swap3A_336 = arith.constant 2 : i32
      %swap3A_337 = arith.index_cast %swap3A_336 : i32 to index
      %swap3A_338 = arith.constant 32 : index
      %swap3A_339 = tpu.vector_load %arg10[%swap3A_337, %swap3A_338] {strides = array<i32>} : memref<4x64xi32, #tpu.memory_space<vmem>>, vector<1x16xi32>,
      %swap3A_340 = vector.shape_cast %swap3A_339 : vector<1x16xi32> to vector<16xi32>
      %swap3A_341 = vector.shape_cast %shift_right_logical3A_335 : vector<16xi32> to vector<1x16xi32>
      tpu.vector_store %arg10[%swap3A_337, %swap3A_338], %swap3A_341 {strides = array<i32>} : memref<4x64xi32, #tpu.memory_space<vmem>>, vector<1x16xi32>,
      %get3A_342 = arith.constant 1 : i32
      %get3A_343 = arith.index_cast %get3A_342 : i32 to index
      %get3A_344 = arith.constant 48 : index
      %get3A_345 = tpu.vector_load %arg6[%get3A_343, %get3A_344] {strides = array<i32>} : memref<80x128xi32, #tpu.memory_space<vmem>>, vector<1x16xi32>,
      %get3A_346 = vector.shape_cast %get3A_345 : vector<1x16xi32> to vector<16xi32>
      %and3A_347 = arith.constant 65535 : i32
      %and3A_348 = vector.broadcast %and3A_347 : i32 to vector<16xi32>
      %and3A_349 = arith.andi %get3A_346, %and3A_348 : vector<16xi32>
      %add3A_350 = vector.broadcast %mul3A_4 : i32 to vector<16xi32>
      %add3A_351 = arith.addi %and3A_349, %add3A_350 : vector<16xi32>
      %swap3A_352 = arith.constant 2 : i32
      %swap3A_353 = arith.index_cast %swap3A_352 : i32 to index
      %swap3A_354 = arith.constant 48 : index
      %swap3A_355 = tpu.vector_load %arg9[%swap3A_353, %swap3A_354] {strides = array<i32>} : memref<4x64xi32, #tpu.memory_space<vmem>>, vector<1x16xi32>,
      %swap3A_356 = vector.shape_cast %swap3A_355 : vector<1x16xi32> to vector<16xi32>
      %swap3A_357 = vector.shape_cast %add3A_351 : vector<16xi32> to vector<1x16xi32>
      tpu.vector_store %arg9[%swap3A_353, %swap3A_354], %swap3A_357 {strides = array<i32>} : memref<4x64xi32, #tpu.memory_space<vmem>>, vector<1x16xi32>,
      %shift_right_logical3A_358 = arith.constant 16 : i32
      %shift_right_logical3A_359 = vector.broadcast %shift_right_logical3A_358 : i32 to vector<16xi32>
      %shift_right_logical3A_360 = arith.shrui %get3A_346, %shift_right_logical3A_359 : vector<16xi32>
      %swap3A_361 = arith.constant 2 : i32
      %swap3A_362 = arith.index_cast %swap3A_361 : i32 to index
      %swap3A_363 = arith.constant 48 : index
      %swap3A_364 = tpu.vector_load %arg10[%swap3A_362, %swap3A_363] {strides = array<i32>} : memref<4x64xi32, #tpu.memory_space<vmem>>, vector<1x16xi32>,
      %swap3A_365 = vector.shape_cast %swap3A_364 : vector<1x16xi32> to vector<16xi32>
      %swap3A_366 = vector.shape_cast %shift_right_logical3A_360 : vector<16xi32> to vector<1x16xi32>
      tpu.vector_store %arg10[%swap3A_362, %swap3A_363], %swap3A_366 {strides = array<i32>} : memref<4x64xi32, #tpu.memory_space<vmem>>, vector<1x16xi32>,
      %dma_start3A_367 = arith.constant 2 : i32
      %dma_start3A_368 = arith.constant 128 : i32
      %dma_start3A_369 = arith.constant 0 : i32
      %dma_start3A_370 = tpu.memref_slice %arg7[%dma_start3A_368, %dma_start3A_369] : memref<256x128xf32, #tpu.memory_space<vmem>> -> memref<64x128xf32, #tpu.memory_space<vmem>>
      %dma_start3A_371 = arith.constant 0 : i32
      %dma_start3A_372 = tpu.memref_slice %arg9[%dma_start3A_367, %dma_start3A_371] : memref<4x64xi32, #tpu.memory_space<vmem>> -> memref<1x64xi32, #tpu.memory_space<vmem>>
      %dma_start3A_373 = tpu.memref_squeeze %dma_start3A_372 : memref<1x64xi32, #tpu.memory_space<vmem>> -> memref<64xi32, #tpu.memory_space<vmem>>
      %dma_start3A_374 = arith.constant 0 : i32
      %dma_start3A_375 = arith.constant 0 : i32
      %dma_start3A_376 = tpu.memref_slice %arg5[%dma_start3A_374, %dma_start3A_375] : memref<20480x128xf32, #tpu.memory_space<hbm>> -> memref<20480x128xf32, #tpu.memory_space<hbm>>
      tpu.enqueue_indirect_dma source(%dma_start3A_376 : memref<20480x128xf32, #tpu.memory_space<hbm>>) target(%dma_start3A_370 : memref<64x128xf32, #tpu.memory_space<vmem>>) offsets(%dma_start3A_373 : memref<64xi32, #tpu.memory_space<vmem>>) semaphore(%arg14 : memref<!tpu.dma_semaphore, #tpu.memory_space<semaphore_mem>>)
      %add3A_377 = arith.constant 2 : i32
      %add3A_378 = arith.addi %mul3A_6, %add3A_377 : i32
      %mul3A_379 = arith.constant 8 : i32
      %mul3A_380 = arith.muli %add3A_378, %mul3A_379 : i32
      %dma_start3A_381 = arith.constant 16 : i32
      %dma_start3A_382 = arith.constant 0 : i32
      %dma_start3A_383 = tpu.memref_slice %arg8[%dma_start3A_381, %dma_start3A_382] : memref<32x128xf32, #tpu.memory_space<vmem>> -> memref<8x128xf32, #tpu.memory_space<vmem>>
      %dma_start3A_384 = arith.constant 0 : i32
      %dma_start3A_385 = tpu.memref_slice %arg4[%mul3A_380, %dma_start3A_384] : memref<20480x128xf32, #tpu.memory_space<hbm>> -> memref<8x128xf32, #tpu.memory_space<hbm>>
      %dma_start3A_386 = arith.constant 16 : i32
      %dma_start3A_387 = arith.constant 0 : i32
      %dma_start3A_388 = tpu.memref_slice %arg8[%dma_start3A_386, %dma_start3A_387] : memref<32x128xf32, #tpu.memory_space<vmem>> -> memref<8x128xf32, #tpu.memory_space<vmem>>
      %dma_start3A_389 = arith.constant 0 : i32
      %dma_start3A_390 = tpu.memref_slice %arg4[%mul3A_380, %dma_start3A_389] : memref<20480x128xf32, #tpu.memory_space<hbm>> -> memref<8x128xf32, #tpu.memory_space<hbm>>
      tpu.enqueue_dma source(%dma_start3A_390 : memref<8x128xf32, #tpu.memory_space<hbm>>) target(%dma_start3A_388 : memref<8x128xf32, #tpu.memory_space<vmem>>) target_semaphore(%arg18 : memref<!tpu.dma_semaphore, #tpu.memory_space<semaphore_mem>>)
      %get3A_391 = arith.constant 1 : i32
      %get3A_392 = arith.index_cast %get3A_391 : i32 to index
      %get3A_393 = arith.constant 64 : index
      %get3A_394 = tpu.vector_load %arg6[%get3A_392, %get3A_393] {strides = array<i32>} : memref<80x128xi32, #tpu.memory_space<vmem>>, vector<1x16xi32>,
      %get3A_395 = vector.shape_cast %get3A_394 : vector<1x16xi32> to vector<16xi32>
      %and3A_396 = arith.constant 65535 : i32
      %and3A_397 = vector.broadcast %and3A_396 : i32 to vector<16xi32>
      %and3A_398 = arith.andi %get3A_395, %and3A_397 : vector<16xi32>
      %add3A_399 = vector.broadcast %mul3A_4 : i32 to vector<16xi32>
      %add3A_400 = arith.addi %and3A_398, %add3A_399 : vector<16xi32>
      %swap3A_401 = arith.constant 3 : i32
      %swap3A_402 = arith.index_cast %swap3A_401 : i32 to index
      %swap3A_403 = arith.constant 0 : index
      %swap3A_404 = tpu.vector_load %arg9[%swap3A_402, %swap3A_403] {strides = array<i32>} : memref<4x64xi32, #tpu.memory_space<vmem>>, vector<1x16xi32>,
      %swap3A_405 = vector.shape_cast %swap3A_404 : vector<1x16xi32> to vector<16xi32>
      %swap3A_406 = vector.shape_cast %add3A_400 : vector<16xi32> to vector<1x16xi32>
      tpu.vector_store %arg9[%swap3A_402, %swap3A_403], %swap3A_406 {strides = array<i32>} : memref<4x64xi32, #tpu.memory_space<vmem>>, vector<1x16xi32>,
      %shift_right_logical3A_407 = arith.constant 16 : i32
      %shift_right_logical3A_408 = vector.broadcast %shift_right_logical3A_407 : i32 to vector<16xi32>
      %shift_right_logical3A_409 = arith.shrui %get3A_395, %shift_right_logical3A_408 : vector<16xi32>
      %swap3A_410 = arith.constant 3 : i32
      %swap3A_411 = arith.index_cast %swap3A_410 : i32 to index
      %swap3A_412 = arith.constant 0 : index
      %swap3A_413 = tpu.vector_load %arg10[%swap3A_411, %swap3A_412] {strides = array<i32>} : memref<4x64xi32, #tpu.memory_space<vmem>>, vector<1x16xi32>,
      %swap3A_414 = vector.shape_cast %swap3A_413 : vector<1x16xi32> to vector<16xi32>
      %swap3A_415 = vector.shape_cast %shift_right_logical3A_409 : vector<16xi32> to vector<1x16xi32>
      tpu.vector_store %arg10[%swap3A_411, %swap3A_412], %swap3A_415 {strides = array<i32>} : memref<4x64xi32, #tpu.memory_space<vmem>>, vector<1x16xi32>,
      %get3A_416 = arith.constant 1 : i32
      %get3A_417 = arith.index_cast %get3A_416 : i32 to index
      %get3A_418 = arith.constant 80 : index
      %get3A_419 = tpu.vector_load %arg6[%get3A_417, %get3A_418] {strides = array<i32>} : memref<80x128xi32, #tpu.memory_space<vmem>>, vector<1x16xi32>,
      %get3A_420 = vector.shape_cast %get3A_419 : vector<1x16xi32> to vector<16xi32>
      %and3A_421 = arith.constant 65535 : i32
      %and3A_422 = vector.broadcast %and3A_421 : i32 to vector<16xi32>
      %and3A_423 = arith.andi %get3A_420, %and3A_422 : vector<16xi32>
      %add3A_424 = vector.broadcast %mul3A_4 : i32 to vector<16xi32>
      %add3A_425 = arith.addi %and3A_423, %add3A_424 : vector<16xi32>
      %swap3A_426 = arith.constant 3 : i32
      %swap3A_427 = arith.index_cast %swap3A_426 : i32 to index
      %swap3A_428 = arith.constant 16 : index
      %swap3A_429 = tpu.vector_load %arg9[%swap3A_427, %swap3A_428] {strides = array<i32>} : memref<4x64xi32, #tpu.memory_space<vmem>>, vector<1x16xi32>,
      %swap3A_430 = vector.shape_cast %swap3A_429 : vector<1x16xi32> to vector<16xi32>
      %swap3A_431 = vector.shape_cast %add3A_425 : vector<16xi32> to vector<1x16xi32>
      tpu.vector_store %arg9[%swap3A_427, %swap3A_428], %swap3A_431 {strides = array<i32>} : memref<4x64xi32, #tpu.memory_space<vmem>>, vector<1x16xi32>,
      %shift_right_logical3A_432 = arith.constant 16 : i32
      %shift_right_logical3A_433 = vector.broadcast %shift_right_logical3A_432 : i32 to vector<16xi32>
      %shift_right_logical3A_434 = arith.shrui %get3A_420, %shift_right_logical3A_433 : vector<16xi32>
      %swap3A_435 = arith.constant 3 : i32
      %swap3A_436 = arith.index_cast %swap3A_435 : i32 to index
      %swap3A_437 = arith.constant 16 : index
      %swap3A_438 = tpu.vector_load %arg10[%swap3A_436, %swap3A_437] {strides = array<i32>} : memref<4x64xi32, #tpu.memory_space<vmem>>, vector<1x16xi32>,
      %swap3A_439 = vector.shape_cast %swap3A_438 : vector<1x16xi32> to vector<16xi32>
      %swap3A_440 = vector.shape_cast %shift_right_logical3A_434 : vector<16xi32> to vector<1x16xi32>
      tpu.vector_store %arg10[%swap3A_436, %swap3A_437], %swap3A_440 {strides = array<i32>} : memref<4x64xi32, #tpu.memory_space<vmem>>, vector<1x16xi32>,
      %get3A_441 = arith.constant 1 : i32
      %get3A_442 = arith.index_cast %get3A_441 : i32 to index
      %get3A_443 = arith.constant 96 : index
      %get3A_444 = tpu.vector_load %arg6[%get3A_442, %get3A_443] {strides = array<i32>} : memref<80x128xi32, #tpu.memory_space<vmem>>, vector<1x16xi32>,
      %get3A_445 = vector.shape_cast %get3A_444 : vector<1x16xi32> to vector<16xi32>
      %and3A_446 = arith.constant 65535 : i32
      %and3A_447 = vector.broadcast %and3A_446 : i32 to vector<16xi32>
      %and3A_448 = arith.andi %get3A_445, %and3A_447 : vector<16xi32>
      %add3A_449 = vector.broadcast %mul3A_4 : i32 to vector<16xi32>
      %add3A_450 = arith.addi %and3A_448, %add3A_449 : vector<16xi32>
      %swap3A_451 = arith.constant 3 : i32
      %swap3A_452 = arith.index_cast %swap3A_451 : i32 to index
      %swap3A_453 = arith.constant 32 : index
      %swap3A_454 = tpu.vector_load %arg9[%swap3A_452, %swap3A_453] {strides = array<i32>} : memref<4x64xi32, #tpu.memory_space<vmem>>, vector<1x16xi32>,
      %swap3A_455 = vector.shape_cast %swap3A_454 : vector<1x16xi32> to vector<16xi32>
      %swap3A_456 = vector.shape_cast %add3A_450 : vector<16xi32> to vector<1x16xi32>
      tpu.vector_store %arg9[%swap3A_452, %swap3A_453], %swap3A_456 {strides = array<i32>} : memref<4x64xi32, #tpu.memory_space<vmem>>, vector<1x16xi32>,
      %shift_right_logical3A_457 = arith.constant 16 : i32
      %shift_right_logical3A_458 = vector.broadcast %shift_right_logical3A_457 : i32 to vector<16xi32>
      %shift_right_logical3A_459 = arith.shrui %get3A_445, %shift_right_logical3A_458 : vector<16xi32>
      %swap3A_460 = arith.constant 3 : i32
      %swap3A_461 = arith.index_cast %swap3A_460 : i32 to index
      %swap3A_462 = arith.constant 32 : index
      %swap3A_463 = tpu.vector_load %arg10[%swap3A_461, %swap3A_462] {strides = array<i32>} : memref<4x64xi32, #tpu.memory_space<vmem>>, vector<1x16xi32>,
      %swap3A_464 = vector.shape_cast %swap3A_463 : vector<1x16xi32> to vector<16xi32>
      %swap3A_465 = vector.shape_cast %shift_right_logical3A_459 : vector<16xi32> to vector<1x16xi32>
      tpu.vector_store %arg10[%swap3A_461, %swap3A_462], %swap3A_465 {strides = array<i32>} : memref<4x64xi32, #tpu.memory_space<vmem>>, vector<1x16xi32>,
      %get3A_466 = arith.constant 1 : i32
      %get3A_467 = arith.index_cast %get3A_466 : i32 to index
      %get3A_468 = arith.constant 112 : index
      %get3A_469 = tpu.vector_load %arg6[%get3A_467, %get3A_468] {strides = array<i32>} : memref<80x128xi32, #tpu.memory_space<vmem>>, vector<1x16xi32>,
      %get3A_470 = vector.shape_cast %get3A_469 : vector<1x16xi32> to vector<16xi32>
      %and3A_471 = arith.constant 65535 : i32
      %and3A_472 = vector.broadcast %and3A_471 : i32 to vector<16xi32>
      %and3A_473 = arith.andi %get3A_470, %and3A_472 : vector<16xi32>
      %add3A_474 = vector.broadcast %mul3A_4 : i32 to vector<16xi32>
      %add3A_475 = arith.addi %and3A_473, %add3A_474 : vector<16xi32>
      %swap3A_476 = arith.constant 3 : i32
      %swap3A_477 = arith.index_cast %swap3A_476 : i32 to index
      %swap3A_478 = arith.constant 48 : index
      %swap3A_479 = tpu.vector_load %arg9[%swap3A_477, %swap3A_478] {strides = array<i32>} : memref<4x64xi32, #tpu.memory_space<vmem>>, vector<1x16xi32>,
      %swap3A_480 = vector.shape_cast %swap3A_479 : vector<1x16xi32> to vector<16xi32>
      %swap3A_481 = vector.shape_cast %add3A_475 : vector<16xi32> to vector<1x16xi32>
      tpu.vector_store %arg9[%swap3A_477, %swap3A_478], %swap3A_481 {strides = array<i32>} : memref<4x64xi32, #tpu.memory_space<vmem>>, vector<1x16xi32>,
      %shift_right_logical3A_482 = arith.constant 16 : i32
      %shift_right_logical3A_483 = vector.broadcast %shift_right_logical3A_482 : i32 to vector<16xi32>
      %shift_right_logical3A_484 = arith.shrui %get3A_470, %shift_right_logical3A_483 : vector<16xi32>
      %swap3A_485 = arith.constant 3 : i32
      %swap3A_486 = arith.index_cast %swap3A_485 : i32 to index
      %swap3A_487 = arith.constant 48 : index
      %swap3A_488 = tpu.vector_load %arg10[%swap3A_486, %swap3A_487] {strides = array<i32>} : memref<4x64xi32, #tpu.memory_space<vmem>>, vector<1x16xi32>,
      %swap3A_489 = vector.shape_cast %swap3A_488 : vector<1x16xi32> to vector<16xi32>
      %swap3A_490 = vector.shape_cast %shift_right_logical3A_484 : vector<16xi32> to vector<1x16xi32>
      tpu.vector_store %arg10[%swap3A_486, %swap3A_487], %swap3A_490 {strides = array<i32>} : memref<4x64xi32, #tpu.memory_space<vmem>>, vector<1x16xi32>,
      %dma_start3A_491 = arith.constant 3 : i32
      %dma_start3A_492 = arith.constant 192 : i32
      %dma_start3A_493 = arith.constant 0 : i32
      %dma_start3A_494 = tpu.memref_slice %arg7[%dma_start3A_492, %dma_start3A_493] : memref<256x128xf32, #tpu.memory_space<vmem>> -> memref<64x128xf32, #tpu.memory_space<vmem>>
      %dma_start3A_495 = arith.constant 0 : i32
      %dma_start3A_496 = tpu.memref_slice %arg9[%dma_start3A_491, %dma_start3A_495] : memref<4x64xi32, #tpu.memory_space<vmem>> -> memref<1x64xi32, #tpu.memory_space<vmem>>
      %dma_start3A_497 = tpu.memref_squeeze %dma_start3A_496 : memref<1x64xi32, #tpu.memory_space<vmem>> -> memref<64xi32, #tpu.memory_space<vmem>>
      %dma_start3A_498 = arith.constant 0 : i32
      %dma_start3A_499 = arith.constant 0 : i32
      %dma_start3A_500 = tpu.memref_slice %arg5[%dma_start3A_498, %dma_start3A_499] : memref<20480x128xf32, #tpu.memory_space<hbm>> -> memref<20480x128xf32, #tpu.memory_space<hbm>>
      tpu.enqueue_indirect_dma source(%dma_start3A_500 : memref<20480x128xf32, #tpu.memory_space<hbm>>) target(%dma_start3A_494 : memref<64x128xf32, #tpu.memory_space<vmem>>) offsets(%dma_start3A_497 : memref<64xi32, #tpu.memory_space<vmem>>) semaphore(%arg15 : memref<!tpu.dma_semaphore, #tpu.memory_space<semaphore_mem>>)
      %add3A_501 = arith.constant 3 : i32
      %add3A_502 = arith.addi %mul3A_6, %add3A_501 : i32
      %mul3A_503 = arith.constant 8 : i32
      %mul3A_504 = arith.muli %add3A_502, %mul3A_503 : i32
      %dma_start3A_505 = arith.constant 24 : i32
      %dma_start3A_506 = arith.constant 0 : i32
      %dma_start3A_507 = tpu.memref_slice %arg8[%dma_start3A_505, %dma_start3A_506] : memref<32x128xf32, #tpu.memory_space<vmem>> -> memref<8x128xf32, #tpu.memory_space<vmem>>
      %dma_start3A_508 = arith.constant 0 : i32
      %dma_start3A_509 = tpu.memref_slice %arg4[%mul3A_504, %dma_start3A_508] : memref<20480x128xf32, #tpu.memory_space<hbm>> -> memref<8x128xf32, #tpu.memory_space<hbm>>
      %dma_start3A_510 = arith.constant 24 : i32
      %dma_start3A_511 = arith.constant 0 : i32
      %dma_start3A_512 = tpu.memref_slice %arg8[%dma_start3A_510, %dma_start3A_511] : memref<32x128xf32, #tpu.memory_space<vmem>> -> memref<8x128xf32, #tpu.memory_space<vmem>>
      %dma_start3A_513 = arith.constant 0 : i32
      %dma_start3A_514 = tpu.memref_slice %arg4[%mul3A_504, %dma_start3A_513] : memref<20480x128xf32, #tpu.memory_space<hbm>> -> memref<8x128xf32, #tpu.memory_space<hbm>>
      tpu.enqueue_dma source(%dma_start3A_514 : memref<8x128xf32, #tpu.memory_space<hbm>>) target(%dma_start3A_512 : memref<8x128xf32, #tpu.memory_space<vmem>>) target_semaphore(%arg19 : memref<!tpu.dma_semaphore, #tpu.memory_space<semaphore_mem>>)
      %dma_wait3A = arith.constant 0 : i32
      %dma_wait3A_515 = arith.constant 0 : i32
      %dma_wait3A_516 = arith.constant 0 : i32
      %dma_wait3A_517 = tpu.memref_slice %arg7[%dma_wait3A_515, %dma_wait3A_516] : memref<256x128xf32, #tpu.memory_space<vmem>> -> memref<64x128xf32, #tpu.memory_space<vmem>>
      %dma_wait3A_518 = arith.constant 0 : i32
      %dma_wait3A_519 = tpu.memref_slice %arg9[%dma_wait3A, %dma_wait3A_518] : memref<4x64xi32, #tpu.memory_space<vmem>> -> memref<1x64xi32, #tpu.memory_space<vmem>>
      %dma_wait3A_520 = tpu.memref_squeeze %dma_wait3A_519 : memref<1x64xi32, #tpu.memory_space<vmem>> -> memref<64xi32, #tpu.memory_space<vmem>>
      %dma_wait3A_521 = arith.constant 0 : i32
      %dma_wait3A_522 = arith.constant 0 : i32
      %dma_wait3A_523 = tpu.memref_slice %arg5[%dma_wait3A_521, %dma_wait3A_522] : memref<20480x128xf32, #tpu.memory_space<hbm>> -> memref<20480x128xf32, #tpu.memory_space<hbm>>
      tpu.wait_indirect_dma semaphore(%arg12 : memref<!tpu.dma_semaphore, #tpu.memory_space<semaphore_mem>>) src(%dma_wait3A_523 : memref<20480x128xf32, #tpu.memory_space<hbm>>) dst(%dma_wait3A_517 : memref<64x128xf32, #tpu.memory_space<vmem>>)
      %mul3A_524 = arith.constant 8 : i32
      %mul3A_525 = arith.muli %mul3A_6, %mul3A_524 : i32
      %dma_wait3A_526 = arith.constant 0 : i32
      %dma_wait3A_527 = arith.constant 0 : i32
      %dma_wait3A_528 = tpu.memref_slice %arg8[%dma_wait3A_526, %dma_wait3A_527] : memref<32x128xf32, #tpu.memory_space<vmem>> -> memref<8x128xf32, #tpu.memory_space<vmem>>
      %dma_wait3A_529 = arith.constant 0 : i32
      %dma_wait3A_530 = tpu.memref_slice %arg4[%mul3A_525, %dma_wait3A_529] : memref<20480x128xf32, #tpu.memory_space<hbm>> -> memref<8x128xf32, #tpu.memory_space<hbm>>
      %dma_wait3A_531 = arith.constant 0 : i32
      %dma_wait3A_532 = arith.constant 0 : i32
      %dma_wait3A_533 = tpu.memref_slice %arg8[%dma_wait3A_531, %dma_wait3A_532] : memref<32x128xf32, #tpu.memory_space<vmem>> -> memref<8x128xf32, #tpu.memory_space<vmem>>
      %dma_wait3A_534 = arith.constant 0 : i32
      %dma_wait3A_535 = tpu.memref_slice %arg4[%mul3A_525, %dma_wait3A_534] : memref<20480x128xf32, #tpu.memory_space<hbm>> -> memref<8x128xf32, #tpu.memory_space<hbm>>
      tpu.wait_dma2 semaphore(%arg16 : memref<!tpu.dma_semaphore, #tpu.memory_space<semaphore_mem>>) src(%dma_wait3A_535 : memref<8x128xf32, #tpu.memory_space<hbm>>) dst(%dma_wait3A_533 : memref<8x128xf32, #tpu.memory_space<vmem>>)
      %scan3A_536 = arith.constant 0 : i32
      %scan3A_537 = arith.constant 0 : i32
      %scan3A_538 = arith.constant 32 : i32
      %scan3A_539 = arith.addi %scan3A_537, %scan3A_538 : i32
      %scan3A_540 = arith.constant 1 : i32
      %scan3A_541 = scf.for %scan3A_727 = %scan3A_537 to %scan3A_539 step %scan3A_540 iter_args(%scan3A_728 = %scan3A_536) -> (i32)  : i32 {
        %mul3A_729 = arith.constant 2 : i32
        %mul3A_730 = arith.muli %scan3A_727, %mul3A_729 : i32
        %add3A_731 = arith.constant 0 : i32
        %add3A_732 = arith.addi %mul3A_730, %add3A_731 : i32
        %jit3A = arith.constant 8 : i32
        %div3A = arith.divsi %add3A_732, %jit3A : i32
        %sign3A = arith.constant 0 : i32
        %sign3A_733 = arith.cmpi sgt, %add3A_732, %sign3A : i32
        %sign3A_734 = arith.extui %sign3A_733 : i1 to i32
        %sign3A_735 = arith.constant 0 : i32
        %sign3A_736 = arith.cmpi slt, %add3A_732, %sign3A_735 : i32
        %sign3A_737 = arith.extui %sign3A_736 : i1 to i32
        %sign3A_738 = arith.subi %sign3A_734, %sign3A_737 : i32
        %sign3A_739 = arith.constant 0 : i32
        %sign3A_740 = arith.cmpi sgt, %jit3A, %sign3A_739 : i32
        %sign3A_741 = arith.extui %sign3A_740 : i1 to i32
        %sign3A_742 = arith.constant 0 : i32
        %sign3A_743 = arith.cmpi slt, %jit3A, %sign3A_742 : i32
        %sign3A_744 = arith.extui %sign3A_743 : i1 to i32
        %sign3A_745 = arith.subi %sign3A_741, %sign3A_744 : i32
        %ne3A = arith.cmpi ne, %sign3A_738, %sign3A_745 : i32
        %rem3A = arith.remsi %add3A_732, %jit3A : i32
        %ne3A_746 = arith.constant 0 : i32
        %ne3A_747 = arith.cmpi ne, %rem3A, %ne3A_746 : i32
        %and3A_748 = arith.andi %ne3A, %ne3A_747 : i1
        %sub3A = arith.constant 1 : i32
        %sub3A_749 = arith.subi %div3A, %sub3A : i32
        %select_n3A = arith.select %and3A_748, %sub3A_749, %div3A : i32
        %add3A_750 = arith.constant 0 : i32
        %add3A_751 = arith.addi %add3A_750, %select_n3A : i32
        %jit3A_752 = arith.constant 8 : i32
        %eq3A = arith.constant 0 : i32
        %eq3A_753 = arith.cmpi eq, %jit3A_752, %eq3A : i32
        %jit3A_754 = arith.constant 1 : i32
        %select_n3A_755 = arith.select %eq3A_753, %jit3A_754, %jit3A_752 : i32
        %rem3A_756 = arith.remsi %add3A_732, %select_n3A_755 : i32
        %ne3A_757 = arith.constant 0 : i32
        %ne3A_758 = arith.cmpi ne, %rem3A_756, %ne3A_757 : i32
        %lt3A = arith.constant 0 : i32
        %lt3A_759 = arith.cmpi slt, %rem3A_756, %lt3A : i32
        %lt3A_760 = arith.constant 0 : i32
        %lt3A_761 = arith.cmpi slt, %select_n3A_755, %lt3A_760 : i32
        %ne3A_762 = arith.xori %lt3A_759, %lt3A_761 : i1
        %and3A_763 = arith.andi %ne3A_762, %ne3A_758 : i1
        %add3A_764 = arith.addi %rem3A_756, %select_n3A_755 : i32
        %select_n3A_765 = arith.select %and3A_763, %add3A_764, %rem3A_756 : i32
        %mul3A_766 = arith.constant 16 : i32
        %mul3A_767 = arith.muli %select_n3A_765, %mul3A_766 : i32
        %get3A_768 = arith.index_cast %add3A_751 : i32 to index
        %get3A_769 = arith.index_cast %mul3A_767 : i32 to index
        %get3A_770 = tpu.vector_load %arg8[%get3A_768, %get3A_769] {strides = array<i32>} : memref<32x128xf32, #tpu.memory_space<vmem>>, vector<1x16xf32>,
        %get3A_771 = vector.shape_cast %get3A_770 : vector<1x16xf32> to vector<16xf32>
        %add3A_772 = arith.constant 0 : i32
        %add3A_773 = arith.addi %add3A_772, %add3A_732 : i32
        %get3A_774 = arith.index_cast %add3A_773 : i32 to index
        %get3A_775 = arith.constant 0 : index
        %get3A_776 = tpu.vector_load %arg7[%get3A_774, %get3A_775] {strides = array<i32>} : memref<256x128xf32, #tpu.memory_space<vmem>>, vector<1x16xf32>,
        %get3A_777 = vector.shape_cast %get3A_776 : vector<1x16xf32> to vector<16xf32>
        %mul3A_778 = arith.mulf %get3A_777, %get3A_771 : vector<16xf32>
        %add3A_779 = arith.constant 0 : i32
        %add3A_780 = arith.addi %add3A_779, %add3A_732 : i32
        %swap3A_781 = arith.index_cast %add3A_780 : i32 to index
        %swap3A_782 = arith.constant 0 : index
        %swap3A_783 = tpu.vector_load %arg7[%swap3A_781, %swap3A_782] {strides = array<i32>} : memref<256x128xf32, #tpu.memory_space<vmem>>, vector<1x16xf32>,
        %swap3A_784 = vector.shape_cast %swap3A_783 : vector<1x16xf32> to vector<16xf32>
        %swap3A_785 = vector.shape_cast %mul3A_778 : vector<16xf32> to vector<1x16xf32>
        tpu.vector_store %arg7[%swap3A_781, %swap3A_782], %swap3A_785 {strides = array<i32>} : memref<256x128xf32, #tpu.memory_space<vmem>>, vector<1x16xf32>,
        %add3A_786 = arith.constant 0 : i32
        %add3A_787 = arith.addi %add3A_786, %add3A_732 : i32
        %get3A_788 = arith.index_cast %add3A_787 : i32 to index
        %get3A_789 = arith.constant 16 : index
        %get3A_790 = tpu.vector_load %arg7[%get3A_788, %get3A_789] {strides = array<i32>} : memref<256x128xf32, #tpu.memory_space<vmem>>, vector<1x16xf32>,
        %get3A_791 = vector.shape_cast %get3A_790 : vector<1x16xf32> to vector<16xf32>
        %mul3A_792 = arith.mulf %get3A_791, %get3A_771 : vector<16xf32>
        %add3A_793 = arith.constant 0 : i32
        %add3A_794 = arith.addi %add3A_793, %add3A_732 : i32
        %swap3A_795 = arith.index_cast %add3A_794 : i32 to index
        %swap3A_796 = arith.constant 16 : index
        %swap3A_797 = tpu.vector_load %arg7[%swap3A_795, %swap3A_796] {strides = array<i32>} : memref<256x128xf32, #tpu.memory_space<vmem>>, vector<1x16xf32>,
        %swap3A_798 = vector.shape_cast %swap3A_797 : vector<1x16xf32> to vector<16xf32>
        %swap3A_799 = vector.shape_cast %mul3A_792 : vector<16xf32> to vector<1x16xf32>
        tpu.vector_store %arg7[%swap3A_795, %swap3A_796], %swap3A_799 {strides = array<i32>} : memref<256x128xf32, #tpu.memory_space<vmem>>, vector<1x16xf32>,
        %add3A_800 = arith.constant 0 : i32
        %add3A_801 = arith.addi %add3A_800, %add3A_732 : i32
        %get3A_802 = arith.index_cast %add3A_801 : i32 to index
        %get3A_803 = arith.constant 32 : index
        %get3A_804 = tpu.vector_load %arg7[%get3A_802, %get3A_803] {strides = array<i32>} : memref<256x128xf32, #tpu.memory_space<vmem>>, vector<1x16xf32>,
        %get3A_805 = vector.shape_cast %get3A_804 : vector<1x16xf32> to vector<16xf32>
        %mul3A_806 = arith.mulf %get3A_805, %get3A_771 : vector<16xf32>
        %add3A_807 = arith.constant 0 : i32
        %add3A_808 = arith.addi %add3A_807, %add3A_732 : i32
        %swap3A_809 = arith.index_cast %add3A_808 : i32 to index
        %swap3A_810 = arith.constant 32 : index
        %swap3A_811 = tpu.vector_load %arg7[%swap3A_809, %swap3A_810] {strides = array<i32>} : memref<256x128xf32, #tpu.memory_space<vmem>>, vector<1x16xf32>,
        %swap3A_812 = vector.shape_cast %swap3A_811 : vector<1x16xf32> to vector<16xf32>
        %swap3A_813 = vector.shape_cast %mul3A_806 : vector<16xf32> to vector<1x16xf32>
        tpu.vector_store %arg7[%swap3A_809, %swap3A_810], %swap3A_813 {strides = array<i32>} : memref<256x128xf32, #tpu.memory_space<vmem>>, vector<1x16xf32>,
        %add3A_814 = arith.constant 0 : i32
        %add3A_815 = arith.addi %add3A_814, %add3A_732 : i32
        %get3A_816 = arith.index_cast %add3A_815 : i32 to index
        %get3A_817 = arith.constant 48 : index
        %get3A_818 = tpu.vector_load %arg7[%get3A_816, %get3A_817] {strides = array<i32>} : memref<256x128xf32, #tpu.memory_space<vmem>>, vector<1x16xf32>,
        %get3A_819 = vector.shape_cast %get3A_818 : vector<1x16xf32> to vector<16xf32>
        %mul3A_820 = arith.mulf %get3A_819, %get3A_771 : vector<16xf32>
        %add3A_821 = arith.constant 0 : i32
        %add3A_822 = arith.addi %add3A_821, %add3A_732 : i32
        %swap3A_823 = arith.index_cast %add3A_822 : i32 to index
        %swap3A_824 = arith.constant 48 : index
        %swap3A_825 = tpu.vector_load %arg7[%swap3A_823, %swap3A_824] {strides = array<i32>} : memref<256x128xf32, #tpu.memory_space<vmem>>, vector<1x16xf32>,
        %swap3A_826 = vector.shape_cast %swap3A_825 : vector<1x16xf32> to vector<16xf32>
        %swap3A_827 = vector.shape_cast %mul3A_820 : vector<16xf32> to vector<1x16xf32>
        tpu.vector_store %arg7[%swap3A_823, %swap3A_824], %swap3A_827 {strides = array<i32>} : memref<256x128xf32, #tpu.memory_space<vmem>>, vector<1x16xf32>,
        %add3A_828 = arith.constant 0 : i32
        %add3A_829 = arith.addi %add3A_828, %add3A_732 : i32
        %get3A_830 = arith.index_cast %add3A_829 : i32 to index
        %get3A_831 = arith.constant 64 : index
        %get3A_832 = tpu.vector_load %arg7[%get3A_830, %get3A_831] {strides = array<i32>} : memref<256x128xf32, #tpu.memory_space<vmem>>, vector<1x16xf32>,
        %get3A_833 = vector.shape_cast %get3A_832 : vector<1x16xf32> to vector<16xf32>
        %mul3A_834 = arith.mulf %get3A_833, %get3A_771 : vector<16xf32>
        %add3A_835 = arith.constant 0 : i32
        %add3A_836 = arith.addi %add3A_835, %add3A_732 : i32
        %swap3A_837 = arith.index_cast %add3A_836 : i32 to index
        %swap3A_838 = arith.constant 64 : index
        %swap3A_839 = tpu.vector_load %arg7[%swap3A_837, %swap3A_838] {strides = array<i32>} : memref<256x128xf32, #tpu.memory_space<vmem>>, vector<1x16xf32>,
        %swap3A_840 = vector.shape_cast %swap3A_839 : vector<1x16xf32> to vector<16xf32>
        %swap3A_841 = vector.shape_cast %mul3A_834 : vector<16xf32> to vector<1x16xf32>
        tpu.vector_store %arg7[%swap3A_837, %swap3A_838], %swap3A_841 {strides = array<i32>} : memref<256x128xf32, #tpu.memory_space<vmem>>, vector<1x16xf32>,
        %add3A_842 = arith.constant 0 : i32
        %add3A_843 = arith.addi %add3A_842, %add3A_732 : i32
        %get3A_844 = arith.index_cast %add3A_843 : i32 to index
        %get3A_845 = arith.constant 80 : index
        %get3A_846 = tpu.vector_load %arg7[%get3A_844, %get3A_845] {strides = array<i32>} : memref<256x128xf32, #tpu.memory_space<vmem>>, vector<1x16xf32>,
        %get3A_847 = vector.shape_cast %get3A_846 : vector<1x16xf32> to vector<16xf32>
        %mul3A_848 = arith.mulf %get3A_847, %get3A_771 : vector<16xf32>
        %add3A_849 = arith.constant 0 : i32
        %add3A_850 = arith.addi %add3A_849, %add3A_732 : i32
        %swap3A_851 = arith.index_cast %add3A_850 : i32 to index
        %swap3A_852 = arith.constant 80 : index
        %swap3A_853 = tpu.vector_load %arg7[%swap3A_851, %swap3A_852] {strides = array<i32>} : memref<256x128xf32, #tpu.memory_space<vmem>>, vector<1x16xf32>,
        %swap3A_854 = vector.shape_cast %swap3A_853 : vector<1x16xf32> to vector<16xf32>
        %swap3A_855 = vector.shape_cast %mul3A_848 : vector<16xf32> to vector<1x16xf32>
        tpu.vector_store %arg7[%swap3A_851, %swap3A_852], %swap3A_855 {strides = array<i32>} : memref<256x128xf32, #tpu.memory_space<vmem>>, vector<1x16xf32>,
        %add3A_856 = arith.constant 0 : i32
        %add3A_857 = arith.addi %add3A_856, %add3A_732 : i32
        %get3A_858 = arith.index_cast %add3A_857 : i32 to index
        %get3A_859 = arith.constant 96 : index
        %get3A_860 = tpu.vector_load %arg7[%get3A_858, %get3A_859] {strides = array<i32>} : memref<256x128xf32, #tpu.memory_space<vmem>>, vector<1x16xf32>,
        %get3A_861 = vector.shape_cast %get3A_860 : vector<1x16xf32> to vector<16xf32>
        %mul3A_862 = arith.mulf %get3A_861, %get3A_771 : vector<16xf32>
        %add3A_863 = arith.constant 0 : i32
        %add3A_864 = arith.addi %add3A_863, %add3A_732 : i32
        %swap3A_865 = arith.index_cast %add3A_864 : i32 to index
        %swap3A_866 = arith.constant 96 : index
        %swap3A_867 = tpu.vector_load %arg7[%swap3A_865, %swap3A_866] {strides = array<i32>} : memref<256x128xf32, #tpu.memory_space<vmem>>, vector<1x16xf32>,
        %swap3A_868 = vector.shape_cast %swap3A_867 : vector<1x16xf32> to vector<16xf32>
        %swap3A_869 = vector.shape_cast %mul3A_862 : vector<16xf32> to vector<1x16xf32>
        tpu.vector_store %arg7[%swap3A_865, %swap3A_866], %swap3A_869 {strides = array<i32>} : memref<256x128xf32, #tpu.memory_space<vmem>>, vector<1x16xf32>,
        %add3A_870 = arith.constant 0 : i32
        %add3A_871 = arith.addi %add3A_870, %add3A_732 : i32
        %get3A_872 = arith.index_cast %add3A_871 : i32 to index
        %get3A_873 = arith.constant 112 : index
        %get3A_874 = tpu.vector_load %arg7[%get3A_872, %get3A_873] {strides = array<i32>} : memref<256x128xf32, #tpu.memory_space<vmem>>, vector<1x16xf32>,
        %get3A_875 = vector.shape_cast %get3A_874 : vector<1x16xf32> to vector<16xf32>
        %mul3A_876 = arith.mulf %get3A_875, %get3A_771 : vector<16xf32>
        %add3A_877 = arith.constant 0 : i32
        %add3A_878 = arith.addi %add3A_877, %add3A_732 : i32
        %swap3A_879 = arith.index_cast %add3A_878 : i32 to index
        %swap3A_880 = arith.constant 112 : index
        %swap3A_881 = tpu.vector_load %arg7[%swap3A_879, %swap3A_880] {strides = array<i32>} : memref<256x128xf32, #tpu.memory_space<vmem>>, vector<1x16xf32>,
        %swap3A_882 = vector.shape_cast %swap3A_881 : vector<1x16xf32> to vector<16xf32>
        %swap3A_883 = vector.shape_cast %mul3A_876 : vector<16xf32> to vector<1x16xf32>
        tpu.vector_store %arg7[%swap3A_879, %swap3A_880], %swap3A_883 {strides = array<i32>} : memref<256x128xf32, #tpu.memory_space<vmem>>, vector<1x16xf32>,
        %mul3A_884 = arith.constant 2 : i32
        %mul3A_885 = arith.muli %scan3A_727, %mul3A_884 : i32
        %add3A_886 = arith.constant 1 : i32
        %add3A_887 = arith.addi %mul3A_885, %add3A_886 : i32
        %jit3A_888 = arith.constant 8 : i32
        %div3A_889 = arith.divsi %add3A_887, %jit3A_888 : i32
        %sign3A_890 = arith.constant 0 : i32
        %sign3A_891 = arith.cmpi sgt, %add3A_887, %sign3A_890 : i32
        %sign3A_892 = arith.extui %sign3A_891 : i1 to i32
        %sign3A_893 = arith.constant 0 : i32
        %sign3A_894 = arith.cmpi slt, %add3A_887, %sign3A_893 : i32
        %sign3A_895 = arith.extui %sign3A_894 : i1 to i32
        %sign3A_896 = arith.subi %sign3A_892, %sign3A_895 : i32
        %sign3A_897 = arith.constant 0 : i32
        %sign3A_898 = arith.cmpi sgt, %jit3A_888, %sign3A_897 : i32
        %sign3A_899 = arith.extui %sign3A_898 : i1 to i32
        %sign3A_900 = arith.constant 0 : i32
        %sign3A_901 = arith.cmpi slt, %jit3A_888, %sign3A_900 : i32
        %sign3A_902 = arith.extui %sign3A_901 : i1 to i32
        %sign3A_903 = arith.subi %sign3A_899, %sign3A_902 : i32
        %ne3A_904 = arith.cmpi ne, %sign3A_896, %sign3A_903 : i32
        %rem3A_905 = arith.remsi %add3A_887, %jit3A_888 : i32
        %ne3A_906 = arith.constant 0 : i32
        %ne3A_907 = arith.cmpi ne, %rem3A_905, %ne3A_906 : i32
        %and3A_908 = arith.andi %ne3A_904, %ne3A_907 : i1
        %sub3A_909 = arith.constant 1 : i32
        %sub3A_910 = arith.subi %div3A_889, %sub3A_909 : i32
        %select_n3A_911 = arith.select %and3A_908, %sub3A_910, %div3A_889 : i32
        %add3A_912 = arith.constant 0 : i32
        %add3A_913 = arith.addi %add3A_912, %select_n3A_911 : i32
        %jit3A_914 = arith.constant 8 : i32
        %eq3A_915 = arith.constant 0 : i32
        %eq3A_916 = arith.cmpi eq, %jit3A_914, %eq3A_915 : i32
        %jit3A_917 = arith.constant 1 : i32
        %select_n3A_918 = arith.select %eq3A_916, %jit3A_917, %jit3A_914 : i32
        %rem3A_919 = arith.remsi %add3A_887, %select_n3A_918 : i32
        %ne3A_920 = arith.constant 0 : i32
        %ne3A_921 = arith.cmpi ne, %rem3A_919, %ne3A_920 : i32
        %lt3A_922 = arith.constant 0 : i32
        %lt3A_923 = arith.cmpi slt, %rem3A_919, %lt3A_922 : i32
        %lt3A_924 = arith.constant 0 : i32
        %lt3A_925 = arith.cmpi slt, %select_n3A_918, %lt3A_924 : i32
        %ne3A_926 = arith.xori %lt3A_923, %lt3A_925 : i1
        %and3A_927 = arith.andi %ne3A_926, %ne3A_921 : i1
        %add3A_928 = arith.addi %rem3A_919, %select_n3A_918 : i32
        %select_n3A_929 = arith.select %and3A_927, %add3A_928, %rem3A_919 : i32
        %mul3A_930 = arith.constant 16 : i32
        %mul3A_931 = arith.muli %select_n3A_929, %mul3A_930 : i32
        %get3A_932 = arith.index_cast %add3A_913 : i32 to index
        %get3A_933 = arith.index_cast %mul3A_931 : i32 to index
        %get3A_934 = tpu.vector_load %arg8[%get3A_932, %get3A_933] {strides = array<i32>} : memref<32x128xf32, #tpu.memory_space<vmem>>, vector<1x16xf32>,
        %get3A_935 = vector.shape_cast %get3A_934 : vector<1x16xf32> to vector<16xf32>
        %add3A_936 = arith.constant 0 : i32
        %add3A_937 = arith.addi %add3A_936, %add3A_887 : i32
        %get3A_938 = arith.index_cast %add3A_937 : i32 to index
        %get3A_939 = arith.constant 0 : index
        %get3A_940 = tpu.vector_load %arg7[%get3A_938, %get3A_939] {strides = array<i32>} : memref<256x128xf32, #tpu.memory_space<vmem>>, vector<1x16xf32>,
        %get3A_941 = vector.shape_cast %get3A_940 : vector<1x16xf32> to vector<16xf32>
        %mul3A_942 = arith.mulf %get3A_941, %get3A_935 : vector<16xf32>
        %add3A_943 = arith.constant 0 : i32
        %add3A_944 = arith.addi %add3A_943, %add3A_887 : i32
        %swap3A_945 = arith.index_cast %add3A_944 : i32 to index
        %swap3A_946 = arith.constant 0 : index
        %swap3A_947 = tpu.vector_load %arg7[%swap3A_945, %swap3A_946] {strides = array<i32>} : memref<256x128xf32, #tpu.memory_space<vmem>>, vector<1x16xf32>,
        %swap3A_948 = vector.shape_cast %swap3A_947 : vector<1x16xf32> to vector<16xf32>
        %swap3A_949 = vector.shape_cast %mul3A_942 : vector<16xf32> to vector<1x16xf32>
        tpu.vector_store %arg7[%swap3A_945, %swap3A_946], %swap3A_949 {strides = array<i32>} : memref<256x128xf32, #tpu.memory_space<vmem>>, vector<1x16xf32>,
        %add3A_950 = arith.constant 0 : i32
        %add3A_951 = arith.addi %add3A_950, %add3A_887 : i32
        %get3A_952 = arith.index_cast %add3A_951 : i32 to index
        %get3A_953 = arith.constant 16 : index
        %get3A_954 = tpu.vector_load %arg7[%get3A_952, %get3A_953] {strides = array<i32>} : memref<256x128xf32, #tpu.memory_space<vmem>>, vector<1x16xf32>,
        %get3A_955 = vector.shape_cast %get3A_954 : vector<1x16xf32> to vector<16xf32>
        %mul3A_956 = arith.mulf %get3A_955, %get3A_935 : vector<16xf32>
        %add3A_957 = arith.constant 0 : i32
        %add3A_958 = arith.addi %add3A_957, %add3A_887 : i32
        %swap3A_959 = arith.index_cast %add3A_958 : i32 to index
        %swap3A_960 = arith.constant 16 : index
        %swap3A_961 = tpu.vector_load %arg7[%swap3A_959, %swap3A_960] {strides = array<i32>} : memref<256x128xf32, #tpu.memory_space<vmem>>, vector<1x16xf32>,
        %swap3A_962 = vector.shape_cast %swap3A_961 : vector<1x16xf32> to vector<16xf32>
        %swap3A_963 = vector.shape_cast %mul3A_956 : vector<16xf32> to vector<1x16xf32>
        tpu.vector_store %arg7[%swap3A_959, %swap3A_960], %swap3A_963 {strides = array<i32>} : memref<256x128xf32, #tpu.memory_space<vmem>>, vector<1x16xf32>,
        %add3A_964 = arith.constant 0 : i32
        %add3A_965 = arith.addi %add3A_964, %add3A_887 : i32
        %get3A_966 = arith.index_cast %add3A_965 : i32 to index
        %get3A_967 = arith.constant 32 : index
        %get3A_968 = tpu.vector_load %arg7[%get3A_966, %get3A_967] {strides = array<i32>} : memref<256x128xf32, #tpu.memory_space<vmem>>, vector<1x16xf32>,
        %get3A_969 = vector.shape_cast %get3A_968 : vector<1x16xf32> to vector<16xf32>
        %mul3A_970 = arith.mulf %get3A_969, %get3A_935 : vector<16xf32>
        %add3A_971 = arith.constant 0 : i32
        %add3A_972 = arith.addi %add3A_971, %add3A_887 : i32
        %swap3A_973 = arith.index_cast %add3A_972 : i32 to index
        %swap3A_974 = arith.constant 32 : index
        %swap3A_975 = tpu.vector_load %arg7[%swap3A_973, %swap3A_974] {strides = array<i32>} : memref<256x128xf32, #tpu.memory_space<vmem>>, vector<1x16xf32>,
        %swap3A_976 = vector.shape_cast %swap3A_975 : vector<1x16xf32> to vector<16xf32>
        %swap3A_977 = vector.shape_cast %mul3A_970 : vector<16xf32> to vector<1x16xf32>
        tpu.vector_store %arg7[%swap3A_973, %swap3A_974], %swap3A_977 {strides = array<i32>} : memref<256x128xf32, #tpu.memory_space<vmem>>, vector<1x16xf32>,
        %add3A_978 = arith.constant 0 : i32
        %add3A_979 = arith.addi %add3A_978, %add3A_887 : i32
        %get3A_980 = arith.index_cast %add3A_979 : i32 to index
        %get3A_981 = arith.constant 48 : index
        %get3A_982 = tpu.vector_load %arg7[%get3A_980, %get3A_981] {strides = array<i32>} : memref<256x128xf32, #tpu.memory_space<vmem>>, vector<1x16xf32>,
        %get3A_983 = vector.shape_cast %get3A_982 : vector<1x16xf32> to vector<16xf32>
        %mul3A_984 = arith.mulf %get3A_983, %get3A_935 : vector<16xf32>
        %add3A_985 = arith.constant 0 : i32
        %add3A_986 = arith.addi %add3A_985, %add3A_887 : i32
        %swap3A_987 = arith.index_cast %add3A_986 : i32 to index
        %swap3A_988 = arith.constant 48 : index
        %swap3A_989 = tpu.vector_load %arg7[%swap3A_987, %swap3A_988] {strides = array<i32>} : memref<256x128xf32, #tpu.memory_space<vmem>>, vector<1x16xf32>,
        %swap3A_990 = vector.shape_cast %swap3A_989 : vector<1x16xf32> to vector<16xf32>
        %swap3A_991 = vector.shape_cast %mul3A_984 : vector<16xf32> to vector<1x16xf32>
        tpu.vector_store %arg7[%swap3A_987, %swap3A_988], %swap3A_991 {strides = array<i32>} : memref<256x128xf32, #tpu.memory_space<vmem>>, vector<1x16xf32>,
        %add3A_992 = arith.constant 0 : i32
        %add3A_993 = arith.addi %add3A_992, %add3A_887 : i32
        %get3A_994 = arith.index_cast %add3A_993 : i32 to index
        %get3A_995 = arith.constant 64 : index
        %get3A_996 = tpu.vector_load %arg7[%get3A_994, %get3A_995] {strides = array<i32>} : memref<256x128xf32, #tpu.memory_space<vmem>>, vector<1x16xf32>,
        %get3A_997 = vector.shape_cast %get3A_996 : vector<1x16xf32> to vector<16xf32>
        %mul3A_998 = arith.mulf %get3A_997, %get3A_935 : vector<16xf32>
        %add3A_999 = arith.constant 0 : i32
        %add3A_1000 = arith.addi %add3A_999, %add3A_887 : i32
        %swap3A_1001 = arith.index_cast %add3A_1000 : i32 to index
        %swap3A_1002 = arith.constant 64 : index
        %swap3A_1003 = tpu.vector_load %arg7[%swap3A_1001, %swap3A_1002] {strides = array<i32>} : memref<256x128xf32, #tpu.memory_space<vmem>>, vector<1x16xf32>,
        %swap3A_1004 = vector.shape_cast %swap3A_1003 : vector<1x16xf32> to vector<16xf32>
        %swap3A_1005 = vector.shape_cast %mul3A_998 : vector<16xf32> to vector<1x16xf32>
        tpu.vector_store %arg7[%swap3A_1001, %swap3A_1002], %swap3A_1005 {strides = array<i32>} : memref<256x128xf32, #tpu.memory_space<vmem>>, vector<1x16xf32>,
        %add3A_1006 = arith.constant 0 : i32
        %add3A_1007 = arith.addi %add3A_1006, %add3A_887 : i32
        %get3A_1008 = arith.index_cast %add3A_1007 : i32 to index
        %get3A_1009 = arith.constant 80 : index
        %get3A_1010 = tpu.vector_load %arg7[%get3A_1008, %get3A_1009] {strides = array<i32>} : memref<256x128xf32, #tpu.memory_space<vmem>>, vector<1x16xf32>,
        %get3A_1011 = vector.shape_cast %get3A_1010 : vector<1x16xf32> to vector<16xf32>
        %mul3A_1012 = arith.mulf %get3A_1011, %get3A_935 : vector<16xf32>
        %add3A_1013 = arith.constant 0 : i32
        %add3A_1014 = arith.addi %add3A_1013, %add3A_887 : i32
        %swap3A_1015 = arith.index_cast %add3A_1014 : i32 to index
        %swap3A_1016 = arith.constant 80 : index
        %swap3A_1017 = tpu.vector_load %arg7[%swap3A_1015, %swap3A_1016] {strides = array<i32>} : memref<256x128xf32, #tpu.memory_space<vmem>>, vector<1x16xf32>,
        %swap3A_1018 = vector.shape_cast %swap3A_1017 : vector<1x16xf32> to vector<16xf32>
        %swap3A_1019 = vector.shape_cast %mul3A_1012 : vector<16xf32> to vector<1x16xf32>
        tpu.vector_store %arg7[%swap3A_1015, %swap3A_1016], %swap3A_1019 {strides = array<i32>} : memref<256x128xf32, #tpu.memory_space<vmem>>, vector<1x16xf32>,
        %add3A_1020 = arith.constant 0 : i32
        %add3A_1021 = arith.addi %add3A_1020, %add3A_887 : i32
        %get3A_1022 = arith.index_cast %add3A_1021 : i32 to index
        %get3A_1023 = arith.constant 96 : index
        %get3A_1024 = tpu.vector_load %arg7[%get3A_1022, %get3A_1023] {strides = array<i32>} : memref<256x128xf32, #tpu.memory_space<vmem>>, vector<1x16xf32>,
        %get3A_1025 = vector.shape_cast %get3A_1024 : vector<1x16xf32> to vector<16xf32>
        %mul3A_1026 = arith.mulf %get3A_1025, %get3A_935 : vector<16xf32>
        %add3A_1027 = arith.constant 0 : i32
        %add3A_1028 = arith.addi %add3A_1027, %add3A_887 : i32
        %swap3A_1029 = arith.index_cast %add3A_1028 : i32 to index
        %swap3A_1030 = arith.constant 96 : index
        %swap3A_1031 = tpu.vector_load %arg7[%swap3A_1029, %swap3A_1030] {strides = array<i32>} : memref<256x128xf32, #tpu.memory_space<vmem>>, vector<1x16xf32>,
        %swap3A_1032 = vector.shape_cast %swap3A_1031 : vector<1x16xf32> to vector<16xf32>
        %swap3A_1033 = vector.shape_cast %mul3A_1026 : vector<16xf32> to vector<1x16xf32>
        tpu.vector_store %arg7[%swap3A_1029, %swap3A_1030], %swap3A_1033 {strides = array<i32>} : memref<256x128xf32, #tpu.memory_space<vmem>>, vector<1x16xf32>,
        %add3A_1034 = arith.constant 0 : i32
        %add3A_1035 = arith.addi %add3A_1034, %add3A_887 : i32
        %get3A_1036 = arith.index_cast %add3A_1035 : i32 to index
        %get3A_1037 = arith.constant 112 : index
        %get3A_1038 = tpu.vector_load %arg7[%get3A_1036, %get3A_1037] {strides = array<i32>} : memref<256x128xf32, #tpu.memory_space<vmem>>, vector<1x16xf32>,
        %get3A_1039 = vector.shape_cast %get3A_1038 : vector<1x16xf32> to vector<16xf32>
        %mul3A_1040 = arith.mulf %get3A_1039, %get3A_935 : vector<16xf32>
        %add3A_1041 = arith.constant 0 : i32
        %add3A_1042 = arith.addi %add3A_1041, %add3A_887 : i32
        %swap3A_1043 = arith.index_cast %add3A_1042 : i32 to index
        %swap3A_1044 = arith.constant 112 : index
        %swap3A_1045 = tpu.vector_load %arg7[%swap3A_1043, %swap3A_1044] {strides = array<i32>} : memref<256x128xf32, #tpu.memory_space<vmem>>, vector<1x16xf32>,
        %swap3A_1046 = vector.shape_cast %swap3A_1045 : vector<1x16xf32> to vector<16xf32>
        %swap3A_1047 = vector.shape_cast %mul3A_1040 : vector<16xf32> to vector<1x16xf32>
        tpu.vector_store %arg7[%swap3A_1043, %swap3A_1044], %swap3A_1047 {strides = array<i32>} : memref<256x128xf32, #tpu.memory_space<vmem>>, vector<1x16xf32>,
        %scan3A_1048 = arith.constant 0 : i32
        scf.yield %scan3A_1048 : i32
      }
      %scan3A_542 = arith.constant 32 : i32
      %dma_start3A_543 = arith.constant 0 : i32
      %dma_start3A_544 = arith.constant 0 : i32
      %dma_start3A_545 = arith.constant 0 : i32
      %dma_start3A_546 = tpu.memref_slice %arg7[%dma_start3A_544, %dma_start3A_545] : memref<256x128xf32, #tpu.memory_space<vmem>> -> memref<64x128xf32, #tpu.memory_space<vmem>>
      %dma_start3A_547 = arith.constant 0 : i32
      %dma_start3A_548 = tpu.memref_slice %arg10[%dma_start3A_543, %dma_start3A_547] : memref<4x64xi32, #tpu.memory_space<vmem>> -> memref<1x64xi32, #tpu.memory_space<vmem>>
      %dma_start3A_549 = tpu.memref_squeeze %dma_start3A_548 : memref<1x64xi32, #tpu.memory_space<vmem>> -> memref<64xi32, #tpu.memory_space<vmem>>
      %dma_start3A_550 = arith.constant 0 : i32
      %dma_start3A_551 = arith.constant 0 : i32
      %dma_start3A_552 = tpu.memref_slice %arg11[%dma_start3A_550, %dma_start3A_551] : memref<10240x128xf32, #tpu.memory_space<vmem_shared>> -> memref<10240x128xf32, #tpu.memory_space<vmem_shared>>
      tpu.enqueue_indirect_dma source(%dma_start3A_546 : memref<64x128xf32, #tpu.memory_space<vmem>>) target(%dma_start3A_552 : memref<10240x128xf32, #tpu.memory_space<vmem_shared>>) offsets(%dma_start3A_549 : memref<64xi32, #tpu.memory_space<vmem>>) semaphore(%arg20 : memref<!tpu.dma_semaphore, #tpu.memory_space<semaphore_mem>>) {add = true}
      %dma_wait3A_553 = arith.constant 1 : i32
      %dma_wait3A_554 = arith.constant 64 : i32
      %dma_wait3A_555 = arith.constant 0 : i32
      %dma_wait3A_556 = tpu.memref_slice %arg7[%dma_wait3A_554, %dma_wait3A_555] : memref<256x128xf32, #tpu.memory_space<vmem>> -> memref<64x128xf32, #tpu.memory_space<vmem>>
      %dma_wait3A_557 = arith.constant 0 : i32
      %dma_wait3A_558 = tpu.memref_slice %arg9[%dma_wait3A_553, %dma_wait3A_557] : memref<4x64xi32, #tpu.memory_space<vmem>> -> memref<1x64xi32, #tpu.memory_space<vmem>>
      %dma_wait3A_559 = tpu.memref_squeeze %dma_wait3A_558 : memref<1x64xi32, #tpu.memory_space<vmem>> -> memref<64xi32, #tpu.memory_space<vmem>>
      %dma_wait3A_560 = arith.constant 0 : i32
      %dma_wait3A_561 = arith.constant 0 : i32
      %dma_wait3A_562 = tpu.memref_slice %arg5[%dma_wait3A_560, %dma_wait3A_561] : memref<20480x128xf32, #tpu.memory_space<hbm>> -> memref<20480x128xf32, #tpu.memory_space<hbm>>
      tpu.wait_indirect_dma semaphore(%arg13 : memref<!tpu.dma_semaphore, #tpu.memory_space<semaphore_mem>>) src(%dma_wait3A_562 : memref<20480x128xf32, #tpu.memory_space<hbm>>) dst(%dma_wait3A_556 : memref<64x128xf32, #tpu.memory_space<vmem>>)
      %mul3A_563 = arith.constant 8 : i32
      %mul3A_564 = arith.muli %mul3A_6, %mul3A_563 : i32
      %dma_wait3A_565 = arith.constant 8 : i32
      %dma_wait3A_566 = arith.constant 0 : i32
      %dma_wait3A_567 = tpu.memref_slice %arg8[%dma_wait3A_565, %dma_wait3A_566] : memref<32x128xf32, #tpu.memory_space<vmem>> -> memref<8x128xf32, #tpu.memory_space<vmem>>
      %dma_wait3A_568 = arith.constant 0 : i32
      %dma_wait3A_569 = tpu.memref_slice %arg4[%mul3A_564, %dma_wait3A_568] : memref<20480x128xf32, #tpu.memory_space<hbm>> -> memref<8x128xf32, #tpu.memory_space<hbm>>
      %dma_wait3A_570 = arith.constant 8 : i32
      %dma_wait3A_571 = arith.constant 0 : i32
      %dma_wait3A_572 = tpu.memref_slice %arg8[%dma_wait3A_570, %dma_wait3A_571] : memref<32x128xf32, #tpu.memory_space<vmem>> -> memref<8x128xf32, #tpu.memory_space<vmem>>
      %dma_wait3A_573 = arith.constant 0 : i32
      %dma_wait3A_574 = tpu.memref_slice %arg4[%mul3A_564, %dma_wait3A_573] : memref<20480x128xf32, #tpu.memory_space<hbm>> -> memref<8x128xf32, #tpu.memory_space<hbm>>
      tpu.wait_dma2 semaphore(%arg17 : memref<!tpu.dma_semaphore, #tpu.memory_space<semaphore_mem>>) src(%dma_wait3A_574 : memref<8x128xf32, #tpu.memory_space<hbm>>) dst(%dma_wait3A_572 : memref<8x128xf32, #tpu.memory_space<vmem>>)
      %scan3A_575 = arith.constant 0 : i32
      %scan3A_576 = arith.constant 0 : i32
      %scan3A_577 = arith.constant 32 : i32
      %scan3A_578 = arith.addi %scan3A_576, %scan3A_577 : i32
      %scan3A_579 = arith.constant 1 : i32
      %scan3A_580 = scf.for %scan3A_727 = %scan3A_576 to %scan3A_578 step %scan3A_579 iter_args(%scan3A_728 = %scan3A_575) -> (i32)  : i32 {
        %mul3A_729 = arith.constant 2 : i32
        %mul3A_730 = arith.muli %scan3A_727, %mul3A_729 : i32
        %add3A_731 = arith.constant 0 : i32
        %add3A_732 = arith.addi %mul3A_730, %add3A_731 : i32
        %jit3A = arith.constant 8 : i32
        %div3A = arith.divsi %add3A_732, %jit3A : i32
        %sign3A = arith.constant 0 : i32
        %sign3A_733 = arith.cmpi sgt, %add3A_732, %sign3A : i32
        %sign3A_734 = arith.extui %sign3A_733 : i1 to i32
        %sign3A_735 = arith.constant 0 : i32
        %sign3A_736 = arith.cmpi slt, %add3A_732, %sign3A_735 : i32
        %sign3A_737 = arith.extui %sign3A_736 : i1 to i32
        %sign3A_738 = arith.subi %sign3A_734, %sign3A_737 : i32
        %sign3A_739 = arith.constant 0 : i32
        %sign3A_740 = arith.cmpi sgt, %jit3A, %sign3A_739 : i32
        %sign3A_741 = arith.extui %sign3A_740 : i1 to i32
        %sign3A_742 = arith.constant 0 : i32
        %sign3A_743 = arith.cmpi slt, %jit3A, %sign3A_742 : i32
        %sign3A_744 = arith.extui %sign3A_743 : i1 to i32
        %sign3A_745 = arith.subi %sign3A_741, %sign3A_744 : i32
        %ne3A = arith.cmpi ne, %sign3A_738, %sign3A_745 : i32
        %rem3A = arith.remsi %add3A_732, %jit3A : i32
        %ne3A_746 = arith.constant 0 : i32
        %ne3A_747 = arith.cmpi ne, %rem3A, %ne3A_746 : i32
        %and3A_748 = arith.andi %ne3A, %ne3A_747 : i1
        %sub3A = arith.constant 1 : i32
        %sub3A_749 = arith.subi %div3A, %sub3A : i32
        %select_n3A = arith.select %and3A_748, %sub3A_749, %div3A : i32
        %add3A_750 = arith.constant 8 : i32
        %add3A_751 = arith.addi %add3A_750, %select_n3A : i32
        %jit3A_752 = arith.constant 8 : i32
        %eq3A = arith.constant 0 : i32
        %eq3A_753 = arith.cmpi eq, %jit3A_752, %eq3A : i32
        %jit3A_754 = arith.constant 1 : i32
        %select_n3A_755 = arith.select %eq3A_753, %jit3A_754, %jit3A_752 : i32
        %rem3A_756 = arith.remsi %add3A_732, %select_n3A_755 : i32
        %ne3A_757 = arith.constant 0 : i32
        %ne3A_758 = arith.cmpi ne, %rem3A_756, %ne3A_757 : i32
        %lt3A = arith.constant 0 : i32
        %lt3A_759 = arith.cmpi slt, %rem3A_756, %lt3A : i32
        %lt3A_760 = arith.constant 0 : i32
        %lt3A_761 = arith.cmpi slt, %select_n3A_755, %lt3A_760 : i32
        %ne3A_762 = arith.xori %lt3A_759, %lt3A_761 : i1
        %and3A_763 = arith.andi %ne3A_762, %ne3A_758 : i1
        %add3A_764 = arith.addi %rem3A_756, %select_n3A_755 : i32
        %select_n3A_765 = arith.select %and3A_763, %add3A_764, %rem3A_756 : i32
        %mul3A_766 = arith.constant 16 : i32
        %mul3A_767 = arith.muli %select_n3A_765, %mul3A_766 : i32
        %get3A_768 = arith.index_cast %add3A_751 : i32 to index
        %get3A_769 = arith.index_cast %mul3A_767 : i32 to index
        %get3A_770 = tpu.vector_load %arg8[%get3A_768, %get3A_769] {strides = array<i32>} : memref<32x128xf32, #tpu.memory_space<vmem>>, vector<1x16xf32>,
        %get3A_771 = vector.shape_cast %get3A_770 : vector<1x16xf32> to vector<16xf32>
        %add3A_772 = arith.constant 64 : i32
        %add3A_773 = arith.addi %add3A_772, %add3A_732 : i32
        %get3A_774 = arith.index_cast %add3A_773 : i32 to index
        %get3A_775 = arith.constant 0 : index
        %get3A_776 = tpu.vector_load %arg7[%get3A_774, %get3A_775] {strides = array<i32>} : memref<256x128xf32, #tpu.memory_space<vmem>>, vector<1x16xf32>,
        %get3A_777 = vector.shape_cast %get3A_776 : vector<1x16xf32> to vector<16xf32>
        %mul3A_778 = arith.mulf %get3A_777, %get3A_771 : vector<16xf32>
        %add3A_779 = arith.constant 64 : i32
        %add3A_780 = arith.addi %add3A_779, %add3A_732 : i32
        %swap3A_781 = arith.index_cast %add3A_780 : i32 to index
        %swap3A_782 = arith.constant 0 : index
        %swap3A_783 = tpu.vector_load %arg7[%swap3A_781, %swap3A_782] {strides = array<i32>} : memref<256x128xf32, #tpu.memory_space<vmem>>, vector<1x16xf32>,
        %swap3A_784 = vector.shape_cast %swap3A_783 : vector<1x16xf32> to vector<16xf32>
        %swap3A_785 = vector.shape_cast %mul3A_778 : vector<16xf32> to vector<1x16xf32>
        tpu.vector_store %arg7[%swap3A_781, %swap3A_782], %swap3A_785 {strides = array<i32>} : memref<256x128xf32, #tpu.memory_space<vmem>>, vector<1x16xf32>,
        %add3A_786 = arith.constant 64 : i32
        %add3A_787 = arith.addi %add3A_786, %add3A_732 : i32
        %get3A_788 = arith.index_cast %add3A_787 : i32 to index
        %get3A_789 = arith.constant 16 : index
        %get3A_790 = tpu.vector_load %arg7[%get3A_788, %get3A_789] {strides = array<i32>} : memref<256x128xf32, #tpu.memory_space<vmem>>, vector<1x16xf32>,
        %get3A_791 = vector.shape_cast %get3A_790 : vector<1x16xf32> to vector<16xf32>
        %mul3A_792 = arith.mulf %get3A_791, %get3A_771 : vector<16xf32>
        %add3A_793 = arith.constant 64 : i32
        %add3A_794 = arith.addi %add3A_793, %add3A_732 : i32
        %swap3A_795 = arith.index_cast %add3A_794 : i32 to index
        %swap3A_796 = arith.constant 16 : index
        %swap3A_797 = tpu.vector_load %arg7[%swap3A_795, %swap3A_796] {strides = array<i32>} : memref<256x128xf32, #tpu.memory_space<vmem>>, vector<1x16xf32>,
        %swap3A_798 = vector.shape_cast %swap3A_797 : vector<1x16xf32> to vector<16xf32>
        %swap3A_799 = vector.shape_cast %mul3A_792 : vector<16xf32> to vector<1x16xf32>
        tpu.vector_store %arg7[%swap3A_795, %swap3A_796], %swap3A_799 {strides = array<i32>} : memref<256x128xf32, #tpu.memory_space<vmem>>, vector<1x16xf32>,
        %add3A_800 = arith.constant 64 : i32
        %add3A_801 = arith.addi %add3A_800, %add3A_732 : i32
        %get3A_802 = arith.index_cast %add3A_801 : i32 to index
        %get3A_803 = arith.constant 32 : index
        %get3A_804 = tpu.vector_load %arg7[%get3A_802, %get3A_803] {strides = array<i32>} : memref<256x128xf32, #tpu.memory_space<vmem>>, vector<1x16xf32>,
        %get3A_805 = vector.shape_cast %get3A_804 : vector<1x16xf32> to vector<16xf32>
        %mul3A_806 = arith.mulf %get3A_805, %get3A_771 : vector<16xf32>
        %add3A_807 = arith.constant 64 : i32
        %add3A_808 = arith.addi %add3A_807, %add3A_732 : i32
        %swap3A_809 = arith.index_cast %add3A_808 : i32 to index
        %swap3A_810 = arith.constant 32 : index
        %swap3A_811 = tpu.vector_load %arg7[%swap3A_809, %swap3A_810] {strides = array<i32>} : memref<256x128xf32, #tpu.memory_space<vmem>>, vector<1x16xf32>,
        %swap3A_812 = vector.shape_cast %swap3A_811 : vector<1x16xf32> to vector<16xf32>
        %swap3A_813 = vector.shape_cast %mul3A_806 : vector<16xf32> to vector<1x16xf32>
        tpu.vector_store %arg7[%swap3A_809, %swap3A_810], %swap3A_813 {strides = array<i32>} : memref<256x128xf32, #tpu.memory_space<vmem>>, vector<1x16xf32>,
        %add3A_814 = arith.constant 64 : i32
        %add3A_815 = arith.addi %add3A_814, %add3A_732 : i32
        %get3A_816 = arith.index_cast %add3A_815 : i32 to index
        %get3A_817 = arith.constant 48 : index
        %get3A_818 = tpu.vector_load %arg7[%get3A_816, %get3A_817] {strides = array<i32>} : memref<256x128xf32, #tpu.memory_space<vmem>>, vector<1x16xf32>,
        %get3A_819 = vector.shape_cast %get3A_818 : vector<1x16xf32> to vector<16xf32>
        %mul3A_820 = arith.mulf %get3A_819, %get3A_771 : vector<16xf32>
        %add3A_821 = arith.constant 64 : i32
        %add3A_822 = arith.addi %add3A_821, %add3A_732 : i32
        %swap3A_823 = arith.index_cast %add3A_822 : i32 to index
        %swap3A_824 = arith.constant 48 : index
        %swap3A_825 = tpu.vector_load %arg7[%swap3A_823, %swap3A_824] {strides = array<i32>} : memref<256x128xf32, #tpu.memory_space<vmem>>, vector<1x16xf32>,
        %swap3A_826 = vector.shape_cast %swap3A_825 : vector<1x16xf32> to vector<16xf32>
        %swap3A_827 = vector.shape_cast %mul3A_820 : vector<16xf32> to vector<1x16xf32>
        tpu.vector_store %arg7[%swap3A_823, %swap3A_824], %swap3A_827 {strides = array<i32>} : memref<256x128xf32, #tpu.memory_space<vmem>>, vector<1x16xf32>,
        %add3A_828 = arith.constant 64 : i32
        %add3A_829 = arith.addi %add3A_828, %add3A_732 : i32
        %get3A_830 = arith.index_cast %add3A_829 : i32 to index
        %get3A_831 = arith.constant 64 : index
        %get3A_832 = tpu.vector_load %arg7[%get3A_830, %get3A_831] {strides = array<i32>} : memref<256x128xf32, #tpu.memory_space<vmem>>, vector<1x16xf32>,
        %get3A_833 = vector.shape_cast %get3A_832 : vector<1x16xf32> to vector<16xf32>
        %mul3A_834 = arith.mulf %get3A_833, %get3A_771 : vector<16xf32>
        %add3A_835 = arith.constant 64 : i32
        %add3A_836 = arith.addi %add3A_835, %add3A_732 : i32
        %swap3A_837 = arith.index_cast %add3A_836 : i32 to index
        %swap3A_838 = arith.constant 64 : index
        %swap3A_839 = tpu.vector_load %arg7[%swap3A_837, %swap3A_838] {strides = array<i32>} : memref<256x128xf32, #tpu.memory_space<vmem>>, vector<1x16xf32>,
        %swap3A_840 = vector.shape_cast %swap3A_839 : vector<1x16xf32> to vector<16xf32>
        %swap3A_841 = vector.shape_cast %mul3A_834 : vector<16xf32> to vector<1x16xf32>
        tpu.vector_store %arg7[%swap3A_837, %swap3A_838], %swap3A_841 {strides = array<i32>} : memref<256x128xf32, #tpu.memory_space<vmem>>, vector<1x16xf32>,
        %add3A_842 = arith.constant 64 : i32
        %add3A_843 = arith.addi %add3A_842, %add3A_732 : i32
        %get3A_844 = arith.index_cast %add3A_843 : i32 to index
        %get3A_845 = arith.constant 80 : index
        %get3A_846 = tpu.vector_load %arg7[%get3A_844, %get3A_845] {strides = array<i32>} : memref<256x128xf32, #tpu.memory_space<vmem>>, vector<1x16xf32>,
        %get3A_847 = vector.shape_cast %get3A_846 : vector<1x16xf32> to vector<16xf32>
        %mul3A_848 = arith.mulf %get3A_847, %get3A_771 : vector<16xf32>
        %add3A_849 = arith.constant 64 : i32
        %add3A_850 = arith.addi %add3A_849, %add3A_732 : i32
        %swap3A_851 = arith.index_cast %add3A_850 : i32 to index
        %swap3A_852 = arith.constant 80 : index
        %swap3A_853 = tpu.vector_load %arg7[%swap3A_851, %swap3A_852] {strides = array<i32>} : memref<256x128xf32, #tpu.memory_space<vmem>>, vector<1x16xf32>,
        %swap3A_854 = vector.shape_cast %swap3A_853 : vector<1x16xf32> to vector<16xf32>
        %swap3A_855 = vector.shape_cast %mul3A_848 : vector<16xf32> to vector<1x16xf32>
        tpu.vector_store %arg7[%swap3A_851, %swap3A_852], %swap3A_855 {strides = array<i32>} : memref<256x128xf32, #tpu.memory_space<vmem>>, vector<1x16xf32>,
        %add3A_856 = arith.constant 64 : i32
        %add3A_857 = arith.addi %add3A_856, %add3A_732 : i32
        %get3A_858 = arith.index_cast %add3A_857 : i32 to index
        %get3A_859 = arith.constant 96 : index
        %get3A_860 = tpu.vector_load %arg7[%get3A_858, %get3A_859] {strides = array<i32>} : memref<256x128xf32, #tpu.memory_space<vmem>>, vector<1x16xf32>,
        %get3A_861 = vector.shape_cast %get3A_860 : vector<1x16xf32> to vector<16xf32>
        %mul3A_862 = arith.mulf %get3A_861, %get3A_771 : vector<16xf32>
        %add3A_863 = arith.constant 64 : i32
        %add3A_864 = arith.addi %add3A_863, %add3A_732 : i32
        %swap3A_865 = arith.index_cast %add3A_864 : i32 to index
        %swap3A_866 = arith.constant 96 : index
        %swap3A_867 = tpu.vector_load %arg7[%swap3A_865, %swap3A_866] {strides = array<i32>} : memref<256x128xf32, #tpu.memory_space<vmem>>, vector<1x16xf32>,
        %swap3A_868 = vector.shape_cast %swap3A_867 : vector<1x16xf32> to vector<16xf32>
        %swap3A_869 = vector.shape_cast %mul3A_862 : vector<16xf32> to vector<1x16xf32>
        tpu.vector_store %arg7[%swap3A_865, %swap3A_866], %swap3A_869 {strides = array<i32>} : memref<256x128xf32, #tpu.memory_space<vmem>>, vector<1x16xf32>,
        %add3A_870 = arith.constant 64 : i32
        %add3A_871 = arith.addi %add3A_870, %add3A_732 : i32
        %get3A_872 = arith.index_cast %add3A_871 : i32 to index
        %get3A_873 = arith.constant 112 : index
        %get3A_874 = tpu.vector_load %arg7[%get3A_872, %get3A_873] {strides = array<i32>} : memref<256x128xf32, #tpu.memory_space<vmem>>, vector<1x16xf32>,
        %get3A_875 = vector.shape_cast %get3A_874 : vector<1x16xf32> to vector<16xf32>
        %mul3A_876 = arith.mulf %get3A_875, %get3A_771 : vector<16xf32>
        %add3A_877 = arith.constant 64 : i32
        %add3A_878 = arith.addi %add3A_877, %add3A_732 : i32
        %swap3A_879 = arith.index_cast %add3A_878 : i32 to index
        %swap3A_880 = arith.constant 112 : index
        %swap3A_881 = tpu.vector_load %arg7[%swap3A_879, %swap3A_880] {strides = array<i32>} : memref<256x128xf32, #tpu.memory_space<vmem>>, vector<1x16xf32>,
        %swap3A_882 = vector.shape_cast %swap3A_881 : vector<1x16xf32> to vector<16xf32>
        %swap3A_883 = vector.shape_cast %mul3A_876 : vector<16xf32> to vector<1x16xf32>
        tpu.vector_store %arg7[%swap3A_879, %swap3A_880], %swap3A_883 {strides = array<i32>} : memref<256x128xf32, #tpu.memory_space<vmem>>, vector<1x16xf32>,
        %mul3A_884 = arith.constant 2 : i32
        %mul3A_885 = arith.muli %scan3A_727, %mul3A_884 : i32
        %add3A_886 = arith.constant 1 : i32
        %add3A_887 = arith.addi %mul3A_885, %add3A_886 : i32
        %jit3A_888 = arith.constant 8 : i32
        %div3A_889 = arith.divsi %add3A_887, %jit3A_888 : i32
        %sign3A_890 = arith.constant 0 : i32
        %sign3A_891 = arith.cmpi sgt, %add3A_887, %sign3A_890 : i32
        %sign3A_892 = arith.extui %sign3A_891 : i1 to i32
        %sign3A_893 = arith.constant 0 : i32
        %sign3A_894 = arith.cmpi slt, %add3A_887, %sign3A_893 : i32
        %sign3A_895 = arith.extui %sign3A_894 : i1 to i32
        %sign3A_896 = arith.subi %sign3A_892, %sign3A_895 : i32
        %sign3A_897 = arith.constant 0 : i32
        %sign3A_898 = arith.cmpi sgt, %jit3A_888, %sign3A_897 : i32
        %sign3A_899 = arith.extui %sign3A_898 : i1 to i32
        %sign3A_900 = arith.constant 0 : i32
        %sign3A_901 = arith.cmpi slt, %jit3A_888, %sign3A_900 : i32
        %sign3A_902 = arith.extui %sign3A_901 : i1 to i32
        %sign3A_903 = arith.subi %sign3A_899, %sign3A_902 : i32
        %ne3A_904 = arith.cmpi ne, %sign3A_896, %sign3A_903 : i32
        %rem3A_905 = arith.remsi %add3A_887, %jit3A_888 : i32
        %ne3A_906 = arith.constant 0 : i32
        %ne3A_907 = arith.cmpi ne, %rem3A_905, %ne3A_906 : i32
        %and3A_908 = arith.andi %ne3A_904, %ne3A_907 : i1
        %sub3A_909 = arith.constant 1 : i32
        %sub3A_910 = arith.subi %div3A_889, %sub3A_909 : i32
        %select_n3A_911 = arith.select %and3A_908, %sub3A_910, %div3A_889 : i32
        %add3A_912 = arith.constant 8 : i32
        %add3A_913 = arith.addi %add3A_912, %select_n3A_911 : i32
        %jit3A_914 = arith.constant 8 : i32
        %eq3A_915 = arith.constant 0 : i32
        %eq3A_916 = arith.cmpi eq, %jit3A_914, %eq3A_915 : i32
        %jit3A_917 = arith.constant 1 : i32
        %select_n3A_918 = arith.select %eq3A_916, %jit3A_917, %jit3A_914 : i32
        %rem3A_919 = arith.remsi %add3A_887, %select_n3A_918 : i32
        %ne3A_920 = arith.constant 0 : i32
        %ne3A_921 = arith.cmpi ne, %rem3A_919, %ne3A_920 : i32
        %lt3A_922 = arith.constant 0 : i32
        %lt3A_923 = arith.cmpi slt, %rem3A_919, %lt3A_922 : i32
        %lt3A_924 = arith.constant 0 : i32
        %lt3A_925 = arith.cmpi slt, %select_n3A_918, %lt3A_924 : i32
        %ne3A_926 = arith.xori %lt3A_923, %lt3A_925 : i1
        %and3A_927 = arith.andi %ne3A_926, %ne3A_921 : i1
        %add3A_928 = arith.addi %rem3A_919, %select_n3A_918 : i32
        %select_n3A_929 = arith.select %and3A_927, %add3A_928, %rem3A_919 : i32
        %mul3A_930 = arith.constant 16 : i32
        %mul3A_931 = arith.muli %select_n3A_929, %mul3A_930 : i32
        %get3A_932 = arith.index_cast %add3A_913 : i32 to index
        %get3A_933 = arith.index_cast %mul3A_931 : i32 to index
        %get3A_934 = tpu.vector_load %arg8[%get3A_932, %get3A_933] {strides = array<i32>} : memref<32x128xf32, #tpu.memory_space<vmem>>, vector<1x16xf32>,
        %get3A_935 = vector.shape_cast %get3A_934 : vector<1x16xf32> to vector<16xf32>
        %add3A_936 = arith.constant 64 : i32
        %add3A_937 = arith.addi %add3A_936, %add3A_887 : i32
        %get3A_938 = arith.index_cast %add3A_937 : i32 to index
        %get3A_939 = arith.constant 0 : index
        %get3A_940 = tpu.vector_load %arg7[%get3A_938, %get3A_939] {strides = array<i32>} : memref<256x128xf32, #tpu.memory_space<vmem>>, vector<1x16xf32>,
        %get3A_941 = vector.shape_cast %get3A_940 : vector<1x16xf32> to vector<16xf32>
        %mul3A_942 = arith.mulf %get3A_941, %get3A_935 : vector<16xf32>
        %add3A_943 = arith.constant 64 : i32
        %add3A_944 = arith.addi %add3A_943, %add3A_887 : i32
        %swap3A_945 = arith.index_cast %add3A_944 : i32 to index
        %swap3A_946 = arith.constant 0 : index
        %swap3A_947 = tpu.vector_load %arg7[%swap3A_945, %swap3A_946] {strides = array<i32>} : memref<256x128xf32, #tpu.memory_space<vmem>>, vector<1x16xf32>,
        %swap3A_948 = vector.shape_cast %swap3A_947 : vector<1x16xf32> to vector<16xf32>
        %swap3A_949 = vector.shape_cast %mul3A_942 : vector<16xf32> to vector<1x16xf32>
        tpu.vector_store %arg7[%swap3A_945, %swap3A_946], %swap3A_949 {strides = array<i32>} : memref<256x128xf32, #tpu.memory_space<vmem>>, vector<1x16xf32>,
        %add3A_950 = arith.constant 64 : i32
        %add3A_951 = arith.addi %add3A_950, %add3A_887 : i32
        %get3A_952 = arith.index_cast %add3A_951 : i32 to index
        %get3A_953 = arith.constant 16 : index
        %get3A_954 = tpu.vector_load %arg7[%get3A_952, %get3A_953] {strides = array<i32>} : memref<256x128xf32, #tpu.memory_space<vmem>>, vector<1x16xf32>,
        %get3A_955 = vector.shape_cast %get3A_954 : vector<1x16xf32> to vector<16xf32>
        %mul3A_956 = arith.mulf %get3A_955, %get3A_935 : vector<16xf32>
        %add3A_957 = arith.constant 64 : i32
        %add3A_958 = arith.addi %add3A_957, %add3A_887 : i32
        %swap3A_959 = arith.index_cast %add3A_958 : i32 to index
        %swap3A_960 = arith.constant 16 : index
        %swap3A_961 = tpu.vector_load %arg7[%swap3A_959, %swap3A_960] {strides = array<i32>} : memref<256x128xf32, #tpu.memory_space<vmem>>, vector<1x16xf32>,
        %swap3A_962 = vector.shape_cast %swap3A_961 : vector<1x16xf32> to vector<16xf32>
        %swap3A_963 = vector.shape_cast %mul3A_956 : vector<16xf32> to vector<1x16xf32>
        tpu.vector_store %arg7[%swap3A_959, %swap3A_960], %swap3A_963 {strides = array<i32>} : memref<256x128xf32, #tpu.memory_space<vmem>>, vector<1x16xf32>,
        %add3A_964 = arith.constant 64 : i32
        %add3A_965 = arith.addi %add3A_964, %add3A_887 : i32
        %get3A_966 = arith.index_cast %add3A_965 : i32 to index
        %get3A_967 = arith.constant 32 : index
        %get3A_968 = tpu.vector_load %arg7[%get3A_966, %get3A_967] {strides = array<i32>} : memref<256x128xf32, #tpu.memory_space<vmem>>, vector<1x16xf32>,
        %get3A_969 = vector.shape_cast %get3A_968 : vector<1x16xf32> to vector<16xf32>
        %mul3A_970 = arith.mulf %get3A_969, %get3A_935 : vector<16xf32>
        %add3A_971 = arith.constant 64 : i32
        %add3A_972 = arith.addi %add3A_971, %add3A_887 : i32
        %swap3A_973 = arith.index_cast %add3A_972 : i32 to index
        %swap3A_974 = arith.constant 32 : index
        %swap3A_975 = tpu.vector_load %arg7[%swap3A_973, %swap3A_974] {strides = array<i32>} : memref<256x128xf32, #tpu.memory_space<vmem>>, vector<1x16xf32>,
        %swap3A_976 = vector.shape_cast %swap3A_975 : vector<1x16xf32> to vector<16xf32>
        %swap3A_977 = vector.shape_cast %mul3A_970 : vector<16xf32> to vector<1x16xf32>
        tpu.vector_store %arg7[%swap3A_973, %swap3A_974], %swap3A_977 {strides = array<i32>} : memref<256x128xf32, #tpu.memory_space<vmem>>, vector<1x16xf32>,
        %add3A_978 = arith.constant 64 : i32
        %add3A_979 = arith.addi %add3A_978, %add3A_887 : i32
        %get3A_980 = arith.index_cast %add3A_979 : i32 to index
        %get3A_981 = arith.constant 48 : index
        %get3A_982 = tpu.vector_load %arg7[%get3A_980, %get3A_981] {strides = array<i32>} : memref<256x128xf32, #tpu.memory_space<vmem>>, vector<1x16xf32>,
        %get3A_983 = vector.shape_cast %get3A_982 : vector<1x16xf32> to vector<16xf32>
        %mul3A_984 = arith.mulf %get3A_983, %get3A_935 : vector<16xf32>
        %add3A_985 = arith.constant 64 : i32
        %add3A_986 = arith.addi %add3A_985, %add3A_887 : i32
        %swap3A_987 = arith.index_cast %add3A_986 : i32 to index
        %swap3A_988 = arith.constant 48 : index
        %swap3A_989 = tpu.vector_load %arg7[%swap3A_987, %swap3A_988] {strides = array<i32>} : memref<256x128xf32, #tpu.memory_space<vmem>>, vector<1x16xf32>,
        %swap3A_990 = vector.shape_cast %swap3A_989 : vector<1x16xf32> to vector<16xf32>
        %swap3A_991 = vector.shape_cast %mul3A_984 : vector<16xf32> to vector<1x16xf32>
        tpu.vector_store %arg7[%swap3A_987, %swap3A_988], %swap3A_991 {strides = array<i32>} : memref<256x128xf32, #tpu.memory_space<vmem>>, vector<1x16xf32>,
        %add3A_992 = arith.constant 64 : i32
        %add3A_993 = arith.addi %add3A_992, %add3A_887 : i32
        %get3A_994 = arith.index_cast %add3A_993 : i32 to index
        %get3A_995 = arith.constant 64 : index
        %get3A_996 = tpu.vector_load %arg7[%get3A_994, %get3A_995] {strides = array<i32>} : memref<256x128xf32, #tpu.memory_space<vmem>>, vector<1x16xf32>,
        %get3A_997 = vector.shape_cast %get3A_996 : vector<1x16xf32> to vector<16xf32>
        %mul3A_998 = arith.mulf %get3A_997, %get3A_935 : vector<16xf32>
        %add3A_999 = arith.constant 64 : i32
        %add3A_1000 = arith.addi %add3A_999, %add3A_887 : i32
        %swap3A_1001 = arith.index_cast %add3A_1000 : i32 to index
        %swap3A_1002 = arith.constant 64 : index
        %swap3A_1003 = tpu.vector_load %arg7[%swap3A_1001, %swap3A_1002] {strides = array<i32>} : memref<256x128xf32, #tpu.memory_space<vmem>>, vector<1x16xf32>,
        %swap3A_1004 = vector.shape_cast %swap3A_1003 : vector<1x16xf32> to vector<16xf32>
        %swap3A_1005 = vector.shape_cast %mul3A_998 : vector<16xf32> to vector<1x16xf32>
        tpu.vector_store %arg7[%swap3A_1001, %swap3A_1002], %swap3A_1005 {strides = array<i32>} : memref<256x128xf32, #tpu.memory_space<vmem>>, vector<1x16xf32>,
        %add3A_1006 = arith.constant 64 : i32
        %add3A_1007 = arith.addi %add3A_1006, %add3A_887 : i32
        %get3A_1008 = arith.index_cast %add3A_1007 : i32 to index
        %get3A_1009 = arith.constant 80 : index
        %get3A_1010 = tpu.vector_load %arg7[%get3A_1008, %get3A_1009] {strides = array<i32>} : memref<256x128xf32, #tpu.memory_space<vmem>>, vector<1x16xf32>,
        %get3A_1011 = vector.shape_cast %get3A_1010 : vector<1x16xf32> to vector<16xf32>
        %mul3A_1012 = arith.mulf %get3A_1011, %get3A_935 : vector<16xf32>
        %add3A_1013 = arith.constant 64 : i32
        %add3A_1014 = arith.addi %add3A_1013, %add3A_887 : i32
        %swap3A_1015 = arith.index_cast %add3A_1014 : i32 to index
        %swap3A_1016 = arith.constant 80 : index
        %swap3A_1017 = tpu.vector_load %arg7[%swap3A_1015, %swap3A_1016] {strides = array<i32>} : memref<256x128xf32, #tpu.memory_space<vmem>>, vector<1x16xf32>,
        %swap3A_1018 = vector.shape_cast %swap3A_1017 : vector<1x16xf32> to vector<16xf32>
        %swap3A_1019 = vector.shape_cast %mul3A_1012 : vector<16xf32> to vector<1x16xf32>
        tpu.vector_store %arg7[%swap3A_1015, %swap3A_1016], %swap3A_1019 {strides = array<i32>} : memref<256x128xf32, #tpu.memory_space<vmem>>, vector<1x16xf32>,
        %add3A_1020 = arith.constant 64 : i32
        %add3A_1021 = arith.addi %add3A_1020, %add3A_887 : i32
        %get3A_1022 = arith.index_cast %add3A_1021 : i32 to index
        %get3A_1023 = arith.constant 96 : index
        %get3A_1024 = tpu.vector_load %arg7[%get3A_1022, %get3A_1023] {strides = array<i32>} : memref<256x128xf32, #tpu.memory_space<vmem>>, vector<1x16xf32>,
        %get3A_1025 = vector.shape_cast %get3A_1024 : vector<1x16xf32> to vector<16xf32>
        %mul3A_1026 = arith.mulf %get3A_1025, %get3A_935 : vector<16xf32>
        %add3A_1027 = arith.constant 64 : i32
        %add3A_1028 = arith.addi %add3A_1027, %add3A_887 : i32
        %swap3A_1029 = arith.index_cast %add3A_1028 : i32 to index
        %swap3A_1030 = arith.constant 96 : index
        %swap3A_1031 = tpu.vector_load %arg7[%swap3A_1029, %swap3A_1030] {strides = array<i32>} : memref<256x128xf32, #tpu.memory_space<vmem>>, vector<1x16xf32>,
        %swap3A_1032 = vector.shape_cast %swap3A_1031 : vector<1x16xf32> to vector<16xf32>
        %swap3A_1033 = vector.shape_cast %mul3A_1026 : vector<16xf32> to vector<1x16xf32>
        tpu.vector_store %arg7[%swap3A_1029, %swap3A_1030], %swap3A_1033 {strides = array<i32>} : memref<256x128xf32, #tpu.memory_space<vmem>>, vector<1x16xf32>,
        %add3A_1034 = arith.constant 64 : i32
        %add3A_1035 = arith.addi %add3A_1034, %add3A_887 : i32
        %get3A_1036 = arith.index_cast %add3A_1035 : i32 to index
        %get3A_1037 = arith.constant 112 : index
        %get3A_1038 = tpu.vector_load %arg7[%get3A_1036, %get3A_1037] {strides = array<i32>} : memref<256x128xf32, #tpu.memory_space<vmem>>, vector<1x16xf32>,
        %get3A_1039 = vector.shape_cast %get3A_1038 : vector<1x16xf32> to vector<16xf32>
        %mul3A_1040 = arith.mulf %get3A_1039, %get3A_935 : vector<16xf32>
        %add3A_1041 = arith.constant 64 : i32
        %add3A_1042 = arith.addi %add3A_1041, %add3A_887 : i32
        %swap3A_1043 = arith.index_cast %add3A_1042 : i32 to index
        %swap3A_1044 = arith.constant 112 : index
        %swap3A_1045 = tpu.vector_load %arg7[%swap3A_1043, %swap3A_1044] {strides = array<i32>} : memref<256x128xf32, #tpu.memory_space<vmem>>, vector<1x16xf32>,
        %swap3A_1046 = vector.shape_cast %swap3A_1045 : vector<1x16xf32> to vector<16xf32>
        %swap3A_1047 = vector.shape_cast %mul3A_1040 : vector<16xf32> to vector<1x16xf32>
        tpu.vector_store %arg7[%swap3A_1043, %swap3A_1044], %swap3A_1047 {strides = array<i32>} : memref<256x128xf32, #tpu.memory_space<vmem>>, vector<1x16xf32>,
        %scan3A_1048 = arith.constant 0 : i32
        scf.yield %scan3A_1048 : i32
      }
      %scan3A_581 = arith.constant 32 : i32
      %dma_start3A_582 = arith.constant 1 : i32
      %dma_start3A_583 = arith.constant 64 : i32
      %dma_start3A_584 = arith.constant 0 : i32
      %dma_start3A_585 = tpu.memref_slice %arg7[%dma_start3A_583, %dma_start3A_584] : memref<256x128xf32, #tpu.memory_space<vmem>> -> memref<64x128xf32, #tpu.memory_space<vmem>>
      %dma_start3A_586 = arith.constant 0 : i32
      %dma_start3A_587 = tpu.memref_slice %arg10[%dma_start3A_582, %dma_start3A_586] : memref<4x64xi32, #tpu.memory_space<vmem>> -> memref<1x64xi32, #tpu.memory_space<vmem>>
      %dma_start3A_588 = tpu.memref_squeeze %dma_start3A_587 : memref<1x64xi32, #tpu.memory_space<vmem>> -> memref<64xi32, #tpu.memory_space<vmem>>
      %dma_start3A_589 = arith.constant 0 : i32
      %dma_start3A_590 = arith.constant 0 : i32
      %dma_start3A_591 = tpu.memref_slice %arg11[%dma_start3A_589, %dma_start3A_590] : memref<10240x128xf32, #tpu.memory_space<vmem_shared>> -> memref<10240x128xf32, #tpu.memory_space<vmem_shared>>
      tpu.enqueue_indirect_dma source(%dma_start3A_585 : memref<64x128xf32, #tpu.memory_space<vmem>>) target(%dma_start3A_591 : memref<10240x128xf32, #tpu.memory_space<vmem_shared>>) offsets(%dma_start3A_588 : memref<64xi32, #tpu.memory_space<vmem>>) semaphore(%arg21 : memref<!tpu.dma_semaphore, #tpu.memory_space<semaphore_mem>>) {add = true}
      %scan3A_592 = arith.constant 0 : i32
      %scan3A_593 = arith.constant 0 : i32
      %scan3A_594 = arith.constant 39 : i32
      %scan3A_595 = arith.addi %scan3A_593, %scan3A_594 : i32
      %scan3A_596 = arith.constant 1 : i32
      %scan3A_597 = scf.for %scan3A_727 = %scan3A_593 to %scan3A_595 step %scan3A_596 iter_args(%scan3A_728 = %scan3A_592) -> (i32)  : i32 {
        %mul3A_729 = arith.constant 4 : i32
        %mul3A_730 = arith.muli %mul3A_729, %scan3A_727 : i32
        %add3A_731 = arith.constant 2 : i32
        %add3A_732 = arith.addi %add3A_731, %mul3A_730 : i32
        %add3A_733 = arith.constant 0 : i32
        %add3A_734 = arith.addi %add3A_732, %add3A_733 : i32
        %dma_wait3A_735 = arith.constant 0 : i32
        %dma_wait3A_736 = arith.constant 0 : i32
        %dma_wait3A_737 = arith.constant 0 : i32
        %dma_wait3A_738 = tpu.memref_slice %arg7[%dma_wait3A_736, %dma_wait3A_737] : memref<256x128xf32, #tpu.memory_space<vmem>> -> memref<64x128xf32, #tpu.memory_space<vmem>>
        %dma_wait3A_739 = arith.constant 0 : i32
        %dma_wait3A_740 = tpu.memref_slice %arg10[%dma_wait3A_735, %dma_wait3A_739] : memref<4x64xi32, #tpu.memory_space<vmem>> -> memref<1x64xi32, #tpu.memory_space<vmem>>
        %dma_wait3A_741 = tpu.memref_squeeze %dma_wait3A_740 : memref<1x64xi32, #tpu.memory_space<vmem>> -> memref<64xi32, #tpu.memory_space<vmem>>
        %dma_wait3A_742 = arith.constant 0 : i32
        %dma_wait3A_743 = arith.constant 0 : i32
        %dma_wait3A_744 = tpu.memref_slice %arg11[%dma_wait3A_742, %dma_wait3A_743] : memref<10240x128xf32, #tpu.memory_space<vmem_shared>> -> memref<10240x128xf32, #tpu.memory_space<vmem_shared>>
        tpu.wait_indirect_dma semaphore(%arg20 : memref<!tpu.dma_semaphore, #tpu.memory_space<semaphore_mem>>) src(%dma_wait3A_738 : memref<64x128xf32, #tpu.memory_space<vmem>>) dst(%dma_wait3A_744 : memref<10240x128xf32, #tpu.memory_space<vmem_shared>>)
        %add3A_745 = arith.constant 2 : i32
        %add3A_746 = arith.addi %add3A_734, %add3A_745 : i32
        %jit3A = arith.constant 2 : i32
        %div3A = arith.divsi %add3A_746, %jit3A : i32
        %sign3A = arith.constant 0 : i32
        %sign3A_747 = arith.cmpi sgt, %add3A_746, %sign3A : i32
        %sign3A_748 = arith.extui %sign3A_747 : i1 to i32
        %sign3A_749 = arith.constant 0 : i32
        %sign3A_750 = arith.cmpi slt, %add3A_746, %sign3A_749 : i32
        %sign3A_751 = arith.extui %sign3A_750 : i1 to i32
        %sign3A_752 = arith.subi %sign3A_748, %sign3A_751 : i32
        %sign3A_753 = arith.constant 0 : i32
        %sign3A_754 = arith.cmpi sgt, %jit3A, %sign3A_753 : i32
        %sign3A_755 = arith.extui %sign3A_754 : i1 to i32
        %sign3A_756 = arith.constant 0 : i32
        %sign3A_757 = arith.cmpi slt, %jit3A, %sign3A_756 : i32
        %sign3A_758 = arith.extui %sign3A_757 : i1 to i32
        %sign3A_759 = arith.subi %sign3A_755, %sign3A_758 : i32
        %ne3A = arith.cmpi ne, %sign3A_752, %sign3A_759 : i32
        %rem3A = arith.remsi %add3A_746, %jit3A : i32
        %ne3A_760 = arith.constant 0 : i32
        %ne3A_761 = arith.cmpi ne, %rem3A, %ne3A_760 : i32
        %and3A_762 = arith.andi %ne3A, %ne3A_761 : i1
        %sub3A = arith.constant 1 : i32
        %sub3A_763 = arith.subi %div3A, %sub3A : i32
        %select_n3A = arith.select %and3A_762, %sub3A_763, %div3A : i32
        %jit3A_764 = arith.constant 2 : i32
        %eq3A = arith.constant 0 : i32
        %eq3A_765 = arith.cmpi eq, %jit3A_764, %eq3A : i32
        %jit3A_766 = arith.constant 1 : i32
        %select_n3A_767 = arith.select %eq3A_765, %jit3A_766, %jit3A_764 : i32
        %rem3A_768 = arith.remsi %add3A_746, %select_n3A_767 : i32
        %ne3A_769 = arith.constant 0 : i32
        %ne3A_770 = arith.cmpi ne, %rem3A_768, %ne3A_769 : i32
        %lt3A = arith.constant 0 : i32
        %lt3A_771 = arith.cmpi slt, %rem3A_768, %lt3A : i32
        %lt3A_772 = arith.constant 0 : i32
        %lt3A_773 = arith.cmpi slt, %select_n3A_767, %lt3A_772 : i32
        %ne3A_774 = arith.xori %lt3A_771, %lt3A_773 : i1
        %and3A_775 = arith.andi %ne3A_774, %ne3A_770 : i1
        %add3A_776 = arith.addi %rem3A_768, %select_n3A_767 : i32
        %select_n3A_777 = arith.select %and3A_775, %add3A_776, %rem3A_768 : i32
        %mul3A_778 = arith.constant 64 : i32
        %mul3A_779 = arith.muli %select_n3A_777, %mul3A_778 : i32
        %add3A_780 = arith.constant 0 : i32
        %add3A_781 = arith.addi %mul3A_779, %add3A_780 : i32
        %get3A_782 = arith.index_cast %select_n3A : i32 to index
        %get3A_783 = arith.index_cast %add3A_781 : i32 to index
        %get3A_784 = tpu.vector_load %arg6[%get3A_782, %get3A_783] {strides = array<i32>} : memref<80x128xi32, #tpu.memory_space<vmem>>, vector<1x16xi32>,
        %get3A_785 = vector.shape_cast %get3A_784 : vector<1x16xi32> to vector<16xi32>
        %and3A_786 = arith.constant 65535 : i32
        %and3A_787 = vector.broadcast %and3A_786 : i32 to vector<16xi32>
        %and3A_788 = arith.andi %get3A_785, %and3A_787 : vector<16xi32>
        %add3A_789 = vector.broadcast %mul3A_4 : i32 to vector<16xi32>
        %add3A_790 = arith.addi %and3A_788, %add3A_789 : vector<16xi32>
        %swap3A_791 = arith.constant 0 : i32
        %swap3A_792 = arith.index_cast %swap3A_791 : i32 to index
        %swap3A_793 = arith.constant 0 : index
        %swap3A_794 = tpu.vector_load %arg9[%swap3A_792, %swap3A_793] {strides = array<i32>} : memref<4x64xi32, #tpu.memory_space<vmem>>, vector<1x16xi32>,
        %swap3A_795 = vector.shape_cast %swap3A_794 : vector<1x16xi32> to vector<16xi32>
        %swap3A_796 = vector.shape_cast %add3A_790 : vector<16xi32> to vector<1x16xi32>
        tpu.vector_store %arg9[%swap3A_792, %swap3A_793], %swap3A_796 {strides = array<i32>} : memref<4x64xi32, #tpu.memory_space<vmem>>, vector<1x16xi32>,
        %shift_right_logical3A_797 = arith.constant 16 : i32
        %shift_right_logical3A_798 = vector.broadcast %shift_right_logical3A_797 : i32 to vector<16xi32>
        %shift_right_logical3A_799 = arith.shrui %get3A_785, %shift_right_logical3A_798 : vector<16xi32>
        %swap3A_800 = arith.constant 0 : i32
        %swap3A_801 = arith.index_cast %swap3A_800 : i32 to index
        %swap3A_802 = arith.constant 0 : index
        %swap3A_803 = tpu.vector_load %arg10[%swap3A_801, %swap3A_802] {strides = array<i32>} : memref<4x64xi32, #tpu.memory_space<vmem>>, vector<1x16xi32>,
        %swap3A_804 = vector.shape_cast %swap3A_803 : vector<1x16xi32> to vector<16xi32>
        %swap3A_805 = vector.shape_cast %shift_right_logical3A_799 : vector<16xi32> to vector<1x16xi32>
        tpu.vector_store %arg10[%swap3A_801, %swap3A_802], %swap3A_805 {strides = array<i32>} : memref<4x64xi32, #tpu.memory_space<vmem>>, vector<1x16xi32>,
        %add3A_806 = arith.constant 16 : i32
        %add3A_807 = arith.addi %mul3A_779, %add3A_806 : i32
        %get3A_808 = arith.index_cast %select_n3A : i32 to index
        %get3A_809 = arith.index_cast %add3A_807 : i32 to index
        %get3A_810 = tpu.vector_load %arg6[%get3A_808, %get3A_809] {strides = array<i32>} : memref<80x128xi32, #tpu.memory_space<vmem>>, vector<1x16xi32>,
        %get3A_811 = vector.shape_cast %get3A_810 : vector<1x16xi32> to vector<16xi32>
        %and3A_812 = arith.constant 65535 : i32
        %and3A_813 = vector.broadcast %and3A_812 : i32 to vector<16xi32>
        %and3A_814 = arith.andi %get3A_811, %and3A_813 : vector<16xi32>
        %add3A_815 = vector.broadcast %mul3A_4 : i32 to vector<16xi32>
        %add3A_816 = arith.addi %and3A_814, %add3A_815 : vector<16xi32>
        %swap3A_817 = arith.constant 0 : i32
        %swap3A_818 = arith.index_cast %swap3A_817 : i32 to index
        %swap3A_819 = arith.constant 16 : index
        %swap3A_820 = tpu.vector_load %arg9[%swap3A_818, %swap3A_819] {strides = array<i32>} : memref<4x64xi32, #tpu.memory_space<vmem>>, vector<1x16xi32>,
        %swap3A_821 = vector.shape_cast %swap3A_820 : vector<1x16xi32> to vector<16xi32>
        %swap3A_822 = vector.shape_cast %add3A_816 : vector<16xi32> to vector<1x16xi32>
        tpu.vector_store %arg9[%swap3A_818, %swap3A_819], %swap3A_822 {strides = array<i32>} : memref<4x64xi32, #tpu.memory_space<vmem>>, vector<1x16xi32>,
        %shift_right_logical3A_823 = arith.constant 16 : i32
        %shift_right_logical3A_824 = vector.broadcast %shift_right_logical3A_823 : i32 to vector<16xi32>
        %shift_right_logical3A_825 = arith.shrui %get3A_811, %shift_right_logical3A_824 : vector<16xi32>
        %swap3A_826 = arith.constant 0 : i32
        %swap3A_827 = arith.index_cast %swap3A_826 : i32 to index
        %swap3A_828 = arith.constant 16 : index
        %swap3A_829 = tpu.vector_load %arg10[%swap3A_827, %swap3A_828] {strides = array<i32>} : memref<4x64xi32, #tpu.memory_space<vmem>>, vector<1x16xi32>,
        %swap3A_830 = vector.shape_cast %swap3A_829 : vector<1x16xi32> to vector<16xi32>
        %swap3A_831 = vector.shape_cast %shift_right_logical3A_825 : vector<16xi32> to vector<1x16xi32>
        tpu.vector_store %arg10[%swap3A_827, %swap3A_828], %swap3A_831 {strides = array<i32>} : memref<4x64xi32, #tpu.memory_space<vmem>>, vector<1x16xi32>,
        %add3A_832 = arith.constant 32 : i32
        %add3A_833 = arith.addi %mul3A_779, %add3A_832 : i32
        %get3A_834 = arith.index_cast %select_n3A : i32 to index
        %get3A_835 = arith.index_cast %add3A_833 : i32 to index
        %get3A_836 = tpu.vector_load %arg6[%get3A_834, %get3A_835] {strides = array<i32>} : memref<80x128xi32, #tpu.memory_space<vmem>>, vector<1x16xi32>,
        %get3A_837 = vector.shape_cast %get3A_836 : vector<1x16xi32> to vector<16xi32>
        %and3A_838 = arith.constant 65535 : i32
        %and3A_839 = vector.broadcast %and3A_838 : i32 to vector<16xi32>
        %and3A_840 = arith.andi %get3A_837, %and3A_839 : vector<16xi32>
        %add3A_841 = vector.broadcast %mul3A_4 : i32 to vector<16xi32>
        %add3A_842 = arith.addi %and3A_840, %add3A_841 : vector<16xi32>
        %swap3A_843 = arith.constant 0 : i32
        %swap3A_844 = arith.index_cast %swap3A_843 : i32 to index
        %swap3A_845 = arith.constant 32 : index
        %swap3A_846 = tpu.vector_load %arg9[%swap3A_844, %swap3A_845] {strides = array<i32>} : memref<4x64xi32, #tpu.memory_space<vmem>>, vector<1x16xi32>,
        %swap3A_847 = vector.shape_cast %swap3A_846 : vector<1x16xi32> to vector<16xi32>
        %swap3A_848 = vector.shape_cast %add3A_842 : vector<16xi32> to vector<1x16xi32>
        tpu.vector_store %arg9[%swap3A_844, %swap3A_845], %swap3A_848 {strides = array<i32>} : memref<4x64xi32, #tpu.memory_space<vmem>>, vector<1x16xi32>,
        %shift_right_logical3A_849 = arith.constant 16 : i32
        %shift_right_logical3A_850 = vector.broadcast %shift_right_logical3A_849 : i32 to vector<16xi32>
        %shift_right_logical3A_851 = arith.shrui %get3A_837, %shift_right_logical3A_850 : vector<16xi32>
        %swap3A_852 = arith.constant 0 : i32
        %swap3A_853 = arith.index_cast %swap3A_852 : i32 to index
        %swap3A_854 = arith.constant 32 : index
        %swap3A_855 = tpu.vector_load %arg10[%swap3A_853, %swap3A_854] {strides = array<i32>} : memref<4x64xi32, #tpu.memory_space<vmem>>, vector<1x16xi32>,
        %swap3A_856 = vector.shape_cast %swap3A_855 : vector<1x16xi32> to vector<16xi32>
        %swap3A_857 = vector.shape_cast %shift_right_logical3A_851 : vector<16xi32> to vector<1x16xi32>
        tpu.vector_store %arg10[%swap3A_853, %swap3A_854], %swap3A_857 {strides = array<i32>} : memref<4x64xi32, #tpu.memory_space<vmem>>, vector<1x16xi32>,
        %add3A_858 = arith.constant 48 : i32
        %add3A_859 = arith.addi %mul3A_779, %add3A_858 : i32
        %get3A_860 = arith.index_cast %select_n3A : i32 to index
        %get3A_861 = arith.index_cast %add3A_859 : i32 to index
        %get3A_862 = tpu.vector_load %arg6[%get3A_860, %get3A_861] {strides = array<i32>} : memref<80x128xi32, #tpu.memory_space<vmem>>, vector<1x16xi32>,
        %get3A_863 = vector.shape_cast %get3A_862 : vector<1x16xi32> to vector<16xi32>
        %and3A_864 = arith.constant 65535 : i32
        %and3A_865 = vector.broadcast %and3A_864 : i32 to vector<16xi32>
        %and3A_866 = arith.andi %get3A_863, %and3A_865 : vector<16xi32>
        %add3A_867 = vector.broadcast %mul3A_4 : i32 to vector<16xi32>
        %add3A_868 = arith.addi %and3A_866, %add3A_867 : vector<16xi32>
        %swap3A_869 = arith.constant 0 : i32
        %swap3A_870 = arith.index_cast %swap3A_869 : i32 to index
        %swap3A_871 = arith.constant 48 : index
        %swap3A_872 = tpu.vector_load %arg9[%swap3A_870, %swap3A_871] {strides = array<i32>} : memref<4x64xi32, #tpu.memory_space<vmem>>, vector<1x16xi32>,
        %swap3A_873 = vector.shape_cast %swap3A_872 : vector<1x16xi32> to vector<16xi32>
        %swap3A_874 = vector.shape_cast %add3A_868 : vector<16xi32> to vector<1x16xi32>
        tpu.vector_store %arg9[%swap3A_870, %swap3A_871], %swap3A_874 {strides = array<i32>} : memref<4x64xi32, #tpu.memory_space<vmem>>, vector<1x16xi32>,
        %shift_right_logical3A_875 = arith.constant 16 : i32
        %shift_right_logical3A_876 = vector.broadcast %shift_right_logical3A_875 : i32 to vector<16xi32>
        %shift_right_logical3A_877 = arith.shrui %get3A_863, %shift_right_logical3A_876 : vector<16xi32>
        %swap3A_878 = arith.constant 0 : i32
        %swap3A_879 = arith.index_cast %swap3A_878 : i32 to index
        %swap3A_880 = arith.constant 48 : index
        %swap3A_881 = tpu.vector_load %arg10[%swap3A_879, %swap3A_880] {strides = array<i32>} : memref<4x64xi32, #tpu.memory_space<vmem>>, vector<1x16xi32>,
        %swap3A_882 = vector.shape_cast %swap3A_881 : vector<1x16xi32> to vector<16xi32>
        %swap3A_883 = vector.shape_cast %shift_right_logical3A_877 : vector<16xi32> to vector<1x16xi32>
        tpu.vector_store %arg10[%swap3A_879, %swap3A_880], %swap3A_883 {strides = array<i32>} : memref<4x64xi32, #tpu.memory_space<vmem>>, vector<1x16xi32>,
        %add3A_884 = arith.constant 2 : i32
        %add3A_885 = arith.addi %add3A_734, %add3A_884 : i32
        %dma_start3A_886 = arith.constant 0 : i32
        %dma_start3A_887 = arith.constant 0 : i32
        %dma_start3A_888 = arith.constant 0 : i32
        %dma_start3A_889 = tpu.memref_slice %arg7[%dma_start3A_887, %dma_start3A_888] : memref<256x128xf32, #tpu.memory_space<vmem>> -> memref<64x128xf32, #tpu.memory_space<vmem>>
        %dma_start3A_890 = arith.constant 0 : i32
        %dma_start3A_891 = tpu.memref_slice %arg9[%dma_start3A_886, %dma_start3A_890] : memref<4x64xi32, #tpu.memory_space<vmem>> -> memref<1x64xi32, #tpu.memory_space<vmem>>
        %dma_start3A_892 = tpu.memref_squeeze %dma_start3A_891 : memref<1x64xi32, #tpu.memory_space<vmem>> -> memref<64xi32, #tpu.memory_space<vmem>>
        %dma_start3A_893 = arith.constant 0 : i32
        %dma_start3A_894 = arith.constant 0 : i32
        %dma_start3A_895 = tpu.memref_slice %arg5[%dma_start3A_893, %dma_start3A_894] : memref<20480x128xf32, #tpu.memory_space<hbm>> -> memref<20480x128xf32, #tpu.memory_space<hbm>>
        tpu.enqueue_indirect_dma source(%dma_start3A_895 : memref<20480x128xf32, #tpu.memory_space<hbm>>) target(%dma_start3A_889 : memref<64x128xf32, #tpu.memory_space<vmem>>) offsets(%dma_start3A_892 : memref<64xi32, #tpu.memory_space<vmem>>) semaphore(%arg12 : memref<!tpu.dma_semaphore, #tpu.memory_space<semaphore_mem>>)
        %add3A_896 = arith.addi %mul3A_6, %add3A_885 : i32
        %mul3A_897 = arith.constant 8 : i32
        %mul3A_898 = arith.muli %add3A_896, %mul3A_897 : i32
        %dma_start3A_899 = arith.constant 0 : i32
        %dma_start3A_900 = arith.constant 0 : i32
        %dma_start3A_901 = tpu.memref_slice %arg8[%dma_start3A_899, %dma_start3A_900] : memref<32x128xf32, #tpu.memory_space<vmem>> -> memref<8x128xf32, #tpu.memory_space<vmem>>
        %dma_start3A_902 = arith.constant 0 : i32
        %dma_start3A_903 = tpu.memref_slice %arg4[%mul3A_898, %dma_start3A_902] : memref<20480x128xf32, #tpu.memory_space<hbm>> -> memref<8x128xf32, #tpu.memory_space<hbm>>
        %dma_start3A_904 = arith.constant 0 : i32
        %dma_start3A_905 = arith.constant 0 : i32
        %dma_start3A_906 = tpu.memref_slice %arg8[%dma_start3A_904, %dma_start3A_905] : memref<32x128xf32, #tpu.memory_space<vmem>> -> memref<8x128xf32, #tpu.memory_space<vmem>>
        %dma_start3A_907 = arith.constant 0 : i32
        %dma_start3A_908 = tpu.memref_slice %arg4[%mul3A_898, %dma_start3A_907] : memref<20480x128xf32, #tpu.memory_space<hbm>> -> memref<8x128xf32, #tpu.memory_space<hbm>>
        tpu.enqueue_dma source(%dma_start3A_908 : memref<8x128xf32, #tpu.memory_space<hbm>>) target(%dma_start3A_906 : memref<8x128xf32, #tpu.memory_space<vmem>>) target_semaphore(%arg16 : memref<!tpu.dma_semaphore, #tpu.memory_space<semaphore_mem>>)
        %dma_wait3A_909 = arith.constant 2 : i32
        %dma_wait3A_910 = arith.constant 128 : i32
        %dma_wait3A_911 = arith.constant 0 : i32
        %dma_wait3A_912 = tpu.memref_slice %arg7[%dma_wait3A_910, %dma_wait3A_911] : memref<256x128xf32, #tpu.memory_space<vmem>> -> memref<64x128xf32, #tpu.memory_space<vmem>>
        %dma_wait3A_913 = arith.constant 0 : i32
        %dma_wait3A_914 = tpu.memref_slice %arg9[%dma_wait3A_909, %dma_wait3A_913] : memref<4x64xi32, #tpu.memory_space<vmem>> -> memref<1x64xi32, #tpu.memory_space<vmem>>
        %dma_wait3A_915 = tpu.memref_squeeze %dma_wait3A_914 : memref<1x64xi32, #tpu.memory_space<vmem>> -> memref<64xi32, #tpu.memory_space<vmem>>
        %dma_wait3A_916 = arith.constant 0 : i32
        %dma_wait3A_917 = arith.constant 0 : i32
        %dma_wait3A_918 = tpu.memref_slice %arg5[%dma_wait3A_916, %dma_wait3A_917] : memref<20480x128xf32, #tpu.memory_space<hbm>> -> memref<20480x128xf32, #tpu.memory_space<hbm>>
        tpu.wait_indirect_dma semaphore(%arg14 : memref<!tpu.dma_semaphore, #tpu.memory_space<semaphore_mem>>) src(%dma_wait3A_918 : memref<20480x128xf32, #tpu.memory_space<hbm>>) dst(%dma_wait3A_912 : memref<64x128xf32, #tpu.memory_space<vmem>>)
        %mul3A_919 = arith.constant 8 : i32
        %mul3A_920 = arith.muli %mul3A_6, %mul3A_919 : i32
        %dma_wait3A_921 = arith.constant 16 : i32
        %dma_wait3A_922 = arith.constant 0 : i32
        %dma_wait3A_923 = tpu.memref_slice %arg8[%dma_wait3A_921, %dma_wait3A_922] : memref<32x128xf32, #tpu.memory_space<vmem>> -> memref<8x128xf32, #tpu.memory_space<vmem>>
        %dma_wait3A_924 = arith.constant 0 : i32
        %dma_wait3A_925 = tpu.memref_slice %arg4[%mul3A_920, %dma_wait3A_924] : memref<20480x128xf32, #tpu.memory_space<hbm>> -> memref<8x128xf32, #tpu.memory_space<hbm>>
        %dma_wait3A_926 = arith.constant 16 : i32
        %dma_wait3A_927 = arith.constant 0 : i32
        %dma_wait3A_928 = tpu.memref_slice %arg8[%dma_wait3A_926, %dma_wait3A_927] : memref<32x128xf32, #tpu.memory_space<vmem>> -> memref<8x128xf32, #tpu.memory_space<vmem>>
        %dma_wait3A_929 = arith.constant 0 : i32
        %dma_wait3A_930 = tpu.memref_slice %arg4[%mul3A_920, %dma_wait3A_929] : memref<20480x128xf32, #tpu.memory_space<hbm>> -> memref<8x128xf32, #tpu.memory_space<hbm>>
        tpu.wait_dma2 semaphore(%arg18 : memref<!tpu.dma_semaphore, #tpu.memory_space<semaphore_mem>>) src(%dma_wait3A_930 : memref<8x128xf32, #tpu.memory_space<hbm>>) dst(%dma_wait3A_928 : memref<8x128xf32, #tpu.memory_space<vmem>>)
        %scan3A_931 = arith.constant 0 : i32
        %scan3A_932 = arith.constant 0 : i32
        %scan3A_933 = arith.constant 32 : i32
        %scan3A_934 = arith.addi %scan3A_932, %scan3A_933 : i32
        %scan3A_935 = arith.constant 1 : i32
        %scan3A_936 = scf.for %scan3A_1633 = %scan3A_932 to %scan3A_934 step %scan3A_935 iter_args(%scan3A_1634 = %scan3A_931) -> (i32)  : i32 {
          %mul3A_1635 = arith.constant 2 : i32
          %mul3A_1636 = arith.muli %scan3A_1633, %mul3A_1635 : i32
          %add3A_1637 = arith.constant 0 : i32
          %add3A_1638 = arith.addi %mul3A_1636, %add3A_1637 : i32
          %jit3A_1639 = arith.constant 8 : i32
          %div3A_1640 = arith.divsi %add3A_1638, %jit3A_1639 : i32
          %sign3A_1641 = arith.constant 0 : i32
          %sign3A_1642 = arith.cmpi sgt, %add3A_1638, %sign3A_1641 : i32
          %sign3A_1643 = arith.extui %sign3A_1642 : i1 to i32
          %sign3A_1644 = arith.constant 0 : i32
          %sign3A_1645 = arith.cmpi slt, %add3A_1638, %sign3A_1644 : i32
          %sign3A_1646 = arith.extui %sign3A_1645 : i1 to i32
          %sign3A_1647 = arith.subi %sign3A_1643, %sign3A_1646 : i32
          %sign3A_1648 = arith.constant 0 : i32
          %sign3A_1649 = arith.cmpi sgt, %jit3A_1639, %sign3A_1648 : i32
          %sign3A_1650 = arith.extui %sign3A_1649 : i1 to i32
          %sign3A_1651 = arith.constant 0 : i32
          %sign3A_1652 = arith.cmpi slt, %jit3A_1639, %sign3A_1651 : i32
          %sign3A_1653 = arith.extui %sign3A_1652 : i1 to i32
          %sign3A_1654 = arith.subi %sign3A_1650, %sign3A_1653 : i32
          %ne3A_1655 = arith.cmpi ne, %sign3A_1647, %sign3A_1654 : i32
          %rem3A_1656 = arith.remsi %add3A_1638, %jit3A_1639 : i32
          %ne3A_1657 = arith.constant 0 : i32
          %ne3A_1658 = arith.cmpi ne, %rem3A_1656, %ne3A_1657 : i32
          %and3A_1659 = arith.andi %ne3A_1655, %ne3A_1658 : i1
          %sub3A_1660 = arith.constant 1 : i32
          %sub3A_1661 = arith.subi %div3A_1640, %sub3A_1660 : i32
          %select_n3A_1662 = arith.select %and3A_1659, %sub3A_1661, %div3A_1640 : i32
          %add3A_1663 = arith.constant 16 : i32
          %add3A_1664 = arith.addi %add3A_1663, %select_n3A_1662 : i32
          %jit3A_1665 = arith.constant 8 : i32
          %eq3A_1666 = arith.constant 0 : i32
          %eq3A_1667 = arith.cmpi eq, %jit3A_1665, %eq3A_1666 : i32
          %jit3A_1668 = arith.constant 1 : i32
          %select_n3A_1669 = arith.select %eq3A_1667, %jit3A_1668, %jit3A_1665 : i32
          %rem3A_1670 = arith.remsi %add3A_1638, %select_n3A_1669 : i32
          %ne3A_1671 = arith.constant 0 : i32
          %ne3A_1672 = arith.cmpi ne, %rem3A_1670, %ne3A_1671 : i32
          %lt3A_1673 = arith.constant 0 : i32
          %lt3A_1674 = arith.cmpi slt, %rem3A_1670, %lt3A_1673 : i32
          %lt3A_1675 = arith.constant 0 : i32
          %lt3A_1676 = arith.cmpi slt, %select_n3A_1669, %lt3A_1675 : i32
          %ne3A_1677 = arith.xori %lt3A_1674, %lt3A_1676 : i1
          %and3A_1678 = arith.andi %ne3A_1677, %ne3A_1672 : i1
          %add3A_1679 = arith.addi %rem3A_1670, %select_n3A_1669 : i32
          %select_n3A_1680 = arith.select %and3A_1678, %add3A_1679, %rem3A_1670 : i32
          %mul3A_1681 = arith.constant 16 : i32
          %mul3A_1682 = arith.muli %select_n3A_1680, %mul3A_1681 : i32
          %get3A_1683 = arith.index_cast %add3A_1664 : i32 to index
          %get3A_1684 = arith.index_cast %mul3A_1682 : i32 to index
          %get3A_1685 = tpu.vector_load %arg8[%get3A_1683, %get3A_1684] {strides = array<i32>} : memref<32x128xf32, #tpu.memory_space<vmem>>, vector<1x16xf32>,
          %get3A_1686 = vector.shape_cast %get3A_1685 : vector<1x16xf32> to vector<16xf32>
          %add3A_1687 = arith.constant 128 : i32
          %add3A_1688 = arith.addi %add3A_1687, %add3A_1638 : i32
          %get3A_1689 = arith.index_cast %add3A_1688 : i32 to index
          %get3A_1690 = arith.constant 0 : index
          %get3A_1691 = tpu.vector_load %arg7[%get3A_1689, %get3A_1690] {strides = array<i32>} : memref<256x128xf32, #tpu.memory_space<vmem>>, vector<1x16xf32>,
          %get3A_1692 = vector.shape_cast %get3A_1691 : vector<1x16xf32> to vector<16xf32>
          %mul3A_1693 = arith.mulf %get3A_1692, %get3A_1686 : vector<16xf32>
          %add3A_1694 = arith.constant 128 : i32
          %add3A_1695 = arith.addi %add3A_1694, %add3A_1638 : i32
          %swap3A_1696 = arith.index_cast %add3A_1695 : i32 to index
          %swap3A_1697 = arith.constant 0 : index
          %swap3A_1698 = tpu.vector_load %arg7[%swap3A_1696, %swap3A_1697] {strides = array<i32>} : memref<256x128xf32, #tpu.memory_space<vmem>>, vector<1x16xf32>,
          %swap3A_1699 = vector.shape_cast %swap3A_1698 : vector<1x16xf32> to vector<16xf32>
          %swap3A_1700 = vector.shape_cast %mul3A_1693 : vector<16xf32> to vector<1x16xf32>
          tpu.vector_store %arg7[%swap3A_1696, %swap3A_1697], %swap3A_1700 {strides = array<i32>} : memref<256x128xf32, #tpu.memory_space<vmem>>, vector<1x16xf32>,
          %add3A_1701 = arith.constant 128 : i32
          %add3A_1702 = arith.addi %add3A_1701, %add3A_1638 : i32
          %get3A_1703 = arith.index_cast %add3A_1702 : i32 to index
          %get3A_1704 = arith.constant 16 : index
          %get3A_1705 = tpu.vector_load %arg7[%get3A_1703, %get3A_1704] {strides = array<i32>} : memref<256x128xf32, #tpu.memory_space<vmem>>, vector<1x16xf32>,
          %get3A_1706 = vector.shape_cast %get3A_1705 : vector<1x16xf32> to vector<16xf32>
          %mul3A_1707 = arith.mulf %get3A_1706, %get3A_1686 : vector<16xf32>
          %add3A_1708 = arith.constant 128 : i32
          %add3A_1709 = arith.addi %add3A_1708, %add3A_1638 : i32
          %swap3A_1710 = arith.index_cast %add3A_1709 : i32 to index
          %swap3A_1711 = arith.constant 16 : index
          %swap3A_1712 = tpu.vector_load %arg7[%swap3A_1710, %swap3A_1711] {strides = array<i32>} : memref<256x128xf32, #tpu.memory_space<vmem>>, vector<1x16xf32>,
          %swap3A_1713 = vector.shape_cast %swap3A_1712 : vector<1x16xf32> to vector<16xf32>
          %swap3A_1714 = vector.shape_cast %mul3A_1707 : vector<16xf32> to vector<1x16xf32>
          tpu.vector_store %arg7[%swap3A_1710, %swap3A_1711], %swap3A_1714 {strides = array<i32>} : memref<256x128xf32, #tpu.memory_space<vmem>>, vector<1x16xf32>,
          %add3A_1715 = arith.constant 128 : i32
          %add3A_1716 = arith.addi %add3A_1715, %add3A_1638 : i32
          %get3A_1717 = arith.index_cast %add3A_1716 : i32 to index
          %get3A_1718 = arith.constant 32 : index
          %get3A_1719 = tpu.vector_load %arg7[%get3A_1717, %get3A_1718] {strides = array<i32>} : memref<256x128xf32, #tpu.memory_space<vmem>>, vector<1x16xf32>,
          %get3A_1720 = vector.shape_cast %get3A_1719 : vector<1x16xf32> to vector<16xf32>
          %mul3A_1721 = arith.mulf %get3A_1720, %get3A_1686 : vector<16xf32>
          %add3A_1722 = arith.constant 128 : i32
          %add3A_1723 = arith.addi %add3A_1722, %add3A_1638 : i32
          %swap3A_1724 = arith.index_cast %add3A_1723 : i32 to index
          %swap3A_1725 = arith.constant 32 : index
          %swap3A_1726 = tpu.vector_load %arg7[%swap3A_1724, %swap3A_1725] {strides = array<i32>} : memref<256x128xf32, #tpu.memory_space<vmem>>, vector<1x16xf32>,
          %swap3A_1727 = vector.shape_cast %swap3A_1726 : vector<1x16xf32> to vector<16xf32>
          %swap3A_1728 = vector.shape_cast %mul3A_1721 : vector<16xf32> to vector<1x16xf32>
          tpu.vector_store %arg7[%swap3A_1724, %swap3A_1725], %swap3A_1728 {strides = array<i32>} : memref<256x128xf32, #tpu.memory_space<vmem>>, vector<1x16xf32>,
          %add3A_1729 = arith.constant 128 : i32
          %add3A_1730 = arith.addi %add3A_1729, %add3A_1638 : i32
          %get3A_1731 = arith.index_cast %add3A_1730 : i32 to index
          %get3A_1732 = arith.constant 48 : index
          %get3A_1733 = tpu.vector_load %arg7[%get3A_1731, %get3A_1732] {strides = array<i32>} : memref<256x128xf32, #tpu.memory_space<vmem>>, vector<1x16xf32>,
          %get3A_1734 = vector.shape_cast %get3A_1733 : vector<1x16xf32> to vector<16xf32>
          %mul3A_1735 = arith.mulf %get3A_1734, %get3A_1686 : vector<16xf32>
          %add3A_1736 = arith.constant 128 : i32
          %add3A_1737 = arith.addi %add3A_1736, %add3A_1638 : i32
          %swap3A_1738 = arith.index_cast %add3A_1737 : i32 to index
          %swap3A_1739 = arith.constant 48 : index
          %swap3A_1740 = tpu.vector_load %arg7[%swap3A_1738, %swap3A_1739] {strides = array<i32>} : memref<256x128xf32, #tpu.memory_space<vmem>>, vector<1x16xf32>,
          %swap3A_1741 = vector.shape_cast %swap3A_1740 : vector<1x16xf32> to vector<16xf32>
          %swap3A_1742 = vector.shape_cast %mul3A_1735 : vector<16xf32> to vector<1x16xf32>
          tpu.vector_store %arg7[%swap3A_1738, %swap3A_1739], %swap3A_1742 {strides = array<i32>} : memref<256x128xf32, #tpu.memory_space<vmem>>, vector<1x16xf32>,
          %add3A_1743 = arith.constant 128 : i32
          %add3A_1744 = arith.addi %add3A_1743, %add3A_1638 : i32
          %get3A_1745 = arith.index_cast %add3A_1744 : i32 to index
          %get3A_1746 = arith.constant 64 : index
          %get3A_1747 = tpu.vector_load %arg7[%get3A_1745, %get3A_1746] {strides = array<i32>} : memref<256x128xf32, #tpu.memory_space<vmem>>, vector<1x16xf32>,
          %get3A_1748 = vector.shape_cast %get3A_1747 : vector<1x16xf32> to vector<16xf32>
          %mul3A_1749 = arith.mulf %get3A_1748, %get3A_1686 : vector<16xf32>
          %add3A_1750 = arith.constant 128 : i32
          %add3A_1751 = arith.addi %add3A_1750, %add3A_1638 : i32
          %swap3A_1752 = arith.index_cast %add3A_1751 : i32 to index
          %swap3A_1753 = arith.constant 64 : index
          %swap3A_1754 = tpu.vector_load %arg7[%swap3A_1752, %swap3A_1753] {strides = array<i32>} : memref<256x128xf32, #tpu.memory_space<vmem>>, vector<1x16xf32>,
          %swap3A_1755 = vector.shape_cast %swap3A_1754 : vector<1x16xf32> to vector<16xf32>
          %swap3A_1756 = vector.shape_cast %mul3A_1749 : vector<16xf32> to vector<1x16xf32>
          tpu.vector_store %arg7[%swap3A_1752, %swap3A_1753], %swap3A_1756 {strides = array<i32>} : memref<256x128xf32, #tpu.memory_space<vmem>>, vector<1x16xf32>,
          %add3A_1757 = arith.constant 128 : i32
          %add3A_1758 = arith.addi %add3A_1757, %add3A_1638 : i32
          %get3A_1759 = arith.index_cast %add3A_1758 : i32 to index
          %get3A_1760 = arith.constant 80 : index
          %get3A_1761 = tpu.vector_load %arg7[%get3A_1759, %get3A_1760] {strides = array<i32>} : memref<256x128xf32, #tpu.memory_space<vmem>>, vector<1x16xf32>,
          %get3A_1762 = vector.shape_cast %get3A_1761 : vector<1x16xf32> to vector<16xf32>
          %mul3A_1763 = arith.mulf %get3A_1762, %get3A_1686 : vector<16xf32>
          %add3A_1764 = arith.constant 128 : i32
          %add3A_1765 = arith.addi %add3A_1764, %add3A_1638 : i32
          %swap3A_1766 = arith.index_cast %add3A_1765 : i32 to index
          %swap3A_1767 = arith.constant 80 : index
          %swap3A_1768 = tpu.vector_load %arg7[%swap3A_1766, %swap3A_1767] {strides = array<i32>} : memref<256x128xf32, #tpu.memory_space<vmem>>, vector<1x16xf32>,
          %swap3A_1769 = vector.shape_cast %swap3A_1768 : vector<1x16xf32> to vector<16xf32>
          %swap3A_1770 = vector.shape_cast %mul3A_1763 : vector<16xf32> to vector<1x16xf32>
          tpu.vector_store %arg7[%swap3A_1766, %swap3A_1767], %swap3A_1770 {strides = array<i32>} : memref<256x128xf32, #tpu.memory_space<vmem>>, vector<1x16xf32>,
          %add3A_1771 = arith.constant 128 : i32
          %add3A_1772 = arith.addi %add3A_1771, %add3A_1638 : i32
          %get3A_1773 = arith.index_cast %add3A_1772 : i32 to index
          %get3A_1774 = arith.constant 96 : index
          %get3A_1775 = tpu.vector_load %arg7[%get3A_1773, %get3A_1774] {strides = array<i32>} : memref<256x128xf32, #tpu.memory_space<vmem>>, vector<1x16xf32>,
          %get3A_1776 = vector.shape_cast %get3A_1775 : vector<1x16xf32> to vector<16xf32>
          %mul3A_1777 = arith.mulf %get3A_1776, %get3A_1686 : vector<16xf32>
          %add3A_1778 = arith.constant 128 : i32
          %add3A_1779 = arith.addi %add3A_1778, %add3A_1638 : i32
          %swap3A_1780 = arith.index_cast %add3A_1779 : i32 to index
          %swap3A_1781 = arith.constant 96 : index
          %swap3A_1782 = tpu.vector_load %arg7[%swap3A_1780, %swap3A_1781] {strides = array<i32>} : memref<256x128xf32, #tpu.memory_space<vmem>>, vector<1x16xf32>,
          %swap3A_1783 = vector.shape_cast %swap3A_1782 : vector<1x16xf32> to vector<16xf32>
          %swap3A_1784 = vector.shape_cast %mul3A_1777 : vector<16xf32> to vector<1x16xf32>
          tpu.vector_store %arg7[%swap3A_1780, %swap3A_1781], %swap3A_1784 {strides = array<i32>} : memref<256x128xf32, #tpu.memory_space<vmem>>, vector<1x16xf32>,
          %add3A_1785 = arith.constant 128 : i32
          %add3A_1786 = arith.addi %add3A_1785, %add3A_1638 : i32
          %get3A_1787 = arith.index_cast %add3A_1786 : i32 to index
          %get3A_1788 = arith.constant 112 : index
          %get3A_1789 = tpu.vector_load %arg7[%get3A_1787, %get3A_1788] {strides = array<i32>} : memref<256x128xf32, #tpu.memory_space<vmem>>, vector<1x16xf32>,
          %get3A_1790 = vector.shape_cast %get3A_1789 : vector<1x16xf32> to vector<16xf32>
          %mul3A_1791 = arith.mulf %get3A_1790, %get3A_1686 : vector<16xf32>
          %add3A_1792 = arith.constant 128 : i32
          %add3A_1793 = arith.addi %add3A_1792, %add3A_1638 : i32
          %swap3A_1794 = arith.index_cast %add3A_1793 : i32 to index
          %swap3A_1795 = arith.constant 112 : index
          %swap3A_1796 = tpu.vector_load %arg7[%swap3A_1794, %swap3A_1795] {strides = array<i32>} : memref<256x128xf32, #tpu.memory_space<vmem>>, vector<1x16xf32>,
          %swap3A_1797 = vector.shape_cast %swap3A_1796 : vector<1x16xf32> to vector<16xf32>
          %swap3A_1798 = vector.shape_cast %mul3A_1791 : vector<16xf32> to vector<1x16xf32>
          tpu.vector_store %arg7[%swap3A_1794, %swap3A_1795], %swap3A_1798 {strides = array<i32>} : memref<256x128xf32, #tpu.memory_space<vmem>>, vector<1x16xf32>,
          %mul3A_1799 = arith.constant 2 : i32
          %mul3A_1800 = arith.muli %scan3A_1633, %mul3A_1799 : i32
          %add3A_1801 = arith.constant 1 : i32
          %add3A_1802 = arith.addi %mul3A_1800, %add3A_1801 : i32
          %jit3A_1803 = arith.constant 8 : i32
          %div3A_1804 = arith.divsi %add3A_1802, %jit3A_1803 : i32
          %sign3A_1805 = arith.constant 0 : i32
          %sign3A_1806 = arith.cmpi sgt, %add3A_1802, %sign3A_1805 : i32
          %sign3A_1807 = arith.extui %sign3A_1806 : i1 to i32
          %sign3A_1808 = arith.constant 0 : i32
          %sign3A_1809 = arith.cmpi slt, %add3A_1802, %sign3A_1808 : i32
          %sign3A_1810 = arith.extui %sign3A_1809 : i1 to i32
          %sign3A_1811 = arith.subi %sign3A_1807, %sign3A_1810 : i32
          %sign3A_1812 = arith.constant 0 : i32
          %sign3A_1813 = arith.cmpi sgt, %jit3A_1803, %sign3A_1812 : i32
          %sign3A_1814 = arith.extui %sign3A_1813 : i1 to i32
          %sign3A_1815 = arith.constant 0 : i32
          %sign3A_1816 = arith.cmpi slt, %jit3A_1803, %sign3A_1815 : i32
          %sign3A_1817 = arith.extui %sign3A_1816 : i1 to i32
          %sign3A_1818 = arith.subi %sign3A_1814, %sign3A_1817 : i32
          %ne3A_1819 = arith.cmpi ne, %sign3A_1811, %sign3A_1818 : i32
          %rem3A_1820 = arith.remsi %add3A_1802, %jit3A_1803 : i32
          %ne3A_1821 = arith.constant 0 : i32
          %ne3A_1822 = arith.cmpi ne, %rem3A_1820, %ne3A_1821 : i32
          %and3A_1823 = arith.andi %ne3A_1819, %ne3A_1822 : i1
          %sub3A_1824 = arith.constant 1 : i32
          %sub3A_1825 = arith.subi %div3A_1804, %sub3A_1824 : i32
          %select_n3A_1826 = arith.select %and3A_1823, %sub3A_1825, %div3A_1804 : i32
          %add3A_1827 = arith.constant 16 : i32
          %add3A_1828 = arith.addi %add3A_1827, %select_n3A_1826 : i32
          %jit3A_1829 = arith.constant 8 : i32
          %eq3A_1830 = arith.constant 0 : i32
          %eq3A_1831 = arith.cmpi eq, %jit3A_1829, %eq3A_1830 : i32
          %jit3A_1832 = arith.constant 1 : i32
          %select_n3A_1833 = arith.select %eq3A_1831, %jit3A_1832, %jit3A_1829 : i32
          %rem3A_1834 = arith.remsi %add3A_1802, %select_n3A_1833 : i32
          %ne3A_1835 = arith.constant 0 : i32
          %ne3A_1836 = arith.cmpi ne, %rem3A_1834, %ne3A_1835 : i32
          %lt3A_1837 = arith.constant 0 : i32
          %lt3A_1838 = arith.cmpi slt, %rem3A_1834, %lt3A_1837 : i32
          %lt3A_1839 = arith.constant 0 : i32
          %lt3A_1840 = arith.cmpi slt, %select_n3A_1833, %lt3A_1839 : i32
          %ne3A_1841 = arith.xori %lt3A_1838, %lt3A_1840 : i1
          %and3A_1842 = arith.andi %ne3A_1841, %ne3A_1836 : i1
          %add3A_1843 = arith.addi %rem3A_1834, %select_n3A_1833 : i32
          %select_n3A_1844 = arith.select %and3A_1842, %add3A_1843, %rem3A_1834 : i32
          %mul3A_1845 = arith.constant 16 : i32
          %mul3A_1846 = arith.muli %select_n3A_1844, %mul3A_1845 : i32
          %get3A_1847 = arith.index_cast %add3A_1828 : i32 to index
          %get3A_1848 = arith.index_cast %mul3A_1846 : i32 to index
          %get3A_1849 = tpu.vector_load %arg8[%get3A_1847, %get3A_1848] {strides = array<i32>} : memref<32x128xf32, #tpu.memory_space<vmem>>, vector<1x16xf32>,
          %get3A_1850 = vector.shape_cast %get3A_1849 : vector<1x16xf32> to vector<16xf32>
          %add3A_1851 = arith.constant 128 : i32
          %add3A_1852 = arith.addi %add3A_1851, %add3A_1802 : i32
          %get3A_1853 = arith.index_cast %add3A_1852 : i32 to index
          %get3A_1854 = arith.constant 0 : index
          %get3A_1855 = tpu.vector_load %arg7[%get3A_1853, %get3A_1854] {strides = array<i32>} : memref<256x128xf32, #tpu.memory_space<vmem>>, vector<1x16xf32>,
          %get3A_1856 = vector.shape_cast %get3A_1855 : vector<1x16xf32> to vector<16xf32>
          %mul3A_1857 = arith.mulf %get3A_1856, %get3A_1850 : vector<16xf32>
          %add3A_1858 = arith.constant 128 : i32
          %add3A_1859 = arith.addi %add3A_1858, %add3A_1802 : i32
          %swap3A_1860 = arith.index_cast %add3A_1859 : i32 to index
          %swap3A_1861 = arith.constant 0 : index
          %swap3A_1862 = tpu.vector_load %arg7[%swap3A_1860, %swap3A_1861] {strides = array<i32>} : memref<256x128xf32, #tpu.memory_space<vmem>>, vector<1x16xf32>,
          %swap3A_1863 = vector.shape_cast %swap3A_1862 : vector<1x16xf32> to vector<16xf32>
          %swap3A_1864 = vector.shape_cast %mul3A_1857 : vector<16xf32> to vector<1x16xf32>
          tpu.vector_store %arg7[%swap3A_1860, %swap3A_1861], %swap3A_1864 {strides = array<i32>} : memref<256x128xf32, #tpu.memory_space<vmem>>, vector<1x16xf32>,
          %add3A_1865 = arith.constant 128 : i32
          %add3A_1866 = arith.addi %add3A_1865, %add3A_1802 : i32
          %get3A_1867 = arith.index_cast %add3A_1866 : i32 to index
          %get3A_1868 = arith.constant 16 : index
          %get3A_1869 = tpu.vector_load %arg7[%get3A_1867, %get3A_1868] {strides = array<i32>} : memref<256x128xf32, #tpu.memory_space<vmem>>, vector<1x16xf32>,
          %get3A_1870 = vector.shape_cast %get3A_1869 : vector<1x16xf32> to vector<16xf32>
          %mul3A_1871 = arith.mulf %get3A_1870, %get3A_1850 : vector<16xf32>
          %add3A_1872 = arith.constant 128 : i32
          %add3A_1873 = arith.addi %add3A_1872, %add3A_1802 : i32
          %swap3A_1874 = arith.index_cast %add3A_1873 : i32 to index
          %swap3A_1875 = arith.constant 16 : index
          %swap3A_1876 = tpu.vector_load %arg7[%swap3A_1874, %swap3A_1875] {strides = array<i32>} : memref<256x128xf32, #tpu.memory_space<vmem>>, vector<1x16xf32>,
          %swap3A_1877 = vector.shape_cast %swap3A_1876 : vector<1x16xf32> to vector<16xf32>
          %swap3A_1878 = vector.shape_cast %mul3A_1871 : vector<16xf32> to vector<1x16xf32>
          tpu.vector_store %arg7[%swap3A_1874, %swap3A_1875], %swap3A_1878 {strides = array<i32>} : memref<256x128xf32, #tpu.memory_space<vmem>>, vector<1x16xf32>,
          %add3A_1879 = arith.constant 128 : i32
          %add3A_1880 = arith.addi %add3A_1879, %add3A_1802 : i32
          %get3A_1881 = arith.index_cast %add3A_1880 : i32 to index
          %get3A_1882 = arith.constant 32 : index
          %get3A_1883 = tpu.vector_load %arg7[%get3A_1881, %get3A_1882] {strides = array<i32>} : memref<256x128xf32, #tpu.memory_space<vmem>>, vector<1x16xf32>,
          %get3A_1884 = vector.shape_cast %get3A_1883 : vector<1x16xf32> to vector<16xf32>
          %mul3A_1885 = arith.mulf %get3A_1884, %get3A_1850 : vector<16xf32>
          %add3A_1886 = arith.constant 128 : i32
          %add3A_1887 = arith.addi %add3A_1886, %add3A_1802 : i32
          %swap3A_1888 = arith.index_cast %add3A_1887 : i32 to index
          %swap3A_1889 = arith.constant 32 : index
          %swap3A_1890 = tpu.vector_load %arg7[%swap3A_1888, %swap3A_1889] {strides = array<i32>} : memref<256x128xf32, #tpu.memory_space<vmem>>, vector<1x16xf32>,
          %swap3A_1891 = vector.shape_cast %swap3A_1890 : vector<1x16xf32> to vector<16xf32>
          %swap3A_1892 = vector.shape_cast %mul3A_1885 : vector<16xf32> to vector<1x16xf32>
          tpu.vector_store %arg7[%swap3A_1888, %swap3A_1889], %swap3A_1892 {strides = array<i32>} : memref<256x128xf32, #tpu.memory_space<vmem>>, vector<1x16xf32>,
          %add3A_1893 = arith.constant 128 : i32
          %add3A_1894 = arith.addi %add3A_1893, %add3A_1802 : i32
          %get3A_1895 = arith.index_cast %add3A_1894 : i32 to index
          %get3A_1896 = arith.constant 48 : index
          %get3A_1897 = tpu.vector_load %arg7[%get3A_1895, %get3A_1896] {strides = array<i32>} : memref<256x128xf32, #tpu.memory_space<vmem>>, vector<1x16xf32>,
          %get3A_1898 = vector.shape_cast %get3A_1897 : vector<1x16xf32> to vector<16xf32>
          %mul3A_1899 = arith.mulf %get3A_1898, %get3A_1850 : vector<16xf32>
          %add3A_1900 = arith.constant 128 : i32
          %add3A_1901 = arith.addi %add3A_1900, %add3A_1802 : i32
          %swap3A_1902 = arith.index_cast %add3A_1901 : i32 to index
          %swap3A_1903 = arith.constant 48 : index
          %swap3A_1904 = tpu.vector_load %arg7[%swap3A_1902, %swap3A_1903] {strides = array<i32>} : memref<256x128xf32, #tpu.memory_space<vmem>>, vector<1x16xf32>,
          %swap3A_1905 = vector.shape_cast %swap3A_1904 : vector<1x16xf32> to vector<16xf32>
          %swap3A_1906 = vector.shape_cast %mul3A_1899 : vector<16xf32> to vector<1x16xf32>
          tpu.vector_store %arg7[%swap3A_1902, %swap3A_1903], %swap3A_1906 {strides = array<i32>} : memref<256x128xf32, #tpu.memory_space<vmem>>, vector<1x16xf32>,
          %add3A_1907 = arith.constant 128 : i32
          %add3A_1908 = arith.addi %add3A_1907, %add3A_1802 : i32
          %get3A_1909 = arith.index_cast %add3A_1908 : i32 to index
          %get3A_1910 = arith.constant 64 : index
          %get3A_1911 = tpu.vector_load %arg7[%get3A_1909, %get3A_1910] {strides = array<i32>} : memref<256x128xf32, #tpu.memory_space<vmem>>, vector<1x16xf32>,
          %get3A_1912 = vector.shape_cast %get3A_1911 : vector<1x16xf32> to vector<16xf32>
          %mul3A_1913 = arith.mulf %get3A_1912, %get3A_1850 : vector<16xf32>
          %add3A_1914 = arith.constant 128 : i32
          %add3A_1915 = arith.addi %add3A_1914, %add3A_1802 : i32
          %swap3A_1916 = arith.index_cast %add3A_1915 : i32 to index
          %swap3A_1917 = arith.constant 64 : index
          %swap3A_1918 = tpu.vector_load %arg7[%swap3A_1916, %swap3A_1917] {strides = array<i32>} : memref<256x128xf32, #tpu.memory_space<vmem>>, vector<1x16xf32>,
          %swap3A_1919 = vector.shape_cast %swap3A_1918 : vector<1x16xf32> to vector<16xf32>
          %swap3A_1920 = vector.shape_cast %mul3A_1913 : vector<16xf32> to vector<1x16xf32>
          tpu.vector_store %arg7[%swap3A_1916, %swap3A_1917], %swap3A_1920 {strides = array<i32>} : memref<256x128xf32, #tpu.memory_space<vmem>>, vector<1x16xf32>,
          %add3A_1921 = arith.constant 128 : i32
          %add3A_1922 = arith.addi %add3A_1921, %add3A_1802 : i32
          %get3A_1923 = arith.index_cast %add3A_1922 : i32 to index
          %get3A_1924 = arith.constant 80 : index
          %get3A_1925 = tpu.vector_load %arg7[%get3A_1923, %get3A_1924] {strides = array<i32>} : memref<256x128xf32, #tpu.memory_space<vmem>>, vector<1x16xf32>,
          %get3A_1926 = vector.shape_cast %get3A_1925 : vector<1x16xf32> to vector<16xf32>
          %mul3A_1927 = arith.mulf %get3A_1926, %get3A_1850 : vector<16xf32>
          %add3A_1928 = arith.constant 128 : i32
          %add3A_1929 = arith.addi %add3A_1928, %add3A_1802 : i32
          %swap3A_1930 = arith.index_cast %add3A_1929 : i32 to index
          %swap3A_1931 = arith.constant 80 : index
          %swap3A_1932 = tpu.vector_load %arg7[%swap3A_1930, %swap3A_1931] {strides = array<i32>} : memref<256x128xf32, #tpu.memory_space<vmem>>, vector<1x16xf32>,
          %swap3A_1933 = vector.shape_cast %swap3A_1932 : vector<1x16xf32> to vector<16xf32>
          %swap3A_1934 = vector.shape_cast %mul3A_1927 : vector<16xf32> to vector<1x16xf32>
          tpu.vector_store %arg7[%swap3A_1930, %swap3A_1931], %swap3A_1934 {strides = array<i32>} : memref<256x128xf32, #tpu.memory_space<vmem>>, vector<1x16xf32>,
          %add3A_1935 = arith.constant 128 : i32
          %add3A_1936 = arith.addi %add3A_1935, %add3A_1802 : i32
          %get3A_1937 = arith.index_cast %add3A_1936 : i32 to index
          %get3A_1938 = arith.constant 96 : index
          %get3A_1939 = tpu.vector_load %arg7[%get3A_1937, %get3A_1938] {strides = array<i32>} : memref<256x128xf32, #tpu.memory_space<vmem>>, vector<1x16xf32>,
          %get3A_1940 = vector.shape_cast %get3A_1939 : vector<1x16xf32> to vector<16xf32>
          %mul3A_1941 = arith.mulf %get3A_1940, %get3A_1850 : vector<16xf32>
          %add3A_1942 = arith.constant 128 : i32
          %add3A_1943 = arith.addi %add3A_1942, %add3A_1802 : i32
          %swap3A_1944 = arith.index_cast %add3A_1943 : i32 to index
          %swap3A_1945 = arith.constant 96 : index
          %swap3A_1946 = tpu.vector_load %arg7[%swap3A_1944, %swap3A_1945] {strides = array<i32>} : memref<256x128xf32, #tpu.memory_space<vmem>>, vector<1x16xf32>,
          %swap3A_1947 = vector.shape_cast %swap3A_1946 : vector<1x16xf32> to vector<16xf32>
          %swap3A_1948 = vector.shape_cast %mul3A_1941 : vector<16xf32> to vector<1x16xf32>
          tpu.vector_store %arg7[%swap3A_1944, %swap3A_1945], %swap3A_1948 {strides = array<i32>} : memref<256x128xf32, #tpu.memory_space<vmem>>, vector<1x16xf32>,
          %add3A_1949 = arith.constant 128 : i32
          %add3A_1950 = arith.addi %add3A_1949, %add3A_1802 : i32
          %get3A_1951 = arith.index_cast %add3A_1950 : i32 to index
          %get3A_1952 = arith.constant 112 : index
          %get3A_1953 = tpu.vector_load %arg7[%get3A_1951, %get3A_1952] {strides = array<i32>} : memref<256x128xf32, #tpu.memory_space<vmem>>, vector<1x16xf32>,
          %get3A_1954 = vector.shape_cast %get3A_1953 : vector<1x16xf32> to vector<16xf32>
          %mul3A_1955 = arith.mulf %get3A_1954, %get3A_1850 : vector<16xf32>
          %add3A_1956 = arith.constant 128 : i32
          %add3A_1957 = arith.addi %add3A_1956, %add3A_1802 : i32
          %swap3A_1958 = arith.index_cast %add3A_1957 : i32 to index
          %swap3A_1959 = arith.constant 112 : index
          %swap3A_1960 = tpu.vector_load %arg7[%swap3A_1958, %swap3A_1959] {strides = array<i32>} : memref<256x128xf32, #tpu.memory_space<vmem>>, vector<1x16xf32>,
          %swap3A_1961 = vector.shape_cast %swap3A_1960 : vector<1x16xf32> to vector<16xf32>
          %swap3A_1962 = vector.shape_cast %mul3A_1955 : vector<16xf32> to vector<1x16xf32>
          tpu.vector_store %arg7[%swap3A_1958, %swap3A_1959], %swap3A_1962 {strides = array<i32>} : memref<256x128xf32, #tpu.memory_space<vmem>>, vector<1x16xf32>,
          %scan3A_1963 = arith.constant 0 : i32
          scf.yield %scan3A_1963 : i32
        }
        %scan3A_937 = arith.constant 32 : i32
        %dma_start3A_938 = arith.constant 2 : i32
        %dma_start3A_939 = arith.constant 128 : i32
        %dma_start3A_940 = arith.constant 0 : i32
        %dma_start3A_941 = tpu.memref_slice %arg7[%dma_start3A_939, %dma_start3A_940] : memref<256x128xf32, #tpu.memory_space<vmem>> -> memref<64x128xf32, #tpu.memory_space<vmem>>
        %dma_start3A_942 = arith.constant 0 : i32
        %dma_start3A_943 = tpu.memref_slice %arg10[%dma_start3A_938, %dma_start3A_942] : memref<4x64xi32, #tpu.memory_space<vmem>> -> memref<1x64xi32, #tpu.memory_space<vmem>>
        %dma_start3A_944 = tpu.memref_squeeze %dma_start3A_943 : memref<1x64xi32, #tpu.memory_space<vmem>> -> memref<64xi32, #tpu.memory_space<vmem>>
        %dma_start3A_945 = arith.constant 0 : i32
        %dma_start3A_946 = arith.constant 0 : i32
        %dma_start3A_947 = tpu.memref_slice %arg11[%dma_start3A_945, %dma_start3A_946] : memref<10240x128xf32, #tpu.memory_space<vmem_shared>> -> memref<10240x128xf32, #tpu.memory_space<vmem_shared>>
        tpu.enqueue_indirect_dma source(%dma_start3A_941 : memref<64x128xf32, #tpu.memory_space<vmem>>) target(%dma_start3A_947 : memref<10240x128xf32, #tpu.memory_space<vmem_shared>>) offsets(%dma_start3A_944 : memref<64xi32, #tpu.memory_space<vmem>>) semaphore(%arg22 : memref<!tpu.dma_semaphore, #tpu.memory_space<semaphore_mem>>) {add = true}
        %mul3A_948 = arith.constant 4 : i32
        %mul3A_949 = arith.muli %mul3A_948, %scan3A_727 : i32
        %add3A_950 = arith.constant 2 : i32
        %add3A_951 = arith.addi %add3A_950, %mul3A_949 : i32
        %add3A_952 = arith.constant 1 : i32
        %add3A_953 = arith.addi %add3A_951, %add3A_952 : i32
        %dma_wait3A_954 = arith.constant 1 : i32
        %dma_wait3A_955 = arith.constant 64 : i32
        %dma_wait3A_956 = arith.constant 0 : i32
        %dma_wait3A_957 = tpu.memref_slice %arg7[%dma_wait3A_955, %dma_wait3A_956] : memref<256x128xf32, #tpu.memory_space<vmem>> -> memref<64x128xf32, #tpu.memory_space<vmem>>
        %dma_wait3A_958 = arith.constant 0 : i32
        %dma_wait3A_959 = tpu.memref_slice %arg10[%dma_wait3A_954, %dma_wait3A_958] : memref<4x64xi32, #tpu.memory_space<vmem>> -> memref<1x64xi32, #tpu.memory_space<vmem>>
        %dma_wait3A_960 = tpu.memref_squeeze %dma_wait3A_959 : memref<1x64xi32, #tpu.memory_space<vmem>> -> memref<64xi32, #tpu.memory_space<vmem>>
        %dma_wait3A_961 = arith.constant 0 : i32
        %dma_wait3A_962 = arith.constant 0 : i32
        %dma_wait3A_963 = tpu.memref_slice %arg11[%dma_wait3A_961, %dma_wait3A_962] : memref<10240x128xf32, #tpu.memory_space<vmem_shared>> -> memref<10240x128xf32, #tpu.memory_space<vmem_shared>>
        tpu.wait_indirect_dma semaphore(%arg21 : memref<!tpu.dma_semaphore, #tpu.memory_space<semaphore_mem>>) src(%dma_wait3A_957 : memref<64x128xf32, #tpu.memory_space<vmem>>) dst(%dma_wait3A_963 : memref<10240x128xf32, #tpu.memory_space<vmem_shared>>)
        %add3A_964 = arith.constant 2 : i32
        %add3A_965 = arith.addi %add3A_953, %add3A_964 : i32
        %jit3A_966 = arith.constant 2 : i32
        %div3A_967 = arith.divsi %add3A_965, %jit3A_966 : i32
        %sign3A_968 = arith.constant 0 : i32
        %sign3A_969 = arith.cmpi sgt, %add3A_965, %sign3A_968 : i32
        %sign3A_970 = arith.extui %sign3A_969 : i1 to i32
        %sign3A_971 = arith.constant 0 : i32
        %sign3A_972 = arith.cmpi slt, %add3A_965, %sign3A_971 : i32
        %sign3A_973 = arith.extui %sign3A_972 : i1 to i32
        %sign3A_974 = arith.subi %sign3A_970, %sign3A_973 : i32
        %sign3A_975 = arith.constant 0 : i32
        %sign3A_976 = arith.cmpi sgt, %jit3A_966, %sign3A_975 : i32
        %sign3A_977 = arith.extui %sign3A_976 : i1 to i32
        %sign3A_978 = arith.constant 0 : i32
        %sign3A_979 = arith.cmpi slt, %jit3A_966, %sign3A_978 : i32
        %sign3A_980 = arith.extui %sign3A_979 : i1 to i32
        %sign3A_981 = arith.subi %sign3A_977, %sign3A_980 : i32
        %ne3A_982 = arith.cmpi ne, %sign3A_974, %sign3A_981 : i32
        %rem3A_983 = arith.remsi %add3A_965, %jit3A_966 : i32
        %ne3A_984 = arith.constant 0 : i32
        %ne3A_985 = arith.cmpi ne, %rem3A_983, %ne3A_984 : i32
        %and3A_986 = arith.andi %ne3A_982, %ne3A_985 : i1
        %sub3A_987 = arith.constant 1 : i32
        %sub3A_988 = arith.subi %div3A_967, %sub3A_987 : i32
        %select_n3A_989 = arith.select %and3A_986, %sub3A_988, %div3A_967 : i32
        %jit3A_990 = arith.constant 2 : i32
        %eq3A_991 = arith.constant 0 : i32
        %eq3A_992 = arith.cmpi eq, %jit3A_990, %eq3A_991 : i32
        %jit3A_993 = arith.constant 1 : i32
        %select_n3A_994 = arith.select %eq3A_992, %jit3A_993, %jit3A_990 : i32
        %rem3A_995 = arith.remsi %add3A_965, %select_n3A_994 : i32
        %ne3A_996 = arith.constant 0 : i32
        %ne3A_997 = arith.cmpi ne, %rem3A_995, %ne3A_996 : i32
        %lt3A_998 = arith.constant 0 : i32
        %lt3A_999 = arith.cmpi slt, %rem3A_995, %lt3A_998 : i32
        %lt3A_1000 = arith.constant 0 : i32
        %lt3A_1001 = arith.cmpi slt, %select_n3A_994, %lt3A_1000 : i32
        %ne3A_1002 = arith.xori %lt3A_999, %lt3A_1001 : i1
        %and3A_1003 = arith.andi %ne3A_1002, %ne3A_997 : i1
        %add3A_1004 = arith.addi %rem3A_995, %select_n3A_994 : i32
        %select_n3A_1005 = arith.select %and3A_1003, %add3A_1004, %rem3A_995 : i32
        %mul3A_1006 = arith.constant 64 : i32
        %mul3A_1007 = arith.muli %select_n3A_1005, %mul3A_1006 : i32
        %add3A_1008 = arith.constant 0 : i32
        %add3A_1009 = arith.addi %mul3A_1007, %add3A_1008 : i32
        %get3A_1010 = arith.index_cast %select_n3A_989 : i32 to index
        %get3A_1011 = arith.index_cast %add3A_1009 : i32 to index
        %get3A_1012 = tpu.vector_load %arg6[%get3A_1010, %get3A_1011] {strides = array<i32>} : memref<80x128xi32, #tpu.memory_space<vmem>>, vector<1x16xi32>,
        %get3A_1013 = vector.shape_cast %get3A_1012 : vector<1x16xi32> to vector<16xi32>
        %and3A_1014 = arith.constant 65535 : i32
        %and3A_1015 = vector.broadcast %and3A_1014 : i32 to vector<16xi32>
        %and3A_1016 = arith.andi %get3A_1013, %and3A_1015 : vector<16xi32>
        %add3A_1017 = vector.broadcast %mul3A_4 : i32 to vector<16xi32>
        %add3A_1018 = arith.addi %and3A_1016, %add3A_1017 : vector<16xi32>
        %swap3A_1019 = arith.constant 1 : i32
        %swap3A_1020 = arith.index_cast %swap3A_1019 : i32 to index
        %swap3A_1021 = arith.constant 0 : index
        %swap3A_1022 = tpu.vector_load %arg9[%swap3A_1020, %swap3A_1021] {strides = array<i32>} : memref<4x64xi32, #tpu.memory_space<vmem>>, vector<1x16xi32>,
        %swap3A_1023 = vector.shape_cast %swap3A_1022 : vector<1x16xi32> to vector<16xi32>
        %swap3A_1024 = vector.shape_cast %add3A_1018 : vector<16xi32> to vector<1x16xi32>
        tpu.vector_store %arg9[%swap3A_1020, %swap3A_1021], %swap3A_1024 {strides = array<i32>} : memref<4x64xi32, #tpu.memory_space<vmem>>, vector<1x16xi32>,
        %shift_right_logical3A_1025 = arith.constant 16 : i32
        %shift_right_logical3A_1026 = vector.broadcast %shift_right_logical3A_1025 : i32 to vector<16xi32>
        %shift_right_logical3A_1027 = arith.shrui %get3A_1013, %shift_right_logical3A_1026 : vector<16xi32>
        %swap3A_1028 = arith.constant 1 : i32
        %swap3A_1029 = arith.index_cast %swap3A_1028 : i32 to index
        %swap3A_1030 = arith.constant 0 : index
        %swap3A_1031 = tpu.vector_load %arg10[%swap3A_1029, %swap3A_1030] {strides = array<i32>} : memref<4x64xi32, #tpu.memory_space<vmem>>, vector<1x16xi32>,
        %swap3A_1032 = vector.shape_cast %swap3A_1031 : vector<1x16xi32> to vector<16xi32>
        %swap3A_1033 = vector.shape_cast %shift_right_logical3A_1027 : vector<16xi32> to vector<1x16xi32>
        tpu.vector_store %arg10[%swap3A_1029, %swap3A_1030], %swap3A_1033 {strides = array<i32>} : memref<4x64xi32, #tpu.memory_space<vmem>>, vector<1x16xi32>,
        %add3A_1034 = arith.constant 16 : i32
        %add3A_1035 = arith.addi %mul3A_1007, %add3A_1034 : i32
        %get3A_1036 = arith.index_cast %select_n3A_989 : i32 to index
        %get3A_1037 = arith.index_cast %add3A_1035 : i32 to index
        %get3A_1038 = tpu.vector_load %arg6[%get3A_1036, %get3A_1037] {strides = array<i32>} : memref<80x128xi32, #tpu.memory_space<vmem>>, vector<1x16xi32>,
        %get3A_1039 = vector.shape_cast %get3A_1038 : vector<1x16xi32> to vector<16xi32>
        %and3A_1040 = arith.constant 65535 : i32
        %and3A_1041 = vector.broadcast %and3A_1040 : i32 to vector<16xi32>
        %and3A_1042 = arith.andi %get3A_1039, %and3A_1041 : vector<16xi32>
        %add3A_1043 = vector.broadcast %mul3A_4 : i32 to vector<16xi32>
        %add3A_1044 = arith.addi %and3A_1042, %add3A_1043 : vector<16xi32>
        %swap3A_1045 = arith.constant 1 : i32
        %swap3A_1046 = arith.index_cast %swap3A_1045 : i32 to index
        %swap3A_1047 = arith.constant 16 : index
        %swap3A_1048 = tpu.vector_load %arg9[%swap3A_1046, %swap3A_1047] {strides = array<i32>} : memref<4x64xi32, #tpu.memory_space<vmem>>, vector<1x16xi32>,
        %swap3A_1049 = vector.shape_cast %swap3A_1048 : vector<1x16xi32> to vector<16xi32>
        %swap3A_1050 = vector.shape_cast %add3A_1044 : vector<16xi32> to vector<1x16xi32>
        tpu.vector_store %arg9[%swap3A_1046, %swap3A_1047], %swap3A_1050 {strides = array<i32>} : memref<4x64xi32, #tpu.memory_space<vmem>>, vector<1x16xi32>,
        %shift_right_logical3A_1051 = arith.constant 16 : i32
        %shift_right_logical3A_1052 = vector.broadcast %shift_right_logical3A_1051 : i32 to vector<16xi32>
        %shift_right_logical3A_1053 = arith.shrui %get3A_1039, %shift_right_logical3A_1052 : vector<16xi32>
        %swap3A_1054 = arith.constant 1 : i32
        %swap3A_1055 = arith.index_cast %swap3A_1054 : i32 to index
        %swap3A_1056 = arith.constant 16 : index
        %swap3A_1057 = tpu.vector_load %arg10[%swap3A_1055, %swap3A_1056] {strides = array<i32>} : memref<4x64xi32, #tpu.memory_space<vmem>>, vector<1x16xi32>,
        %swap3A_1058 = vector.shape_cast %swap3A_1057 : vector<1x16xi32> to vector<16xi32>
        %swap3A_1059 = vector.shape_cast %shift_right_logical3A_1053 : vector<16xi32> to vector<1x16xi32>
        tpu.vector_store %arg10[%swap3A_1055, %swap3A_1056], %swap3A_1059 {strides = array<i32>} : memref<4x64xi32, #tpu.memory_space<vmem>>, vector<1x16xi32>,
        %add3A_1060 = arith.constant 32 : i32
        %add3A_1061 = arith.addi %mul3A_1007, %add3A_1060 : i32
        %get3A_1062 = arith.index_cast %select_n3A_989 : i32 to index
        %get3A_1063 = arith.index_cast %add3A_1061 : i32 to index
        %get3A_1064 = tpu.vector_load %arg6[%get3A_1062, %get3A_1063] {strides = array<i32>} : memref<80x128xi32, #tpu.memory_space<vmem>>, vector<1x16xi32>,
        %get3A_1065 = vector.shape_cast %get3A_1064 : vector<1x16xi32> to vector<16xi32>
        %and3A_1066 = arith.constant 65535 : i32
        %and3A_1067 = vector.broadcast %and3A_1066 : i32 to vector<16xi32>
        %and3A_1068 = arith.andi %get3A_1065, %and3A_1067 : vector<16xi32>
        %add3A_1069 = vector.broadcast %mul3A_4 : i32 to vector<16xi32>
        %add3A_1070 = arith.addi %and3A_1068, %add3A_1069 : vector<16xi32>
        %swap3A_1071 = arith.constant 1 : i32
        %swap3A_1072 = arith.index_cast %swap3A_1071 : i32 to index
        %swap3A_1073 = arith.constant 32 : index
        %swap3A_1074 = tpu.vector_load %arg9[%swap3A_1072, %swap3A_1073] {strides = array<i32>} : memref<4x64xi32, #tpu.memory_space<vmem>>, vector<1x16xi32>,
        %swap3A_1075 = vector.shape_cast %swap3A_1074 : vector<1x16xi32> to vector<16xi32>
        %swap3A_1076 = vector.shape_cast %add3A_1070 : vector<16xi32> to vector<1x16xi32>
        tpu.vector_store %arg9[%swap3A_1072, %swap3A_1073], %swap3A_1076 {strides = array<i32>} : memref<4x64xi32, #tpu.memory_space<vmem>>, vector<1x16xi32>,
        %shift_right_logical3A_1077 = arith.constant 16 : i32
        %shift_right_logical3A_1078 = vector.broadcast %shift_right_logical3A_1077 : i32 to vector<16xi32>
        %shift_right_logical3A_1079 = arith.shrui %get3A_1065, %shift_right_logical3A_1078 : vector<16xi32>
        %swap3A_1080 = arith.constant 1 : i32
        %swap3A_1081 = arith.index_cast %swap3A_1080 : i32 to index
        %swap3A_1082 = arith.constant 32 : index
        %swap3A_1083 = tpu.vector_load %arg10[%swap3A_1081, %swap3A_1082] {strides = array<i32>} : memref<4x64xi32, #tpu.memory_space<vmem>>, vector<1x16xi32>,
        %swap3A_1084 = vector.shape_cast %swap3A_1083 : vector<1x16xi32> to vector<16xi32>
        %swap3A_1085 = vector.shape_cast %shift_right_logical3A_1079 : vector<16xi32> to vector<1x16xi32>
        tpu.vector_store %arg10[%swap3A_1081, %swap3A_1082], %swap3A_1085 {strides = array<i32>} : memref<4x64xi32, #tpu.memory_space<vmem>>, vector<1x16xi32>,
        %add3A_1086 = arith.constant 48 : i32
        %add3A_1087 = arith.addi %mul3A_1007, %add3A_1086 : i32
        %get3A_1088 = arith.index_cast %select_n3A_989 : i32 to index
        %get3A_1089 = arith.index_cast %add3A_1087 : i32 to index
        %get3A_1090 = tpu.vector_load %arg6[%get3A_1088, %get3A_1089] {strides = array<i32>} : memref<80x128xi32, #tpu.memory_space<vmem>>, vector<1x16xi32>,
        %get3A_1091 = vector.shape_cast %get3A_1090 : vector<1x16xi32> to vector<16xi32>
        %and3A_1092 = arith.constant 65535 : i32
        %and3A_1093 = vector.broadcast %and3A_1092 : i32 to vector<16xi32>
        %and3A_1094 = arith.andi %get3A_1091, %and3A_1093 : vector<16xi32>
        %add3A_1095 = vector.broadcast %mul3A_4 : i32 to vector<16xi32>
        %add3A_1096 = arith.addi %and3A_1094, %add3A_1095 : vector<16xi32>
        %swap3A_1097 = arith.constant 1 : i32
        %swap3A_1098 = arith.index_cast %swap3A_1097 : i32 to index
        %swap3A_1099 = arith.constant 48 : index
        %swap3A_1100 = tpu.vector_load %arg9[%swap3A_1098, %swap3A_1099] {strides = array<i32>} : memref<4x64xi32, #tpu.memory_space<vmem>>, vector<1x16xi32>,
        %swap3A_1101 = vector.shape_cast %swap3A_1100 : vector<1x16xi32> to vector<16xi32>
        %swap3A_1102 = vector.shape_cast %add3A_1096 : vector<16xi32> to vector<1x16xi32>
        tpu.vector_store %arg9[%swap3A_1098, %swap3A_1099], %swap3A_1102 {strides = array<i32>} : memref<4x64xi32, #tpu.memory_space<vmem>>, vector<1x16xi32>,
        %shift_right_logical3A_1103 = arith.constant 16 : i32
        %shift_right_logical3A_1104 = vector.broadcast %shift_right_logical3A_1103 : i32 to vector<16xi32>
        %shift_right_logical3A_1105 = arith.shrui %get3A_1091, %shift_right_logical3A_1104 : vector<16xi32>
        %swap3A_1106 = arith.constant 1 : i32
        %swap3A_1107 = arith.index_cast %swap3A_1106 : i32 to index
        %swap3A_1108 = arith.constant 48 : index
        %swap3A_1109 = tpu.vector_load %arg10[%swap3A_1107, %swap3A_1108] {strides = array<i32>} : memref<4x64xi32, #tpu.memory_space<vmem>>, vector<1x16xi32>,
        %swap3A_1110 = vector.shape_cast %swap3A_1109 : vector<1x16xi32> to vector<16xi32>
        %swap3A_1111 = vector.shape_cast %shift_right_logical3A_1105 : vector<16xi32> to vector<1x16xi32>
        tpu.vector_store %arg10[%swap3A_1107, %swap3A_1108], %swap3A_1111 {strides = array<i32>} : memref<4x64xi32, #tpu.memory_space<vmem>>, vector<1x16xi32>,
        %add3A_1112 = arith.constant 2 : i32
        %add3A_1113 = arith.addi %add3A_953, %add3A_1112 : i32
        %dma_start3A_1114 = arith.constant 1 : i32
        %dma_start3A_1115 = arith.constant 64 : i32
        %dma_start3A_1116 = arith.constant 0 : i32
        %dma_start3A_1117 = tpu.memref_slice %arg7[%dma_start3A_1115, %dma_start3A_1116] : memref<256x128xf32, #tpu.memory_space<vmem>> -> memref<64x128xf32, #tpu.memory_space<vmem>>
        %dma_start3A_1118 = arith.constant 0 : i32
        %dma_start3A_1119 = tpu.memref_slice %arg9[%dma_start3A_1114, %dma_start3A_1118] : memref<4x64xi32, #tpu.memory_space<vmem>> -> memref<1x64xi32, #tpu.memory_space<vmem>>
        %dma_start3A_1120 = tpu.memref_squeeze %dma_start3A_1119 : memref<1x64xi32, #tpu.memory_space<vmem>> -> memref<64xi32, #tpu.memory_space<vmem>>
        %dma_start3A_1121 = arith.constant 0 : i32
        %dma_start3A_1122 = arith.constant 0 : i32
        %dma_start3A_1123 = tpu.memref_slice %arg5[%dma_start3A_1121, %dma_start3A_1122] : memref<20480x128xf32, #tpu.memory_space<hbm>> -> memref<20480x128xf32, #tpu.memory_space<hbm>>
        tpu.enqueue_indirect_dma source(%dma_start3A_1123 : memref<20480x128xf32, #tpu.memory_space<hbm>>) target(%dma_start3A_1117 : memref<64x128xf32, #tpu.memory_space<vmem>>) offsets(%dma_start3A_1120 : memref<64xi32, #tpu.memory_space<vmem>>) semaphore(%arg13 : memref<!tpu.dma_semaphore, #tpu.memory_space<semaphore_mem>>)
        %add3A_1124 = arith.addi %mul3A_6, %add3A_1113 : i32
        %mul3A_1125 = arith.constant 8 : i32
        %mul3A_1126 = arith.muli %add3A_1124, %mul3A_1125 : i32
        %dma_start3A_1127 = arith.constant 8 : i32
        %dma_start3A_1128 = arith.constant 0 : i32
        %dma_start3A_1129 = tpu.memref_slice %arg8[%dma_start3A_1127, %dma_start3A_1128] : memref<32x128xf32, #tpu.memory_space<vmem>> -> memref<8x128xf32, #tpu.memory_space<vmem>>
        %dma_start3A_1130 = arith.constant 0 : i32
        %dma_start3A_1131 = tpu.memref_slice %arg4[%mul3A_1126, %dma_start3A_1130] : memref<20480x128xf32, #tpu.memory_space<hbm>> -> memref<8x128xf32, #tpu.memory_space<hbm>>
        %dma_start3A_1132 = arith.constant 8 : i32
        %dma_start3A_1133 = arith.constant 0 : i32
        %dma_start3A_1134 = tpu.memref_slice %arg8[%dma_start3A_1132, %dma_start3A_1133] : memref<32x128xf32, #tpu.memory_space<vmem>> -> memref<8x128xf32, #tpu.memory_space<vmem>>
        %dma_start3A_1135 = arith.constant 0 : i32
        %dma_start3A_1136 = tpu.memref_slice %arg4[%mul3A_1126, %dma_start3A_1135] : memref<20480x128xf32, #tpu.memory_space<hbm>> -> memref<8x128xf32, #tpu.memory_space<hbm>>
        tpu.enqueue_dma source(%dma_start3A_1136 : memref<8x128xf32, #tpu.memory_space<hbm>>) target(%dma_start3A_1134 : memref<8x128xf32, #tpu.memory_space<vmem>>) target_semaphore(%arg17 : memref<!tpu.dma_semaphore, #tpu.memory_space<semaphore_mem>>)
        %dma_wait3A_1137 = arith.constant 3 : i32
        %dma_wait3A_1138 = arith.constant 192 : i32
        %dma_wait3A_1139 = arith.constant 0 : i32
        %dma_wait3A_1140 = tpu.memref_slice %arg7[%dma_wait3A_1138, %dma_wait3A_1139] : memref<256x128xf32, #tpu.memory_space<vmem>> -> memref<64x128xf32, #tpu.memory_space<vmem>>
        %dma_wait3A_1141 = arith.constant 0 : i32
        %dma_wait3A_1142 = tpu.memref_slice %arg9[%dma_wait3A_1137, %dma_wait3A_1141] : memref<4x64xi32, #tpu.memory_space<vmem>> -> memref<1x64xi32, #tpu.memory_space<vmem>>
        %dma_wait3A_1143 = tpu.memref_squeeze %dma_wait3A_1142 : memref<1x64xi32, #tpu.memory_space<vmem>> -> memref<64xi32, #tpu.memory_space<vmem>>
        %dma_wait3A_1144 = arith.constant 0 : i32
        %dma_wait3A_1145 = arith.constant 0 : i32
        %dma_wait3A_1146 = tpu.memref_slice %arg5[%dma_wait3A_1144, %dma_wait3A_1145] : memref<20480x128xf32, #tpu.memory_space<hbm>> -> memref<20480x128xf32, #tpu.memory_space<hbm>>
        tpu.wait_indirect_dma semaphore(%arg15 : memref<!tpu.dma_semaphore, #tpu.memory_space<semaphore_mem>>) src(%dma_wait3A_1146 : memref<20480x128xf32, #tpu.memory_space<hbm>>) dst(%dma_wait3A_1140 : memref<64x128xf32, #tpu.memory_space<vmem>>)
        %mul3A_1147 = arith.constant 8 : i32
        %mul3A_1148 = arith.muli %mul3A_6, %mul3A_1147 : i32
        %dma_wait3A_1149 = arith.constant 24 : i32
        %dma_wait3A_1150 = arith.constant 0 : i32
        %dma_wait3A_1151 = tpu.memref_slice %arg8[%dma_wait3A_1149, %dma_wait3A_1150] : memref<32x128xf32, #tpu.memory_space<vmem>> -> memref<8x128xf32, #tpu.memory_space<vmem>>
        %dma_wait3A_1152 = arith.constant 0 : i32
        %dma_wait3A_1153 = tpu.memref_slice %arg4[%mul3A_1148, %dma_wait3A_1152] : memref<20480x128xf32, #tpu.memory_space<hbm>> -> memref<8x128xf32, #tpu.memory_space<hbm>>
        %dma_wait3A_1154 = arith.constant 24 : i32
        %dma_wait3A_1155 = arith.constant 0 : i32
        %dma_wait3A_1156 = tpu.memref_slice %arg8[%dma_wait3A_1154, %dma_wait3A_1155] : memref<32x128xf32, #tpu.memory_space<vmem>> -> memref<8x128xf32, #tpu.memory_space<vmem>>
        %dma_wait3A_1157 = arith.constant 0 : i32
        %dma_wait3A_1158 = tpu.memref_slice %arg4[%mul3A_1148, %dma_wait3A_1157] : memref<20480x128xf32, #tpu.memory_space<hbm>> -> memref<8x128xf32, #tpu.memory_space<hbm>>
        tpu.wait_dma2 semaphore(%arg19 : memref<!tpu.dma_semaphore, #tpu.memory_space<semaphore_mem>>) src(%dma_wait3A_1158 : memref<8x128xf32, #tpu.memory_space<hbm>>) dst(%dma_wait3A_1156 : memref<8x128xf32, #tpu.memory_space<vmem>>)
        %scan3A_1159 = arith.constant 0 : i32
        %scan3A_1160 = arith.constant 0 : i32
        %scan3A_1161 = arith.constant 32 : i32
        %scan3A_1162 = arith.addi %scan3A_1160, %scan3A_1161 : i32
        %scan3A_1163 = arith.constant 1 : i32
        %scan3A_1164 = scf.for %scan3A_1633 = %scan3A_1160 to %scan3A_1162 step %scan3A_1163 iter_args(%scan3A_1634 = %scan3A_1159) -> (i32)  : i32 {
          %mul3A_1635 = arith.constant 2 : i32
          %mul3A_1636 = arith.muli %scan3A_1633, %mul3A_1635 : i32
          %add3A_1637 = arith.constant 0 : i32
          %add3A_1638 = arith.addi %mul3A_1636, %add3A_1637 : i32
          %jit3A_1639 = arith.constant 8 : i32
          %div3A_1640 = arith.divsi %add3A_1638, %jit3A_1639 : i32
          %sign3A_1641 = arith.constant 0 : i32
          %sign3A_1642 = arith.cmpi sgt, %add3A_1638, %sign3A_1641 : i32
          %sign3A_1643 = arith.extui %sign3A_1642 : i1 to i32
          %sign3A_1644 = arith.constant 0 : i32
          %sign3A_1645 = arith.cmpi slt, %add3A_1638, %sign3A_1644 : i32
          %sign3A_1646 = arith.extui %sign3A_1645 : i1 to i32
          %sign3A_1647 = arith.subi %sign3A_1643, %sign3A_1646 : i32
          %sign3A_1648 = arith.constant 0 : i32
          %sign3A_1649 = arith.cmpi sgt, %jit3A_1639, %sign3A_1648 : i32
          %sign3A_1650 = arith.extui %sign3A_1649 : i1 to i32
          %sign3A_1651 = arith.constant 0 : i32
          %sign3A_1652 = arith.cmpi slt, %jit3A_1639, %sign3A_1651 : i32
          %sign3A_1653 = arith.extui %sign3A_1652 : i1 to i32
          %sign3A_1654 = arith.subi %sign3A_1650, %sign3A_1653 : i32
          %ne3A_1655 = arith.cmpi ne, %sign3A_1647, %sign3A_1654 : i32
          %rem3A_1656 = arith.remsi %add3A_1638, %jit3A_1639 : i32
          %ne3A_1657 = arith.constant 0 : i32
          %ne3A_1658 = arith.cmpi ne, %rem3A_1656, %ne3A_1657 : i32
          %and3A_1659 = arith.andi %ne3A_1655, %ne3A_1658 : i1
          %sub3A_1660 = arith.constant 1 : i32
          %sub3A_1661 = arith.subi %div3A_1640, %sub3A_1660 : i32
          %select_n3A_1662 = arith.select %and3A_1659, %sub3A_1661, %div3A_1640 : i32
          %add3A_1663 = arith.constant 24 : i32
          %add3A_1664 = arith.addi %add3A_1663, %select_n3A_1662 : i32
          %jit3A_1665 = arith.constant 8 : i32
          %eq3A_1666 = arith.constant 0 : i32
          %eq3A_1667 = arith.cmpi eq, %jit3A_1665, %eq3A_1666 : i32
          %jit3A_1668 = arith.constant 1 : i32
          %select_n3A_1669 = arith.select %eq3A_1667, %jit3A_1668, %jit3A_1665 : i32
          %rem3A_1670 = arith.remsi %add3A_1638, %select_n3A_1669 : i32
          %ne3A_1671 = arith.constant 0 : i32
          %ne3A_1672 = arith.cmpi ne, %rem3A_1670, %ne3A_1671 : i32
          %lt3A_1673 = arith.constant 0 : i32
          %lt3A_1674 = arith.cmpi slt, %rem3A_1670, %lt3A_1673 : i32
          %lt3A_1675 = arith.constant 0 : i32
          %lt3A_1676 = arith.cmpi slt, %select_n3A_1669, %lt3A_1675 : i32
          %ne3A_1677 = arith.xori %lt3A_1674, %lt3A_1676 : i1
          %and3A_1678 = arith.andi %ne3A_1677, %ne3A_1672 : i1
          %add3A_1679 = arith.addi %rem3A_1670, %select_n3A_1669 : i32
          %select_n3A_1680 = arith.select %and3A_1678, %add3A_1679, %rem3A_1670 : i32
          %mul3A_1681 = arith.constant 16 : i32
          %mul3A_1682 = arith.muli %select_n3A_1680, %mul3A_1681 : i32
          %get3A_1683 = arith.index_cast %add3A_1664 : i32 to index
          %get3A_1684 = arith.index_cast %mul3A_1682 : i32 to index
          %get3A_1685 = tpu.vector_load %arg8[%get3A_1683, %get3A_1684] {strides = array<i32>} : memref<32x128xf32, #tpu.memory_space<vmem>>, vector<1x16xf32>,
          %get3A_1686 = vector.shape_cast %get3A_1685 : vector<1x16xf32> to vector<16xf32>
          %add3A_1687 = arith.constant 192 : i32
          %add3A_1688 = arith.addi %add3A_1687, %add3A_1638 : i32
          %get3A_1689 = arith.index_cast %add3A_1688 : i32 to index
          %get3A_1690 = arith.constant 0 : index
          %get3A_1691 = tpu.vector_load %arg7[%get3A_1689, %get3A_1690] {strides = array<i32>} : memref<256x128xf32, #tpu.memory_space<vmem>>, vector<1x16xf32>,
          %get3A_1692 = vector.shape_cast %get3A_1691 : vector<1x16xf32> to vector<16xf32>
          %mul3A_1693 = arith.mulf %get3A_1692, %get3A_1686 : vector<16xf32>
          %add3A_1694 = arith.constant 192 : i32
          %add3A_1695 = arith.addi %add3A_1694, %add3A_1638 : i32
          %swap3A_1696 = arith.index_cast %add3A_1695 : i32 to index
          %swap3A_1697 = arith.constant 0 : index
          %swap3A_1698 = tpu.vector_load %arg7[%swap3A_1696, %swap3A_1697] {strides = array<i32>} : memref<256x128xf32, #tpu.memory_space<vmem>>, vector<1x16xf32>,
          %swap3A_1699 = vector.shape_cast %swap3A_1698 : vector<1x16xf32> to vector<16xf32>
          %swap3A_1700 = vector.shape_cast %mul3A_1693 : vector<16xf32> to vector<1x16xf32>
          tpu.vector_store %arg7[%swap3A_1696, %swap3A_1697], %swap3A_1700 {strides = array<i32>} : memref<256x128xf32, #tpu.memory_space<vmem>>, vector<1x16xf32>,
          %add3A_1701 = arith.constant 192 : i32
          %add3A_1702 = arith.addi %add3A_1701, %add3A_1638 : i32
          %get3A_1703 = arith.index_cast %add3A_1702 : i32 to index
          %get3A_1704 = arith.constant 16 : index
          %get3A_1705 = tpu.vector_load %arg7[%get3A_1703, %get3A_1704] {strides = array<i32>} : memref<256x128xf32, #tpu.memory_space<vmem>>, vector<1x16xf32>,
          %get3A_1706 = vector.shape_cast %get3A_1705 : vector<1x16xf32> to vector<16xf32>
          %mul3A_1707 = arith.mulf %get3A_1706, %get3A_1686 : vector<16xf32>
          %add3A_1708 = arith.constant 192 : i32
          %add3A_1709 = arith.addi %add3A_1708, %add3A_1638 : i32
          %swap3A_1710 = arith.index_cast %add3A_1709 : i32 to index
          %swap3A_1711 = arith.constant 16 : index
          %swap3A_1712 = tpu.vector_load %arg7[%swap3A_1710, %swap3A_1711] {strides = array<i32>} : memref<256x128xf32, #tpu.memory_space<vmem>>, vector<1x16xf32>,
          %swap3A_1713 = vector.shape_cast %swap3A_1712 : vector<1x16xf32> to vector<16xf32>
          %swap3A_1714 = vector.shape_cast %mul3A_1707 : vector<16xf32> to vector<1x16xf32>
          tpu.vector_store %arg7[%swap3A_1710, %swap3A_1711], %swap3A_1714 {strides = array<i32>} : memref<256x128xf32, #tpu.memory_space<vmem>>, vector<1x16xf32>,
          %add3A_1715 = arith.constant 192 : i32
          %add3A_1716 = arith.addi %add3A_1715, %add3A_1638 : i32
          %get3A_1717 = arith.index_cast %add3A_1716 : i32 to index
          %get3A_1718 = arith.constant 32 : index
          %get3A_1719 = tpu.vector_load %arg7[%get3A_1717, %get3A_1718] {strides = array<i32>} : memref<256x128xf32, #tpu.memory_space<vmem>>, vector<1x16xf32>,
          %get3A_1720 = vector.shape_cast %get3A_1719 : vector<1x16xf32> to vector<16xf32>
          %mul3A_1721 = arith.mulf %get3A_1720, %get3A_1686 : vector<16xf32>
          %add3A_1722 = arith.constant 192 : i32
          %add3A_1723 = arith.addi %add3A_1722, %add3A_1638 : i32
          %swap3A_1724 = arith.index_cast %add3A_1723 : i32 to index
          %swap3A_1725 = arith.constant 32 : index
          %swap3A_1726 = tpu.vector_load %arg7[%swap3A_1724, %swap3A_1725] {strides = array<i32>} : memref<256x128xf32, #tpu.memory_space<vmem>>, vector<1x16xf32>,
          %swap3A_1727 = vector.shape_cast %swap3A_1726 : vector<1x16xf32> to vector<16xf32>
          %swap3A_1728 = vector.shape_cast %mul3A_1721 : vector<16xf32> to vector<1x16xf32>
          tpu.vector_store %arg7[%swap3A_1724, %swap3A_1725], %swap3A_1728 {strides = array<i32>} : memref<256x128xf32, #tpu.memory_space<vmem>>, vector<1x16xf32>,
          %add3A_1729 = arith.constant 192 : i32
          %add3A_1730 = arith.addi %add3A_1729, %add3A_1638 : i32
          %get3A_1731 = arith.index_cast %add3A_1730 : i32 to index
          %get3A_1732 = arith.constant 48 : index
          %get3A_1733 = tpu.vector_load %arg7[%get3A_1731, %get3A_1732] {strides = array<i32>} : memref<256x128xf32, #tpu.memory_space<vmem>>, vector<1x16xf32>,
          %get3A_1734 = vector.shape_cast %get3A_1733 : vector<1x16xf32> to vector<16xf32>
          %mul3A_1735 = arith.mulf %get3A_1734, %get3A_1686 : vector<16xf32>
          %add3A_1736 = arith.constant 192 : i32
          %add3A_1737 = arith.addi %add3A_1736, %add3A_1638 : i32
          %swap3A_1738 = arith.index_cast %add3A_1737 : i32 to index
          %swap3A_1739 = arith.constant 48 : index
          %swap3A_1740 = tpu.vector_load %arg7[%swap3A_1738, %swap3A_1739] {strides = array<i32>} : memref<256x128xf32, #tpu.memory_space<vmem>>, vector<1x16xf32>,
          %swap3A_1741 = vector.shape_cast %swap3A_1740 : vector<1x16xf32> to vector<16xf32>
          %swap3A_1742 = vector.shape_cast %mul3A_1735 : vector<16xf32> to vector<1x16xf32>
          tpu.vector_store %arg7[%swap3A_1738, %swap3A_1739], %swap3A_1742 {strides = array<i32>} : memref<256x128xf32, #tpu.memory_space<vmem>>, vector<1x16xf32>,
          %add3A_1743 = arith.constant 192 : i32
          %add3A_1744 = arith.addi %add3A_1743, %add3A_1638 : i32
          %get3A_1745 = arith.index_cast %add3A_1744 : i32 to index
          %get3A_1746 = arith.constant 64 : index
          %get3A_1747 = tpu.vector_load %arg7[%get3A_1745, %get3A_1746] {strides = array<i32>} : memref<256x128xf32, #tpu.memory_space<vmem>>, vector<1x16xf32>,
          %get3A_1748 = vector.shape_cast %get3A_1747 : vector<1x16xf32> to vector<16xf32>
          %mul3A_1749 = arith.mulf %get3A_1748, %get3A_1686 : vector<16xf32>
          %add3A_1750 = arith.constant 192 : i32
          %add3A_1751 = arith.addi %add3A_1750, %add3A_1638 : i32
          %swap3A_1752 = arith.index_cast %add3A_1751 : i32 to index
          %swap3A_1753 = arith.constant 64 : index
          %swap3A_1754 = tpu.vector_load %arg7[%swap3A_1752, %swap3A_1753] {strides = array<i32>} : memref<256x128xf32, #tpu.memory_space<vmem>>, vector<1x16xf32>,
          %swap3A_1755 = vector.shape_cast %swap3A_1754 : vector<1x16xf32> to vector<16xf32>
          %swap3A_1756 = vector.shape_cast %mul3A_1749 : vector<16xf32> to vector<1x16xf32>
          tpu.vector_store %arg7[%swap3A_1752, %swap3A_1753], %swap3A_1756 {strides = array<i32>} : memref<256x128xf32, #tpu.memory_space<vmem>>, vector<1x16xf32>,
          %add3A_1757 = arith.constant 192 : i32
          %add3A_1758 = arith.addi %add3A_1757, %add3A_1638 : i32
          %get3A_1759 = arith.index_cast %add3A_1758 : i32 to index
          %get3A_1760 = arith.constant 80 : index
          %get3A_1761 = tpu.vector_load %arg7[%get3A_1759, %get3A_1760] {strides = array<i32>} : memref<256x128xf32, #tpu.memory_space<vmem>>, vector<1x16xf32>,
          %get3A_1762 = vector.shape_cast %get3A_1761 : vector<1x16xf32> to vector<16xf32>
          %mul3A_1763 = arith.mulf %get3A_1762, %get3A_1686 : vector<16xf32>
          %add3A_1764 = arith.constant 192 : i32
          %add3A_1765 = arith.addi %add3A_1764, %add3A_1638 : i32
          %swap3A_1766 = arith.index_cast %add3A_1765 : i32 to index
          %swap3A_1767 = arith.constant 80 : index
          %swap3A_1768 = tpu.vector_load %arg7[%swap3A_1766, %swap3A_1767] {strides = array<i32>} : memref<256x128xf32, #tpu.memory_space<vmem>>, vector<1x16xf32>,
          %swap3A_1769 = vector.shape_cast %swap3A_1768 : vector<1x16xf32> to vector<16xf32>
          %swap3A_1770 = vector.shape_cast %mul3A_1763 : vector<16xf32> to vector<1x16xf32>
          tpu.vector_store %arg7[%swap3A_1766, %swap3A_1767], %swap3A_1770 {strides = array<i32>} : memref<256x128xf32, #tpu.memory_space<vmem>>, vector<1x16xf32>,
          %add3A_1771 = arith.constant 192 : i32
          %add3A_1772 = arith.addi %add3A_1771, %add3A_1638 : i32
          %get3A_1773 = arith.index_cast %add3A_1772 : i32 to index
          %get3A_1774 = arith.constant 96 : index
          %get3A_1775 = tpu.vector_load %arg7[%get3A_1773, %get3A_1774] {strides = array<i32>} : memref<256x128xf32, #tpu.memory_space<vmem>>, vector<1x16xf32>,
          %get3A_1776 = vector.shape_cast %get3A_1775 : vector<1x16xf32> to vector<16xf32>
          %mul3A_1777 = arith.mulf %get3A_1776, %get3A_1686 : vector<16xf32>
          %add3A_1778 = arith.constant 192 : i32
          %add3A_1779 = arith.addi %add3A_1778, %add3A_1638 : i32
          %swap3A_1780 = arith.index_cast %add3A_1779 : i32 to index
          %swap3A_1781 = arith.constant 96 : index
          %swap3A_1782 = tpu.vector_load %arg7[%swap3A_1780, %swap3A_1781] {strides = array<i32>} : memref<256x128xf32, #tpu.memory_space<vmem>>, vector<1x16xf32>,
          %swap3A_1783 = vector.shape_cast %swap3A_1782 : vector<1x16xf32> to vector<16xf32>
          %swap3A_1784 = vector.shape_cast %mul3A_1777 : vector<16xf32> to vector<1x16xf32>
          tpu.vector_store %arg7[%swap3A_1780, %swap3A_1781], %swap3A_1784 {strides = array<i32>} : memref<256x128xf32, #tpu.memory_space<vmem>>, vector<1x16xf32>,
          %add3A_1785 = arith.constant 192 : i32
          %add3A_1786 = arith.addi %add3A_1785, %add3A_1638 : i32
          %get3A_1787 = arith.index_cast %add3A_1786 : i32 to index
          %get3A_1788 = arith.constant 112 : index
          %get3A_1789 = tpu.vector_load %arg7[%get3A_1787, %get3A_1788] {strides = array<i32>} : memref<256x128xf32, #tpu.memory_space<vmem>>, vector<1x16xf32>,
          %get3A_1790 = vector.shape_cast %get3A_1789 : vector<1x16xf32> to vector<16xf32>
          %mul3A_1791 = arith.mulf %get3A_1790, %get3A_1686 : vector<16xf32>
          %add3A_1792 = arith.constant 192 : i32
          %add3A_1793 = arith.addi %add3A_1792, %add3A_1638 : i32
          %swap3A_1794 = arith.index_cast %add3A_1793 : i32 to index
          %swap3A_1795 = arith.constant 112 : index
          %swap3A_1796 = tpu.vector_load %arg7[%swap3A_1794, %swap3A_1795] {strides = array<i32>} : memref<256x128xf32, #tpu.memory_space<vmem>>, vector<1x16xf32>,
          %swap3A_1797 = vector.shape_cast %swap3A_1796 : vector<1x16xf32> to vector<16xf32>
          %swap3A_1798 = vector.shape_cast %mul3A_1791 : vector<16xf32> to vector<1x16xf32>
          tpu.vector_store %arg7[%swap3A_1794, %swap3A_1795], %swap3A_1798 {strides = array<i32>} : memref<256x128xf32, #tpu.memory_space<vmem>>, vector<1x16xf32>,
          %mul3A_1799 = arith.constant 2 : i32
          %mul3A_1800 = arith.muli %scan3A_1633, %mul3A_1799 : i32
          %add3A_1801 = arith.constant 1 : i32
          %add3A_1802 = arith.addi %mul3A_1800, %add3A_1801 : i32
          %jit3A_1803 = arith.constant 8 : i32
          %div3A_1804 = arith.divsi %add3A_1802, %jit3A_1803 : i32
          %sign3A_1805 = arith.constant 0 : i32
          %sign3A_1806 = arith.cmpi sgt, %add3A_1802, %sign3A_1805 : i32
          %sign3A_1807 = arith.extui %sign3A_1806 : i1 to i32
          %sign3A_1808 = arith.constant 0 : i32
          %sign3A_1809 = arith.cmpi slt, %add3A_1802, %sign3A_1808 : i32
          %sign3A_1810 = arith.extui %sign3A_1809 : i1 to i32
          %sign3A_1811 = arith.subi %sign3A_1807, %sign3A_1810 : i32
          %sign3A_1812 = arith.constant 0 : i32
          %sign3A_1813 = arith.cmpi sgt, %jit3A_1803, %sign3A_1812 : i32
          %sign3A_1814 = arith.extui %sign3A_1813 : i1 to i32
          %sign3A_1815 = arith.constant 0 : i32
          %sign3A_1816 = arith.cmpi slt, %jit3A_1803, %sign3A_1815 : i32
          %sign3A_1817 = arith.extui %sign3A_1816 : i1 to i32
          %sign3A_1818 = arith.subi %sign3A_1814, %sign3A_1817 : i32
          %ne3A_1819 = arith.cmpi ne, %sign3A_1811, %sign3A_1818 : i32
          %rem3A_1820 = arith.remsi %add3A_1802, %jit3A_1803 : i32
          %ne3A_1821 = arith.constant 0 : i32
          %ne3A_1822 = arith.cmpi ne, %rem3A_1820, %ne3A_1821 : i32
          %and3A_1823 = arith.andi %ne3A_1819, %ne3A_1822 : i1
          %sub3A_1824 = arith.constant 1 : i32
          %sub3A_1825 = arith.subi %div3A_1804, %sub3A_1824 : i32
          %select_n3A_1826 = arith.select %and3A_1823, %sub3A_1825, %div3A_1804 : i32
          %add3A_1827 = arith.constant 24 : i32
          %add3A_1828 = arith.addi %add3A_1827, %select_n3A_1826 : i32
          %jit3A_1829 = arith.constant 8 : i32
          %eq3A_1830 = arith.constant 0 : i32
          %eq3A_1831 = arith.cmpi eq, %jit3A_1829, %eq3A_1830 : i32
          %jit3A_1832 = arith.constant 1 : i32
          %select_n3A_1833 = arith.select %eq3A_1831, %jit3A_1832, %jit3A_1829 : i32
          %rem3A_1834 = arith.remsi %add3A_1802, %select_n3A_1833 : i32
          %ne3A_1835 = arith.constant 0 : i32
          %ne3A_1836 = arith.cmpi ne, %rem3A_1834, %ne3A_1835 : i32
          %lt3A_1837 = arith.constant 0 : i32
          %lt3A_1838 = arith.cmpi slt, %rem3A_1834, %lt3A_1837 : i32
          %lt3A_1839 = arith.constant 0 : i32
          %lt3A_1840 = arith.cmpi slt, %select_n3A_1833, %lt3A_1839 : i32
          %ne3A_1841 = arith.xori %lt3A_1838, %lt3A_1840 : i1
          %and3A_1842 = arith.andi %ne3A_1841, %ne3A_1836 : i1
          %add3A_1843 = arith.addi %rem3A_1834, %select_n3A_1833 : i32
          %select_n3A_1844 = arith.select %and3A_1842, %add3A_1843, %rem3A_1834 : i32
          %mul3A_1845 = arith.constant 16 : i32
          %mul3A_1846 = arith.muli %select_n3A_1844, %mul3A_1845 : i32
          %get3A_1847 = arith.index_cast %add3A_1828 : i32 to index
          %get3A_1848 = arith.index_cast %mul3A_1846 : i32 to index
          %get3A_1849 = tpu.vector_load %arg8[%get3A_1847, %get3A_1848] {strides = array<i32>} : memref<32x128xf32, #tpu.memory_space<vmem>>, vector<1x16xf32>,
          %get3A_1850 = vector.shape_cast %get3A_1849 : vector<1x16xf32> to vector<16xf32>
          %add3A_1851 = arith.constant 192 : i32
          %add3A_1852 = arith.addi %add3A_1851, %add3A_1802 : i32
          %get3A_1853 = arith.index_cast %add3A_1852 : i32 to index
          %get3A_1854 = arith.constant 0 : index
          %get3A_1855 = tpu.vector_load %arg7[%get3A_1853, %get3A_1854] {strides = array<i32>} : memref<256x128xf32, #tpu.memory_space<vmem>>, vector<1x16xf32>,
          %get3A_1856 = vector.shape_cast %get3A_1855 : vector<1x16xf32> to vector<16xf32>
          %mul3A_1857 = arith.mulf %get3A_1856, %get3A_1850 : vector<16xf32>
          %add3A_1858 = arith.constant 192 : i32
          %add3A_1859 = arith.addi %add3A_1858, %add3A_1802 : i32
          %swap3A_1860 = arith.index_cast %add3A_1859 : i32 to index
          %swap3A_1861 = arith.constant 0 : index
          %swap3A_1862 = tpu.vector_load %arg7[%swap3A_1860, %swap3A_1861] {strides = array<i32>} : memref<256x128xf32, #tpu.memory_space<vmem>>, vector<1x16xf32>,
          %swap3A_1863 = vector.shape_cast %swap3A_1862 : vector<1x16xf32> to vector<16xf32>
          %swap3A_1864 = vector.shape_cast %mul3A_1857 : vector<16xf32> to vector<1x16xf32>
          tpu.vector_store %arg7[%swap3A_1860, %swap3A_1861], %swap3A_1864 {strides = array<i32>} : memref<256x128xf32, #tpu.memory_space<vmem>>, vector<1x16xf32>,
          %add3A_1865 = arith.constant 192 : i32
          %add3A_1866 = arith.addi %add3A_1865, %add3A_1802 : i32
          %get3A_1867 = arith.index_cast %add3A_1866 : i32 to index
          %get3A_1868 = arith.constant 16 : index
          %get3A_1869 = tpu.vector_load %arg7[%get3A_1867, %get3A_1868] {strides = array<i32>} : memref<256x128xf32, #tpu.memory_space<vmem>>, vector<1x16xf32>,
          %get3A_1870 = vector.shape_cast %get3A_1869 : vector<1x16xf32> to vector<16xf32>
          %mul3A_1871 = arith.mulf %get3A_1870, %get3A_1850 : vector<16xf32>
          %add3A_1872 = arith.constant 192 : i32
          %add3A_1873 = arith.addi %add3A_1872, %add3A_1802 : i32
          %swap3A_1874 = arith.index_cast %add3A_1873 : i32 to index
          %swap3A_1875 = arith.constant 16 : index
          %swap3A_1876 = tpu.vector_load %arg7[%swap3A_1874, %swap3A_1875] {strides = array<i32>} : memref<256x128xf32, #tpu.memory_space<vmem>>, vector<1x16xf32>,
          %swap3A_1877 = vector.shape_cast %swap3A_1876 : vector<1x16xf32> to vector<16xf32>
          %swap3A_1878 = vector.shape_cast %mul3A_1871 : vector<16xf32> to vector<1x16xf32>
          tpu.vector_store %arg7[%swap3A_1874, %swap3A_1875], %swap3A_1878 {strides = array<i32>} : memref<256x128xf32, #tpu.memory_space<vmem>>, vector<1x16xf32>,
          %add3A_1879 = arith.constant 192 : i32
          %add3A_1880 = arith.addi %add3A_1879, %add3A_1802 : i32
          %get3A_1881 = arith.index_cast %add3A_1880 : i32 to index
          %get3A_1882 = arith.constant 32 : index
          %get3A_1883 = tpu.vector_load %arg7[%get3A_1881, %get3A_1882] {strides = array<i32>} : memref<256x128xf32, #tpu.memory_space<vmem>>, vector<1x16xf32>,
          %get3A_1884 = vector.shape_cast %get3A_1883 : vector<1x16xf32> to vector<16xf32>
          %mul3A_1885 = arith.mulf %get3A_1884, %get3A_1850 : vector<16xf32>
          %add3A_1886 = arith.constant 192 : i32
          %add3A_1887 = arith.addi %add3A_1886, %add3A_1802 : i32
          %swap3A_1888 = arith.index_cast %add3A_1887 : i32 to index
          %swap3A_1889 = arith.constant 32 : index
          %swap3A_1890 = tpu.vector_load %arg7[%swap3A_1888, %swap3A_1889] {strides = array<i32>} : memref<256x128xf32, #tpu.memory_space<vmem>>, vector<1x16xf32>,
          %swap3A_1891 = vector.shape_cast %swap3A_1890 : vector<1x16xf32> to vector<16xf32>
          %swap3A_1892 = vector.shape_cast %mul3A_1885 : vector<16xf32> to vector<1x16xf32>
          tpu.vector_store %arg7[%swap3A_1888, %swap3A_1889], %swap3A_1892 {strides = array<i32>} : memref<256x128xf32, #tpu.memory_space<vmem>>, vector<1x16xf32>,
          %add3A_1893 = arith.constant 192 : i32
          %add3A_1894 = arith.addi %add3A_1893, %add3A_1802 : i32
          %get3A_1895 = arith.index_cast %add3A_1894 : i32 to index
          %get3A_1896 = arith.constant 48 : index
          %get3A_1897 = tpu.vector_load %arg7[%get3A_1895, %get3A_1896] {strides = array<i32>} : memref<256x128xf32, #tpu.memory_space<vmem>>, vector<1x16xf32>,
          %get3A_1898 = vector.shape_cast %get3A_1897 : vector<1x16xf32> to vector<16xf32>
          %mul3A_1899 = arith.mulf %get3A_1898, %get3A_1850 : vector<16xf32>
          %add3A_1900 = arith.constant 192 : i32
          %add3A_1901 = arith.addi %add3A_1900, %add3A_1802 : i32
          %swap3A_1902 = arith.index_cast %add3A_1901 : i32 to index
          %swap3A_1903 = arith.constant 48 : index
          %swap3A_1904 = tpu.vector_load %arg7[%swap3A_1902, %swap3A_1903] {strides = array<i32>} : memref<256x128xf32, #tpu.memory_space<vmem>>, vector<1x16xf32>,
          %swap3A_1905 = vector.shape_cast %swap3A_1904 : vector<1x16xf32> to vector<16xf32>
          %swap3A_1906 = vector.shape_cast %mul3A_1899 : vector<16xf32> to vector<1x16xf32>
          tpu.vector_store %arg7[%swap3A_1902, %swap3A_1903], %swap3A_1906 {strides = array<i32>} : memref<256x128xf32, #tpu.memory_space<vmem>>, vector<1x16xf32>,
          %add3A_1907 = arith.constant 192 : i32
          %add3A_1908 = arith.addi %add3A_1907, %add3A_1802 : i32
          %get3A_1909 = arith.index_cast %add3A_1908 : i32 to index
          %get3A_1910 = arith.constant 64 : index
          %get3A_1911 = tpu.vector_load %arg7[%get3A_1909, %get3A_1910] {strides = array<i32>} : memref<256x128xf32, #tpu.memory_space<vmem>>, vector<1x16xf32>,
          %get3A_1912 = vector.shape_cast %get3A_1911 : vector<1x16xf32> to vector<16xf32>
          %mul3A_1913 = arith.mulf %get3A_1912, %get3A_1850 : vector<16xf32>
          %add3A_1914 = arith.constant 192 : i32
          %add3A_1915 = arith.addi %add3A_1914, %add3A_1802 : i32
          %swap3A_1916 = arith.index_cast %add3A_1915 : i32 to index
          %swap3A_1917 = arith.constant 64 : index
          %swap3A_1918 = tpu.vector_load %arg7[%swap3A_1916, %swap3A_1917] {strides = array<i32>} : memref<256x128xf32, #tpu.memory_space<vmem>>, vector<1x16xf32>,
          %swap3A_1919 = vector.shape_cast %swap3A_1918 : vector<1x16xf32> to vector<16xf32>
          %swap3A_1920 = vector.shape_cast %mul3A_1913 : vector<16xf32> to vector<1x16xf32>
          tpu.vector_store %arg7[%swap3A_1916, %swap3A_1917], %swap3A_1920 {strides = array<i32>} : memref<256x128xf32, #tpu.memory_space<vmem>>, vector<1x16xf32>,
          %add3A_1921 = arith.constant 192 : i32
          %add3A_1922 = arith.addi %add3A_1921, %add3A_1802 : i32
          %get3A_1923 = arith.index_cast %add3A_1922 : i32 to index
          %get3A_1924 = arith.constant 80 : index
          %get3A_1925 = tpu.vector_load %arg7[%get3A_1923, %get3A_1924] {strides = array<i32>} : memref<256x128xf32, #tpu.memory_space<vmem>>, vector<1x16xf32>,
          %get3A_1926 = vector.shape_cast %get3A_1925 : vector<1x16xf32> to vector<16xf32>
          %mul3A_1927 = arith.mulf %get3A_1926, %get3A_1850 : vector<16xf32>
          %add3A_1928 = arith.constant 192 : i32
          %add3A_1929 = arith.addi %add3A_1928, %add3A_1802 : i32
          %swap3A_1930 = arith.index_cast %add3A_1929 : i32 to index
          %swap3A_1931 = arith.constant 80 : index
          %swap3A_1932 = tpu.vector_load %arg7[%swap3A_1930, %swap3A_1931] {strides = array<i32>} : memref<256x128xf32, #tpu.memory_space<vmem>>, vector<1x16xf32>,
          %swap3A_1933 = vector.shape_cast %swap3A_1932 : vector<1x16xf32> to vector<16xf32>
          %swap3A_1934 = vector.shape_cast %mul3A_1927 : vector<16xf32> to vector<1x16xf32>
          tpu.vector_store %arg7[%swap3A_1930, %swap3A_1931], %swap3A_1934 {strides = array<i32>} : memref<256x128xf32, #tpu.memory_space<vmem>>, vector<1x16xf32>,
          %add3A_1935 = arith.constant 192 : i32
          %add3A_1936 = arith.addi %add3A_1935, %add3A_1802 : i32
          %get3A_1937 = arith.index_cast %add3A_1936 : i32 to index
          %get3A_1938 = arith.constant 96 : index
          %get3A_1939 = tpu.vector_load %arg7[%get3A_1937, %get3A_1938] {strides = array<i32>} : memref<256x128xf32, #tpu.memory_space<vmem>>, vector<1x16xf32>,
          %get3A_1940 = vector.shape_cast %get3A_1939 : vector<1x16xf32> to vector<16xf32>
          %mul3A_1941 = arith.mulf %get3A_1940, %get3A_1850 : vector<16xf32>
          %add3A_1942 = arith.constant 192 : i32
          %add3A_1943 = arith.addi %add3A_1942, %add3A_1802 : i32
          %swap3A_1944 = arith.index_cast %add3A_1943 : i32 to index
          %swap3A_1945 = arith.constant 96 : index
          %swap3A_1946 = tpu.vector_load %arg7[%swap3A_1944, %swap3A_1945] {strides = array<i32>} : memref<256x128xf32, #tpu.memory_space<vmem>>, vector<1x16xf32>,
          %swap3A_1947 = vector.shape_cast %swap3A_1946 : vector<1x16xf32> to vector<16xf32>
          %swap3A_1948 = vector.shape_cast %mul3A_1941 : vector<16xf32> to vector<1x16xf32>
          tpu.vector_store %arg7[%swap3A_1944, %swap3A_1945], %swap3A_1948 {strides = array<i32>} : memref<256x128xf32, #tpu.memory_space<vmem>>, vector<1x16xf32>,
          %add3A_1949 = arith.constant 192 : i32
          %add3A_1950 = arith.addi %add3A_1949, %add3A_1802 : i32
          %get3A_1951 = arith.index_cast %add3A_1950 : i32 to index
          %get3A_1952 = arith.constant 112 : index
          %get3A_1953 = tpu.vector_load %arg7[%get3A_1951, %get3A_1952] {strides = array<i32>} : memref<256x128xf32, #tpu.memory_space<vmem>>, vector<1x16xf32>,
          %get3A_1954 = vector.shape_cast %get3A_1953 : vector<1x16xf32> to vector<16xf32>
          %mul3A_1955 = arith.mulf %get3A_1954, %get3A_1850 : vector<16xf32>
          %add3A_1956 = arith.constant 192 : i32
          %add3A_1957 = arith.addi %add3A_1956, %add3A_1802 : i32
          %swap3A_1958 = arith.index_cast %add3A_1957 : i32 to index
          %swap3A_1959 = arith.constant 112 : index
          %swap3A_1960 = tpu.vector_load %arg7[%swap3A_1958, %swap3A_1959] {strides = array<i32>} : memref<256x128xf32, #tpu.memory_space<vmem>>, vector<1x16xf32>,
          %swap3A_1961 = vector.shape_cast %swap3A_1960 : vector<1x16xf32> to vector<16xf32>
          %swap3A_1962 = vector.shape_cast %mul3A_1955 : vector<16xf32> to vector<1x16xf32>
          tpu.vector_store %arg7[%swap3A_1958, %swap3A_1959], %swap3A_1962 {strides = array<i32>} : memref<256x128xf32, #tpu.memory_space<vmem>>, vector<1x16xf32>,
          %scan3A_1963 = arith.constant 0 : i32
          scf.yield %scan3A_1963 : i32
        }
        %scan3A_1165 = arith.constant 32 : i32
        %dma_start3A_1166 = arith.constant 3 : i32
        %dma_start3A_1167 = arith.constant 192 : i32
        %dma_start3A_1168 = arith.constant 0 : i32
        %dma_start3A_1169 = tpu.memref_slice %arg7[%dma_start3A_1167, %dma_start3A_1168] : memref<256x128xf32, #tpu.memory_space<vmem>> -> memref<64x128xf32, #tpu.memory_space<vmem>>
        %dma_start3A_1170 = arith.constant 0 : i32
        %dma_start3A_1171 = tpu.memref_slice %arg10[%dma_start3A_1166, %dma_start3A_1170] : memref<4x64xi32, #tpu.memory_space<vmem>> -> memref<1x64xi32, #tpu.memory_space<vmem>>
        %dma_start3A_1172 = tpu.memref_squeeze %dma_start3A_1171 : memref<1x64xi32, #tpu.memory_space<vmem>> -> memref<64xi32, #tpu.memory_space<vmem>>
        %dma_start3A_1173 = arith.constant 0 : i32
        %dma_start3A_1174 = arith.constant 0 : i32
        %dma_start3A_1175 = tpu.memref_slice %arg11[%dma_start3A_1173, %dma_start3A_1174] : memref<10240x128xf32, #tpu.memory_space<vmem_shared>> -> memref<10240x128xf32, #tpu.memory_space<vmem_shared>>
        tpu.enqueue_indirect_dma source(%dma_start3A_1169 : memref<64x128xf32, #tpu.memory_space<vmem>>) target(%dma_start3A_1175 : memref<10240x128xf32, #tpu.memory_space<vmem_shared>>) offsets(%dma_start3A_1172 : memref<64xi32, #tpu.memory_space<vmem>>) semaphore(%arg23 : memref<!tpu.dma_semaphore, #tpu.memory_space<semaphore_mem>>) {add = true}
        %mul3A_1176 = arith.constant 4 : i32
        %mul3A_1177 = arith.muli %mul3A_1176, %scan3A_727 : i32
        %add3A_1178 = arith.constant 2 : i32
        %add3A_1179 = arith.addi %add3A_1178, %mul3A_1177 : i32
        %add3A_1180 = arith.constant 2 : i32
        %add3A_1181 = arith.addi %add3A_1179, %add3A_1180 : i32
        %dma_wait3A_1182 = arith.constant 2 : i32
        %dma_wait3A_1183 = arith.constant 128 : i32
        %dma_wait3A_1184 = arith.constant 0 : i32
        %dma_wait3A_1185 = tpu.memref_slice %arg7[%dma_wait3A_1183, %dma_wait3A_1184] : memref<256x128xf32, #tpu.memory_space<vmem>> -> memref<64x128xf32, #tpu.memory_space<vmem>>
        %dma_wait3A_1186 = arith.constant 0 : i32
        %dma_wait3A_1187 = tpu.memref_slice %arg10[%dma_wait3A_1182, %dma_wait3A_1186] : memref<4x64xi32, #tpu.memory_space<vmem>> -> memref<1x64xi32, #tpu.memory_space<vmem>>
        %dma_wait3A_1188 = tpu.memref_squeeze %dma_wait3A_1187 : memref<1x64xi32, #tpu.memory_space<vmem>> -> memref<64xi32, #tpu.memory_space<vmem>>
        %dma_wait3A_1189 = arith.constant 0 : i32
        %dma_wait3A_1190 = arith.constant 0 : i32
        %dma_wait3A_1191 = tpu.memref_slice %arg11[%dma_wait3A_1189, %dma_wait3A_1190] : memref<10240x128xf32, #tpu.memory_space<vmem_shared>> -> memref<10240x128xf32, #tpu.memory_space<vmem_shared>>
        tpu.wait_indirect_dma semaphore(%arg22 : memref<!tpu.dma_semaphore, #tpu.memory_space<semaphore_mem>>) src(%dma_wait3A_1185 : memref<64x128xf32, #tpu.memory_space<vmem>>) dst(%dma_wait3A_1191 : memref<10240x128xf32, #tpu.memory_space<vmem_shared>>)
        %add3A_1192 = arith.constant 2 : i32
        %add3A_1193 = arith.addi %add3A_1181, %add3A_1192 : i32
        %jit3A_1194 = arith.constant 2 : i32
        %div3A_1195 = arith.divsi %add3A_1193, %jit3A_1194 : i32
        %sign3A_1196 = arith.constant 0 : i32
        %sign3A_1197 = arith.cmpi sgt, %add3A_1193, %sign3A_1196 : i32
        %sign3A_1198 = arith.extui %sign3A_1197 : i1 to i32
        %sign3A_1199 = arith.constant 0 : i32
        %sign3A_1200 = arith.cmpi slt, %add3A_1193, %sign3A_1199 : i32
        %sign3A_1201 = arith.extui %sign3A_1200 : i1 to i32
        %sign3A_1202 = arith.subi %sign3A_1198, %sign3A_1201 : i32
        %sign3A_1203 = arith.constant 0 : i32
        %sign3A_1204 = arith.cmpi sgt, %jit3A_1194, %sign3A_1203 : i32
        %sign3A_1205 = arith.extui %sign3A_1204 : i1 to i32
        %sign3A_1206 = arith.constant 0 : i32
        %sign3A_1207 = arith.cmpi slt, %jit3A_1194, %sign3A_1206 : i32
        %sign3A_1208 = arith.extui %sign3A_1207 : i1 to i32
        %sign3A_1209 = arith.subi %sign3A_1205, %sign3A_1208 : i32
        %ne3A_1210 = arith.cmpi ne, %sign3A_1202, %sign3A_1209 : i32
        %rem3A_1211 = arith.remsi %add3A_1193, %jit3A_1194 : i32
        %ne3A_1212 = arith.constant 0 : i32
        %ne3A_1213 = arith.cmpi ne, %rem3A_1211, %ne3A_1212 : i32
        %and3A_1214 = arith.andi %ne3A_1210, %ne3A_1213 : i1
        %sub3A_1215 = arith.constant 1 : i32
        %sub3A_1216 = arith.subi %div3A_1195, %sub3A_1215 : i32
        %select_n3A_1217 = arith.select %and3A_1214, %sub3A_1216, %div3A_1195 : i32
        %jit3A_1218 = arith.constant 2 : i32
        %eq3A_1219 = arith.constant 0 : i32
        %eq3A_1220 = arith.cmpi eq, %jit3A_1218, %eq3A_1219 : i32
        %jit3A_1221 = arith.constant 1 : i32
        %select_n3A_1222 = arith.select %eq3A_1220, %jit3A_1221, %jit3A_1218 : i32
        %rem3A_1223 = arith.remsi %add3A_1193, %select_n3A_1222 : i32
        %ne3A_1224 = arith.constant 0 : i32
        %ne3A_1225 = arith.cmpi ne, %rem3A_1223, %ne3A_1224 : i32
        %lt3A_1226 = arith.constant 0 : i32
        %lt3A_1227 = arith.cmpi slt, %rem3A_1223, %lt3A_1226 : i32
        %lt3A_1228 = arith.constant 0 : i32
        %lt3A_1229 = arith.cmpi slt, %select_n3A_1222, %lt3A_1228 : i32
        %ne3A_1230 = arith.xori %lt3A_1227, %lt3A_1229 : i1
        %and3A_1231 = arith.andi %ne3A_1230, %ne3A_1225 : i1
        %add3A_1232 = arith.addi %rem3A_1223, %select_n3A_1222 : i32
        %select_n3A_1233 = arith.select %and3A_1231, %add3A_1232, %rem3A_1223 : i32
        %mul3A_1234 = arith.constant 64 : i32
        %mul3A_1235 = arith.muli %select_n3A_1233, %mul3A_1234 : i32
        %add3A_1236 = arith.constant 0 : i32
        %add3A_1237 = arith.addi %mul3A_1235, %add3A_1236 : i32
        %get3A_1238 = arith.index_cast %select_n3A_1217 : i32 to index
        %get3A_1239 = arith.index_cast %add3A_1237 : i32 to index
        %get3A_1240 = tpu.vector_load %arg6[%get3A_1238, %get3A_1239] {strides = array<i32>} : memref<80x128xi32, #tpu.memory_space<vmem>>, vector<1x16xi32>,
        %get3A_1241 = vector.shape_cast %get3A_1240 : vector<1x16xi32> to vector<16xi32>
        %and3A_1242 = arith.constant 65535 : i32
        %and3A_1243 = vector.broadcast %and3A_1242 : i32 to vector<16xi32>
        %and3A_1244 = arith.andi %get3A_1241, %and3A_1243 : vector<16xi32>
        %add3A_1245 = vector.broadcast %mul3A_4 : i32 to vector<16xi32>
        %add3A_1246 = arith.addi %and3A_1244, %add3A_1245 : vector<16xi32>
        %swap3A_1247 = arith.constant 2 : i32
        %swap3A_1248 = arith.index_cast %swap3A_1247 : i32 to index
        %swap3A_1249 = arith.constant 0 : index
        %swap3A_1250 = tpu.vector_load %arg9[%swap3A_1248, %swap3A_1249] {strides = array<i32>} : memref<4x64xi32, #tpu.memory_space<vmem>>, vector<1x16xi32>,
        %swap3A_1251 = vector.shape_cast %swap3A_1250 : vector<1x16xi32> to vector<16xi32>
        %swap3A_1252 = vector.shape_cast %add3A_1246 : vector<16xi32> to vector<1x16xi32>
        tpu.vector_store %arg9[%swap3A_1248, %swap3A_1249], %swap3A_1252 {strides = array<i32>} : memref<4x64xi32, #tpu.memory_space<vmem>>, vector<1x16xi32>,
        %shift_right_logical3A_1253 = arith.constant 16 : i32
        %shift_right_logical3A_1254 = vector.broadcast %shift_right_logical3A_1253 : i32 to vector<16xi32>
        %shift_right_logical3A_1255 = arith.shrui %get3A_1241, %shift_right_logical3A_1254 : vector<16xi32>
        %swap3A_1256 = arith.constant 2 : i32
        %swap3A_1257 = arith.index_cast %swap3A_1256 : i32 to index
        %swap3A_1258 = arith.constant 0 : index
        %swap3A_1259 = tpu.vector_load %arg10[%swap3A_1257, %swap3A_1258] {strides = array<i32>} : memref<4x64xi32, #tpu.memory_space<vmem>>, vector<1x16xi32>,
        %swap3A_1260 = vector.shape_cast %swap3A_1259 : vector<1x16xi32> to vector<16xi32>
        %swap3A_1261 = vector.shape_cast %shift_right_logical3A_1255 : vector<16xi32> to vector<1x16xi32>
        tpu.vector_store %arg10[%swap3A_1257, %swap3A_1258], %swap3A_1261 {strides = array<i32>} : memref<4x64xi32, #tpu.memory_space<vmem>>, vector<1x16xi32>,
        %add3A_1262 = arith.constant 16 : i32
        %add3A_1263 = arith.addi %mul3A_1235, %add3A_1262 : i32
        %get3A_1264 = arith.index_cast %select_n3A_1217 : i32 to index
        %get3A_1265 = arith.index_cast %add3A_1263 : i32 to index
        %get3A_1266 = tpu.vector_load %arg6[%get3A_1264, %get3A_1265] {strides = array<i32>} : memref<80x128xi32, #tpu.memory_space<vmem>>, vector<1x16xi32>,
        %get3A_1267 = vector.shape_cast %get3A_1266 : vector<1x16xi32> to vector<16xi32>
        %and3A_1268 = arith.constant 65535 : i32
        %and3A_1269 = vector.broadcast %and3A_1268 : i32 to vector<16xi32>
        %and3A_1270 = arith.andi %get3A_1267, %and3A_1269 : vector<16xi32>
        %add3A_1271 = vector.broadcast %mul3A_4 : i32 to vector<16xi32>
        %add3A_1272 = arith.addi %and3A_1270, %add3A_1271 : vector<16xi32>
        %swap3A_1273 = arith.constant 2 : i32
        %swap3A_1274 = arith.index_cast %swap3A_1273 : i32 to index
        %swap3A_1275 = arith.constant 16 : index
        %swap3A_1276 = tpu.vector_load %arg9[%swap3A_1274, %swap3A_1275] {strides = array<i32>} : memref<4x64xi32, #tpu.memory_space<vmem>>, vector<1x16xi32>,
        %swap3A_1277 = vector.shape_cast %swap3A_1276 : vector<1x16xi32> to vector<16xi32>
        %swap3A_1278 = vector.shape_cast %add3A_1272 : vector<16xi32> to vector<1x16xi32>
        tpu.vector_store %arg9[%swap3A_1274, %swap3A_1275], %swap3A_1278 {strides = array<i32>} : memref<4x64xi32, #tpu.memory_space<vmem>>, vector<1x16xi32>,
        %shift_right_logical3A_1279 = arith.constant 16 : i32
        %shift_right_logical3A_1280 = vector.broadcast %shift_right_logical3A_1279 : i32 to vector<16xi32>
        %shift_right_logical3A_1281 = arith.shrui %get3A_1267, %shift_right_logical3A_1280 : vector<16xi32>
        %swap3A_1282 = arith.constant 2 : i32
        %swap3A_1283 = arith.index_cast %swap3A_1282 : i32 to index
        %swap3A_1284 = arith.constant 16 : index
        %swap3A_1285 = tpu.vector_load %arg10[%swap3A_1283, %swap3A_1284] {strides = array<i32>} : memref<4x64xi32, #tpu.memory_space<vmem>>, vector<1x16xi32>,
        %swap3A_1286 = vector.shape_cast %swap3A_1285 : vector<1x16xi32> to vector<16xi32>
        %swap3A_1287 = vector.shape_cast %shift_right_logical3A_1281 : vector<16xi32> to vector<1x16xi32>
        tpu.vector_store %arg10[%swap3A_1283, %swap3A_1284], %swap3A_1287 {strides = array<i32>} : memref<4x64xi32, #tpu.memory_space<vmem>>, vector<1x16xi32>,
        %add3A_1288 = arith.constant 32 : i32
        %add3A_1289 = arith.addi %mul3A_1235, %add3A_1288 : i32
        %get3A_1290 = arith.index_cast %select_n3A_1217 : i32 to index
        %get3A_1291 = arith.index_cast %add3A_1289 : i32 to index
        %get3A_1292 = tpu.vector_load %arg6[%get3A_1290, %get3A_1291] {strides = array<i32>} : memref<80x128xi32, #tpu.memory_space<vmem>>, vector<1x16xi32>,
        %get3A_1293 = vector.shape_cast %get3A_1292 : vector<1x16xi32> to vector<16xi32>
        %and3A_1294 = arith.constant 65535 : i32
        %and3A_1295 = vector.broadcast %and3A_1294 : i32 to vector<16xi32>
        %and3A_1296 = arith.andi %get3A_1293, %and3A_1295 : vector<16xi32>
        %add3A_1297 = vector.broadcast %mul3A_4 : i32 to vector<16xi32>
        %add3A_1298 = arith.addi %and3A_1296, %add3A_1297 : vector<16xi32>
        %swap3A_1299 = arith.constant 2 : i32
        %swap3A_1300 = arith.index_cast %swap3A_1299 : i32 to index
        %swap3A_1301 = arith.constant 32 : index
        %swap3A_1302 = tpu.vector_load %arg9[%swap3A_1300, %swap3A_1301] {strides = array<i32>} : memref<4x64xi32, #tpu.memory_space<vmem>>, vector<1x16xi32>,
        %swap3A_1303 = vector.shape_cast %swap3A_1302 : vector<1x16xi32> to vector<16xi32>
        %swap3A_1304 = vector.shape_cast %add3A_1298 : vector<16xi32> to vector<1x16xi32>
        tpu.vector_store %arg9[%swap3A_1300, %swap3A_1301], %swap3A_1304 {strides = array<i32>} : memref<4x64xi32, #tpu.memory_space<vmem>>, vector<1x16xi32>,
        %shift_right_logical3A_1305 = arith.constant 16 : i32
        %shift_right_logical3A_1306 = vector.broadcast %shift_right_logical3A_1305 : i32 to vector<16xi32>
        %shift_right_logical3A_1307 = arith.shrui %get3A_1293, %shift_right_logical3A_1306 : vector<16xi32>
        %swap3A_1308 = arith.constant 2 : i32
        %swap3A_1309 = arith.index_cast %swap3A_1308 : i32 to index
        %swap3A_1310 = arith.constant 32 : index
        %swap3A_1311 = tpu.vector_load %arg10[%swap3A_1309, %swap3A_1310] {strides = array<i32>} : memref<4x64xi32, #tpu.memory_space<vmem>>, vector<1x16xi32>,
        %swap3A_1312 = vector.shape_cast %swap3A_1311 : vector<1x16xi32> to vector<16xi32>
        %swap3A_1313 = vector.shape_cast %shift_right_logical3A_1307 : vector<16xi32> to vector<1x16xi32>
        tpu.vector_store %arg10[%swap3A_1309, %swap3A_1310], %swap3A_1313 {strides = array<i32>} : memref<4x64xi32, #tpu.memory_space<vmem>>, vector<1x16xi32>,
        %add3A_1314 = arith.constant 48 : i32
        %add3A_1315 = arith.addi %mul3A_1235, %add3A_1314 : i32
        %get3A_1316 = arith.index_cast %select_n3A_1217 : i32 to index
        %get3A_1317 = arith.index_cast %add3A_1315 : i32 to index
        %get3A_1318 = tpu.vector_load %arg6[%get3A_1316, %get3A_1317] {strides = array<i32>} : memref<80x128xi32, #tpu.memory_space<vmem>>, vector<1x16xi32>,
        %get3A_1319 = vector.shape_cast %get3A_1318 : vector<1x16xi32> to vector<16xi32>
        %and3A_1320 = arith.constant 65535 : i32
        %and3A_1321 = vector.broadcast %and3A_1320 : i32 to vector<16xi32>
        %and3A_1322 = arith.andi %get3A_1319, %and3A_1321 : vector<16xi32>
        %add3A_1323 = vector.broadcast %mul3A_4 : i32 to vector<16xi32>
        %add3A_1324 = arith.addi %and3A_1322, %add3A_1323 : vector<16xi32>
        %swap3A_1325 = arith.constant 2 : i32
        %swap3A_1326 = arith.index_cast %swap3A_1325 : i32 to index
        %swap3A_1327 = arith.constant 48 : index
        %swap3A_1328 = tpu.vector_load %arg9[%swap3A_1326, %swap3A_1327] {strides = array<i32>} : memref<4x64xi32, #tpu.memory_space<vmem>>, vector<1x16xi32>,
        %swap3A_1329 = vector.shape_cast %swap3A_1328 : vector<1x16xi32> to vector<16xi32>
        %swap3A_1330 = vector.shape_cast %add3A_1324 : vector<16xi32> to vector<1x16xi32>
        tpu.vector_store %arg9[%swap3A_1326, %swap3A_1327], %swap3A_1330 {strides = array<i32>} : memref<4x64xi32, #tpu.memory_space<vmem>>, vector<1x16xi32>,
        %shift_right_logical3A_1331 = arith.constant 16 : i32
        %shift_right_logical3A_1332 = vector.broadcast %shift_right_logical3A_1331 : i32 to vector<16xi32>
        %shift_right_logical3A_1333 = arith.shrui %get3A_1319, %shift_right_logical3A_1332 : vector<16xi32>
        %swap3A_1334 = arith.constant 2 : i32
        %swap3A_1335 = arith.index_cast %swap3A_1334 : i32 to index
        %swap3A_1336 = arith.constant 48 : index
        %swap3A_1337 = tpu.vector_load %arg10[%swap3A_1335, %swap3A_1336] {strides = array<i32>} : memref<4x64xi32, #tpu.memory_space<vmem>>, vector<1x16xi32>,
        %swap3A_1338 = vector.shape_cast %swap3A_1337 : vector<1x16xi32> to vector<16xi32>
        %swap3A_1339 = vector.shape_cast %shift_right_logical3A_1333 : vector<16xi32> to vector<1x16xi32>
        tpu.vector_store %arg10[%swap3A_1335, %swap3A_1336], %swap3A_1339 {strides = array<i32>} : memref<4x64xi32, #tpu.memory_space<vmem>>, vector<1x16xi32>,
        %add3A_1340 = arith.constant 2 : i32
        %add3A_1341 = arith.addi %add3A_1181, %add3A_1340 : i32
        %dma_start3A_1342 = arith.constant 2 : i32
        %dma_start3A_1343 = arith.constant 128 : i32
        %dma_start3A_1344 = arith.constant 0 : i32
        %dma_start3A_1345 = tpu.memref_slice %arg7[%dma_start3A_1343, %dma_start3A_1344] : memref<256x128xf32, #tpu.memory_space<vmem>> -> memref<64x128xf32, #tpu.memory_space<vmem>>
        %dma_start3A_1346 = arith.constant 0 : i32
        %dma_start3A_1347 = tpu.memref_slice %arg9[%dma_start3A_1342, %dma_start3A_1346] : memref<4x64xi32, #tpu.memory_space<vmem>> -> memref<1x64xi32, #tpu.memory_space<vmem>>
        %dma_start3A_1348 = tpu.memref_squeeze %dma_start3A_1347 : memref<1x64xi32, #tpu.memory_space<vmem>> -> memref<64xi32, #tpu.memory_space<vmem>>
        %dma_start3A_1349 = arith.constant 0 : i32
        %dma_start3A_1350 = arith.constant 0 : i32
        %dma_start3A_1351 = tpu.memref_slice %arg5[%dma_start3A_1349, %dma_start3A_1350] : memref<20480x128xf32, #tpu.memory_space<hbm>> -> memref<20480x128xf32, #tpu.memory_space<hbm>>
        tpu.enqueue_indirect_dma source(%dma_start3A_1351 : memref<20480x128xf32, #tpu.memory_space<hbm>>) target(%dma_start3A_1345 : memref<64x128xf32, #tpu.memory_space<vmem>>) offsets(%dma_start3A_1348 : memref<64xi32, #tpu.memory_space<vmem>>) semaphore(%arg14 : memref<!tpu.dma_semaphore, #tpu.memory_space<semaphore_mem>>)
        %add3A_1352 = arith.addi %mul3A_6, %add3A_1341 : i32
        %mul3A_1353 = arith.constant 8 : i32
        %mul3A_1354 = arith.muli %add3A_1352, %mul3A_1353 : i32
        %dma_start3A_1355 = arith.constant 16 : i32
        %dma_start3A_1356 = arith.constant 0 : i32
        %dma_start3A_1357 = tpu.memref_slice %arg8[%dma_start3A_1355, %dma_start3A_1356] : memref<32x128xf32, #tpu.memory_space<vmem>> -> memref<8x128xf32, #tpu.memory_space<vmem>>
        %dma_start3A_1358 = arith.constant 0 : i32
        %dma_start3A_1359 = tpu.memref_slice %arg4[%mul3A_1354, %dma_start3A_1358] : memref<20480x128xf32, #tpu.memory_space<hbm>> -> memref<8x128xf32, #tpu.memory_space<hbm>>
        %dma_start3A_1360 = arith.constant 16 : i32
        %dma_start3A_1361 = arith.constant 0 : i32
        %dma_start3A_1362 = tpu.memref_slice %arg8[%dma_start3A_1360, %dma_start3A_1361] : memref<32x128xf32, #tpu.memory_space<vmem>> -> memref<8x128xf32, #tpu.memory_space<vmem>>
        %dma_start3A_1363 = arith.constant 0 : i32
        %dma_start3A_1364 = tpu.memref_slice %arg4[%mul3A_1354, %dma_start3A_1363] : memref<20480x128xf32, #tpu.memory_space<hbm>> -> memref<8x128xf32, #tpu.memory_space<hbm>>
        tpu.enqueue_dma source(%dma_start3A_1364 : memref<8x128xf32, #tpu.memory_space<hbm>>) target(%dma_start3A_1362 : memref<8x128xf32, #tpu.memory_space<vmem>>) target_semaphore(%arg18 : memref<!tpu.dma_semaphore, #tpu.memory_space<semaphore_mem>>)
        %dma_wait3A_1365 = arith.constant 0 : i32
        %dma_wait3A_1366 = arith.constant 0 : i32
        %dma_wait3A_1367 = arith.constant 0 : i32
        %dma_wait3A_1368 = tpu.memref_slice %arg7[%dma_wait3A_1366, %dma_wait3A_1367] : memref<256x128xf32, #tpu.memory_space<vmem>> -> memref<64x128xf32, #tpu.memory_space<vmem>>
        %dma_wait3A_1369 = arith.constant 0 : i32
        %dma_wait3A_1370 = tpu.memref_slice %arg9[%dma_wait3A_1365, %dma_wait3A_1369] : memref<4x64xi32, #tpu.memory_space<vmem>> -> memref<1x64xi32, #tpu.memory_space<vmem>>
        %dma_wait3A_1371 = tpu.memref_squeeze %dma_wait3A_1370 : memref<1x64xi32, #tpu.memory_space<vmem>> -> memref<64xi32, #tpu.memory_space<vmem>>
        %dma_wait3A_1372 = arith.constant 0 : i32
        %dma_wait3A_1373 = arith.constant 0 : i32
        %dma_wait3A_1374 = tpu.memref_slice %arg5[%dma_wait3A_1372, %dma_wait3A_1373] : memref<20480x128xf32, #tpu.memory_space<hbm>> -> memref<20480x128xf32, #tpu.memory_space<hbm>>
        tpu.wait_indirect_dma semaphore(%arg12 : memref<!tpu.dma_semaphore, #tpu.memory_space<semaphore_mem>>) src(%dma_wait3A_1374 : memref<20480x128xf32, #tpu.memory_space<hbm>>) dst(%dma_wait3A_1368 : memref<64x128xf32, #tpu.memory_space<vmem>>)
        %mul3A_1375 = arith.constant 8 : i32
        %mul3A_1376 = arith.muli %mul3A_6, %mul3A_1375 : i32
        %dma_wait3A_1377 = arith.constant 0 : i32
        %dma_wait3A_1378 = arith.constant 0 : i32
        %dma_wait3A_1379 = tpu.memref_slice %arg8[%dma_wait3A_1377, %dma_wait3A_1378] : memref<32x128xf32, #tpu.memory_space<vmem>> -> memref<8x128xf32, #tpu.memory_space<vmem>>
        %dma_wait3A_1380 = arith.constant 0 : i32
        %dma_wait3A_1381 = tpu.memref_slice %arg4[%mul3A_1376, %dma_wait3A_1380] : memref<20480x128xf32, #tpu.memory_space<hbm>> -> memref<8x128xf32, #tpu.memory_space<hbm>>
        %dma_wait3A_1382 = arith.constant 0 : i32
        %dma_wait3A_1383 = arith.constant 0 : i32
        %dma_wait3A_1384 = tpu.memref_slice %arg8[%dma_wait3A_1382, %dma_wait3A_1383] : memref<32x128xf32, #tpu.memory_space<vmem>> -> memref<8x128xf32, #tpu.memory_space<vmem>>
        %dma_wait3A_1385 = arith.constant 0 : i32
        %dma_wait3A_1386 = tpu.memref_slice %arg4[%mul3A_1376, %dma_wait3A_1385] : memref<20480x128xf32, #tpu.memory_space<hbm>> -> memref<8x128xf32, #tpu.memory_space<hbm>>
        tpu.wait_dma2 semaphore(%arg16 : memref<!tpu.dma_semaphore, #tpu.memory_space<semaphore_mem>>) src(%dma_wait3A_1386 : memref<8x128xf32, #tpu.memory_space<hbm>>) dst(%dma_wait3A_1384 : memref<8x128xf32, #tpu.memory_space<vmem>>)
        %scan3A_1387 = arith.constant 0 : i32
        %scan3A_1388 = arith.constant 0 : i32
        %scan3A_1389 = arith.constant 32 : i32
        %scan3A_1390 = arith.addi %scan3A_1388, %scan3A_1389 : i32
        %scan3A_1391 = arith.constant 1 : i32
        %scan3A_1392 = scf.for %scan3A_1633 = %scan3A_1388 to %scan3A_1390 step %scan3A_1391 iter_args(%scan3A_1634 = %scan3A_1387) -> (i32)  : i32 {
          %mul3A_1635 = arith.constant 2 : i32
          %mul3A_1636 = arith.muli %scan3A_1633, %mul3A_1635 : i32
          %add3A_1637 = arith.constant 0 : i32
          %add3A_1638 = arith.addi %mul3A_1636, %add3A_1637 : i32
          %jit3A_1639 = arith.constant 8 : i32
          %div3A_1640 = arith.divsi %add3A_1638, %jit3A_1639 : i32
          %sign3A_1641 = arith.constant 0 : i32
          %sign3A_1642 = arith.cmpi sgt, %add3A_1638, %sign3A_1641 : i32
          %sign3A_1643 = arith.extui %sign3A_1642 : i1 to i32
          %sign3A_1644 = arith.constant 0 : i32
          %sign3A_1645 = arith.cmpi slt, %add3A_1638, %sign3A_1644 : i32
          %sign3A_1646 = arith.extui %sign3A_1645 : i1 to i32
          %sign3A_1647 = arith.subi %sign3A_1643, %sign3A_1646 : i32
          %sign3A_1648 = arith.constant 0 : i32
          %sign3A_1649 = arith.cmpi sgt, %jit3A_1639, %sign3A_1648 : i32
          %sign3A_1650 = arith.extui %sign3A_1649 : i1 to i32
          %sign3A_1651 = arith.constant 0 : i32
          %sign3A_1652 = arith.cmpi slt, %jit3A_1639, %sign3A_1651 : i32
          %sign3A_1653 = arith.extui %sign3A_1652 : i1 to i32
          %sign3A_1654 = arith.subi %sign3A_1650, %sign3A_1653 : i32
          %ne3A_1655 = arith.cmpi ne, %sign3A_1647, %sign3A_1654 : i32
          %rem3A_1656 = arith.remsi %add3A_1638, %jit3A_1639 : i32
          %ne3A_1657 = arith.constant 0 : i32
          %ne3A_1658 = arith.cmpi ne, %rem3A_1656, %ne3A_1657 : i32
          %and3A_1659 = arith.andi %ne3A_1655, %ne3A_1658 : i1
          %sub3A_1660 = arith.constant 1 : i32
          %sub3A_1661 = arith.subi %div3A_1640, %sub3A_1660 : i32
          %select_n3A_1662 = arith.select %and3A_1659, %sub3A_1661, %div3A_1640 : i32
          %add3A_1663 = arith.constant 0 : i32
          %add3A_1664 = arith.addi %add3A_1663, %select_n3A_1662 : i32
          %jit3A_1665 = arith.constant 8 : i32
          %eq3A_1666 = arith.constant 0 : i32
          %eq3A_1667 = arith.cmpi eq, %jit3A_1665, %eq3A_1666 : i32
          %jit3A_1668 = arith.constant 1 : i32
          %select_n3A_1669 = arith.select %eq3A_1667, %jit3A_1668, %jit3A_1665 : i32
          %rem3A_1670 = arith.remsi %add3A_1638, %select_n3A_1669 : i32
          %ne3A_1671 = arith.constant 0 : i32
          %ne3A_1672 = arith.cmpi ne, %rem3A_1670, %ne3A_1671 : i32
          %lt3A_1673 = arith.constant 0 : i32
          %lt3A_1674 = arith.cmpi slt, %rem3A_1670, %lt3A_1673 : i32
          %lt3A_1675 = arith.constant 0 : i32
          %lt3A_1676 = arith.cmpi slt, %select_n3A_1669, %lt3A_1675 : i32
          %ne3A_1677 = arith.xori %lt3A_1674, %lt3A_1676 : i1
          %and3A_1678 = arith.andi %ne3A_1677, %ne3A_1672 : i1
          %add3A_1679 = arith.addi %rem3A_1670, %select_n3A_1669 : i32
          %select_n3A_1680 = arith.select %and3A_1678, %add3A_1679, %rem3A_1670 : i32
          %mul3A_1681 = arith.constant 16 : i32
          %mul3A_1682 = arith.muli %select_n3A_1680, %mul3A_1681 : i32
          %get3A_1683 = arith.index_cast %add3A_1664 : i32 to index
          %get3A_1684 = arith.index_cast %mul3A_1682 : i32 to index
          %get3A_1685 = tpu.vector_load %arg8[%get3A_1683, %get3A_1684] {strides = array<i32>} : memref<32x128xf32, #tpu.memory_space<vmem>>, vector<1x16xf32>,
          %get3A_1686 = vector.shape_cast %get3A_1685 : vector<1x16xf32> to vector<16xf32>
          %add3A_1687 = arith.constant 0 : i32
          %add3A_1688 = arith.addi %add3A_1687, %add3A_1638 : i32
          %get3A_1689 = arith.index_cast %add3A_1688 : i32 to index
          %get3A_1690 = arith.constant 0 : index
          %get3A_1691 = tpu.vector_load %arg7[%get3A_1689, %get3A_1690] {strides = array<i32>} : memref<256x128xf32, #tpu.memory_space<vmem>>, vector<1x16xf32>,
          %get3A_1692 = vector.shape_cast %get3A_1691 : vector<1x16xf32> to vector<16xf32>
          %mul3A_1693 = arith.mulf %get3A_1692, %get3A_1686 : vector<16xf32>
          %add3A_1694 = arith.constant 0 : i32
          %add3A_1695 = arith.addi %add3A_1694, %add3A_1638 : i32
          %swap3A_1696 = arith.index_cast %add3A_1695 : i32 to index
          %swap3A_1697 = arith.constant 0 : index
          %swap3A_1698 = tpu.vector_load %arg7[%swap3A_1696, %swap3A_1697] {strides = array<i32>} : memref<256x128xf32, #tpu.memory_space<vmem>>, vector<1x16xf32>,
          %swap3A_1699 = vector.shape_cast %swap3A_1698 : vector<1x16xf32> to vector<16xf32>
          %swap3A_1700 = vector.shape_cast %mul3A_1693 : vector<16xf32> to vector<1x16xf32>
          tpu.vector_store %arg7[%swap3A_1696, %swap3A_1697], %swap3A_1700 {strides = array<i32>} : memref<256x128xf32, #tpu.memory_space<vmem>>, vector<1x16xf32>,
          %add3A_1701 = arith.constant 0 : i32
          %add3A_1702 = arith.addi %add3A_1701, %add3A_1638 : i32
          %get3A_1703 = arith.index_cast %add3A_1702 : i32 to index
          %get3A_1704 = arith.constant 16 : index
          %get3A_1705 = tpu.vector_load %arg7[%get3A_1703, %get3A_1704] {strides = array<i32>} : memref<256x128xf32, #tpu.memory_space<vmem>>, vector<1x16xf32>,
          %get3A_1706 = vector.shape_cast %get3A_1705 : vector<1x16xf32> to vector<16xf32>
          %mul3A_1707 = arith.mulf %get3A_1706, %get3A_1686 : vector<16xf32>
          %add3A_1708 = arith.constant 0 : i32
          %add3A_1709 = arith.addi %add3A_1708, %add3A_1638 : i32
          %swap3A_1710 = arith.index_cast %add3A_1709 : i32 to index
          %swap3A_1711 = arith.constant 16 : index
          %swap3A_1712 = tpu.vector_load %arg7[%swap3A_1710, %swap3A_1711] {strides = array<i32>} : memref<256x128xf32, #tpu.memory_space<vmem>>, vector<1x16xf32>,
          %swap3A_1713 = vector.shape_cast %swap3A_1712 : vector<1x16xf32> to vector<16xf32>
          %swap3A_1714 = vector.shape_cast %mul3A_1707 : vector<16xf32> to vector<1x16xf32>
          tpu.vector_store %arg7[%swap3A_1710, %swap3A_1711], %swap3A_1714 {strides = array<i32>} : memref<256x128xf32, #tpu.memory_space<vmem>>, vector<1x16xf32>,
          %add3A_1715 = arith.constant 0 : i32
          %add3A_1716 = arith.addi %add3A_1715, %add3A_1638 : i32
          %get3A_1717 = arith.index_cast %add3A_1716 : i32 to index
          %get3A_1718 = arith.constant 32 : index
          %get3A_1719 = tpu.vector_load %arg7[%get3A_1717, %get3A_1718] {strides = array<i32>} : memref<256x128xf32, #tpu.memory_space<vmem>>, vector<1x16xf32>,
          %get3A_1720 = vector.shape_cast %get3A_1719 : vector<1x16xf32> to vector<16xf32>
          %mul3A_1721 = arith.mulf %get3A_1720, %get3A_1686 : vector<16xf32>
          %add3A_1722 = arith.constant 0 : i32
          %add3A_1723 = arith.addi %add3A_1722, %add3A_1638 : i32
          %swap3A_1724 = arith.index_cast %add3A_1723 : i32 to index
          %swap3A_1725 = arith.constant 32 : index
          %swap3A_1726 = tpu.vector_load %arg7[%swap3A_1724, %swap3A_1725] {strides = array<i32>} : memref<256x128xf32, #tpu.memory_space<vmem>>, vector<1x16xf32>,
          %swap3A_1727 = vector.shape_cast %swap3A_1726 : vector<1x16xf32> to vector<16xf32>
          %swap3A_1728 = vector.shape_cast %mul3A_1721 : vector<16xf32> to vector<1x16xf32>
          tpu.vector_store %arg7[%swap3A_1724, %swap3A_1725], %swap3A_1728 {strides = array<i32>} : memref<256x128xf32, #tpu.memory_space<vmem>>, vector<1x16xf32>,
          %add3A_1729 = arith.constant 0 : i32
          %add3A_1730 = arith.addi %add3A_1729, %add3A_1638 : i32
          %get3A_1731 = arith.index_cast %add3A_1730 : i32 to index
          %get3A_1732 = arith.constant 48 : index
          %get3A_1733 = tpu.vector_load %arg7[%get3A_1731, %get3A_1732] {strides = array<i32>} : memref<256x128xf32, #tpu.memory_space<vmem>>, vector<1x16xf32>,
          %get3A_1734 = vector.shape_cast %get3A_1733 : vector<1x16xf32> to vector<16xf32>
          %mul3A_1735 = arith.mulf %get3A_1734, %get3A_1686 : vector<16xf32>
          %add3A_1736 = arith.constant 0 : i32
          %add3A_1737 = arith.addi %add3A_1736, %add3A_1638 : i32
          %swap3A_1738 = arith.index_cast %add3A_1737 : i32 to index
          %swap3A_1739 = arith.constant 48 : index
          %swap3A_1740 = tpu.vector_load %arg7[%swap3A_1738, %swap3A_1739] {strides = array<i32>} : memref<256x128xf32, #tpu.memory_space<vmem>>, vector<1x16xf32>,
          %swap3A_1741 = vector.shape_cast %swap3A_1740 : vector<1x16xf32> to vector<16xf32>
          %swap3A_1742 = vector.shape_cast %mul3A_1735 : vector<16xf32> to vector<1x16xf32>
          tpu.vector_store %arg7[%swap3A_1738, %swap3A_1739], %swap3A_1742 {strides = array<i32>} : memref<256x128xf32, #tpu.memory_space<vmem>>, vector<1x16xf32>,
          %add3A_1743 = arith.constant 0 : i32
          %add3A_1744 = arith.addi %add3A_1743, %add3A_1638 : i32
          %get3A_1745 = arith.index_cast %add3A_1744 : i32 to index
          %get3A_1746 = arith.constant 64 : index
          %get3A_1747 = tpu.vector_load %arg7[%get3A_1745, %get3A_1746] {strides = array<i32>} : memref<256x128xf32, #tpu.memory_space<vmem>>, vector<1x16xf32>,
          %get3A_1748 = vector.shape_cast %get3A_1747 : vector<1x16xf32> to vector<16xf32>
          %mul3A_1749 = arith.mulf %get3A_1748, %get3A_1686 : vector<16xf32>
          %add3A_1750 = arith.constant 0 : i32
          %add3A_1751 = arith.addi %add3A_1750, %add3A_1638 : i32
          %swap3A_1752 = arith.index_cast %add3A_1751 : i32 to index
          %swap3A_1753 = arith.constant 64 : index
          %swap3A_1754 = tpu.vector_load %arg7[%swap3A_1752, %swap3A_1753] {strides = array<i32>} : memref<256x128xf32, #tpu.memory_space<vmem>>, vector<1x16xf32>,
          %swap3A_1755 = vector.shape_cast %swap3A_1754 : vector<1x16xf32> to vector<16xf32>
          %swap3A_1756 = vector.shape_cast %mul3A_1749 : vector<16xf32> to vector<1x16xf32>
          tpu.vector_store %arg7[%swap3A_1752, %swap3A_1753], %swap3A_1756 {strides = array<i32>} : memref<256x128xf32, #tpu.memory_space<vmem>>, vector<1x16xf32>,
          %add3A_1757 = arith.constant 0 : i32
          %add3A_1758 = arith.addi %add3A_1757, %add3A_1638 : i32
          %get3A_1759 = arith.index_cast %add3A_1758 : i32 to index
          %get3A_1760 = arith.constant 80 : index
          %get3A_1761 = tpu.vector_load %arg7[%get3A_1759, %get3A_1760] {strides = array<i32>} : memref<256x128xf32, #tpu.memory_space<vmem>>, vector<1x16xf32>,
          %get3A_1762 = vector.shape_cast %get3A_1761 : vector<1x16xf32> to vector<16xf32>
          %mul3A_1763 = arith.mulf %get3A_1762, %get3A_1686 : vector<16xf32>
          %add3A_1764 = arith.constant 0 : i32
          %add3A_1765 = arith.addi %add3A_1764, %add3A_1638 : i32
          %swap3A_1766 = arith.index_cast %add3A_1765 : i32 to index
          %swap3A_1767 = arith.constant 80 : index
          %swap3A_1768 = tpu.vector_load %arg7[%swap3A_1766, %swap3A_1767] {strides = array<i32>} : memref<256x128xf32, #tpu.memory_space<vmem>>, vector<1x16xf32>,
          %swap3A_1769 = vector.shape_cast %swap3A_1768 : vector<1x16xf32> to vector<16xf32>
          %swap3A_1770 = vector.shape_cast %mul3A_1763 : vector<16xf32> to vector<1x16xf32>
          tpu.vector_store %arg7[%swap3A_1766, %swap3A_1767], %swap3A_1770 {strides = array<i32>} : memref<256x128xf32, #tpu.memory_space<vmem>>, vector<1x16xf32>,
          %add3A_1771 = arith.constant 0 : i32
          %add3A_1772 = arith.addi %add3A_1771, %add3A_1638 : i32
          %get3A_1773 = arith.index_cast %add3A_1772 : i32 to index
          %get3A_1774 = arith.constant 96 : index
          %get3A_1775 = tpu.vector_load %arg7[%get3A_1773, %get3A_1774] {strides = array<i32>} : memref<256x128xf32, #tpu.memory_space<vmem>>, vector<1x16xf32>,
          %get3A_1776 = vector.shape_cast %get3A_1775 : vector<1x16xf32> to vector<16xf32>
          %mul3A_1777 = arith.mulf %get3A_1776, %get3A_1686 : vector<16xf32>
          %add3A_1778 = arith.constant 0 : i32
          %add3A_1779 = arith.addi %add3A_1778, %add3A_1638 : i32
          %swap3A_1780 = arith.index_cast %add3A_1779 : i32 to index
          %swap3A_1781 = arith.constant 96 : index
          %swap3A_1782 = tpu.vector_load %arg7[%swap3A_1780, %swap3A_1781] {strides = array<i32>} : memref<256x128xf32, #tpu.memory_space<vmem>>, vector<1x16xf32>,
          %swap3A_1783 = vector.shape_cast %swap3A_1782 : vector<1x16xf32> to vector<16xf32>
          %swap3A_1784 = vector.shape_cast %mul3A_1777 : vector<16xf32> to vector<1x16xf32>
          tpu.vector_store %arg7[%swap3A_1780, %swap3A_1781], %swap3A_1784 {strides = array<i32>} : memref<256x128xf32, #tpu.memory_space<vmem>>, vector<1x16xf32>,
          %add3A_1785 = arith.constant 0 : i32
          %add3A_1786 = arith.addi %add3A_1785, %add3A_1638 : i32
          %get3A_1787 = arith.index_cast %add3A_1786 : i32 to index
          %get3A_1788 = arith.constant 112 : index
          %get3A_1789 = tpu.vector_load %arg7[%get3A_1787, %get3A_1788] {strides = array<i32>} : memref<256x128xf32, #tpu.memory_space<vmem>>, vector<1x16xf32>,
          %get3A_1790 = vector.shape_cast %get3A_1789 : vector<1x16xf32> to vector<16xf32>
          %mul3A_1791 = arith.mulf %get3A_1790, %get3A_1686 : vector<16xf32>
          %add3A_1792 = arith.constant 0 : i32
          %add3A_1793 = arith.addi %add3A_1792, %add3A_1638 : i32
          %swap3A_1794 = arith.index_cast %add3A_1793 : i32 to index
          %swap3A_1795 = arith.constant 112 : index
          %swap3A_1796 = tpu.vector_load %arg7[%swap3A_1794, %swap3A_1795] {strides = array<i32>} : memref<256x128xf32, #tpu.memory_space<vmem>>, vector<1x16xf32>,
          %swap3A_1797 = vector.shape_cast %swap3A_1796 : vector<1x16xf32> to vector<16xf32>
          %swap3A_1798 = vector.shape_cast %mul3A_1791 : vector<16xf32> to vector<1x16xf32>
          tpu.vector_store %arg7[%swap3A_1794, %swap3A_1795], %swap3A_1798 {strides = array<i32>} : memref<256x128xf32, #tpu.memory_space<vmem>>, vector<1x16xf32>,
          %mul3A_1799 = arith.constant 2 : i32
          %mul3A_1800 = arith.muli %scan3A_1633, %mul3A_1799 : i32
          %add3A_1801 = arith.constant 1 : i32
          %add3A_1802 = arith.addi %mul3A_1800, %add3A_1801 : i32
          %jit3A_1803 = arith.constant 8 : i32
          %div3A_1804 = arith.divsi %add3A_1802, %jit3A_1803 : i32
          %sign3A_1805 = arith.constant 0 : i32
          %sign3A_1806 = arith.cmpi sgt, %add3A_1802, %sign3A_1805 : i32
          %sign3A_1807 = arith.extui %sign3A_1806 : i1 to i32
          %sign3A_1808 = arith.constant 0 : i32
          %sign3A_1809 = arith.cmpi slt, %add3A_1802, %sign3A_1808 : i32
          %sign3A_1810 = arith.extui %sign3A_1809 : i1 to i32
          %sign3A_1811 = arith.subi %sign3A_1807, %sign3A_1810 : i32
          %sign3A_1812 = arith.constant 0 : i32
          %sign3A_1813 = arith.cmpi sgt, %jit3A_1803, %sign3A_1812 : i32
          %sign3A_1814 = arith.extui %sign3A_1813 : i1 to i32
          %sign3A_1815 = arith.constant 0 : i32
          %sign3A_1816 = arith.cmpi slt, %jit3A_1803, %sign3A_1815 : i32
          %sign3A_1817 = arith.extui %sign3A_1816 : i1 to i32
          %sign3A_1818 = arith.subi %sign3A_1814, %sign3A_1817 : i32
          %ne3A_1819 = arith.cmpi ne, %sign3A_1811, %sign3A_1818 : i32
          %rem3A_1820 = arith.remsi %add3A_1802, %jit3A_1803 : i32
          %ne3A_1821 = arith.constant 0 : i32
          %ne3A_1822 = arith.cmpi ne, %rem3A_1820, %ne3A_1821 : i32
          %and3A_1823 = arith.andi %ne3A_1819, %ne3A_1822 : i1
          %sub3A_1824 = arith.constant 1 : i32
          %sub3A_1825 = arith.subi %div3A_1804, %sub3A_1824 : i32
          %select_n3A_1826 = arith.select %and3A_1823, %sub3A_1825, %div3A_1804 : i32
          %add3A_1827 = arith.constant 0 : i32
          %add3A_1828 = arith.addi %add3A_1827, %select_n3A_1826 : i32
          %jit3A_1829 = arith.constant 8 : i32
          %eq3A_1830 = arith.constant 0 : i32
          %eq3A_1831 = arith.cmpi eq, %jit3A_1829, %eq3A_1830 : i32
          %jit3A_1832 = arith.constant 1 : i32
          %select_n3A_1833 = arith.select %eq3A_1831, %jit3A_1832, %jit3A_1829 : i32
          %rem3A_1834 = arith.remsi %add3A_1802, %select_n3A_1833 : i32
          %ne3A_1835 = arith.constant 0 : i32
          %ne3A_1836 = arith.cmpi ne, %rem3A_1834, %ne3A_1835 : i32
          %lt3A_1837 = arith.constant 0 : i32
          %lt3A_1838 = arith.cmpi slt, %rem3A_1834, %lt3A_1837 : i32
          %lt3A_1839 = arith.constant 0 : i32
          %lt3A_1840 = arith.cmpi slt, %select_n3A_1833, %lt3A_1839 : i32
          %ne3A_1841 = arith.xori %lt3A_1838, %lt3A_1840 : i1
          %and3A_1842 = arith.andi %ne3A_1841, %ne3A_1836 : i1
          %add3A_1843 = arith.addi %rem3A_1834, %select_n3A_1833 : i32
          %select_n3A_1844 = arith.select %and3A_1842, %add3A_1843, %rem3A_1834 : i32
          %mul3A_1845 = arith.constant 16 : i32
          %mul3A_1846 = arith.muli %select_n3A_1844, %mul3A_1845 : i32
          %get3A_1847 = arith.index_cast %add3A_1828 : i32 to index
          %get3A_1848 = arith.index_cast %mul3A_1846 : i32 to index
          %get3A_1849 = tpu.vector_load %arg8[%get3A_1847, %get3A_1848] {strides = array<i32>} : memref<32x128xf32, #tpu.memory_space<vmem>>, vector<1x16xf32>,
          %get3A_1850 = vector.shape_cast %get3A_1849 : vector<1x16xf32> to vector<16xf32>
          %add3A_1851 = arith.constant 0 : i32
          %add3A_1852 = arith.addi %add3A_1851, %add3A_1802 : i32
          %get3A_1853 = arith.index_cast %add3A_1852 : i32 to index
          %get3A_1854 = arith.constant 0 : index
          %get3A_1855 = tpu.vector_load %arg7[%get3A_1853, %get3A_1854] {strides = array<i32>} : memref<256x128xf32, #tpu.memory_space<vmem>>, vector<1x16xf32>,
          %get3A_1856 = vector.shape_cast %get3A_1855 : vector<1x16xf32> to vector<16xf32>
          %mul3A_1857 = arith.mulf %get3A_1856, %get3A_1850 : vector<16xf32>
          %add3A_1858 = arith.constant 0 : i32
          %add3A_1859 = arith.addi %add3A_1858, %add3A_1802 : i32
          %swap3A_1860 = arith.index_cast %add3A_1859 : i32 to index
          %swap3A_1861 = arith.constant 0 : index
          %swap3A_1862 = tpu.vector_load %arg7[%swap3A_1860, %swap3A_1861] {strides = array<i32>} : memref<256x128xf32, #tpu.memory_space<vmem>>, vector<1x16xf32>,
          %swap3A_1863 = vector.shape_cast %swap3A_1862 : vector<1x16xf32> to vector<16xf32>
          %swap3A_1864 = vector.shape_cast %mul3A_1857 : vector<16xf32> to vector<1x16xf32>
          tpu.vector_store %arg7[%swap3A_1860, %swap3A_1861], %swap3A_1864 {strides = array<i32>} : memref<256x128xf32, #tpu.memory_space<vmem>>, vector<1x16xf32>,
          %add3A_1865 = arith.constant 0 : i32
          %add3A_1866 = arith.addi %add3A_1865, %add3A_1802 : i32
          %get3A_1867 = arith.index_cast %add3A_1866 : i32 to index
          %get3A_1868 = arith.constant 16 : index
          %get3A_1869 = tpu.vector_load %arg7[%get3A_1867, %get3A_1868] {strides = array<i32>} : memref<256x128xf32, #tpu.memory_space<vmem>>, vector<1x16xf32>,
          %get3A_1870 = vector.shape_cast %get3A_1869 : vector<1x16xf32> to vector<16xf32>
          %mul3A_1871 = arith.mulf %get3A_1870, %get3A_1850 : vector<16xf32>
          %add3A_1872 = arith.constant 0 : i32
          %add3A_1873 = arith.addi %add3A_1872, %add3A_1802 : i32
          %swap3A_1874 = arith.index_cast %add3A_1873 : i32 to index
          %swap3A_1875 = arith.constant 16 : index
          %swap3A_1876 = tpu.vector_load %arg7[%swap3A_1874, %swap3A_1875] {strides = array<i32>} : memref<256x128xf32, #tpu.memory_space<vmem>>, vector<1x16xf32>,
          %swap3A_1877 = vector.shape_cast %swap3A_1876 : vector<1x16xf32> to vector<16xf32>
          %swap3A_1878 = vector.shape_cast %mul3A_1871 : vector<16xf32> to vector<1x16xf32>
          tpu.vector_store %arg7[%swap3A_1874, %swap3A_1875], %swap3A_1878 {strides = array<i32>} : memref<256x128xf32, #tpu.memory_space<vmem>>, vector<1x16xf32>,
          %add3A_1879 = arith.constant 0 : i32
          %add3A_1880 = arith.addi %add3A_1879, %add3A_1802 : i32
          %get3A_1881 = arith.index_cast %add3A_1880 : i32 to index
          %get3A_1882 = arith.constant 32 : index
          %get3A_1883 = tpu.vector_load %arg7[%get3A_1881, %get3A_1882] {strides = array<i32>} : memref<256x128xf32, #tpu.memory_space<vmem>>, vector<1x16xf32>,
          %get3A_1884 = vector.shape_cast %get3A_1883 : vector<1x16xf32> to vector<16xf32>
          %mul3A_1885 = arith.mulf %get3A_1884, %get3A_1850 : vector<16xf32>
          %add3A_1886 = arith.constant 0 : i32
          %add3A_1887 = arith.addi %add3A_1886, %add3A_1802 : i32
          %swap3A_1888 = arith.index_cast %add3A_1887 : i32 to index
          %swap3A_1889 = arith.constant 32 : index
          %swap3A_1890 = tpu.vector_load %arg7[%swap3A_1888, %swap3A_1889] {strides = array<i32>} : memref<256x128xf32, #tpu.memory_space<vmem>>, vector<1x16xf32>,
          %swap3A_1891 = vector.shape_cast %swap3A_1890 : vector<1x16xf32> to vector<16xf32>
          %swap3A_1892 = vector.shape_cast %mul3A_1885 : vector<16xf32> to vector<1x16xf32>
          tpu.vector_store %arg7[%swap3A_1888, %swap3A_1889], %swap3A_1892 {strides = array<i32>} : memref<256x128xf32, #tpu.memory_space<vmem>>, vector<1x16xf32>,
          %add3A_1893 = arith.constant 0 : i32
          %add3A_1894 = arith.addi %add3A_1893, %add3A_1802 : i32
          %get3A_1895 = arith.index_cast %add3A_1894 : i32 to index
          %get3A_1896 = arith.constant 48 : index
          %get3A_1897 = tpu.vector_load %arg7[%get3A_1895, %get3A_1896] {strides = array<i32>} : memref<256x128xf32, #tpu.memory_space<vmem>>, vector<1x16xf32>,
          %get3A_1898 = vector.shape_cast %get3A_1897 : vector<1x16xf32> to vector<16xf32>
          %mul3A_1899 = arith.mulf %get3A_1898, %get3A_1850 : vector<16xf32>
          %add3A_1900 = arith.constant 0 : i32
          %add3A_1901 = arith.addi %add3A_1900, %add3A_1802 : i32
          %swap3A_1902 = arith.index_cast %add3A_1901 : i32 to index
          %swap3A_1903 = arith.constant 48 : index
          %swap3A_1904 = tpu.vector_load %arg7[%swap3A_1902, %swap3A_1903] {strides = array<i32>} : memref<256x128xf32, #tpu.memory_space<vmem>>, vector<1x16xf32>,
          %swap3A_1905 = vector.shape_cast %swap3A_1904 : vector<1x16xf32> to vector<16xf32>
          %swap3A_1906 = vector.shape_cast %mul3A_1899 : vector<16xf32> to vector<1x16xf32>
          tpu.vector_store %arg7[%swap3A_1902, %swap3A_1903], %swap3A_1906 {strides = array<i32>} : memref<256x128xf32, #tpu.memory_space<vmem>>, vector<1x16xf32>,
          %add3A_1907 = arith.constant 0 : i32
          %add3A_1908 = arith.addi %add3A_1907, %add3A_1802 : i32
          %get3A_1909 = arith.index_cast %add3A_1908 : i32 to index
          %get3A_1910 = arith.constant 64 : index
          %get3A_1911 = tpu.vector_load %arg7[%get3A_1909, %get3A_1910] {strides = array<i32>} : memref<256x128xf32, #tpu.memory_space<vmem>>, vector<1x16xf32>,
          %get3A_1912 = vector.shape_cast %get3A_1911 : vector<1x16xf32> to vector<16xf32>
          %mul3A_1913 = arith.mulf %get3A_1912, %get3A_1850 : vector<16xf32>
          %add3A_1914 = arith.constant 0 : i32
          %add3A_1915 = arith.addi %add3A_1914, %add3A_1802 : i32
          %swap3A_1916 = arith.index_cast %add3A_1915 : i32 to index
          %swap3A_1917 = arith.constant 64 : index
          %swap3A_1918 = tpu.vector_load %arg7[%swap3A_1916, %swap3A_1917] {strides = array<i32>} : memref<256x128xf32, #tpu.memory_space<vmem>>, vector<1x16xf32>,
          %swap3A_1919 = vector.shape_cast %swap3A_1918 : vector<1x16xf32> to vector<16xf32>
          %swap3A_1920 = vector.shape_cast %mul3A_1913 : vector<16xf32> to vector<1x16xf32>
          tpu.vector_store %arg7[%swap3A_1916, %swap3A_1917], %swap3A_1920 {strides = array<i32>} : memref<256x128xf32, #tpu.memory_space<vmem>>, vector<1x16xf32>,
          %add3A_1921 = arith.constant 0 : i32
          %add3A_1922 = arith.addi %add3A_1921, %add3A_1802 : i32
          %get3A_1923 = arith.index_cast %add3A_1922 : i32 to index
          %get3A_1924 = arith.constant 80 : index
          %get3A_1925 = tpu.vector_load %arg7[%get3A_1923, %get3A_1924] {strides = array<i32>} : memref<256x128xf32, #tpu.memory_space<vmem>>, vector<1x16xf32>,
          %get3A_1926 = vector.shape_cast %get3A_1925 : vector<1x16xf32> to vector<16xf32>
          %mul3A_1927 = arith.mulf %get3A_1926, %get3A_1850 : vector<16xf32>
          %add3A_1928 = arith.constant 0 : i32
          %add3A_1929 = arith.addi %add3A_1928, %add3A_1802 : i32
          %swap3A_1930 = arith.index_cast %add3A_1929 : i32 to index
          %swap3A_1931 = arith.constant 80 : index
          %swap3A_1932 = tpu.vector_load %arg7[%swap3A_1930, %swap3A_1931] {strides = array<i32>} : memref<256x128xf32, #tpu.memory_space<vmem>>, vector<1x16xf32>,
          %swap3A_1933 = vector.shape_cast %swap3A_1932 : vector<1x16xf32> to vector<16xf32>
          %swap3A_1934 = vector.shape_cast %mul3A_1927 : vector<16xf32> to vector<1x16xf32>
          tpu.vector_store %arg7[%swap3A_1930, %swap3A_1931], %swap3A_1934 {strides = array<i32>} : memref<256x128xf32, #tpu.memory_space<vmem>>, vector<1x16xf32>,
          %add3A_1935 = arith.constant 0 : i32
          %add3A_1936 = arith.addi %add3A_1935, %add3A_1802 : i32
          %get3A_1937 = arith.index_cast %add3A_1936 : i32 to index
          %get3A_1938 = arith.constant 96 : index
          %get3A_1939 = tpu.vector_load %arg7[%get3A_1937, %get3A_1938] {strides = array<i32>} : memref<256x128xf32, #tpu.memory_space<vmem>>, vector<1x16xf32>,
          %get3A_1940 = vector.shape_cast %get3A_1939 : vector<1x16xf32> to vector<16xf32>
          %mul3A_1941 = arith.mulf %get3A_1940, %get3A_1850 : vector<16xf32>
          %add3A_1942 = arith.constant 0 : i32
          %add3A_1943 = arith.addi %add3A_1942, %add3A_1802 : i32
          %swap3A_1944 = arith.index_cast %add3A_1943 : i32 to index
          %swap3A_1945 = arith.constant 96 : index
          %swap3A_1946 = tpu.vector_load %arg7[%swap3A_1944, %swap3A_1945] {strides = array<i32>} : memref<256x128xf32, #tpu.memory_space<vmem>>, vector<1x16xf32>,
          %swap3A_1947 = vector.shape_cast %swap3A_1946 : vector<1x16xf32> to vector<16xf32>
          %swap3A_1948 = vector.shape_cast %mul3A_1941 : vector<16xf32> to vector<1x16xf32>
          tpu.vector_store %arg7[%swap3A_1944, %swap3A_1945], %swap3A_1948 {strides = array<i32>} : memref<256x128xf32, #tpu.memory_space<vmem>>, vector<1x16xf32>,
          %add3A_1949 = arith.constant 0 : i32
          %add3A_1950 = arith.addi %add3A_1949, %add3A_1802 : i32
          %get3A_1951 = arith.index_cast %add3A_1950 : i32 to index
          %get3A_1952 = arith.constant 112 : index
          %get3A_1953 = tpu.vector_load %arg7[%get3A_1951, %get3A_1952] {strides = array<i32>} : memref<256x128xf32, #tpu.memory_space<vmem>>, vector<1x16xf32>,
          %get3A_1954 = vector.shape_cast %get3A_1953 : vector<1x16xf32> to vector<16xf32>
          %mul3A_1955 = arith.mulf %get3A_1954, %get3A_1850 : vector<16xf32>
          %add3A_1956 = arith.constant 0 : i32
          %add3A_1957 = arith.addi %add3A_1956, %add3A_1802 : i32
          %swap3A_1958 = arith.index_cast %add3A_1957 : i32 to index
          %swap3A_1959 = arith.constant 112 : index
          %swap3A_1960 = tpu.vector_load %arg7[%swap3A_1958, %swap3A_1959] {strides = array<i32>} : memref<256x128xf32, #tpu.memory_space<vmem>>, vector<1x16xf32>,
          %swap3A_1961 = vector.shape_cast %swap3A_1960 : vector<1x16xf32> to vector<16xf32>
          %swap3A_1962 = vector.shape_cast %mul3A_1955 : vector<16xf32> to vector<1x16xf32>
          tpu.vector_store %arg7[%swap3A_1958, %swap3A_1959], %swap3A_1962 {strides = array<i32>} : memref<256x128xf32, #tpu.memory_space<vmem>>, vector<1x16xf32>,
          %scan3A_1963 = arith.constant 0 : i32
          scf.yield %scan3A_1963 : i32
        }
        %scan3A_1393 = arith.constant 32 : i32
        %dma_start3A_1394 = arith.constant 0 : i32
        %dma_start3A_1395 = arith.constant 0 : i32
        %dma_start3A_1396 = arith.constant 0 : i32
        %dma_start3A_1397 = tpu.memref_slice %arg7[%dma_start3A_1395, %dma_start3A_1396] : memref<256x128xf32, #tpu.memory_space<vmem>> -> memref<64x128xf32, #tpu.memory_space<vmem>>
        %dma_start3A_1398 = arith.constant 0 : i32
        %dma_start3A_1399 = tpu.memref_slice %arg10[%dma_start3A_1394, %dma_start3A_1398] : memref<4x64xi32, #tpu.memory_space<vmem>> -> memref<1x64xi32, #tpu.memory_space<vmem>>
        %dma_start3A_1400 = tpu.memref_squeeze %dma_start3A_1399 : memref<1x64xi32, #tpu.memory_space<vmem>> -> memref<64xi32, #tpu.memory_space<vmem>>
        %dma_start3A_1401 = arith.constant 0 : i32
        %dma_start3A_1402 = arith.constant 0 : i32
        %dma_start3A_1403 = tpu.memref_slice %arg11[%dma_start3A_1401, %dma_start3A_1402] : memref<10240x128xf32, #tpu.memory_space<vmem_shared>> -> memref<10240x128xf32, #tpu.memory_space<vmem_shared>>
        tpu.enqueue_indirect_dma source(%dma_start3A_1397 : memref<64x128xf32, #tpu.memory_space<vmem>>) target(%dma_start3A_1403 : memref<10240x128xf32, #tpu.memory_space<vmem_shared>>) offsets(%dma_start3A_1400 : memref<64xi32, #tpu.memory_space<vmem>>) semaphore(%arg20 : memref<!tpu.dma_semaphore, #tpu.memory_space<semaphore_mem>>) {add = true}
        %mul3A_1404 = arith.constant 4 : i32
        %mul3A_1405 = arith.muli %mul3A_1404, %scan3A_727 : i32
        %add3A_1406 = arith.constant 2 : i32
        %add3A_1407 = arith.addi %add3A_1406, %mul3A_1405 : i32
        %add3A_1408 = arith.constant 3 : i32
        %add3A_1409 = arith.addi %add3A_1407, %add3A_1408 : i32
        %dma_wait3A_1410 = arith.constant 3 : i32
        %dma_wait3A_1411 = arith.constant 192 : i32
        %dma_wait3A_1412 = arith.constant 0 : i32
        %dma_wait3A_1413 = tpu.memref_slice %arg7[%dma_wait3A_1411, %dma_wait3A_1412] : memref<256x128xf32, #tpu.memory_space<vmem>> -> memref<64x128xf32, #tpu.memory_space<vmem>>
        %dma_wait3A_1414 = arith.constant 0 : i32
        %dma_wait3A_1415 = tpu.memref_slice %arg10[%dma_wait3A_1410, %dma_wait3A_1414] : memref<4x64xi32, #tpu.memory_space<vmem>> -> memref<1x64xi32, #tpu.memory_space<vmem>>
        %dma_wait3A_1416 = tpu.memref_squeeze %dma_wait3A_1415 : memref<1x64xi32, #tpu.memory_space<vmem>> -> memref<64xi32, #tpu.memory_space<vmem>>
        %dma_wait3A_1417 = arith.constant 0 : i32
        %dma_wait3A_1418 = arith.constant 0 : i32
        %dma_wait3A_1419 = tpu.memref_slice %arg11[%dma_wait3A_1417, %dma_wait3A_1418] : memref<10240x128xf32, #tpu.memory_space<vmem_shared>> -> memref<10240x128xf32, #tpu.memory_space<vmem_shared>>
        tpu.wait_indirect_dma semaphore(%arg23 : memref<!tpu.dma_semaphore, #tpu.memory_space<semaphore_mem>>) src(%dma_wait3A_1413 : memref<64x128xf32, #tpu.memory_space<vmem>>) dst(%dma_wait3A_1419 : memref<10240x128xf32, #tpu.memory_space<vmem_shared>>)
        %add3A_1420 = arith.constant 2 : i32
        %add3A_1421 = arith.addi %add3A_1409, %add3A_1420 : i32
        %jit3A_1422 = arith.constant 2 : i32
        %div3A_1423 = arith.divsi %add3A_1421, %jit3A_1422 : i32
        %sign3A_1424 = arith.constant 0 : i32
        %sign3A_1425 = arith.cmpi sgt, %add3A_1421, %sign3A_1424 : i32
        %sign3A_1426 = arith.extui %sign3A_1425 : i1 to i32
        %sign3A_1427 = arith.constant 0 : i32
        %sign3A_1428 = arith.cmpi slt, %add3A_1421, %sign3A_1427 : i32
        %sign3A_1429 = arith.extui %sign3A_1428 : i1 to i32
        %sign3A_1430 = arith.subi %sign3A_1426, %sign3A_1429 : i32
        %sign3A_1431 = arith.constant 0 : i32
        %sign3A_1432 = arith.cmpi sgt, %jit3A_1422, %sign3A_1431 : i32
        %sign3A_1433 = arith.extui %sign3A_1432 : i1 to i32
        %sign3A_1434 = arith.constant 0 : i32
        %sign3A_1435 = arith.cmpi slt, %jit3A_1422, %sign3A_1434 : i32
        %sign3A_1436 = arith.extui %sign3A_1435 : i1 to i32
        %sign3A_1437 = arith.subi %sign3A_1433, %sign3A_1436 : i32
        %ne3A_1438 = arith.cmpi ne, %sign3A_1430, %sign3A_1437 : i32
        %rem3A_1439 = arith.remsi %add3A_1421, %jit3A_1422 : i32
        %ne3A_1440 = arith.constant 0 : i32
        %ne3A_1441 = arith.cmpi ne, %rem3A_1439, %ne3A_1440 : i32
        %and3A_1442 = arith.andi %ne3A_1438, %ne3A_1441 : i1
        %sub3A_1443 = arith.constant 1 : i32
        %sub3A_1444 = arith.subi %div3A_1423, %sub3A_1443 : i32
        %select_n3A_1445 = arith.select %and3A_1442, %sub3A_1444, %div3A_1423 : i32
        %jit3A_1446 = arith.constant 2 : i32
        %eq3A_1447 = arith.constant 0 : i32
        %eq3A_1448 = arith.cmpi eq, %jit3A_1446, %eq3A_1447 : i32
        %jit3A_1449 = arith.constant 1 : i32
        %select_n3A_1450 = arith.select %eq3A_1448, %jit3A_1449, %jit3A_1446 : i32
        %rem3A_1451 = arith.remsi %add3A_1421, %select_n3A_1450 : i32
        %ne3A_1452 = arith.constant 0 : i32
        %ne3A_1453 = arith.cmpi ne, %rem3A_1451, %ne3A_1452 : i32
        %lt3A_1454 = arith.constant 0 : i32
        %lt3A_1455 = arith.cmpi slt, %rem3A_1451, %lt3A_1454 : i32
        %lt3A_1456 = arith.constant 0 : i32
        %lt3A_1457 = arith.cmpi slt, %select_n3A_1450, %lt3A_1456 : i32
        %ne3A_1458 = arith.xori %lt3A_1455, %lt3A_1457 : i1
        %and3A_1459 = arith.andi %ne3A_1458, %ne3A_1453 : i1
        %add3A_1460 = arith.addi %rem3A_1451, %select_n3A_1450 : i32
        %select_n3A_1461 = arith.select %and3A_1459, %add3A_1460, %rem3A_1451 : i32
        %mul3A_1462 = arith.constant 64 : i32
        %mul3A_1463 = arith.muli %select_n3A_1461, %mul3A_1462 : i32
        %add3A_1464 = arith.constant 0 : i32
        %add3A_1465 = arith.addi %mul3A_1463, %add3A_1464 : i32
        %get3A_1466 = arith.index_cast %select_n3A_1445 : i32 to index
        %get3A_1467 = arith.index_cast %add3A_1465 : i32 to index
        %get3A_1468 = tpu.vector_load %arg6[%get3A_1466, %get3A_1467] {strides = array<i32>} : memref<80x128xi32, #tpu.memory_space<vmem>>, vector<1x16xi32>,
        %get3A_1469 = vector.shape_cast %get3A_1468 : vector<1x16xi32> to vector<16xi32>
        %and3A_1470 = arith.constant 65535 : i32
        %and3A_1471 = vector.broadcast %and3A_1470 : i32 to vector<16xi32>
        %and3A_1472 = arith.andi %get3A_1469, %and3A_1471 : vector<16xi32>
        %add3A_1473 = vector.broadcast %mul3A_4 : i32 to vector<16xi32>
        %add3A_1474 = arith.addi %and3A_1472, %add3A_1473 : vector<16xi32>
        %swap3A_1475 = arith.constant 3 : i32
        %swap3A_1476 = arith.index_cast %swap3A_1475 : i32 to index
        %swap3A_1477 = arith.constant 0 : index
        %swap3A_1478 = tpu.vector_load %arg9[%swap3A_1476, %swap3A_1477] {strides = array<i32>} : memref<4x64xi32, #tpu.memory_space<vmem>>, vector<1x16xi32>,
        %swap3A_1479 = vector.shape_cast %swap3A_1478 : vector<1x16xi32> to vector<16xi32>
        %swap3A_1480 = vector.shape_cast %add3A_1474 : vector<16xi32> to vector<1x16xi32>
        tpu.vector_store %arg9[%swap3A_1476, %swap3A_1477], %swap3A_1480 {strides = array<i32>} : memref<4x64xi32, #tpu.memory_space<vmem>>, vector<1x16xi32>,
        %shift_right_logical3A_1481 = arith.constant 16 : i32
        %shift_right_logical3A_1482 = vector.broadcast %shift_right_logical3A_1481 : i32 to vector<16xi32>
        %shift_right_logical3A_1483 = arith.shrui %get3A_1469, %shift_right_logical3A_1482 : vector<16xi32>
        %swap3A_1484 = arith.constant 3 : i32
        %swap3A_1485 = arith.index_cast %swap3A_1484 : i32 to index
        %swap3A_1486 = arith.constant 0 : index
        %swap3A_1487 = tpu.vector_load %arg10[%swap3A_1485, %swap3A_1486] {strides = array<i32>} : memref<4x64xi32, #tpu.memory_space<vmem>>, vector<1x16xi32>,
        %swap3A_1488 = vector.shape_cast %swap3A_1487 : vector<1x16xi32> to vector<16xi32>
        %swap3A_1489 = vector.shape_cast %shift_right_logical3A_1483 : vector<16xi32> to vector<1x16xi32>
        tpu.vector_store %arg10[%swap3A_1485, %swap3A_1486], %swap3A_1489 {strides = array<i32>} : memref<4x64xi32, #tpu.memory_space<vmem>>, vector<1x16xi32>,
        %add3A_1490 = arith.constant 16 : i32
        %add3A_1491 = arith.addi %mul3A_1463, %add3A_1490 : i32
        %get3A_1492 = arith.index_cast %select_n3A_1445 : i32 to index
        %get3A_1493 = arith.index_cast %add3A_1491 : i32 to index
        %get3A_1494 = tpu.vector_load %arg6[%get3A_1492, %get3A_1493] {strides = array<i32>} : memref<80x128xi32, #tpu.memory_space<vmem>>, vector<1x16xi32>,
        %get3A_1495 = vector.shape_cast %get3A_1494 : vector<1x16xi32> to vector<16xi32>
        %and3A_1496 = arith.constant 65535 : i32
        %and3A_1497 = vector.broadcast %and3A_1496 : i32 to vector<16xi32>
        %and3A_1498 = arith.andi %get3A_1495, %and3A_1497 : vector<16xi32>
        %add3A_1499 = vector.broadcast %mul3A_4 : i32 to vector<16xi32>
        %add3A_1500 = arith.addi %and3A_1498, %add3A_1499 : vector<16xi32>
        %swap3A_1501 = arith.constant 3 : i32
        %swap3A_1502 = arith.index_cast %swap3A_1501 : i32 to index
        %swap3A_1503 = arith.constant 16 : index
        %swap3A_1504 = tpu.vector_load %arg9[%swap3A_1502, %swap3A_1503] {strides = array<i32>} : memref<4x64xi32, #tpu.memory_space<vmem>>, vector<1x16xi32>,
        %swap3A_1505 = vector.shape_cast %swap3A_1504 : vector<1x16xi32> to vector<16xi32>
        %swap3A_1506 = vector.shape_cast %add3A_1500 : vector<16xi32> to vector<1x16xi32>
        tpu.vector_store %arg9[%swap3A_1502, %swap3A_1503], %swap3A_1506 {strides = array<i32>} : memref<4x64xi32, #tpu.memory_space<vmem>>, vector<1x16xi32>,
        %shift_right_logical3A_1507 = arith.constant 16 : i32
        %shift_right_logical3A_1508 = vector.broadcast %shift_right_logical3A_1507 : i32 to vector<16xi32>
        %shift_right_logical3A_1509 = arith.shrui %get3A_1495, %shift_right_logical3A_1508 : vector<16xi32>
        %swap3A_1510 = arith.constant 3 : i32
        %swap3A_1511 = arith.index_cast %swap3A_1510 : i32 to index
        %swap3A_1512 = arith.constant 16 : index
        %swap3A_1513 = tpu.vector_load %arg10[%swap3A_1511, %swap3A_1512] {strides = array<i32>} : memref<4x64xi32, #tpu.memory_space<vmem>>, vector<1x16xi32>,
        %swap3A_1514 = vector.shape_cast %swap3A_1513 : vector<1x16xi32> to vector<16xi32>
        %swap3A_1515 = vector.shape_cast %shift_right_logical3A_1509 : vector<16xi32> to vector<1x16xi32>
        tpu.vector_store %arg10[%swap3A_1511, %swap3A_1512], %swap3A_1515 {strides = array<i32>} : memref<4x64xi32, #tpu.memory_space<vmem>>, vector<1x16xi32>,
        %add3A_1516 = arith.constant 32 : i32
        %add3A_1517 = arith.addi %mul3A_1463, %add3A_1516 : i32
        %get3A_1518 = arith.index_cast %select_n3A_1445 : i32 to index
        %get3A_1519 = arith.index_cast %add3A_1517 : i32 to index
        %get3A_1520 = tpu.vector_load %arg6[%get3A_1518, %get3A_1519] {strides = array<i32>} : memref<80x128xi32, #tpu.memory_space<vmem>>, vector<1x16xi32>,
        %get3A_1521 = vector.shape_cast %get3A_1520 : vector<1x16xi32> to vector<16xi32>
        %and3A_1522 = arith.constant 65535 : i32
        %and3A_1523 = vector.broadcast %and3A_1522 : i32 to vector<16xi32>
        %and3A_1524 = arith.andi %get3A_1521, %and3A_1523 : vector<16xi32>
        %add3A_1525 = vector.broadcast %mul3A_4 : i32 to vector<16xi32>
        %add3A_1526 = arith.addi %and3A_1524, %add3A_1525 : vector<16xi32>
        %swap3A_1527 = arith.constant 3 : i32
        %swap3A_1528 = arith.index_cast %swap3A_1527 : i32 to index
        %swap3A_1529 = arith.constant 32 : index
        %swap3A_1530 = tpu.vector_load %arg9[%swap3A_1528, %swap3A_1529] {strides = array<i32>} : memref<4x64xi32, #tpu.memory_space<vmem>>, vector<1x16xi32>,
        %swap3A_1531 = vector.shape_cast %swap3A_1530 : vector<1x16xi32> to vector<16xi32>
        %swap3A_1532 = vector.shape_cast %add3A_1526 : vector<16xi32> to vector<1x16xi32>
        tpu.vector_store %arg9[%swap3A_1528, %swap3A_1529], %swap3A_1532 {strides = array<i32>} : memref<4x64xi32, #tpu.memory_space<vmem>>, vector<1x16xi32>,
        %shift_right_logical3A_1533 = arith.constant 16 : i32
        %shift_right_logical3A_1534 = vector.broadcast %shift_right_logical3A_1533 : i32 to vector<16xi32>
        %shift_right_logical3A_1535 = arith.shrui %get3A_1521, %shift_right_logical3A_1534 : vector<16xi32>
        %swap3A_1536 = arith.constant 3 : i32
        %swap3A_1537 = arith.index_cast %swap3A_1536 : i32 to index
        %swap3A_1538 = arith.constant 32 : index
        %swap3A_1539 = tpu.vector_load %arg10[%swap3A_1537, %swap3A_1538] {strides = array<i32>} : memref<4x64xi32, #tpu.memory_space<vmem>>, vector<1x16xi32>,
        %swap3A_1540 = vector.shape_cast %swap3A_1539 : vector<1x16xi32> to vector<16xi32>
        %swap3A_1541 = vector.shape_cast %shift_right_logical3A_1535 : vector<16xi32> to vector<1x16xi32>
        tpu.vector_store %arg10[%swap3A_1537, %swap3A_1538], %swap3A_1541 {strides = array<i32>} : memref<4x64xi32, #tpu.memory_space<vmem>>, vector<1x16xi32>,
        %add3A_1542 = arith.constant 48 : i32
        %add3A_1543 = arith.addi %mul3A_1463, %add3A_1542 : i32
        %get3A_1544 = arith.index_cast %select_n3A_1445 : i32 to index
        %get3A_1545 = arith.index_cast %add3A_1543 : i32 to index
        %get3A_1546 = tpu.vector_load %arg6[%get3A_1544, %get3A_1545] {strides = array<i32>} : memref<80x128xi32, #tpu.memory_space<vmem>>, vector<1x16xi32>,
        %get3A_1547 = vector.shape_cast %get3A_1546 : vector<1x16xi32> to vector<16xi32>
        %and3A_1548 = arith.constant 65535 : i32
        %and3A_1549 = vector.broadcast %and3A_1548 : i32 to vector<16xi32>
        %and3A_1550 = arith.andi %get3A_1547, %and3A_1549 : vector<16xi32>
        %add3A_1551 = vector.broadcast %mul3A_4 : i32 to vector<16xi32>
        %add3A_1552 = arith.addi %and3A_1550, %add3A_1551 : vector<16xi32>
        %swap3A_1553 = arith.constant 3 : i32
        %swap3A_1554 = arith.index_cast %swap3A_1553 : i32 to index
        %swap3A_1555 = arith.constant 48 : index
        %swap3A_1556 = tpu.vector_load %arg9[%swap3A_1554, %swap3A_1555] {strides = array<i32>} : memref<4x64xi32, #tpu.memory_space<vmem>>, vector<1x16xi32>,
        %swap3A_1557 = vector.shape_cast %swap3A_1556 : vector<1x16xi32> to vector<16xi32>
        %swap3A_1558 = vector.shape_cast %add3A_1552 : vector<16xi32> to vector<1x16xi32>
        tpu.vector_store %arg9[%swap3A_1554, %swap3A_1555], %swap3A_1558 {strides = array<i32>} : memref<4x64xi32, #tpu.memory_space<vmem>>, vector<1x16xi32>,
        %shift_right_logical3A_1559 = arith.constant 16 : i32
        %shift_right_logical3A_1560 = vector.broadcast %shift_right_logical3A_1559 : i32 to vector<16xi32>
        %shift_right_logical3A_1561 = arith.shrui %get3A_1547, %shift_right_logical3A_1560 : vector<16xi32>
        %swap3A_1562 = arith.constant 3 : i32
        %swap3A_1563 = arith.index_cast %swap3A_1562 : i32 to index
        %swap3A_1564 = arith.constant 48 : index
        %swap3A_1565 = tpu.vector_load %arg10[%swap3A_1563, %swap3A_1564] {strides = array<i32>} : memref<4x64xi32, #tpu.memory_space<vmem>>, vector<1x16xi32>,
        %swap3A_1566 = vector.shape_cast %swap3A_1565 : vector<1x16xi32> to vector<16xi32>
        %swap3A_1567 = vector.shape_cast %shift_right_logical3A_1561 : vector<16xi32> to vector<1x16xi32>
        tpu.vector_store %arg10[%swap3A_1563, %swap3A_1564], %swap3A_1567 {strides = array<i32>} : memref<4x64xi32, #tpu.memory_space<vmem>>, vector<1x16xi32>,
        %add3A_1568 = arith.constant 2 : i32
        %add3A_1569 = arith.addi %add3A_1409, %add3A_1568 : i32
        %dma_start3A_1570 = arith.constant 3 : i32
        %dma_start3A_1571 = arith.constant 192 : i32
        %dma_start3A_1572 = arith.constant 0 : i32
        %dma_start3A_1573 = tpu.memref_slice %arg7[%dma_start3A_1571, %dma_start3A_1572] : memref<256x128xf32, #tpu.memory_space<vmem>> -> memref<64x128xf32, #tpu.memory_space<vmem>>
        %dma_start3A_1574 = arith.constant 0 : i32
        %dma_start3A_1575 = tpu.memref_slice %arg9[%dma_start3A_1570, %dma_start3A_1574] : memref<4x64xi32, #tpu.memory_space<vmem>> -> memref<1x64xi32, #tpu.memory_space<vmem>>
        %dma_start3A_1576 = tpu.memref_squeeze %dma_start3A_1575 : memref<1x64xi32, #tpu.memory_space<vmem>> -> memref<64xi32, #tpu.memory_space<vmem>>
        %dma_start3A_1577 = arith.constant 0 : i32
        %dma_start3A_1578 = arith.constant 0 : i32
        %dma_start3A_1579 = tpu.memref_slice %arg5[%dma_start3A_1577, %dma_start3A_1578] : memref<20480x128xf32, #tpu.memory_space<hbm>> -> memref<20480x128xf32, #tpu.memory_space<hbm>>
        tpu.enqueue_indirect_dma source(%dma_start3A_1579 : memref<20480x128xf32, #tpu.memory_space<hbm>>) target(%dma_start3A_1573 : memref<64x128xf32, #tpu.memory_space<vmem>>) offsets(%dma_start3A_1576 : memref<64xi32, #tpu.memory_space<vmem>>) semaphore(%arg15 : memref<!tpu.dma_semaphore, #tpu.memory_space<semaphore_mem>>)
        %add3A_1580 = arith.addi %mul3A_6, %add3A_1569 : i32
        %mul3A_1581 = arith.constant 8 : i32
        %mul3A_1582 = arith.muli %add3A_1580, %mul3A_1581 : i32
        %dma_start3A_1583 = arith.constant 24 : i32
        %dma_start3A_1584 = arith.constant 0 : i32
        %dma_start3A_1585 = tpu.memref_slice %arg8[%dma_start3A_1583, %dma_start3A_1584] : memref<32x128xf32, #tpu.memory_space<vmem>> -> memref<8x128xf32, #tpu.memory_space<vmem>>
        %dma_start3A_1586 = arith.constant 0 : i32
        %dma_start3A_1587 = tpu.memref_slice %arg4[%mul3A_1582, %dma_start3A_1586] : memref<20480x128xf32, #tpu.memory_space<hbm>> -> memref<8x128xf32, #tpu.memory_space<hbm>>
        %dma_start3A_1588 = arith.constant 24 : i32
        %dma_start3A_1589 = arith.constant 0 : i32
        %dma_start3A_1590 = tpu.memref_slice %arg8[%dma_start3A_1588, %dma_start3A_1589] : memref<32x128xf32, #tpu.memory_space<vmem>> -> memref<8x128xf32, #tpu.memory_space<vmem>>
        %dma_start3A_1591 = arith.constant 0 : i32
        %dma_start3A_1592 = tpu.memref_slice %arg4[%mul3A_1582, %dma_start3A_1591] : memref<20480x128xf32, #tpu.memory_space<hbm>> -> memref<8x128xf32, #tpu.memory_space<hbm>>
        tpu.enqueue_dma source(%dma_start3A_1592 : memref<8x128xf32, #tpu.memory_space<hbm>>) target(%dma_start3A_1590 : memref<8x128xf32, #tpu.memory_space<vmem>>) target_semaphore(%arg19 : memref<!tpu.dma_semaphore, #tpu.memory_space<semaphore_mem>>)
        %dma_wait3A_1593 = arith.constant 1 : i32
        %dma_wait3A_1594 = arith.constant 64 : i32
        %dma_wait3A_1595 = arith.constant 0 : i32
        %dma_wait3A_1596 = tpu.memref_slice %arg7[%dma_wait3A_1594, %dma_wait3A_1595] : memref<256x128xf32, #tpu.memory_space<vmem>> -> memref<64x128xf32, #tpu.memory_space<vmem>>
        %dma_wait3A_1597 = arith.constant 0 : i32
        %dma_wait3A_1598 = tpu.memref_slice %arg9[%dma_wait3A_1593, %dma_wait3A_1597] : memref<4x64xi32, #tpu.memory_space<vmem>> -> memref<1x64xi32, #tpu.memory_space<vmem>>
        %dma_wait3A_1599 = tpu.memref_squeeze %dma_wait3A_1598 : memref<1x64xi32, #tpu.memory_space<vmem>> -> memref<64xi32, #tpu.memory_space<vmem>>
        %dma_wait3A_1600 = arith.constant 0 : i32
        %dma_wait3A_1601 = arith.constant 0 : i32
        %dma_wait3A_1602 = tpu.memref_slice %arg5[%dma_wait3A_1600, %dma_wait3A_1601] : memref<20480x128xf32, #tpu.memory_space<hbm>> -> memref<20480x128xf32, #tpu.memory_space<hbm>>
        tpu.wait_indirect_dma semaphore(%arg13 : memref<!tpu.dma_semaphore, #tpu.memory_space<semaphore_mem>>) src(%dma_wait3A_1602 : memref<20480x128xf32, #tpu.memory_space<hbm>>) dst(%dma_wait3A_1596 : memref<64x128xf32, #tpu.memory_space<vmem>>)
        %mul3A_1603 = arith.constant 8 : i32
        %mul3A_1604 = arith.muli %mul3A_6, %mul3A_1603 : i32
        %dma_wait3A_1605 = arith.constant 8 : i32
        %dma_wait3A_1606 = arith.constant 0 : i32
        %dma_wait3A_1607 = tpu.memref_slice %arg8[%dma_wait3A_1605, %dma_wait3A_1606] : memref<32x128xf32, #tpu.memory_space<vmem>> -> memref<8x128xf32, #tpu.memory_space<vmem>>
        %dma_wait3A_1608 = arith.constant 0 : i32
        %dma_wait3A_1609 = tpu.memref_slice %arg4[%mul3A_1604, %dma_wait3A_1608] : memref<20480x128xf32, #tpu.memory_space<hbm>> -> memref<8x128xf32, #tpu.memory_space<hbm>>
        %dma_wait3A_1610 = arith.constant 8 : i32
        %dma_wait3A_1611 = arith.constant 0 : i32
        %dma_wait3A_1612 = tpu.memref_slice %arg8[%dma_wait3A_1610, %dma_wait3A_1611] : memref<32x128xf32, #tpu.memory_space<vmem>> -> memref<8x128xf32, #tpu.memory_space<vmem>>
        %dma_wait3A_1613 = arith.constant 0 : i32
        %dma_wait3A_1614 = tpu.memref_slice %arg4[%mul3A_1604, %dma_wait3A_1613] : memref<20480x128xf32, #tpu.memory_space<hbm>> -> memref<8x128xf32, #tpu.memory_space<hbm>>
        tpu.wait_dma2 semaphore(%arg17 : memref<!tpu.dma_semaphore, #tpu.memory_space<semaphore_mem>>) src(%dma_wait3A_1614 : memref<8x128xf32, #tpu.memory_space<hbm>>) dst(%dma_wait3A_1612 : memref<8x128xf32, #tpu.memory_space<vmem>>)
        %scan3A_1615 = arith.constant 0 : i32
        %scan3A_1616 = arith.constant 0 : i32
        %scan3A_1617 = arith.constant 32 : i32
        %scan3A_1618 = arith.addi %scan3A_1616, %scan3A_1617 : i32
        %scan3A_1619 = arith.constant 1 : i32
        %scan3A_1620 = scf.for %scan3A_1633 = %scan3A_1616 to %scan3A_1618 step %scan3A_1619 iter_args(%scan3A_1634 = %scan3A_1615) -> (i32)  : i32 {
          %mul3A_1635 = arith.constant 2 : i32
          %mul3A_1636 = arith.muli %scan3A_1633, %mul3A_1635 : i32
          %add3A_1637 = arith.constant 0 : i32
          %add3A_1638 = arith.addi %mul3A_1636, %add3A_1637 : i32
          %jit3A_1639 = arith.constant 8 : i32
          %div3A_1640 = arith.divsi %add3A_1638, %jit3A_1639 : i32
          %sign3A_1641 = arith.constant 0 : i32
          %sign3A_1642 = arith.cmpi sgt, %add3A_1638, %sign3A_1641 : i32
          %sign3A_1643 = arith.extui %sign3A_1642 : i1 to i32
          %sign3A_1644 = arith.constant 0 : i32
          %sign3A_1645 = arith.cmpi slt, %add3A_1638, %sign3A_1644 : i32
          %sign3A_1646 = arith.extui %sign3A_1645 : i1 to i32
          %sign3A_1647 = arith.subi %sign3A_1643, %sign3A_1646 : i32
          %sign3A_1648 = arith.constant 0 : i32
          %sign3A_1649 = arith.cmpi sgt, %jit3A_1639, %sign3A_1648 : i32
          %sign3A_1650 = arith.extui %sign3A_1649 : i1 to i32
          %sign3A_1651 = arith.constant 0 : i32
          %sign3A_1652 = arith.cmpi slt, %jit3A_1639, %sign3A_1651 : i32
          %sign3A_1653 = arith.extui %sign3A_1652 : i1 to i32
          %sign3A_1654 = arith.subi %sign3A_1650, %sign3A_1653 : i32
          %ne3A_1655 = arith.cmpi ne, %sign3A_1647, %sign3A_1654 : i32
          %rem3A_1656 = arith.remsi %add3A_1638, %jit3A_1639 : i32
          %ne3A_1657 = arith.constant 0 : i32
          %ne3A_1658 = arith.cmpi ne, %rem3A_1656, %ne3A_1657 : i32
          %and3A_1659 = arith.andi %ne3A_1655, %ne3A_1658 : i1
          %sub3A_1660 = arith.constant 1 : i32
          %sub3A_1661 = arith.subi %div3A_1640, %sub3A_1660 : i32
          %select_n3A_1662 = arith.select %and3A_1659, %sub3A_1661, %div3A_1640 : i32
          %add3A_1663 = arith.constant 8 : i32
          %add3A_1664 = arith.addi %add3A_1663, %select_n3A_1662 : i32
          %jit3A_1665 = arith.constant 8 : i32
          %eq3A_1666 = arith.constant 0 : i32
          %eq3A_1667 = arith.cmpi eq, %jit3A_1665, %eq3A_1666 : i32
          %jit3A_1668 = arith.constant 1 : i32
          %select_n3A_1669 = arith.select %eq3A_1667, %jit3A_1668, %jit3A_1665 : i32
          %rem3A_1670 = arith.remsi %add3A_1638, %select_n3A_1669 : i32
          %ne3A_1671 = arith.constant 0 : i32
          %ne3A_1672 = arith.cmpi ne, %rem3A_1670, %ne3A_1671 : i32
          %lt3A_1673 = arith.constant 0 : i32
          %lt3A_1674 = arith.cmpi slt, %rem3A_1670, %lt3A_1673 : i32
          %lt3A_1675 = arith.constant 0 : i32
          %lt3A_1676 = arith.cmpi slt, %select_n3A_1669, %lt3A_1675 : i32
          %ne3A_1677 = arith.xori %lt3A_1674, %lt3A_1676 : i1
          %and3A_1678 = arith.andi %ne3A_1677, %ne3A_1672 : i1
          %add3A_1679 = arith.addi %rem3A_1670, %select_n3A_1669 : i32
          %select_n3A_1680 = arith.select %and3A_1678, %add3A_1679, %rem3A_1670 : i32
          %mul3A_1681 = arith.constant 16 : i32
          %mul3A_1682 = arith.muli %select_n3A_1680, %mul3A_1681 : i32
          %get3A_1683 = arith.index_cast %add3A_1664 : i32 to index
          %get3A_1684 = arith.index_cast %mul3A_1682 : i32 to index
          %get3A_1685 = tpu.vector_load %arg8[%get3A_1683, %get3A_1684] {strides = array<i32>} : memref<32x128xf32, #tpu.memory_space<vmem>>, vector<1x16xf32>,
          %get3A_1686 = vector.shape_cast %get3A_1685 : vector<1x16xf32> to vector<16xf32>
          %add3A_1687 = arith.constant 64 : i32
          %add3A_1688 = arith.addi %add3A_1687, %add3A_1638 : i32
          %get3A_1689 = arith.index_cast %add3A_1688 : i32 to index
          %get3A_1690 = arith.constant 0 : index
          %get3A_1691 = tpu.vector_load %arg7[%get3A_1689, %get3A_1690] {strides = array<i32>} : memref<256x128xf32, #tpu.memory_space<vmem>>, vector<1x16xf32>,
          %get3A_1692 = vector.shape_cast %get3A_1691 : vector<1x16xf32> to vector<16xf32>
          %mul3A_1693 = arith.mulf %get3A_1692, %get3A_1686 : vector<16xf32>
          %add3A_1694 = arith.constant 64 : i32
          %add3A_1695 = arith.addi %add3A_1694, %add3A_1638 : i32
          %swap3A_1696 = arith.index_cast %add3A_1695 : i32 to index
          %swap3A_1697 = arith.constant 0 : index
          %swap3A_1698 = tpu.vector_load %arg7[%swap3A_1696, %swap3A_1697] {strides = array<i32>} : memref<256x128xf32, #tpu.memory_space<vmem>>, vector<1x16xf32>,
          %swap3A_1699 = vector.shape_cast %swap3A_1698 : vector<1x16xf32> to vector<16xf32>
          %swap3A_1700 = vector.shape_cast %mul3A_1693 : vector<16xf32> to vector<1x16xf32>
          tpu.vector_store %arg7[%swap3A_1696, %swap3A_1697], %swap3A_1700 {strides = array<i32>} : memref<256x128xf32, #tpu.memory_space<vmem>>, vector<1x16xf32>,
          %add3A_1701 = arith.constant 64 : i32
          %add3A_1702 = arith.addi %add3A_1701, %add3A_1638 : i32
          %get3A_1703 = arith.index_cast %add3A_1702 : i32 to index
          %get3A_1704 = arith.constant 16 : index
          %get3A_1705 = tpu.vector_load %arg7[%get3A_1703, %get3A_1704] {strides = array<i32>} : memref<256x128xf32, #tpu.memory_space<vmem>>, vector<1x16xf32>,
          %get3A_1706 = vector.shape_cast %get3A_1705 : vector<1x16xf32> to vector<16xf32>
          %mul3A_1707 = arith.mulf %get3A_1706, %get3A_1686 : vector<16xf32>
          %add3A_1708 = arith.constant 64 : i32
          %add3A_1709 = arith.addi %add3A_1708, %add3A_1638 : i32
          %swap3A_1710 = arith.index_cast %add3A_1709 : i32 to index
          %swap3A_1711 = arith.constant 16 : index
          %swap3A_1712 = tpu.vector_load %arg7[%swap3A_1710, %swap3A_1711] {strides = array<i32>} : memref<256x128xf32, #tpu.memory_space<vmem>>, vector<1x16xf32>,
          %swap3A_1713 = vector.shape_cast %swap3A_1712 : vector<1x16xf32> to vector<16xf32>
          %swap3A_1714 = vector.shape_cast %mul3A_1707 : vector<16xf32> to vector<1x16xf32>
          tpu.vector_store %arg7[%swap3A_1710, %swap3A_1711], %swap3A_1714 {strides = array<i32>} : memref<256x128xf32, #tpu.memory_space<vmem>>, vector<1x16xf32>,
          %add3A_1715 = arith.constant 64 : i32
          %add3A_1716 = arith.addi %add3A_1715, %add3A_1638 : i32
          %get3A_1717 = arith.index_cast %add3A_1716 : i32 to index
          %get3A_1718 = arith.constant 32 : index
          %get3A_1719 = tpu.vector_load %arg7[%get3A_1717, %get3A_1718] {strides = array<i32>} : memref<256x128xf32, #tpu.memory_space<vmem>>, vector<1x16xf32>,
          %get3A_1720 = vector.shape_cast %get3A_1719 : vector<1x16xf32> to vector<16xf32>
          %mul3A_1721 = arith.mulf %get3A_1720, %get3A_1686 : vector<16xf32>
          %add3A_1722 = arith.constant 64 : i32
          %add3A_1723 = arith.addi %add3A_1722, %add3A_1638 : i32
          %swap3A_1724 = arith.index_cast %add3A_1723 : i32 to index
          %swap3A_1725 = arith.constant 32 : index
          %swap3A_1726 = tpu.vector_load %arg7[%swap3A_1724, %swap3A_1725] {strides = array<i32>} : memref<256x128xf32, #tpu.memory_space<vmem>>, vector<1x16xf32>,
          %swap3A_1727 = vector.shape_cast %swap3A_1726 : vector<1x16xf32> to vector<16xf32>
          %swap3A_1728 = vector.shape_cast %mul3A_1721 : vector<16xf32> to vector<1x16xf32>
          tpu.vector_store %arg7[%swap3A_1724, %swap3A_1725], %swap3A_1728 {strides = array<i32>} : memref<256x128xf32, #tpu.memory_space<vmem>>, vector<1x16xf32>,
          %add3A_1729 = arith.constant 64 : i32
          %add3A_1730 = arith.addi %add3A_1729, %add3A_1638 : i32
          %get3A_1731 = arith.index_cast %add3A_1730 : i32 to index
          %get3A_1732 = arith.constant 48 : index
          %get3A_1733 = tpu.vector_load %arg7[%get3A_1731, %get3A_1732] {strides = array<i32>} : memref<256x128xf32, #tpu.memory_space<vmem>>, vector<1x16xf32>,
          %get3A_1734 = vector.shape_cast %get3A_1733 : vector<1x16xf32> to vector<16xf32>
          %mul3A_1735 = arith.mulf %get3A_1734, %get3A_1686 : vector<16xf32>
          %add3A_1736 = arith.constant 64 : i32
          %add3A_1737 = arith.addi %add3A_1736, %add3A_1638 : i32
          %swap3A_1738 = arith.index_cast %add3A_1737 : i32 to index
          %swap3A_1739 = arith.constant 48 : index
          %swap3A_1740 = tpu.vector_load %arg7[%swap3A_1738, %swap3A_1739] {strides = array<i32>} : memref<256x128xf32, #tpu.memory_space<vmem>>, vector<1x16xf32>,
          %swap3A_1741 = vector.shape_cast %swap3A_1740 : vector<1x16xf32> to vector<16xf32>
          %swap3A_1742 = vector.shape_cast %mul3A_1735 : vector<16xf32> to vector<1x16xf32>
          tpu.vector_store %arg7[%swap3A_1738, %swap3A_1739], %swap3A_1742 {strides = array<i32>} : memref<256x128xf32, #tpu.memory_space<vmem>>, vector<1x16xf32>,
          %add3A_1743 = arith.constant 64 : i32
          %add3A_1744 = arith.addi %add3A_1743, %add3A_1638 : i32
          %get3A_1745 = arith.index_cast %add3A_1744 : i32 to index
          %get3A_1746 = arith.constant 64 : index
          %get3A_1747 = tpu.vector_load %arg7[%get3A_1745, %get3A_1746] {strides = array<i32>} : memref<256x128xf32, #tpu.memory_space<vmem>>, vector<1x16xf32>,
          %get3A_1748 = vector.shape_cast %get3A_1747 : vector<1x16xf32> to vector<16xf32>
          %mul3A_1749 = arith.mulf %get3A_1748, %get3A_1686 : vector<16xf32>
          %add3A_1750 = arith.constant 64 : i32
          %add3A_1751 = arith.addi %add3A_1750, %add3A_1638 : i32
          %swap3A_1752 = arith.index_cast %add3A_1751 : i32 to index
          %swap3A_1753 = arith.constant 64 : index
          %swap3A_1754 = tpu.vector_load %arg7[%swap3A_1752, %swap3A_1753] {strides = array<i32>} : memref<256x128xf32, #tpu.memory_space<vmem>>, vector<1x16xf32>,
          %swap3A_1755 = vector.shape_cast %swap3A_1754 : vector<1x16xf32> to vector<16xf32>
          %swap3A_1756 = vector.shape_cast %mul3A_1749 : vector<16xf32> to vector<1x16xf32>
          tpu.vector_store %arg7[%swap3A_1752, %swap3A_1753], %swap3A_1756 {strides = array<i32>} : memref<256x128xf32, #tpu.memory_space<vmem>>, vector<1x16xf32>,
          %add3A_1757 = arith.constant 64 : i32
          %add3A_1758 = arith.addi %add3A_1757, %add3A_1638 : i32
          %get3A_1759 = arith.index_cast %add3A_1758 : i32 to index
          %get3A_1760 = arith.constant 80 : index
          %get3A_1761 = tpu.vector_load %arg7[%get3A_1759, %get3A_1760] {strides = array<i32>} : memref<256x128xf32, #tpu.memory_space<vmem>>, vector<1x16xf32>,
          %get3A_1762 = vector.shape_cast %get3A_1761 : vector<1x16xf32> to vector<16xf32>
          %mul3A_1763 = arith.mulf %get3A_1762, %get3A_1686 : vector<16xf32>
          %add3A_1764 = arith.constant 64 : i32
          %add3A_1765 = arith.addi %add3A_1764, %add3A_1638 : i32
          %swap3A_1766 = arith.index_cast %add3A_1765 : i32 to index
          %swap3A_1767 = arith.constant 80 : index
          %swap3A_1768 = tpu.vector_load %arg7[%swap3A_1766, %swap3A_1767] {strides = array<i32>} : memref<256x128xf32, #tpu.memory_space<vmem>>, vector<1x16xf32>,
          %swap3A_1769 = vector.shape_cast %swap3A_1768 : vector<1x16xf32> to vector<16xf32>
          %swap3A_1770 = vector.shape_cast %mul3A_1763 : vector<16xf32> to vector<1x16xf32>
          tpu.vector_store %arg7[%swap3A_1766, %swap3A_1767], %swap3A_1770 {strides = array<i32>} : memref<256x128xf32, #tpu.memory_space<vmem>>, vector<1x16xf32>,
          %add3A_1771 = arith.constant 64 : i32
          %add3A_1772 = arith.addi %add3A_1771, %add3A_1638 : i32
          %get3A_1773 = arith.index_cast %add3A_1772 : i32 to index
          %get3A_1774 = arith.constant 96 : index
          %get3A_1775 = tpu.vector_load %arg7[%get3A_1773, %get3A_1774] {strides = array<i32>} : memref<256x128xf32, #tpu.memory_space<vmem>>, vector<1x16xf32>,
          %get3A_1776 = vector.shape_cast %get3A_1775 : vector<1x16xf32> to vector<16xf32>
          %mul3A_1777 = arith.mulf %get3A_1776, %get3A_1686 : vector<16xf32>
          %add3A_1778 = arith.constant 64 : i32
          %add3A_1779 = arith.addi %add3A_1778, %add3A_1638 : i32
          %swap3A_1780 = arith.index_cast %add3A_1779 : i32 to index
          %swap3A_1781 = arith.constant 96 : index
          %swap3A_1782 = tpu.vector_load %arg7[%swap3A_1780, %swap3A_1781] {strides = array<i32>} : memref<256x128xf32, #tpu.memory_space<vmem>>, vector<1x16xf32>,
          %swap3A_1783 = vector.shape_cast %swap3A_1782 : vector<1x16xf32> to vector<16xf32>
          %swap3A_1784 = vector.shape_cast %mul3A_1777 : vector<16xf32> to vector<1x16xf32>
          tpu.vector_store %arg7[%swap3A_1780, %swap3A_1781], %swap3A_1784 {strides = array<i32>} : memref<256x128xf32, #tpu.memory_space<vmem>>, vector<1x16xf32>,
          %add3A_1785 = arith.constant 64 : i32
          %add3A_1786 = arith.addi %add3A_1785, %add3A_1638 : i32
          %get3A_1787 = arith.index_cast %add3A_1786 : i32 to index
          %get3A_1788 = arith.constant 112 : index
          %get3A_1789 = tpu.vector_load %arg7[%get3A_1787, %get3A_1788] {strides = array<i32>} : memref<256x128xf32, #tpu.memory_space<vmem>>, vector<1x16xf32>,
          %get3A_1790 = vector.shape_cast %get3A_1789 : vector<1x16xf32> to vector<16xf32>
          %mul3A_1791 = arith.mulf %get3A_1790, %get3A_1686 : vector<16xf32>
          %add3A_1792 = arith.constant 64 : i32
          %add3A_1793 = arith.addi %add3A_1792, %add3A_1638 : i32
          %swap3A_1794 = arith.index_cast %add3A_1793 : i32 to index
          %swap3A_1795 = arith.constant 112 : index
          %swap3A_1796 = tpu.vector_load %arg7[%swap3A_1794, %swap3A_1795] {strides = array<i32>} : memref<256x128xf32, #tpu.memory_space<vmem>>, vector<1x16xf32>,
          %swap3A_1797 = vector.shape_cast %swap3A_1796 : vector<1x16xf32> to vector<16xf32>
          %swap3A_1798 = vector.shape_cast %mul3A_1791 : vector<16xf32> to vector<1x16xf32>
          tpu.vector_store %arg7[%swap3A_1794, %swap3A_1795], %swap3A_1798 {strides = array<i32>} : memref<256x128xf32, #tpu.memory_space<vmem>>, vector<1x16xf32>,
          %mul3A_1799 = arith.constant 2 : i32
          %mul3A_1800 = arith.muli %scan3A_1633, %mul3A_1799 : i32
          %add3A_1801 = arith.constant 1 : i32
          %add3A_1802 = arith.addi %mul3A_1800, %add3A_1801 : i32
          %jit3A_1803 = arith.constant 8 : i32
          %div3A_1804 = arith.divsi %add3A_1802, %jit3A_1803 : i32
          %sign3A_1805 = arith.constant 0 : i32
          %sign3A_1806 = arith.cmpi sgt, %add3A_1802, %sign3A_1805 : i32
          %sign3A_1807 = arith.extui %sign3A_1806 : i1 to i32
          %sign3A_1808 = arith.constant 0 : i32
          %sign3A_1809 = arith.cmpi slt, %add3A_1802, %sign3A_1808 : i32
          %sign3A_1810 = arith.extui %sign3A_1809 : i1 to i32
          %sign3A_1811 = arith.subi %sign3A_1807, %sign3A_1810 : i32
          %sign3A_1812 = arith.constant 0 : i32
          %sign3A_1813 = arith.cmpi sgt, %jit3A_1803, %sign3A_1812 : i32
          %sign3A_1814 = arith.extui %sign3A_1813 : i1 to i32
          %sign3A_1815 = arith.constant 0 : i32
          %sign3A_1816 = arith.cmpi slt, %jit3A_1803, %sign3A_1815 : i32
          %sign3A_1817 = arith.extui %sign3A_1816 : i1 to i32
          %sign3A_1818 = arith.subi %sign3A_1814, %sign3A_1817 : i32
          %ne3A_1819 = arith.cmpi ne, %sign3A_1811, %sign3A_1818 : i32
          %rem3A_1820 = arith.remsi %add3A_1802, %jit3A_1803 : i32
          %ne3A_1821 = arith.constant 0 : i32
          %ne3A_1822 = arith.cmpi ne, %rem3A_1820, %ne3A_1821 : i32
          %and3A_1823 = arith.andi %ne3A_1819, %ne3A_1822 : i1
          %sub3A_1824 = arith.constant 1 : i32
          %sub3A_1825 = arith.subi %div3A_1804, %sub3A_1824 : i32
          %select_n3A_1826 = arith.select %and3A_1823, %sub3A_1825, %div3A_1804 : i32
          %add3A_1827 = arith.constant 8 : i32
          %add3A_1828 = arith.addi %add3A_1827, %select_n3A_1826 : i32
          %jit3A_1829 = arith.constant 8 : i32
          %eq3A_1830 = arith.constant 0 : i32
          %eq3A_1831 = arith.cmpi eq, %jit3A_1829, %eq3A_1830 : i32
          %jit3A_1832 = arith.constant 1 : i32
          %select_n3A_1833 = arith.select %eq3A_1831, %jit3A_1832, %jit3A_1829 : i32
          %rem3A_1834 = arith.remsi %add3A_1802, %select_n3A_1833 : i32
          %ne3A_1835 = arith.constant 0 : i32
          %ne3A_1836 = arith.cmpi ne, %rem3A_1834, %ne3A_1835 : i32
          %lt3A_1837 = arith.constant 0 : i32
          %lt3A_1838 = arith.cmpi slt, %rem3A_1834, %lt3A_1837 : i32
          %lt3A_1839 = arith.constant 0 : i32
          %lt3A_1840 = arith.cmpi slt, %select_n3A_1833, %lt3A_1839 : i32
          %ne3A_1841 = arith.xori %lt3A_1838, %lt3A_1840 : i1
          %and3A_1842 = arith.andi %ne3A_1841, %ne3A_1836 : i1
          %add3A_1843 = arith.addi %rem3A_1834, %select_n3A_1833 : i32
          %select_n3A_1844 = arith.select %and3A_1842, %add3A_1843, %rem3A_1834 : i32
          %mul3A_1845 = arith.constant 16 : i32
          %mul3A_1846 = arith.muli %select_n3A_1844, %mul3A_1845 : i32
          %get3A_1847 = arith.index_cast %add3A_1828 : i32 to index
          %get3A_1848 = arith.index_cast %mul3A_1846 : i32 to index
          %get3A_1849 = tpu.vector_load %arg8[%get3A_1847, %get3A_1848] {strides = array<i32>} : memref<32x128xf32, #tpu.memory_space<vmem>>, vector<1x16xf32>,
          %get3A_1850 = vector.shape_cast %get3A_1849 : vector<1x16xf32> to vector<16xf32>
          %add3A_1851 = arith.constant 64 : i32
          %add3A_1852 = arith.addi %add3A_1851, %add3A_1802 : i32
          %get3A_1853 = arith.index_cast %add3A_1852 : i32 to index
          %get3A_1854 = arith.constant 0 : index
          %get3A_1855 = tpu.vector_load %arg7[%get3A_1853, %get3A_1854] {strides = array<i32>} : memref<256x128xf32, #tpu.memory_space<vmem>>, vector<1x16xf32>,
          %get3A_1856 = vector.shape_cast %get3A_1855 : vector<1x16xf32> to vector<16xf32>
          %mul3A_1857 = arith.mulf %get3A_1856, %get3A_1850 : vector<16xf32>
          %add3A_1858 = arith.constant 64 : i32
          %add3A_1859 = arith.addi %add3A_1858, %add3A_1802 : i32
          %swap3A_1860 = arith.index_cast %add3A_1859 : i32 to index
          %swap3A_1861 = arith.constant 0 : index
          %swap3A_1862 = tpu.vector_load %arg7[%swap3A_1860, %swap3A_1861] {strides = array<i32>} : memref<256x128xf32, #tpu.memory_space<vmem>>, vector<1x16xf32>,
          %swap3A_1863 = vector.shape_cast %swap3A_1862 : vector<1x16xf32> to vector<16xf32>
          %swap3A_1864 = vector.shape_cast %mul3A_1857 : vector<16xf32> to vector<1x16xf32>
          tpu.vector_store %arg7[%swap3A_1860, %swap3A_1861], %swap3A_1864 {strides = array<i32>} : memref<256x128xf32, #tpu.memory_space<vmem>>, vector<1x16xf32>,
          %add3A_1865 = arith.constant 64 : i32
          %add3A_1866 = arith.addi %add3A_1865, %add3A_1802 : i32
          %get3A_1867 = arith.index_cast %add3A_1866 : i32 to index
          %get3A_1868 = arith.constant 16 : index
          %get3A_1869 = tpu.vector_load %arg7[%get3A_1867, %get3A_1868] {strides = array<i32>} : memref<256x128xf32, #tpu.memory_space<vmem>>, vector<1x16xf32>,
          %get3A_1870 = vector.shape_cast %get3A_1869 : vector<1x16xf32> to vector<16xf32>
          %mul3A_1871 = arith.mulf %get3A_1870, %get3A_1850 : vector<16xf32>
          %add3A_1872 = arith.constant 64 : i32
          %add3A_1873 = arith.addi %add3A_1872, %add3A_1802 : i32
          %swap3A_1874 = arith.index_cast %add3A_1873 : i32 to index
          %swap3A_1875 = arith.constant 16 : index
          %swap3A_1876 = tpu.vector_load %arg7[%swap3A_1874, %swap3A_1875] {strides = array<i32>} : memref<256x128xf32, #tpu.memory_space<vmem>>, vector<1x16xf32>,
          %swap3A_1877 = vector.shape_cast %swap3A_1876 : vector<1x16xf32> to vector<16xf32>
          %swap3A_1878 = vector.shape_cast %mul3A_1871 : vector<16xf32> to vector<1x16xf32>
          tpu.vector_store %arg7[%swap3A_1874, %swap3A_1875], %swap3A_1878 {strides = array<i32>} : memref<256x128xf32, #tpu.memory_space<vmem>>, vector<1x16xf32>,
          %add3A_1879 = arith.constant 64 : i32
          %add3A_1880 = arith.addi %add3A_1879, %add3A_1802 : i32
          %get3A_1881 = arith.index_cast %add3A_1880 : i32 to index
          %get3A_1882 = arith.constant 32 : index
          %get3A_1883 = tpu.vector_load %arg7[%get3A_1881, %get3A_1882] {strides = array<i32>} : memref<256x128xf32, #tpu.memory_space<vmem>>, vector<1x16xf32>,
          %get3A_1884 = vector.shape_cast %get3A_1883 : vector<1x16xf32> to vector<16xf32>
          %mul3A_1885 = arith.mulf %get3A_1884, %get3A_1850 : vector<16xf32>
          %add3A_1886 = arith.constant 64 : i32
          %add3A_1887 = arith.addi %add3A_1886, %add3A_1802 : i32
          %swap3A_1888 = arith.index_cast %add3A_1887 : i32 to index
          %swap3A_1889 = arith.constant 32 : index
          %swap3A_1890 = tpu.vector_load %arg7[%swap3A_1888, %swap3A_1889] {strides = array<i32>} : memref<256x128xf32, #tpu.memory_space<vmem>>, vector<1x16xf32>,
          %swap3A_1891 = vector.shape_cast %swap3A_1890 : vector<1x16xf32> to vector<16xf32>
          %swap3A_1892 = vector.shape_cast %mul3A_1885 : vector<16xf32> to vector<1x16xf32>
          tpu.vector_store %arg7[%swap3A_1888, %swap3A_1889], %swap3A_1892 {strides = array<i32>} : memref<256x128xf32, #tpu.memory_space<vmem>>, vector<1x16xf32>,
          %add3A_1893 = arith.constant 64 : i32
          %add3A_1894 = arith.addi %add3A_1893, %add3A_1802 : i32
          %get3A_1895 = arith.index_cast %add3A_1894 : i32 to index
          %get3A_1896 = arith.constant 48 : index
          %get3A_1897 = tpu.vector_load %arg7[%get3A_1895, %get3A_1896] {strides = array<i32>} : memref<256x128xf32, #tpu.memory_space<vmem>>, vector<1x16xf32>,
          %get3A_1898 = vector.shape_cast %get3A_1897 : vector<1x16xf32> to vector<16xf32>
          %mul3A_1899 = arith.mulf %get3A_1898, %get3A_1850 : vector<16xf32>
          %add3A_1900 = arith.constant 64 : i32
          %add3A_1901 = arith.addi %add3A_1900, %add3A_1802 : i32
          %swap3A_1902 = arith.index_cast %add3A_1901 : i32 to index
          %swap3A_1903 = arith.constant 48 : index
          %swap3A_1904 = tpu.vector_load %arg7[%swap3A_1902, %swap3A_1903] {strides = array<i32>} : memref<256x128xf32, #tpu.memory_space<vmem>>, vector<1x16xf32>,
          %swap3A_1905 = vector.shape_cast %swap3A_1904 : vector<1x16xf32> to vector<16xf32>
          %swap3A_1906 = vector.shape_cast %mul3A_1899 : vector<16xf32> to vector<1x16xf32>
          tpu.vector_store %arg7[%swap3A_1902, %swap3A_1903], %swap3A_1906 {strides = array<i32>} : memref<256x128xf32, #tpu.memory_space<vmem>>, vector<1x16xf32>,
          %add3A_1907 = arith.constant 64 : i32
          %add3A_1908 = arith.addi %add3A_1907, %add3A_1802 : i32
          %get3A_1909 = arith.index_cast %add3A_1908 : i32 to index
          %get3A_1910 = arith.constant 64 : index
          %get3A_1911 = tpu.vector_load %arg7[%get3A_1909, %get3A_1910] {strides = array<i32>} : memref<256x128xf32, #tpu.memory_space<vmem>>, vector<1x16xf32>,
          %get3A_1912 = vector.shape_cast %get3A_1911 : vector<1x16xf32> to vector<16xf32>
          %mul3A_1913 = arith.mulf %get3A_1912, %get3A_1850 : vector<16xf32>
          %add3A_1914 = arith.constant 64 : i32
          %add3A_1915 = arith.addi %add3A_1914, %add3A_1802 : i32
          %swap3A_1916 = arith.index_cast %add3A_1915 : i32 to index
          %swap3A_1917 = arith.constant 64 : index
          %swap3A_1918 = tpu.vector_load %arg7[%swap3A_1916, %swap3A_1917] {strides = array<i32>} : memref<256x128xf32, #tpu.memory_space<vmem>>, vector<1x16xf32>,
          %swap3A_1919 = vector.shape_cast %swap3A_1918 : vector<1x16xf32> to vector<16xf32>
          %swap3A_1920 = vector.shape_cast %mul3A_1913 : vector<16xf32> to vector<1x16xf32>
          tpu.vector_store %arg7[%swap3A_1916, %swap3A_1917], %swap3A_1920 {strides = array<i32>} : memref<256x128xf32, #tpu.memory_space<vmem>>, vector<1x16xf32>,
          %add3A_1921 = arith.constant 64 : i32
          %add3A_1922 = arith.addi %add3A_1921, %add3A_1802 : i32
          %get3A_1923 = arith.index_cast %add3A_1922 : i32 to index
          %get3A_1924 = arith.constant 80 : index
          %get3A_1925 = tpu.vector_load %arg7[%get3A_1923, %get3A_1924] {strides = array<i32>} : memref<256x128xf32, #tpu.memory_space<vmem>>, vector<1x16xf32>,
          %get3A_1926 = vector.shape_cast %get3A_1925 : vector<1x16xf32> to vector<16xf32>
          %mul3A_1927 = arith.mulf %get3A_1926, %get3A_1850 : vector<16xf32>
          %add3A_1928 = arith.constant 64 : i32
          %add3A_1929 = arith.addi %add3A_1928, %add3A_1802 : i32
          %swap3A_1930 = arith.index_cast %add3A_1929 : i32 to index
          %swap3A_1931 = arith.constant 80 : index
          %swap3A_1932 = tpu.vector_load %arg7[%swap3A_1930, %swap3A_1931] {strides = array<i32>} : memref<256x128xf32, #tpu.memory_space<vmem>>, vector<1x16xf32>,
          %swap3A_1933 = vector.shape_cast %swap3A_1932 : vector<1x16xf32> to vector<16xf32>
          %swap3A_1934 = vector.shape_cast %mul3A_1927 : vector<16xf32> to vector<1x16xf32>
          tpu.vector_store %arg7[%swap3A_1930, %swap3A_1931], %swap3A_1934 {strides = array<i32>} : memref<256x128xf32, #tpu.memory_space<vmem>>, vector<1x16xf32>,
          %add3A_1935 = arith.constant 64 : i32
          %add3A_1936 = arith.addi %add3A_1935, %add3A_1802 : i32
          %get3A_1937 = arith.index_cast %add3A_1936 : i32 to index
          %get3A_1938 = arith.constant 96 : index
          %get3A_1939 = tpu.vector_load %arg7[%get3A_1937, %get3A_1938] {strides = array<i32>} : memref<256x128xf32, #tpu.memory_space<vmem>>, vector<1x16xf32>,
          %get3A_1940 = vector.shape_cast %get3A_1939 : vector<1x16xf32> to vector<16xf32>
          %mul3A_1941 = arith.mulf %get3A_1940, %get3A_1850 : vector<16xf32>
          %add3A_1942 = arith.constant 64 : i32
          %add3A_1943 = arith.addi %add3A_1942, %add3A_1802 : i32
          %swap3A_1944 = arith.index_cast %add3A_1943 : i32 to index
          %swap3A_1945 = arith.constant 96 : index
          %swap3A_1946 = tpu.vector_load %arg7[%swap3A_1944, %swap3A_1945] {strides = array<i32>} : memref<256x128xf32, #tpu.memory_space<vmem>>, vector<1x16xf32>,
          %swap3A_1947 = vector.shape_cast %swap3A_1946 : vector<1x16xf32> to vector<16xf32>
          %swap3A_1948 = vector.shape_cast %mul3A_1941 : vector<16xf32> to vector<1x16xf32>
          tpu.vector_store %arg7[%swap3A_1944, %swap3A_1945], %swap3A_1948 {strides = array<i32>} : memref<256x128xf32, #tpu.memory_space<vmem>>, vector<1x16xf32>,
          %add3A_1949 = arith.constant 64 : i32
          %add3A_1950 = arith.addi %add3A_1949, %add3A_1802 : i32
          %get3A_1951 = arith.index_cast %add3A_1950 : i32 to index
          %get3A_1952 = arith.constant 112 : index
          %get3A_1953 = tpu.vector_load %arg7[%get3A_1951, %get3A_1952] {strides = array<i32>} : memref<256x128xf32, #tpu.memory_space<vmem>>, vector<1x16xf32>,
          %get3A_1954 = vector.shape_cast %get3A_1953 : vector<1x16xf32> to vector<16xf32>
          %mul3A_1955 = arith.mulf %get3A_1954, %get3A_1850 : vector<16xf32>
          %add3A_1956 = arith.constant 64 : i32
          %add3A_1957 = arith.addi %add3A_1956, %add3A_1802 : i32
          %swap3A_1958 = arith.index_cast %add3A_1957 : i32 to index
          %swap3A_1959 = arith.constant 112 : index
          %swap3A_1960 = tpu.vector_load %arg7[%swap3A_1958, %swap3A_1959] {strides = array<i32>} : memref<256x128xf32, #tpu.memory_space<vmem>>, vector<1x16xf32>,
          %swap3A_1961 = vector.shape_cast %swap3A_1960 : vector<1x16xf32> to vector<16xf32>
          %swap3A_1962 = vector.shape_cast %mul3A_1955 : vector<16xf32> to vector<1x16xf32>
          tpu.vector_store %arg7[%swap3A_1958, %swap3A_1959], %swap3A_1962 {strides = array<i32>} : memref<256x128xf32, #tpu.memory_space<vmem>>, vector<1x16xf32>,
          %scan3A_1963 = arith.constant 0 : i32
          scf.yield %scan3A_1963 : i32
        }
        %scan3A_1621 = arith.constant 32 : i32
        %dma_start3A_1622 = arith.constant 1 : i32
        %dma_start3A_1623 = arith.constant 64 : i32
        %dma_start3A_1624 = arith.constant 0 : i32
        %dma_start3A_1625 = tpu.memref_slice %arg7[%dma_start3A_1623, %dma_start3A_1624] : memref<256x128xf32, #tpu.memory_space<vmem>> -> memref<64x128xf32, #tpu.memory_space<vmem>>
        %dma_start3A_1626 = arith.constant 0 : i32
        %dma_start3A_1627 = tpu.memref_slice %arg10[%dma_start3A_1622, %dma_start3A_1626] : memref<4x64xi32, #tpu.memory_space<vmem>> -> memref<1x64xi32, #tpu.memory_space<vmem>>
        %dma_start3A_1628 = tpu.memref_squeeze %dma_start3A_1627 : memref<1x64xi32, #tpu.memory_space<vmem>> -> memref<64xi32, #tpu.memory_space<vmem>>
        %dma_start3A_1629 = arith.constant 0 : i32
        %dma_start3A_1630 = arith.constant 0 : i32
        %dma_start3A_1631 = tpu.memref_slice %arg11[%dma_start3A_1629, %dma_start3A_1630] : memref<10240x128xf32, #tpu.memory_space<vmem_shared>> -> memref<10240x128xf32, #tpu.memory_space<vmem_shared>>
        tpu.enqueue_indirect_dma source(%dma_start3A_1625 : memref<64x128xf32, #tpu.memory_space<vmem>>) target(%dma_start3A_1631 : memref<10240x128xf32, #tpu.memory_space<vmem_shared>>) offsets(%dma_start3A_1628 : memref<64xi32, #tpu.memory_space<vmem>>) semaphore(%arg21 : memref<!tpu.dma_semaphore, #tpu.memory_space<semaphore_mem>>) {add = true}
        %scan3A_1632 = arith.constant 0 : i32
        scf.yield %scan3A_1632 : i32
      }
      %scan3A_598 = arith.constant 39 : i32
      %dma_wait3A_599 = arith.constant 2 : i32
      %dma_wait3A_600 = arith.constant 128 : i32
      %dma_wait3A_601 = arith.constant 0 : i32
      %dma_wait3A_602 = tpu.memref_slice %arg7[%dma_wait3A_600, %dma_wait3A_601] : memref<256x128xf32, #tpu.memory_space<vmem>> -> memref<64x128xf32, #tpu.memory_space<vmem>>
      %dma_wait3A_603 = arith.constant 0 : i32
      %dma_wait3A_604 = tpu.memref_slice %arg9[%dma_wait3A_599, %dma_wait3A_603] : memref<4x64xi32, #tpu.memory_space<vmem>> -> memref<1x64xi32, #tpu.memory_space<vmem>>
      %dma_wait3A_605 = tpu.memref_squeeze %dma_wait3A_604 : memref<1x64xi32, #tpu.memory_space<vmem>> -> memref<64xi32, #tpu.memory_space<vmem>>
      %dma_wait3A_606 = arith.constant 0 : i32
      %dma_wait3A_607 = arith.constant 0 : i32
      %dma_wait3A_608 = tpu.memref_slice %arg5[%dma_wait3A_606, %dma_wait3A_607] : memref<20480x128xf32, #tpu.memory_space<hbm>> -> memref<20480x128xf32, #tpu.memory_space<hbm>>
      tpu.wait_indirect_dma semaphore(%arg14 : memref<!tpu.dma_semaphore, #tpu.memory_space<semaphore_mem>>) src(%dma_wait3A_608 : memref<20480x128xf32, #tpu.memory_space<hbm>>) dst(%dma_wait3A_602 : memref<64x128xf32, #tpu.memory_space<vmem>>)
      %mul3A_609 = arith.constant 8 : i32
      %mul3A_610 = arith.muli %mul3A_6, %mul3A_609 : i32
      %dma_wait3A_611 = arith.constant 16 : i32
      %dma_wait3A_612 = arith.constant 0 : i32
      %dma_wait3A_613 = tpu.memref_slice %arg8[%dma_wait3A_611, %dma_wait3A_612] : memref<32x128xf32, #tpu.memory_space<vmem>> -> memref<8x128xf32, #tpu.memory_space<vmem>>
      %dma_wait3A_614 = arith.constant 0 : i32
      %dma_wait3A_615 = tpu.memref_slice %arg4[%mul3A_610, %dma_wait3A_614] : memref<20480x128xf32, #tpu.memory_space<hbm>> -> memref<8x128xf32, #tpu.memory_space<hbm>>
      %dma_wait3A_616 = arith.constant 16 : i32
      %dma_wait3A_617 = arith.constant 0 : i32
      %dma_wait3A_618 = tpu.memref_slice %arg8[%dma_wait3A_616, %dma_wait3A_617] : memref<32x128xf32, #tpu.memory_space<vmem>> -> memref<8x128xf32, #tpu.memory_space<vmem>>
      %dma_wait3A_619 = arith.constant 0 : i32
      %dma_wait3A_620 = tpu.memref_slice %arg4[%mul3A_610, %dma_wait3A_619] : memref<20480x128xf32, #tpu.memory_space<hbm>> -> memref<8x128xf32, #tpu.memory_space<hbm>>
      tpu.wait_dma2 semaphore(%arg18 : memref<!tpu.dma_semaphore, #tpu.memory_space<semaphore_mem>>) src(%dma_wait3A_620 : memref<8x128xf32, #tpu.memory_space<hbm>>) dst(%dma_wait3A_618 : memref<8x128xf32, #tpu.memory_space<vmem>>)
      %scan3A_621 = arith.constant 0 : i32
      %scan3A_622 = arith.constant 0 : i32
      %scan3A_623 = arith.constant 32 : i32
      %scan3A_624 = arith.addi %scan3A_622, %scan3A_623 : i32
      %scan3A_625 = arith.constant 1 : i32
      %scan3A_626 = scf.for %scan3A_727 = %scan3A_622 to %scan3A_624 step %scan3A_625 iter_args(%scan3A_728 = %scan3A_621) -> (i32)  : i32 {
        %mul3A_729 = arith.constant 2 : i32
        %mul3A_730 = arith.muli %scan3A_727, %mul3A_729 : i32
        %add3A_731 = arith.constant 0 : i32
        %add3A_732 = arith.addi %mul3A_730, %add3A_731 : i32
        %jit3A = arith.constant 8 : i32
        %div3A = arith.divsi %add3A_732, %jit3A : i32
        %sign3A = arith.constant 0 : i32
        %sign3A_733 = arith.cmpi sgt, %add3A_732, %sign3A : i32
        %sign3A_734 = arith.extui %sign3A_733 : i1 to i32
        %sign3A_735 = arith.constant 0 : i32
        %sign3A_736 = arith.cmpi slt, %add3A_732, %sign3A_735 : i32
        %sign3A_737 = arith.extui %sign3A_736 : i1 to i32
        %sign3A_738 = arith.subi %sign3A_734, %sign3A_737 : i32
        %sign3A_739 = arith.constant 0 : i32
        %sign3A_740 = arith.cmpi sgt, %jit3A, %sign3A_739 : i32
        %sign3A_741 = arith.extui %sign3A_740 : i1 to i32
        %sign3A_742 = arith.constant 0 : i32
        %sign3A_743 = arith.cmpi slt, %jit3A, %sign3A_742 : i32
        %sign3A_744 = arith.extui %sign3A_743 : i1 to i32
        %sign3A_745 = arith.subi %sign3A_741, %sign3A_744 : i32
        %ne3A = arith.cmpi ne, %sign3A_738, %sign3A_745 : i32
        %rem3A = arith.remsi %add3A_732, %jit3A : i32
        %ne3A_746 = arith.constant 0 : i32
        %ne3A_747 = arith.cmpi ne, %rem3A, %ne3A_746 : i32
        %and3A_748 = arith.andi %ne3A, %ne3A_747 : i1
        %sub3A = arith.constant 1 : i32
        %sub3A_749 = arith.subi %div3A, %sub3A : i32
        %select_n3A = arith.select %and3A_748, %sub3A_749, %div3A : i32
        %add3A_750 = arith.constant 16 : i32
        %add3A_751 = arith.addi %add3A_750, %select_n3A : i32
        %jit3A_752 = arith.constant 8 : i32
        %eq3A = arith.constant 0 : i32
        %eq3A_753 = arith.cmpi eq, %jit3A_752, %eq3A : i32
        %jit3A_754 = arith.constant 1 : i32
        %select_n3A_755 = arith.select %eq3A_753, %jit3A_754, %jit3A_752 : i32
        %rem3A_756 = arith.remsi %add3A_732, %select_n3A_755 : i32
        %ne3A_757 = arith.constant 0 : i32
        %ne3A_758 = arith.cmpi ne, %rem3A_756, %ne3A_757 : i32
        %lt3A = arith.constant 0 : i32
        %lt3A_759 = arith.cmpi slt, %rem3A_756, %lt3A : i32
        %lt3A_760 = arith.constant 0 : i32
        %lt3A_761 = arith.cmpi slt, %select_n3A_755, %lt3A_760 : i32
        %ne3A_762 = arith.xori %lt3A_759, %lt3A_761 : i1
        %and3A_763 = arith.andi %ne3A_762, %ne3A_758 : i1
        %add3A_764 = arith.addi %rem3A_756, %select_n3A_755 : i32
        %select_n3A_765 = arith.select %and3A_763, %add3A_764, %rem3A_756 : i32
        %mul3A_766 = arith.constant 16 : i32
        %mul3A_767 = arith.muli %select_n3A_765, %mul3A_766 : i32
        %get3A_768 = arith.index_cast %add3A_751 : i32 to index
        %get3A_769 = arith.index_cast %mul3A_767 : i32 to index
        %get3A_770 = tpu.vector_load %arg8[%get3A_768, %get3A_769] {strides = array<i32>} : memref<32x128xf32, #tpu.memory_space<vmem>>, vector<1x16xf32>,
        %get3A_771 = vector.shape_cast %get3A_770 : vector<1x16xf32> to vector<16xf32>
        %add3A_772 = arith.constant 128 : i32
        %add3A_773 = arith.addi %add3A_772, %add3A_732 : i32
        %get3A_774 = arith.index_cast %add3A_773 : i32 to index
        %get3A_775 = arith.constant 0 : index
        %get3A_776 = tpu.vector_load %arg7[%get3A_774, %get3A_775] {strides = array<i32>} : memref<256x128xf32, #tpu.memory_space<vmem>>, vector<1x16xf32>,
        %get3A_777 = vector.shape_cast %get3A_776 : vector<1x16xf32> to vector<16xf32>
        %mul3A_778 = arith.mulf %get3A_777, %get3A_771 : vector<16xf32>
        %add3A_779 = arith.constant 128 : i32
        %add3A_780 = arith.addi %add3A_779, %add3A_732 : i32
        %swap3A_781 = arith.index_cast %add3A_780 : i32 to index
        %swap3A_782 = arith.constant 0 : index
        %swap3A_783 = tpu.vector_load %arg7[%swap3A_781, %swap3A_782] {strides = array<i32>} : memref<256x128xf32, #tpu.memory_space<vmem>>, vector<1x16xf32>,
        %swap3A_784 = vector.shape_cast %swap3A_783 : vector<1x16xf32> to vector<16xf32>
        %swap3A_785 = vector.shape_cast %mul3A_778 : vector<16xf32> to vector<1x16xf32>
        tpu.vector_store %arg7[%swap3A_781, %swap3A_782], %swap3A_785 {strides = array<i32>} : memref<256x128xf32, #tpu.memory_space<vmem>>, vector<1x16xf32>,
        %add3A_786 = arith.constant 128 : i32
        %add3A_787 = arith.addi %add3A_786, %add3A_732 : i32
        %get3A_788 = arith.index_cast %add3A_787 : i32 to index
        %get3A_789 = arith.constant 16 : index
        %get3A_790 = tpu.vector_load %arg7[%get3A_788, %get3A_789] {strides = array<i32>} : memref<256x128xf32, #tpu.memory_space<vmem>>, vector<1x16xf32>,
        %get3A_791 = vector.shape_cast %get3A_790 : vector<1x16xf32> to vector<16xf32>
        %mul3A_792 = arith.mulf %get3A_791, %get3A_771 : vector<16xf32>
        %add3A_793 = arith.constant 128 : i32
        %add3A_794 = arith.addi %add3A_793, %add3A_732 : i32
        %swap3A_795 = arith.index_cast %add3A_794 : i32 to index
        %swap3A_796 = arith.constant 16 : index
        %swap3A_797 = tpu.vector_load %arg7[%swap3A_795, %swap3A_796] {strides = array<i32>} : memref<256x128xf32, #tpu.memory_space<vmem>>, vector<1x16xf32>,
        %swap3A_798 = vector.shape_cast %swap3A_797 : vector<1x16xf32> to vector<16xf32>
        %swap3A_799 = vector.shape_cast %mul3A_792 : vector<16xf32> to vector<1x16xf32>
        tpu.vector_store %arg7[%swap3A_795, %swap3A_796], %swap3A_799 {strides = array<i32>} : memref<256x128xf32, #tpu.memory_space<vmem>>, vector<1x16xf32>,
        %add3A_800 = arith.constant 128 : i32
        %add3A_801 = arith.addi %add3A_800, %add3A_732 : i32
        %get3A_802 = arith.index_cast %add3A_801 : i32 to index
        %get3A_803 = arith.constant 32 : index
        %get3A_804 = tpu.vector_load %arg7[%get3A_802, %get3A_803] {strides = array<i32>} : memref<256x128xf32, #tpu.memory_space<vmem>>, vector<1x16xf32>,
        %get3A_805 = vector.shape_cast %get3A_804 : vector<1x16xf32> to vector<16xf32>
        %mul3A_806 = arith.mulf %get3A_805, %get3A_771 : vector<16xf32>
        %add3A_807 = arith.constant 128 : i32
        %add3A_808 = arith.addi %add3A_807, %add3A_732 : i32
        %swap3A_809 = arith.index_cast %add3A_808 : i32 to index
        %swap3A_810 = arith.constant 32 : index
        %swap3A_811 = tpu.vector_load %arg7[%swap3A_809, %swap3A_810] {strides = array<i32>} : memref<256x128xf32, #tpu.memory_space<vmem>>, vector<1x16xf32>,
        %swap3A_812 = vector.shape_cast %swap3A_811 : vector<1x16xf32> to vector<16xf32>
        %swap3A_813 = vector.shape_cast %mul3A_806 : vector<16xf32> to vector<1x16xf32>
        tpu.vector_store %arg7[%swap3A_809, %swap3A_810], %swap3A_813 {strides = array<i32>} : memref<256x128xf32, #tpu.memory_space<vmem>>, vector<1x16xf32>,
        %add3A_814 = arith.constant 128 : i32
        %add3A_815 = arith.addi %add3A_814, %add3A_732 : i32
        %get3A_816 = arith.index_cast %add3A_815 : i32 to index
        %get3A_817 = arith.constant 48 : index
        %get3A_818 = tpu.vector_load %arg7[%get3A_816, %get3A_817] {strides = array<i32>} : memref<256x128xf32, #tpu.memory_space<vmem>>, vector<1x16xf32>,
        %get3A_819 = vector.shape_cast %get3A_818 : vector<1x16xf32> to vector<16xf32>
        %mul3A_820 = arith.mulf %get3A_819, %get3A_771 : vector<16xf32>
        %add3A_821 = arith.constant 128 : i32
        %add3A_822 = arith.addi %add3A_821, %add3A_732 : i32
        %swap3A_823 = arith.index_cast %add3A_822 : i32 to index
        %swap3A_824 = arith.constant 48 : index
        %swap3A_825 = tpu.vector_load %arg7[%swap3A_823, %swap3A_824] {strides = array<i32>} : memref<256x128xf32, #tpu.memory_space<vmem>>, vector<1x16xf32>,
        %swap3A_826 = vector.shape_cast %swap3A_825 : vector<1x16xf32> to vector<16xf32>
        %swap3A_827 = vector.shape_cast %mul3A_820 : vector<16xf32> to vector<1x16xf32>
        tpu.vector_store %arg7[%swap3A_823, %swap3A_824], %swap3A_827 {strides = array<i32>} : memref<256x128xf32, #tpu.memory_space<vmem>>, vector<1x16xf32>,
        %add3A_828 = arith.constant 128 : i32
        %add3A_829 = arith.addi %add3A_828, %add3A_732 : i32
        %get3A_830 = arith.index_cast %add3A_829 : i32 to index
        %get3A_831 = arith.constant 64 : index
        %get3A_832 = tpu.vector_load %arg7[%get3A_830, %get3A_831] {strides = array<i32>} : memref<256x128xf32, #tpu.memory_space<vmem>>, vector<1x16xf32>,
        %get3A_833 = vector.shape_cast %get3A_832 : vector<1x16xf32> to vector<16xf32>
        %mul3A_834 = arith.mulf %get3A_833, %get3A_771 : vector<16xf32>
        %add3A_835 = arith.constant 128 : i32
        %add3A_836 = arith.addi %add3A_835, %add3A_732 : i32
        %swap3A_837 = arith.index_cast %add3A_836 : i32 to index
        %swap3A_838 = arith.constant 64 : index
        %swap3A_839 = tpu.vector_load %arg7[%swap3A_837, %swap3A_838] {strides = array<i32>} : memref<256x128xf32, #tpu.memory_space<vmem>>, vector<1x16xf32>,
        %swap3A_840 = vector.shape_cast %swap3A_839 : vector<1x16xf32> to vector<16xf32>
        %swap3A_841 = vector.shape_cast %mul3A_834 : vector<16xf32> to vector<1x16xf32>
        tpu.vector_store %arg7[%swap3A_837, %swap3A_838], %swap3A_841 {strides = array<i32>} : memref<256x128xf32, #tpu.memory_space<vmem>>, vector<1x16xf32>,
        %add3A_842 = arith.constant 128 : i32
        %add3A_843 = arith.addi %add3A_842, %add3A_732 : i32
        %get3A_844 = arith.index_cast %add3A_843 : i32 to index
        %get3A_845 = arith.constant 80 : index
        %get3A_846 = tpu.vector_load %arg7[%get3A_844, %get3A_845] {strides = array<i32>} : memref<256x128xf32, #tpu.memory_space<vmem>>, vector<1x16xf32>,
        %get3A_847 = vector.shape_cast %get3A_846 : vector<1x16xf32> to vector<16xf32>
        %mul3A_848 = arith.mulf %get3A_847, %get3A_771 : vector<16xf32>
        %add3A_849 = arith.constant 128 : i32
        %add3A_850 = arith.addi %add3A_849, %add3A_732 : i32
        %swap3A_851 = arith.index_cast %add3A_850 : i32 to index
        %swap3A_852 = arith.constant 80 : index
        %swap3A_853 = tpu.vector_load %arg7[%swap3A_851, %swap3A_852] {strides = array<i32>} : memref<256x128xf32, #tpu.memory_space<vmem>>, vector<1x16xf32>,
        %swap3A_854 = vector.shape_cast %swap3A_853 : vector<1x16xf32> to vector<16xf32>
        %swap3A_855 = vector.shape_cast %mul3A_848 : vector<16xf32> to vector<1x16xf32>
        tpu.vector_store %arg7[%swap3A_851, %swap3A_852], %swap3A_855 {strides = array<i32>} : memref<256x128xf32, #tpu.memory_space<vmem>>, vector<1x16xf32>,
        %add3A_856 = arith.constant 128 : i32
        %add3A_857 = arith.addi %add3A_856, %add3A_732 : i32
        %get3A_858 = arith.index_cast %add3A_857 : i32 to index
        %get3A_859 = arith.constant 96 : index
        %get3A_860 = tpu.vector_load %arg7[%get3A_858, %get3A_859] {strides = array<i32>} : memref<256x128xf32, #tpu.memory_space<vmem>>, vector<1x16xf32>,
        %get3A_861 = vector.shape_cast %get3A_860 : vector<1x16xf32> to vector<16xf32>
        %mul3A_862 = arith.mulf %get3A_861, %get3A_771 : vector<16xf32>
        %add3A_863 = arith.constant 128 : i32
        %add3A_864 = arith.addi %add3A_863, %add3A_732 : i32
        %swap3A_865 = arith.index_cast %add3A_864 : i32 to index
        %swap3A_866 = arith.constant 96 : index
        %swap3A_867 = tpu.vector_load %arg7[%swap3A_865, %swap3A_866] {strides = array<i32>} : memref<256x128xf32, #tpu.memory_space<vmem>>, vector<1x16xf32>,
        %swap3A_868 = vector.shape_cast %swap3A_867 : vector<1x16xf32> to vector<16xf32>
        %swap3A_869 = vector.shape_cast %mul3A_862 : vector<16xf32> to vector<1x16xf32>
        tpu.vector_store %arg7[%swap3A_865, %swap3A_866], %swap3A_869 {strides = array<i32>} : memref<256x128xf32, #tpu.memory_space<vmem>>, vector<1x16xf32>,
        %add3A_870 = arith.constant 128 : i32
        %add3A_871 = arith.addi %add3A_870, %add3A_732 : i32
        %get3A_872 = arith.index_cast %add3A_871 : i32 to index
        %get3A_873 = arith.constant 112 : index
        %get3A_874 = tpu.vector_load %arg7[%get3A_872, %get3A_873] {strides = array<i32>} : memref<256x128xf32, #tpu.memory_space<vmem>>, vector<1x16xf32>,
        %get3A_875 = vector.shape_cast %get3A_874 : vector<1x16xf32> to vector<16xf32>
        %mul3A_876 = arith.mulf %get3A_875, %get3A_771 : vector<16xf32>
        %add3A_877 = arith.constant 128 : i32
        %add3A_878 = arith.addi %add3A_877, %add3A_732 : i32
        %swap3A_879 = arith.index_cast %add3A_878 : i32 to index
        %swap3A_880 = arith.constant 112 : index
        %swap3A_881 = tpu.vector_load %arg7[%swap3A_879, %swap3A_880] {strides = array<i32>} : memref<256x128xf32, #tpu.memory_space<vmem>>, vector<1x16xf32>,
        %swap3A_882 = vector.shape_cast %swap3A_881 : vector<1x16xf32> to vector<16xf32>
        %swap3A_883 = vector.shape_cast %mul3A_876 : vector<16xf32> to vector<1x16xf32>
        tpu.vector_store %arg7[%swap3A_879, %swap3A_880], %swap3A_883 {strides = array<i32>} : memref<256x128xf32, #tpu.memory_space<vmem>>, vector<1x16xf32>,
        %mul3A_884 = arith.constant 2 : i32
        %mul3A_885 = arith.muli %scan3A_727, %mul3A_884 : i32
        %add3A_886 = arith.constant 1 : i32
        %add3A_887 = arith.addi %mul3A_885, %add3A_886 : i32
        %jit3A_888 = arith.constant 8 : i32
        %div3A_889 = arith.divsi %add3A_887, %jit3A_888 : i32
        %sign3A_890 = arith.constant 0 : i32
        %sign3A_891 = arith.cmpi sgt, %add3A_887, %sign3A_890 : i32
        %sign3A_892 = arith.extui %sign3A_891 : i1 to i32
        %sign3A_893 = arith.constant 0 : i32
        %sign3A_894 = arith.cmpi slt, %add3A_887, %sign3A_893 : i32
        %sign3A_895 = arith.extui %sign3A_894 : i1 to i32
        %sign3A_896 = arith.subi %sign3A_892, %sign3A_895 : i32
        %sign3A_897 = arith.constant 0 : i32
        %sign3A_898 = arith.cmpi sgt, %jit3A_888, %sign3A_897 : i32
        %sign3A_899 = arith.extui %sign3A_898 : i1 to i32
        %sign3A_900 = arith.constant 0 : i32
        %sign3A_901 = arith.cmpi slt, %jit3A_888, %sign3A_900 : i32
        %sign3A_902 = arith.extui %sign3A_901 : i1 to i32
        %sign3A_903 = arith.subi %sign3A_899, %sign3A_902 : i32
        %ne3A_904 = arith.cmpi ne, %sign3A_896, %sign3A_903 : i32
        %rem3A_905 = arith.remsi %add3A_887, %jit3A_888 : i32
        %ne3A_906 = arith.constant 0 : i32
        %ne3A_907 = arith.cmpi ne, %rem3A_905, %ne3A_906 : i32
        %and3A_908 = arith.andi %ne3A_904, %ne3A_907 : i1
        %sub3A_909 = arith.constant 1 : i32
        %sub3A_910 = arith.subi %div3A_889, %sub3A_909 : i32
        %select_n3A_911 = arith.select %and3A_908, %sub3A_910, %div3A_889 : i32
        %add3A_912 = arith.constant 16 : i32
        %add3A_913 = arith.addi %add3A_912, %select_n3A_911 : i32
        %jit3A_914 = arith.constant 8 : i32
        %eq3A_915 = arith.constant 0 : i32
        %eq3A_916 = arith.cmpi eq, %jit3A_914, %eq3A_915 : i32
        %jit3A_917 = arith.constant 1 : i32
        %select_n3A_918 = arith.select %eq3A_916, %jit3A_917, %jit3A_914 : i32
        %rem3A_919 = arith.remsi %add3A_887, %select_n3A_918 : i32
        %ne3A_920 = arith.constant 0 : i32
        %ne3A_921 = arith.cmpi ne, %rem3A_919, %ne3A_920 : i32
        %lt3A_922 = arith.constant 0 : i32
        %lt3A_923 = arith.cmpi slt, %rem3A_919, %lt3A_922 : i32
        %lt3A_924 = arith.constant 0 : i32
        %lt3A_925 = arith.cmpi slt, %select_n3A_918, %lt3A_924 : i32
        %ne3A_926 = arith.xori %lt3A_923, %lt3A_925 : i1
        %and3A_927 = arith.andi %ne3A_926, %ne3A_921 : i1
        %add3A_928 = arith.addi %rem3A_919, %select_n3A_918 : i32
        %select_n3A_929 = arith.select %and3A_927, %add3A_928, %rem3A_919 : i32
        %mul3A_930 = arith.constant 16 : i32
        %mul3A_931 = arith.muli %select_n3A_929, %mul3A_930 : i32
        %get3A_932 = arith.index_cast %add3A_913 : i32 to index
        %get3A_933 = arith.index_cast %mul3A_931 : i32 to index
        %get3A_934 = tpu.vector_load %arg8[%get3A_932, %get3A_933] {strides = array<i32>} : memref<32x128xf32, #tpu.memory_space<vmem>>, vector<1x16xf32>,
        %get3A_935 = vector.shape_cast %get3A_934 : vector<1x16xf32> to vector<16xf32>
        %add3A_936 = arith.constant 128 : i32
        %add3A_937 = arith.addi %add3A_936, %add3A_887 : i32
        %get3A_938 = arith.index_cast %add3A_937 : i32 to index
        %get3A_939 = arith.constant 0 : index
        %get3A_940 = tpu.vector_load %arg7[%get3A_938, %get3A_939] {strides = array<i32>} : memref<256x128xf32, #tpu.memory_space<vmem>>, vector<1x16xf32>,
        %get3A_941 = vector.shape_cast %get3A_940 : vector<1x16xf32> to vector<16xf32>
        %mul3A_942 = arith.mulf %get3A_941, %get3A_935 : vector<16xf32>
        %add3A_943 = arith.constant 128 : i32
        %add3A_944 = arith.addi %add3A_943, %add3A_887 : i32
        %swap3A_945 = arith.index_cast %add3A_944 : i32 to index
        %swap3A_946 = arith.constant 0 : index
        %swap3A_947 = tpu.vector_load %arg7[%swap3A_945, %swap3A_946] {strides = array<i32>} : memref<256x128xf32, #tpu.memory_space<vmem>>, vector<1x16xf32>,
        %swap3A_948 = vector.shape_cast %swap3A_947 : vector<1x16xf32> to vector<16xf32>
        %swap3A_949 = vector.shape_cast %mul3A_942 : vector<16xf32> to vector<1x16xf32>
        tpu.vector_store %arg7[%swap3A_945, %swap3A_946], %swap3A_949 {strides = array<i32>} : memref<256x128xf32, #tpu.memory_space<vmem>>, vector<1x16xf32>,
        %add3A_950 = arith.constant 128 : i32
        %add3A_951 = arith.addi %add3A_950, %add3A_887 : i32
        %get3A_952 = arith.index_cast %add3A_951 : i32 to index
        %get3A_953 = arith.constant 16 : index
        %get3A_954 = tpu.vector_load %arg7[%get3A_952, %get3A_953] {strides = array<i32>} : memref<256x128xf32, #tpu.memory_space<vmem>>, vector<1x16xf32>,
        %get3A_955 = vector.shape_cast %get3A_954 : vector<1x16xf32> to vector<16xf32>
        %mul3A_956 = arith.mulf %get3A_955, %get3A_935 : vector<16xf32>
        %add3A_957 = arith.constant 128 : i32
        %add3A_958 = arith.addi %add3A_957, %add3A_887 : i32
        %swap3A_959 = arith.index_cast %add3A_958 : i32 to index
        %swap3A_960 = arith.constant 16 : index
        %swap3A_961 = tpu.vector_load %arg7[%swap3A_959, %swap3A_960] {strides = array<i32>} : memref<256x128xf32, #tpu.memory_space<vmem>>, vector<1x16xf32>,
        %swap3A_962 = vector.shape_cast %swap3A_961 : vector<1x16xf32> to vector<16xf32>
        %swap3A_963 = vector.shape_cast %mul3A_956 : vector<16xf32> to vector<1x16xf32>
        tpu.vector_store %arg7[%swap3A_959, %swap3A_960], %swap3A_963 {strides = array<i32>} : memref<256x128xf32, #tpu.memory_space<vmem>>, vector<1x16xf32>,
        %add3A_964 = arith.constant 128 : i32
        %add3A_965 = arith.addi %add3A_964, %add3A_887 : i32
        %get3A_966 = arith.index_cast %add3A_965 : i32 to index
        %get3A_967 = arith.constant 32 : index
        %get3A_968 = tpu.vector_load %arg7[%get3A_966, %get3A_967] {strides = array<i32>} : memref<256x128xf32, #tpu.memory_space<vmem>>, vector<1x16xf32>,
        %get3A_969 = vector.shape_cast %get3A_968 : vector<1x16xf32> to vector<16xf32>
        %mul3A_970 = arith.mulf %get3A_969, %get3A_935 : vector<16xf32>
        %add3A_971 = arith.constant 128 : i32
        %add3A_972 = arith.addi %add3A_971, %add3A_887 : i32
        %swap3A_973 = arith.index_cast %add3A_972 : i32 to index
        %swap3A_974 = arith.constant 32 : index
        %swap3A_975 = tpu.vector_load %arg7[%swap3A_973, %swap3A_974] {strides = array<i32>} : memref<256x128xf32, #tpu.memory_space<vmem>>, vector<1x16xf32>,
        %swap3A_976 = vector.shape_cast %swap3A_975 : vector<1x16xf32> to vector<16xf32>
        %swap3A_977 = vector.shape_cast %mul3A_970 : vector<16xf32> to vector<1x16xf32>
        tpu.vector_store %arg7[%swap3A_973, %swap3A_974], %swap3A_977 {strides = array<i32>} : memref<256x128xf32, #tpu.memory_space<vmem>>, vector<1x16xf32>,
        %add3A_978 = arith.constant 128 : i32
        %add3A_979 = arith.addi %add3A_978, %add3A_887 : i32
        %get3A_980 = arith.index_cast %add3A_979 : i32 to index
        %get3A_981 = arith.constant 48 : index
        %get3A_982 = tpu.vector_load %arg7[%get3A_980, %get3A_981] {strides = array<i32>} : memref<256x128xf32, #tpu.memory_space<vmem>>, vector<1x16xf32>,
        %get3A_983 = vector.shape_cast %get3A_982 : vector<1x16xf32> to vector<16xf32>
        %mul3A_984 = arith.mulf %get3A_983, %get3A_935 : vector<16xf32>
        %add3A_985 = arith.constant 128 : i32
        %add3A_986 = arith.addi %add3A_985, %add3A_887 : i32
        %swap3A_987 = arith.index_cast %add3A_986 : i32 to index
        %swap3A_988 = arith.constant 48 : index
        %swap3A_989 = tpu.vector_load %arg7[%swap3A_987, %swap3A_988] {strides = array<i32>} : memref<256x128xf32, #tpu.memory_space<vmem>>, vector<1x16xf32>,
        %swap3A_990 = vector.shape_cast %swap3A_989 : vector<1x16xf32> to vector<16xf32>
        %swap3A_991 = vector.shape_cast %mul3A_984 : vector<16xf32> to vector<1x16xf32>
        tpu.vector_store %arg7[%swap3A_987, %swap3A_988], %swap3A_991 {strides = array<i32>} : memref<256x128xf32, #tpu.memory_space<vmem>>, vector<1x16xf32>,
        %add3A_992 = arith.constant 128 : i32
        %add3A_993 = arith.addi %add3A_992, %add3A_887 : i32
        %get3A_994 = arith.index_cast %add3A_993 : i32 to index
        %get3A_995 = arith.constant 64 : index
        %get3A_996 = tpu.vector_load %arg7[%get3A_994, %get3A_995] {strides = array<i32>} : memref<256x128xf32, #tpu.memory_space<vmem>>, vector<1x16xf32>,
        %get3A_997 = vector.shape_cast %get3A_996 : vector<1x16xf32> to vector<16xf32>
        %mul3A_998 = arith.mulf %get3A_997, %get3A_935 : vector<16xf32>
        %add3A_999 = arith.constant 128 : i32
        %add3A_1000 = arith.addi %add3A_999, %add3A_887 : i32
        %swap3A_1001 = arith.index_cast %add3A_1000 : i32 to index
        %swap3A_1002 = arith.constant 64 : index
        %swap3A_1003 = tpu.vector_load %arg7[%swap3A_1001, %swap3A_1002] {strides = array<i32>} : memref<256x128xf32, #tpu.memory_space<vmem>>, vector<1x16xf32>,
        %swap3A_1004 = vector.shape_cast %swap3A_1003 : vector<1x16xf32> to vector<16xf32>
        %swap3A_1005 = vector.shape_cast %mul3A_998 : vector<16xf32> to vector<1x16xf32>
        tpu.vector_store %arg7[%swap3A_1001, %swap3A_1002], %swap3A_1005 {strides = array<i32>} : memref<256x128xf32, #tpu.memory_space<vmem>>, vector<1x16xf32>,
        %add3A_1006 = arith.constant 128 : i32
        %add3A_1007 = arith.addi %add3A_1006, %add3A_887 : i32
        %get3A_1008 = arith.index_cast %add3A_1007 : i32 to index
        %get3A_1009 = arith.constant 80 : index
        %get3A_1010 = tpu.vector_load %arg7[%get3A_1008, %get3A_1009] {strides = array<i32>} : memref<256x128xf32, #tpu.memory_space<vmem>>, vector<1x16xf32>,
        %get3A_1011 = vector.shape_cast %get3A_1010 : vector<1x16xf32> to vector<16xf32>
        %mul3A_1012 = arith.mulf %get3A_1011, %get3A_935 : vector<16xf32>
        %add3A_1013 = arith.constant 128 : i32
        %add3A_1014 = arith.addi %add3A_1013, %add3A_887 : i32
        %swap3A_1015 = arith.index_cast %add3A_1014 : i32 to index
        %swap3A_1016 = arith.constant 80 : index
        %swap3A_1017 = tpu.vector_load %arg7[%swap3A_1015, %swap3A_1016] {strides = array<i32>} : memref<256x128xf32, #tpu.memory_space<vmem>>, vector<1x16xf32>,
        %swap3A_1018 = vector.shape_cast %swap3A_1017 : vector<1x16xf32> to vector<16xf32>
        %swap3A_1019 = vector.shape_cast %mul3A_1012 : vector<16xf32> to vector<1x16xf32>
        tpu.vector_store %arg7[%swap3A_1015, %swap3A_1016], %swap3A_1019 {strides = array<i32>} : memref<256x128xf32, #tpu.memory_space<vmem>>, vector<1x16xf32>,
        %add3A_1020 = arith.constant 128 : i32
        %add3A_1021 = arith.addi %add3A_1020, %add3A_887 : i32
        %get3A_1022 = arith.index_cast %add3A_1021 : i32 to index
        %get3A_1023 = arith.constant 96 : index
        %get3A_1024 = tpu.vector_load %arg7[%get3A_1022, %get3A_1023] {strides = array<i32>} : memref<256x128xf32, #tpu.memory_space<vmem>>, vector<1x16xf32>,
        %get3A_1025 = vector.shape_cast %get3A_1024 : vector<1x16xf32> to vector<16xf32>
        %mul3A_1026 = arith.mulf %get3A_1025, %get3A_935 : vector<16xf32>
        %add3A_1027 = arith.constant 128 : i32
        %add3A_1028 = arith.addi %add3A_1027, %add3A_887 : i32
        %swap3A_1029 = arith.index_cast %add3A_1028 : i32 to index
        %swap3A_1030 = arith.constant 96 : index
        %swap3A_1031 = tpu.vector_load %arg7[%swap3A_1029, %swap3A_1030] {strides = array<i32>} : memref<256x128xf32, #tpu.memory_space<vmem>>, vector<1x16xf32>,
        %swap3A_1032 = vector.shape_cast %swap3A_1031 : vector<1x16xf32> to vector<16xf32>
        %swap3A_1033 = vector.shape_cast %mul3A_1026 : vector<16xf32> to vector<1x16xf32>
        tpu.vector_store %arg7[%swap3A_1029, %swap3A_1030], %swap3A_1033 {strides = array<i32>} : memref<256x128xf32, #tpu.memory_space<vmem>>, vector<1x16xf32>,
        %add3A_1034 = arith.constant 128 : i32
        %add3A_1035 = arith.addi %add3A_1034, %add3A_887 : i32
        %get3A_1036 = arith.index_cast %add3A_1035 : i32 to index
        %get3A_1037 = arith.constant 112 : index
        %get3A_1038 = tpu.vector_load %arg7[%get3A_1036, %get3A_1037] {strides = array<i32>} : memref<256x128xf32, #tpu.memory_space<vmem>>, vector<1x16xf32>,
        %get3A_1039 = vector.shape_cast %get3A_1038 : vector<1x16xf32> to vector<16xf32>
        %mul3A_1040 = arith.mulf %get3A_1039, %get3A_935 : vector<16xf32>
        %add3A_1041 = arith.constant 128 : i32
        %add3A_1042 = arith.addi %add3A_1041, %add3A_887 : i32
        %swap3A_1043 = arith.index_cast %add3A_1042 : i32 to index
        %swap3A_1044 = arith.constant 112 : index
        %swap3A_1045 = tpu.vector_load %arg7[%swap3A_1043, %swap3A_1044] {strides = array<i32>} : memref<256x128xf32, #tpu.memory_space<vmem>>, vector<1x16xf32>,
        %swap3A_1046 = vector.shape_cast %swap3A_1045 : vector<1x16xf32> to vector<16xf32>
        %swap3A_1047 = vector.shape_cast %mul3A_1040 : vector<16xf32> to vector<1x16xf32>
        tpu.vector_store %arg7[%swap3A_1043, %swap3A_1044], %swap3A_1047 {strides = array<i32>} : memref<256x128xf32, #tpu.memory_space<vmem>>, vector<1x16xf32>,
        %scan3A_1048 = arith.constant 0 : i32
        scf.yield %scan3A_1048 : i32
      }
      %scan3A_627 = arith.constant 32 : i32
      %dma_start3A_628 = arith.constant 2 : i32
      %dma_start3A_629 = arith.constant 128 : i32
      %dma_start3A_630 = arith.constant 0 : i32
      %dma_start3A_631 = tpu.memref_slice %arg7[%dma_start3A_629, %dma_start3A_630] : memref<256x128xf32, #tpu.memory_space<vmem>> -> memref<64x128xf32, #tpu.memory_space<vmem>>
      %dma_start3A_632 = arith.constant 0 : i32
      %dma_start3A_633 = tpu.memref_slice %arg10[%dma_start3A_628, %dma_start3A_632] : memref<4x64xi32, #tpu.memory_space<vmem>> -> memref<1x64xi32, #tpu.memory_space<vmem>>
      %dma_start3A_634 = tpu.memref_squeeze %dma_start3A_633 : memref<1x64xi32, #tpu.memory_space<vmem>> -> memref<64xi32, #tpu.memory_space<vmem>>
      %dma_start3A_635 = arith.constant 0 : i32
      %dma_start3A_636 = arith.constant 0 : i32
      %dma_start3A_637 = tpu.memref_slice %arg11[%dma_start3A_635, %dma_start3A_636] : memref<10240x128xf32, #tpu.memory_space<vmem_shared>> -> memref<10240x128xf32, #tpu.memory_space<vmem_shared>>
      tpu.enqueue_indirect_dma source(%dma_start3A_631 : memref<64x128xf32, #tpu.memory_space<vmem>>) target(%dma_start3A_637 : memref<10240x128xf32, #tpu.memory_space<vmem_shared>>) offsets(%dma_start3A_634 : memref<64xi32, #tpu.memory_space<vmem>>) semaphore(%arg22 : memref<!tpu.dma_semaphore, #tpu.memory_space<semaphore_mem>>) {add = true}
      %dma_wait3A_638 = arith.constant 3 : i32
      %dma_wait3A_639 = arith.constant 192 : i32
      %dma_wait3A_640 = arith.constant 0 : i32
      %dma_wait3A_641 = tpu.memref_slice %arg7[%dma_wait3A_639, %dma_wait3A_640] : memref<256x128xf32, #tpu.memory_space<vmem>> -> memref<64x128xf32, #tpu.memory_space<vmem>>
      %dma_wait3A_642 = arith.constant 0 : i32
      %dma_wait3A_643 = tpu.memref_slice %arg9[%dma_wait3A_638, %dma_wait3A_642] : memref<4x64xi32, #tpu.memory_space<vmem>> -> memref<1x64xi32, #tpu.memory_space<vmem>>
      %dma_wait3A_644 = tpu.memref_squeeze %dma_wait3A_643 : memref<1x64xi32, #tpu.memory_space<vmem>> -> memref<64xi32, #tpu.memory_space<vmem>>
      %dma_wait3A_645 = arith.constant 0 : i32
      %dma_wait3A_646 = arith.constant 0 : i32
      %dma_wait3A_647 = tpu.memref_slice %arg5[%dma_wait3A_645, %dma_wait3A_646] : memref<20480x128xf32, #tpu.memory_space<hbm>> -> memref<20480x128xf32, #tpu.memory_space<hbm>>
      tpu.wait_indirect_dma semaphore(%arg15 : memref<!tpu.dma_semaphore, #tpu.memory_space<semaphore_mem>>) src(%dma_wait3A_647 : memref<20480x128xf32, #tpu.memory_space<hbm>>) dst(%dma_wait3A_641 : memref<64x128xf32, #tpu.memory_space<vmem>>)
      %mul3A_648 = arith.constant 8 : i32
      %mul3A_649 = arith.muli %mul3A_6, %mul3A_648 : i32
      %dma_wait3A_650 = arith.constant 24 : i32
      %dma_wait3A_651 = arith.constant 0 : i32
      %dma_wait3A_652 = tpu.memref_slice %arg8[%dma_wait3A_650, %dma_wait3A_651] : memref<32x128xf32, #tpu.memory_space<vmem>> -> memref<8x128xf32, #tpu.memory_space<vmem>>
      %dma_wait3A_653 = arith.constant 0 : i32
      %dma_wait3A_654 = tpu.memref_slice %arg4[%mul3A_649, %dma_wait3A_653] : memref<20480x128xf32, #tpu.memory_space<hbm>> -> memref<8x128xf32, #tpu.memory_space<hbm>>
      %dma_wait3A_655 = arith.constant 24 : i32
      %dma_wait3A_656 = arith.constant 0 : i32
      %dma_wait3A_657 = tpu.memref_slice %arg8[%dma_wait3A_655, %dma_wait3A_656] : memref<32x128xf32, #tpu.memory_space<vmem>> -> memref<8x128xf32, #tpu.memory_space<vmem>>
      %dma_wait3A_658 = arith.constant 0 : i32
      %dma_wait3A_659 = tpu.memref_slice %arg4[%mul3A_649, %dma_wait3A_658] : memref<20480x128xf32, #tpu.memory_space<hbm>> -> memref<8x128xf32, #tpu.memory_space<hbm>>
      tpu.wait_dma2 semaphore(%arg19 : memref<!tpu.dma_semaphore, #tpu.memory_space<semaphore_mem>>) src(%dma_wait3A_659 : memref<8x128xf32, #tpu.memory_space<hbm>>) dst(%dma_wait3A_657 : memref<8x128xf32, #tpu.memory_space<vmem>>)
      %scan3A_660 = arith.constant 0 : i32
      %scan3A_661 = arith.constant 0 : i32
      %scan3A_662 = arith.constant 32 : i32
      %scan3A_663 = arith.addi %scan3A_661, %scan3A_662 : i32
      %scan3A_664 = arith.constant 1 : i32
      %scan3A_665 = scf.for %scan3A_727 = %scan3A_661 to %scan3A_663 step %scan3A_664 iter_args(%scan3A_728 = %scan3A_660) -> (i32)  : i32 {
        %mul3A_729 = arith.constant 2 : i32
        %mul3A_730 = arith.muli %scan3A_727, %mul3A_729 : i32
        %add3A_731 = arith.constant 0 : i32
        %add3A_732 = arith.addi %mul3A_730, %add3A_731 : i32
        %jit3A = arith.constant 8 : i32
        %div3A = arith.divsi %add3A_732, %jit3A : i32
        %sign3A = arith.constant 0 : i32
        %sign3A_733 = arith.cmpi sgt, %add3A_732, %sign3A : i32
        %sign3A_734 = arith.extui %sign3A_733 : i1 to i32
        %sign3A_735 = arith.constant 0 : i32
        %sign3A_736 = arith.cmpi slt, %add3A_732, %sign3A_735 : i32
        %sign3A_737 = arith.extui %sign3A_736 : i1 to i32
        %sign3A_738 = arith.subi %sign3A_734, %sign3A_737 : i32
        %sign3A_739 = arith.constant 0 : i32
        %sign3A_740 = arith.cmpi sgt, %jit3A, %sign3A_739 : i32
        %sign3A_741 = arith.extui %sign3A_740 : i1 to i32
        %sign3A_742 = arith.constant 0 : i32
        %sign3A_743 = arith.cmpi slt, %jit3A, %sign3A_742 : i32
        %sign3A_744 = arith.extui %sign3A_743 : i1 to i32
        %sign3A_745 = arith.subi %sign3A_741, %sign3A_744 : i32
        %ne3A = arith.cmpi ne, %sign3A_738, %sign3A_745 : i32
        %rem3A = arith.remsi %add3A_732, %jit3A : i32
        %ne3A_746 = arith.constant 0 : i32
        %ne3A_747 = arith.cmpi ne, %rem3A, %ne3A_746 : i32
        %and3A_748 = arith.andi %ne3A, %ne3A_747 : i1
        %sub3A = arith.constant 1 : i32
        %sub3A_749 = arith.subi %div3A, %sub3A : i32
        %select_n3A = arith.select %and3A_748, %sub3A_749, %div3A : i32
        %add3A_750 = arith.constant 24 : i32
        %add3A_751 = arith.addi %add3A_750, %select_n3A : i32
        %jit3A_752 = arith.constant 8 : i32
        %eq3A = arith.constant 0 : i32
        %eq3A_753 = arith.cmpi eq, %jit3A_752, %eq3A : i32
        %jit3A_754 = arith.constant 1 : i32
        %select_n3A_755 = arith.select %eq3A_753, %jit3A_754, %jit3A_752 : i32
        %rem3A_756 = arith.remsi %add3A_732, %select_n3A_755 : i32
        %ne3A_757 = arith.constant 0 : i32
        %ne3A_758 = arith.cmpi ne, %rem3A_756, %ne3A_757 : i32
        %lt3A = arith.constant 0 : i32
        %lt3A_759 = arith.cmpi slt, %rem3A_756, %lt3A : i32
        %lt3A_760 = arith.constant 0 : i32
        %lt3A_761 = arith.cmpi slt, %select_n3A_755, %lt3A_760 : i32
        %ne3A_762 = arith.xori %lt3A_759, %lt3A_761 : i1
        %and3A_763 = arith.andi %ne3A_762, %ne3A_758 : i1
        %add3A_764 = arith.addi %rem3A_756, %select_n3A_755 : i32
        %select_n3A_765 = arith.select %and3A_763, %add3A_764, %rem3A_756 : i32
        %mul3A_766 = arith.constant 16 : i32
        %mul3A_767 = arith.muli %select_n3A_765, %mul3A_766 : i32
        %get3A_768 = arith.index_cast %add3A_751 : i32 to index
        %get3A_769 = arith.index_cast %mul3A_767 : i32 to index
        %get3A_770 = tpu.vector_load %arg8[%get3A_768, %get3A_769] {strides = array<i32>} : memref<32x128xf32, #tpu.memory_space<vmem>>, vector<1x16xf32>,
        %get3A_771 = vector.shape_cast %get3A_770 : vector<1x16xf32> to vector<16xf32>
        %add3A_772 = arith.constant 192 : i32
        %add3A_773 = arith.addi %add3A_772, %add3A_732 : i32
        %get3A_774 = arith.index_cast %add3A_773 : i32 to index
        %get3A_775 = arith.constant 0 : index
        %get3A_776 = tpu.vector_load %arg7[%get3A_774, %get3A_775] {strides = array<i32>} : memref<256x128xf32, #tpu.memory_space<vmem>>, vector<1x16xf32>,
        %get3A_777 = vector.shape_cast %get3A_776 : vector<1x16xf32> to vector<16xf32>
        %mul3A_778 = arith.mulf %get3A_777, %get3A_771 : vector<16xf32>
        %add3A_779 = arith.constant 192 : i32
        %add3A_780 = arith.addi %add3A_779, %add3A_732 : i32
        %swap3A_781 = arith.index_cast %add3A_780 : i32 to index
        %swap3A_782 = arith.constant 0 : index
        %swap3A_783 = tpu.vector_load %arg7[%swap3A_781, %swap3A_782] {strides = array<i32>} : memref<256x128xf32, #tpu.memory_space<vmem>>, vector<1x16xf32>,
        %swap3A_784 = vector.shape_cast %swap3A_783 : vector<1x16xf32> to vector<16xf32>
        %swap3A_785 = vector.shape_cast %mul3A_778 : vector<16xf32> to vector<1x16xf32>
        tpu.vector_store %arg7[%swap3A_781, %swap3A_782], %swap3A_785 {strides = array<i32>} : memref<256x128xf32, #tpu.memory_space<vmem>>, vector<1x16xf32>,
        %add3A_786 = arith.constant 192 : i32
        %add3A_787 = arith.addi %add3A_786, %add3A_732 : i32
        %get3A_788 = arith.index_cast %add3A_787 : i32 to index
        %get3A_789 = arith.constant 16 : index
        %get3A_790 = tpu.vector_load %arg7[%get3A_788, %get3A_789] {strides = array<i32>} : memref<256x128xf32, #tpu.memory_space<vmem>>, vector<1x16xf32>,
        %get3A_791 = vector.shape_cast %get3A_790 : vector<1x16xf32> to vector<16xf32>
        %mul3A_792 = arith.mulf %get3A_791, %get3A_771 : vector<16xf32>
        %add3A_793 = arith.constant 192 : i32
        %add3A_794 = arith.addi %add3A_793, %add3A_732 : i32
        %swap3A_795 = arith.index_cast %add3A_794 : i32 to index
        %swap3A_796 = arith.constant 16 : index
        %swap3A_797 = tpu.vector_load %arg7[%swap3A_795, %swap3A_796] {strides = array<i32>} : memref<256x128xf32, #tpu.memory_space<vmem>>, vector<1x16xf32>,
        %swap3A_798 = vector.shape_cast %swap3A_797 : vector<1x16xf32> to vector<16xf32>
        %swap3A_799 = vector.shape_cast %mul3A_792 : vector<16xf32> to vector<1x16xf32>
        tpu.vector_store %arg7[%swap3A_795, %swap3A_796], %swap3A_799 {strides = array<i32>} : memref<256x128xf32, #tpu.memory_space<vmem>>, vector<1x16xf32>,
        %add3A_800 = arith.constant 192 : i32
        %add3A_801 = arith.addi %add3A_800, %add3A_732 : i32
        %get3A_802 = arith.index_cast %add3A_801 : i32 to index
        %get3A_803 = arith.constant 32 : index
        %get3A_804 = tpu.vector_load %arg7[%get3A_802, %get3A_803] {strides = array<i32>} : memref<256x128xf32, #tpu.memory_space<vmem>>, vector<1x16xf32>,
        %get3A_805 = vector.shape_cast %get3A_804 : vector<1x16xf32> to vector<16xf32>
        %mul3A_806 = arith.mulf %get3A_805, %get3A_771 : vector<16xf32>
        %add3A_807 = arith.constant 192 : i32
        %add3A_808 = arith.addi %add3A_807, %add3A_732 : i32
        %swap3A_809 = arith.index_cast %add3A_808 : i32 to index
        %swap3A_810 = arith.constant 32 : index
        %swap3A_811 = tpu.vector_load %arg7[%swap3A_809, %swap3A_810] {strides = array<i32>} : memref<256x128xf32, #tpu.memory_space<vmem>>, vector<1x16xf32>,
        %swap3A_812 = vector.shape_cast %swap3A_811 : vector<1x16xf32> to vector<16xf32>
        %swap3A_813 = vector.shape_cast %mul3A_806 : vector<16xf32> to vector<1x16xf32>
        tpu.vector_store %arg7[%swap3A_809, %swap3A_810], %swap3A_813 {strides = array<i32>} : memref<256x128xf32, #tpu.memory_space<vmem>>, vector<1x16xf32>,
        %add3A_814 = arith.constant 192 : i32
        %add3A_815 = arith.addi %add3A_814, %add3A_732 : i32
        %get3A_816 = arith.index_cast %add3A_815 : i32 to index
        %get3A_817 = arith.constant 48 : index
        %get3A_818 = tpu.vector_load %arg7[%get3A_816, %get3A_817] {strides = array<i32>} : memref<256x128xf32, #tpu.memory_space<vmem>>, vector<1x16xf32>,
        %get3A_819 = vector.shape_cast %get3A_818 : vector<1x16xf32> to vector<16xf32>
        %mul3A_820 = arith.mulf %get3A_819, %get3A_771 : vector<16xf32>
        %add3A_821 = arith.constant 192 : i32
        %add3A_822 = arith.addi %add3A_821, %add3A_732 : i32
        %swap3A_823 = arith.index_cast %add3A_822 : i32 to index
        %swap3A_824 = arith.constant 48 : index
        %swap3A_825 = tpu.vector_load %arg7[%swap3A_823, %swap3A_824] {strides = array<i32>} : memref<256x128xf32, #tpu.memory_space<vmem>>, vector<1x16xf32>,
        %swap3A_826 = vector.shape_cast %swap3A_825 : vector<1x16xf32> to vector<16xf32>
        %swap3A_827 = vector.shape_cast %mul3A_820 : vector<16xf32> to vector<1x16xf32>
        tpu.vector_store %arg7[%swap3A_823, %swap3A_824], %swap3A_827 {strides = array<i32>} : memref<256x128xf32, #tpu.memory_space<vmem>>, vector<1x16xf32>,
        %add3A_828 = arith.constant 192 : i32
        %add3A_829 = arith.addi %add3A_828, %add3A_732 : i32
        %get3A_830 = arith.index_cast %add3A_829 : i32 to index
        %get3A_831 = arith.constant 64 : index
        %get3A_832 = tpu.vector_load %arg7[%get3A_830, %get3A_831] {strides = array<i32>} : memref<256x128xf32, #tpu.memory_space<vmem>>, vector<1x16xf32>,
        %get3A_833 = vector.shape_cast %get3A_832 : vector<1x16xf32> to vector<16xf32>
        %mul3A_834 = arith.mulf %get3A_833, %get3A_771 : vector<16xf32>
        %add3A_835 = arith.constant 192 : i32
        %add3A_836 = arith.addi %add3A_835, %add3A_732 : i32
        %swap3A_837 = arith.index_cast %add3A_836 : i32 to index
        %swap3A_838 = arith.constant 64 : index
        %swap3A_839 = tpu.vector_load %arg7[%swap3A_837, %swap3A_838] {strides = array<i32>} : memref<256x128xf32, #tpu.memory_space<vmem>>, vector<1x16xf32>,
        %swap3A_840 = vector.shape_cast %swap3A_839 : vector<1x16xf32> to vector<16xf32>
        %swap3A_841 = vector.shape_cast %mul3A_834 : vector<16xf32> to vector<1x16xf32>
        tpu.vector_store %arg7[%swap3A_837, %swap3A_838], %swap3A_841 {strides = array<i32>} : memref<256x128xf32, #tpu.memory_space<vmem>>, vector<1x16xf32>,
        %add3A_842 = arith.constant 192 : i32
        %add3A_843 = arith.addi %add3A_842, %add3A_732 : i32
        %get3A_844 = arith.index_cast %add3A_843 : i32 to index
        %get3A_845 = arith.constant 80 : index
        %get3A_846 = tpu.vector_load %arg7[%get3A_844, %get3A_845] {strides = array<i32>} : memref<256x128xf32, #tpu.memory_space<vmem>>, vector<1x16xf32>,
        %get3A_847 = vector.shape_cast %get3A_846 : vector<1x16xf32> to vector<16xf32>
        %mul3A_848 = arith.mulf %get3A_847, %get3A_771 : vector<16xf32>
        %add3A_849 = arith.constant 192 : i32
        %add3A_850 = arith.addi %add3A_849, %add3A_732 : i32
        %swap3A_851 = arith.index_cast %add3A_850 : i32 to index
        %swap3A_852 = arith.constant 80 : index
        %swap3A_853 = tpu.vector_load %arg7[%swap3A_851, %swap3A_852] {strides = array<i32>} : memref<256x128xf32, #tpu.memory_space<vmem>>, vector<1x16xf32>,
        %swap3A_854 = vector.shape_cast %swap3A_853 : vector<1x16xf32> to vector<16xf32>
        %swap3A_855 = vector.shape_cast %mul3A_848 : vector<16xf32> to vector<1x16xf32>
        tpu.vector_store %arg7[%swap3A_851, %swap3A_852], %swap3A_855 {strides = array<i32>} : memref<256x128xf32, #tpu.memory_space<vmem>>, vector<1x16xf32>,
        %add3A_856 = arith.constant 192 : i32
        %add3A_857 = arith.addi %add3A_856, %add3A_732 : i32
        %get3A_858 = arith.index_cast %add3A_857 : i32 to index
        %get3A_859 = arith.constant 96 : index
        %get3A_860 = tpu.vector_load %arg7[%get3A_858, %get3A_859] {strides = array<i32>} : memref<256x128xf32, #tpu.memory_space<vmem>>, vector<1x16xf32>,
        %get3A_861 = vector.shape_cast %get3A_860 : vector<1x16xf32> to vector<16xf32>
        %mul3A_862 = arith.mulf %get3A_861, %get3A_771 : vector<16xf32>
        %add3A_863 = arith.constant 192 : i32
        %add3A_864 = arith.addi %add3A_863, %add3A_732 : i32
        %swap3A_865 = arith.index_cast %add3A_864 : i32 to index
        %swap3A_866 = arith.constant 96 : index
        %swap3A_867 = tpu.vector_load %arg7[%swap3A_865, %swap3A_866] {strides = array<i32>} : memref<256x128xf32, #tpu.memory_space<vmem>>, vector<1x16xf32>,
        %swap3A_868 = vector.shape_cast %swap3A_867 : vector<1x16xf32> to vector<16xf32>
        %swap3A_869 = vector.shape_cast %mul3A_862 : vector<16xf32> to vector<1x16xf32>
        tpu.vector_store %arg7[%swap3A_865, %swap3A_866], %swap3A_869 {strides = array<i32>} : memref<256x128xf32, #tpu.memory_space<vmem>>, vector<1x16xf32>,
        %add3A_870 = arith.constant 192 : i32
        %add3A_871 = arith.addi %add3A_870, %add3A_732 : i32
        %get3A_872 = arith.index_cast %add3A_871 : i32 to index
        %get3A_873 = arith.constant 112 : index
        %get3A_874 = tpu.vector_load %arg7[%get3A_872, %get3A_873] {strides = array<i32>} : memref<256x128xf32, #tpu.memory_space<vmem>>, vector<1x16xf32>,
        %get3A_875 = vector.shape_cast %get3A_874 : vector<1x16xf32> to vector<16xf32>
        %mul3A_876 = arith.mulf %get3A_875, %get3A_771 : vector<16xf32>
        %add3A_877 = arith.constant 192 : i32
        %add3A_878 = arith.addi %add3A_877, %add3A_732 : i32
        %swap3A_879 = arith.index_cast %add3A_878 : i32 to index
        %swap3A_880 = arith.constant 112 : index
        %swap3A_881 = tpu.vector_load %arg7[%swap3A_879, %swap3A_880] {strides = array<i32>} : memref<256x128xf32, #tpu.memory_space<vmem>>, vector<1x16xf32>,
        %swap3A_882 = vector.shape_cast %swap3A_881 : vector<1x16xf32> to vector<16xf32>
        %swap3A_883 = vector.shape_cast %mul3A_876 : vector<16xf32> to vector<1x16xf32>
        tpu.vector_store %arg7[%swap3A_879, %swap3A_880], %swap3A_883 {strides = array<i32>} : memref<256x128xf32, #tpu.memory_space<vmem>>, vector<1x16xf32>,
        %mul3A_884 = arith.constant 2 : i32
        %mul3A_885 = arith.muli %scan3A_727, %mul3A_884 : i32
        %add3A_886 = arith.constant 1 : i32
        %add3A_887 = arith.addi %mul3A_885, %add3A_886 : i32
        %jit3A_888 = arith.constant 8 : i32
        %div3A_889 = arith.divsi %add3A_887, %jit3A_888 : i32
        %sign3A_890 = arith.constant 0 : i32
        %sign3A_891 = arith.cmpi sgt, %add3A_887, %sign3A_890 : i32
        %sign3A_892 = arith.extui %sign3A_891 : i1 to i32
        %sign3A_893 = arith.constant 0 : i32
        %sign3A_894 = arith.cmpi slt, %add3A_887, %sign3A_893 : i32
        %sign3A_895 = arith.extui %sign3A_894 : i1 to i32
        %sign3A_896 = arith.subi %sign3A_892, %sign3A_895 : i32
        %sign3A_897 = arith.constant 0 : i32
        %sign3A_898 = arith.cmpi sgt, %jit3A_888, %sign3A_897 : i32
        %sign3A_899 = arith.extui %sign3A_898 : i1 to i32
        %sign3A_900 = arith.constant 0 : i32
        %sign3A_901 = arith.cmpi slt, %jit3A_888, %sign3A_900 : i32
        %sign3A_902 = arith.extui %sign3A_901 : i1 to i32
        %sign3A_903 = arith.subi %sign3A_899, %sign3A_902 : i32
        %ne3A_904 = arith.cmpi ne, %sign3A_896, %sign3A_903 : i32
        %rem3A_905 = arith.remsi %add3A_887, %jit3A_888 : i32
        %ne3A_906 = arith.constant 0 : i32
        %ne3A_907 = arith.cmpi ne, %rem3A_905, %ne3A_906 : i32
        %and3A_908 = arith.andi %ne3A_904, %ne3A_907 : i1
        %sub3A_909 = arith.constant 1 : i32
        %sub3A_910 = arith.subi %div3A_889, %sub3A_909 : i32
        %select_n3A_911 = arith.select %and3A_908, %sub3A_910, %div3A_889 : i32
        %add3A_912 = arith.constant 24 : i32
        %add3A_913 = arith.addi %add3A_912, %select_n3A_911 : i32
        %jit3A_914 = arith.constant 8 : i32
        %eq3A_915 = arith.constant 0 : i32
        %eq3A_916 = arith.cmpi eq, %jit3A_914, %eq3A_915 : i32
        %jit3A_917 = arith.constant 1 : i32
        %select_n3A_918 = arith.select %eq3A_916, %jit3A_917, %jit3A_914 : i32
        %rem3A_919 = arith.remsi %add3A_887, %select_n3A_918 : i32
        %ne3A_920 = arith.constant 0 : i32
        %ne3A_921 = arith.cmpi ne, %rem3A_919, %ne3A_920 : i32
        %lt3A_922 = arith.constant 0 : i32
        %lt3A_923 = arith.cmpi slt, %rem3A_919, %lt3A_922 : i32
        %lt3A_924 = arith.constant 0 : i32
        %lt3A_925 = arith.cmpi slt, %select_n3A_918, %lt3A_924 : i32
        %ne3A_926 = arith.xori %lt3A_923, %lt3A_925 : i1
        %and3A_927 = arith.andi %ne3A_926, %ne3A_921 : i1
        %add3A_928 = arith.addi %rem3A_919, %select_n3A_918 : i32
        %select_n3A_929 = arith.select %and3A_927, %add3A_928, %rem3A_919 : i32
        %mul3A_930 = arith.constant 16 : i32
        %mul3A_931 = arith.muli %select_n3A_929, %mul3A_930 : i32
        %get3A_932 = arith.index_cast %add3A_913 : i32 to index
        %get3A_933 = arith.index_cast %mul3A_931 : i32 to index
        %get3A_934 = tpu.vector_load %arg8[%get3A_932, %get3A_933] {strides = array<i32>} : memref<32x128xf32, #tpu.memory_space<vmem>>, vector<1x16xf32>,
        %get3A_935 = vector.shape_cast %get3A_934 : vector<1x16xf32> to vector<16xf32>
        %add3A_936 = arith.constant 192 : i32
        %add3A_937 = arith.addi %add3A_936, %add3A_887 : i32
        %get3A_938 = arith.index_cast %add3A_937 : i32 to index
        %get3A_939 = arith.constant 0 : index
        %get3A_940 = tpu.vector_load %arg7[%get3A_938, %get3A_939] {strides = array<i32>} : memref<256x128xf32, #tpu.memory_space<vmem>>, vector<1x16xf32>,
        %get3A_941 = vector.shape_cast %get3A_940 : vector<1x16xf32> to vector<16xf32>
        %mul3A_942 = arith.mulf %get3A_941, %get3A_935 : vector<16xf32>
        %add3A_943 = arith.constant 192 : i32
        %add3A_944 = arith.addi %add3A_943, %add3A_887 : i32
        %swap3A_945 = arith.index_cast %add3A_944 : i32 to index
        %swap3A_946 = arith.constant 0 : index
        %swap3A_947 = tpu.vector_load %arg7[%swap3A_945, %swap3A_946] {strides = array<i32>} : memref<256x128xf32, #tpu.memory_space<vmem>>, vector<1x16xf32>,
        %swap3A_948 = vector.shape_cast %swap3A_947 : vector<1x16xf32> to vector<16xf32>
        %swap3A_949 = vector.shape_cast %mul3A_942 : vector<16xf32> to vector<1x16xf32>
        tpu.vector_store %arg7[%swap3A_945, %swap3A_946], %swap3A_949 {strides = array<i32>} : memref<256x128xf32, #tpu.memory_space<vmem>>, vector<1x16xf32>,
        %add3A_950 = arith.constant 192 : i32
        %add3A_951 = arith.addi %add3A_950, %add3A_887 : i32
        %get3A_952 = arith.index_cast %add3A_951 : i32 to index
        %get3A_953 = arith.constant 16 : index
        %get3A_954 = tpu.vector_load %arg7[%get3A_952, %get3A_953] {strides = array<i32>} : memref<256x128xf32, #tpu.memory_space<vmem>>, vector<1x16xf32>,
        %get3A_955 = vector.shape_cast %get3A_954 : vector<1x16xf32> to vector<16xf32>
        %mul3A_956 = arith.mulf %get3A_955, %get3A_935 : vector<16xf32>
        %add3A_957 = arith.constant 192 : i32
        %add3A_958 = arith.addi %add3A_957, %add3A_887 : i32
        %swap3A_959 = arith.index_cast %add3A_958 : i32 to index
        %swap3A_960 = arith.constant 16 : index
        %swap3A_961 = tpu.vector_load %arg7[%swap3A_959, %swap3A_960] {strides = array<i32>} : memref<256x128xf32, #tpu.memory_space<vmem>>, vector<1x16xf32>,
        %swap3A_962 = vector.shape_cast %swap3A_961 : vector<1x16xf32> to vector<16xf32>
        %swap3A_963 = vector.shape_cast %mul3A_956 : vector<16xf32> to vector<1x16xf32>
        tpu.vector_store %arg7[%swap3A_959, %swap3A_960], %swap3A_963 {strides = array<i32>} : memref<256x128xf32, #tpu.memory_space<vmem>>, vector<1x16xf32>,
        %add3A_964 = arith.constant 192 : i32
        %add3A_965 = arith.addi %add3A_964, %add3A_887 : i32
        %get3A_966 = arith.index_cast %add3A_965 : i32 to index
        %get3A_967 = arith.constant 32 : index
        %get3A_968 = tpu.vector_load %arg7[%get3A_966, %get3A_967] {strides = array<i32>} : memref<256x128xf32, #tpu.memory_space<vmem>>, vector<1x16xf32>,
        %get3A_969 = vector.shape_cast %get3A_968 : vector<1x16xf32> to vector<16xf32>
        %mul3A_970 = arith.mulf %get3A_969, %get3A_935 : vector<16xf32>
        %add3A_971 = arith.constant 192 : i32
        %add3A_972 = arith.addi %add3A_971, %add3A_887 : i32
        %swap3A_973 = arith.index_cast %add3A_972 : i32 to index
        %swap3A_974 = arith.constant 32 : index
        %swap3A_975 = tpu.vector_load %arg7[%swap3A_973, %swap3A_974] {strides = array<i32>} : memref<256x128xf32, #tpu.memory_space<vmem>>, vector<1x16xf32>,
        %swap3A_976 = vector.shape_cast %swap3A_975 : vector<1x16xf32> to vector<16xf32>
        %swap3A_977 = vector.shape_cast %mul3A_970 : vector<16xf32> to vector<1x16xf32>
        tpu.vector_store %arg7[%swap3A_973, %swap3A_974], %swap3A_977 {strides = array<i32>} : memref<256x128xf32, #tpu.memory_space<vmem>>, vector<1x16xf32>,
        %add3A_978 = arith.constant 192 : i32
        %add3A_979 = arith.addi %add3A_978, %add3A_887 : i32
        %get3A_980 = arith.index_cast %add3A_979 : i32 to index
        %get3A_981 = arith.constant 48 : index
        %get3A_982 = tpu.vector_load %arg7[%get3A_980, %get3A_981] {strides = array<i32>} : memref<256x128xf32, #tpu.memory_space<vmem>>, vector<1x16xf32>,
        %get3A_983 = vector.shape_cast %get3A_982 : vector<1x16xf32> to vector<16xf32>
        %mul3A_984 = arith.mulf %get3A_983, %get3A_935 : vector<16xf32>
        %add3A_985 = arith.constant 192 : i32
        %add3A_986 = arith.addi %add3A_985, %add3A_887 : i32
        %swap3A_987 = arith.index_cast %add3A_986 : i32 to index
        %swap3A_988 = arith.constant 48 : index
        %swap3A_989 = tpu.vector_load %arg7[%swap3A_987, %swap3A_988] {strides = array<i32>} : memref<256x128xf32, #tpu.memory_space<vmem>>, vector<1x16xf32>,
        %swap3A_990 = vector.shape_cast %swap3A_989 : vector<1x16xf32> to vector<16xf32>
        %swap3A_991 = vector.shape_cast %mul3A_984 : vector<16xf32> to vector<1x16xf32>
        tpu.vector_store %arg7[%swap3A_987, %swap3A_988], %swap3A_991 {strides = array<i32>} : memref<256x128xf32, #tpu.memory_space<vmem>>, vector<1x16xf32>,
        %add3A_992 = arith.constant 192 : i32
        %add3A_993 = arith.addi %add3A_992, %add3A_887 : i32
        %get3A_994 = arith.index_cast %add3A_993 : i32 to index
        %get3A_995 = arith.constant 64 : index
        %get3A_996 = tpu.vector_load %arg7[%get3A_994, %get3A_995] {strides = array<i32>} : memref<256x128xf32, #tpu.memory_space<vmem>>, vector<1x16xf32>,
        %get3A_997 = vector.shape_cast %get3A_996 : vector<1x16xf32> to vector<16xf32>
        %mul3A_998 = arith.mulf %get3A_997, %get3A_935 : vector<16xf32>
        %add3A_999 = arith.constant 192 : i32
        %add3A_1000 = arith.addi %add3A_999, %add3A_887 : i32
        %swap3A_1001 = arith.index_cast %add3A_1000 : i32 to index
        %swap3A_1002 = arith.constant 64 : index
        %swap3A_1003 = tpu.vector_load %arg7[%swap3A_1001, %swap3A_1002] {strides = array<i32>} : memref<256x128xf32, #tpu.memory_space<vmem>>, vector<1x16xf32>,
        %swap3A_1004 = vector.shape_cast %swap3A_1003 : vector<1x16xf32> to vector<16xf32>
        %swap3A_1005 = vector.shape_cast %mul3A_998 : vector<16xf32> to vector<1x16xf32>
        tpu.vector_store %arg7[%swap3A_1001, %swap3A_1002], %swap3A_1005 {strides = array<i32>} : memref<256x128xf32, #tpu.memory_space<vmem>>, vector<1x16xf32>,
        %add3A_1006 = arith.constant 192 : i32
        %add3A_1007 = arith.addi %add3A_1006, %add3A_887 : i32
        %get3A_1008 = arith.index_cast %add3A_1007 : i32 to index
        %get3A_1009 = arith.constant 80 : index
        %get3A_1010 = tpu.vector_load %arg7[%get3A_1008, %get3A_1009] {strides = array<i32>} : memref<256x128xf32, #tpu.memory_space<vmem>>, vector<1x16xf32>,
        %get3A_1011 = vector.shape_cast %get3A_1010 : vector<1x16xf32> to vector<16xf32>
        %mul3A_1012 = arith.mulf %get3A_1011, %get3A_935 : vector<16xf32>
        %add3A_1013 = arith.constant 192 : i32
        %add3A_1014 = arith.addi %add3A_1013, %add3A_887 : i32
        %swap3A_1015 = arith.index_cast %add3A_1014 : i32 to index
        %swap3A_1016 = arith.constant 80 : index
        %swap3A_1017 = tpu.vector_load %arg7[%swap3A_1015, %swap3A_1016] {strides = array<i32>} : memref<256x128xf32, #tpu.memory_space<vmem>>, vector<1x16xf32>,
        %swap3A_1018 = vector.shape_cast %swap3A_1017 : vector<1x16xf32> to vector<16xf32>
        %swap3A_1019 = vector.shape_cast %mul3A_1012 : vector<16xf32> to vector<1x16xf32>
        tpu.vector_store %arg7[%swap3A_1015, %swap3A_1016], %swap3A_1019 {strides = array<i32>} : memref<256x128xf32, #tpu.memory_space<vmem>>, vector<1x16xf32>,
        %add3A_1020 = arith.constant 192 : i32
        %add3A_1021 = arith.addi %add3A_1020, %add3A_887 : i32
        %get3A_1022 = arith.index_cast %add3A_1021 : i32 to index
        %get3A_1023 = arith.constant 96 : index
        %get3A_1024 = tpu.vector_load %arg7[%get3A_1022, %get3A_1023] {strides = array<i32>} : memref<256x128xf32, #tpu.memory_space<vmem>>, vector<1x16xf32>,
        %get3A_1025 = vector.shape_cast %get3A_1024 : vector<1x16xf32> to vector<16xf32>
        %mul3A_1026 = arith.mulf %get3A_1025, %get3A_935 : vector<16xf32>
        %add3A_1027 = arith.constant 192 : i32
        %add3A_1028 = arith.addi %add3A_1027, %add3A_887 : i32
        %swap3A_1029 = arith.index_cast %add3A_1028 : i32 to index
        %swap3A_1030 = arith.constant 96 : index
        %swap3A_1031 = tpu.vector_load %arg7[%swap3A_1029, %swap3A_1030] {strides = array<i32>} : memref<256x128xf32, #tpu.memory_space<vmem>>, vector<1x16xf32>,
        %swap3A_1032 = vector.shape_cast %swap3A_1031 : vector<1x16xf32> to vector<16xf32>
        %swap3A_1033 = vector.shape_cast %mul3A_1026 : vector<16xf32> to vector<1x16xf32>
        tpu.vector_store %arg7[%swap3A_1029, %swap3A_1030], %swap3A_1033 {strides = array<i32>} : memref<256x128xf32, #tpu.memory_space<vmem>>, vector<1x16xf32>,
        %add3A_1034 = arith.constant 192 : i32
        %add3A_1035 = arith.addi %add3A_1034, %add3A_887 : i32
        %get3A_1036 = arith.index_cast %add3A_1035 : i32 to index
        %get3A_1037 = arith.constant 112 : index
        %get3A_1038 = tpu.vector_load %arg7[%get3A_1036, %get3A_1037] {strides = array<i32>} : memref<256x128xf32, #tpu.memory_space<vmem>>, vector<1x16xf32>,
        %get3A_1039 = vector.shape_cast %get3A_1038 : vector<1x16xf32> to vector<16xf32>
        %mul3A_1040 = arith.mulf %get3A_1039, %get3A_935 : vector<16xf32>
        %add3A_1041 = arith.constant 192 : i32
        %add3A_1042 = arith.addi %add3A_1041, %add3A_887 : i32
        %swap3A_1043 = arith.index_cast %add3A_1042 : i32 to index
        %swap3A_1044 = arith.constant 112 : index
        %swap3A_1045 = tpu.vector_load %arg7[%swap3A_1043, %swap3A_1044] {strides = array<i32>} : memref<256x128xf32, #tpu.memory_space<vmem>>, vector<1x16xf32>,
        %swap3A_1046 = vector.shape_cast %swap3A_1045 : vector<1x16xf32> to vector<16xf32>
        %swap3A_1047 = vector.shape_cast %mul3A_1040 : vector<16xf32> to vector<1x16xf32>
        tpu.vector_store %arg7[%swap3A_1043, %swap3A_1044], %swap3A_1047 {strides = array<i32>} : memref<256x128xf32, #tpu.memory_space<vmem>>, vector<1x16xf32>,
        %scan3A_1048 = arith.constant 0 : i32
        scf.yield %scan3A_1048 : i32
      }
      %scan3A_666 = arith.constant 32 : i32
      %dma_start3A_667 = arith.constant 3 : i32
      %dma_start3A_668 = arith.constant 192 : i32
      %dma_start3A_669 = arith.constant 0 : i32
      %dma_start3A_670 = tpu.memref_slice %arg7[%dma_start3A_668, %dma_start3A_669] : memref<256x128xf32, #tpu.memory_space<vmem>> -> memref<64x128xf32, #tpu.memory_space<vmem>>
      %dma_start3A_671 = arith.constant 0 : i32
      %dma_start3A_672 = tpu.memref_slice %arg10[%dma_start3A_667, %dma_start3A_671] : memref<4x64xi32, #tpu.memory_space<vmem>> -> memref<1x64xi32, #tpu.memory_space<vmem>>
      %dma_start3A_673 = tpu.memref_squeeze %dma_start3A_672 : memref<1x64xi32, #tpu.memory_space<vmem>> -> memref<64xi32, #tpu.memory_space<vmem>>
      %dma_start3A_674 = arith.constant 0 : i32
      %dma_start3A_675 = arith.constant 0 : i32
      %dma_start3A_676 = tpu.memref_slice %arg11[%dma_start3A_674, %dma_start3A_675] : memref<10240x128xf32, #tpu.memory_space<vmem_shared>> -> memref<10240x128xf32, #tpu.memory_space<vmem_shared>>
      tpu.enqueue_indirect_dma source(%dma_start3A_670 : memref<64x128xf32, #tpu.memory_space<vmem>>) target(%dma_start3A_676 : memref<10240x128xf32, #tpu.memory_space<vmem_shared>>) offsets(%dma_start3A_673 : memref<64xi32, #tpu.memory_space<vmem>>) semaphore(%arg23 : memref<!tpu.dma_semaphore, #tpu.memory_space<semaphore_mem>>) {add = true}
      %dma_wait3A_677 = arith.constant 0 : i32
      %dma_wait3A_678 = arith.constant 0 : i32
      %dma_wait3A_679 = arith.constant 0 : i32
      %dma_wait3A_680 = tpu.memref_slice %arg7[%dma_wait3A_678, %dma_wait3A_679] : memref<256x128xf32, #tpu.memory_space<vmem>> -> memref<64x128xf32, #tpu.memory_space<vmem>>
      %dma_wait3A_681 = arith.constant 0 : i32
      %dma_wait3A_682 = tpu.memref_slice %arg10[%dma_wait3A_677, %dma_wait3A_681] : memref<4x64xi32, #tpu.memory_space<vmem>> -> memref<1x64xi32, #tpu.memory_space<vmem>>
      %dma_wait3A_683 = tpu.memref_squeeze %dma_wait3A_682 : memref<1x64xi32, #tpu.memory_space<vmem>> -> memref<64xi32, #tpu.memory_space<vmem>>
      %dma_wait3A_684 = arith.constant 0 : i32
      %dma_wait3A_685 = arith.constant 0 : i32
      %dma_wait3A_686 = tpu.memref_slice %arg11[%dma_wait3A_684, %dma_wait3A_685] : memref<10240x128xf32, #tpu.memory_space<vmem_shared>> -> memref<10240x128xf32, #tpu.memory_space<vmem_shared>>
      tpu.wait_indirect_dma semaphore(%arg20 : memref<!tpu.dma_semaphore, #tpu.memory_space<semaphore_mem>>) src(%dma_wait3A_680 : memref<64x128xf32, #tpu.memory_space<vmem>>) dst(%dma_wait3A_686 : memref<10240x128xf32, #tpu.memory_space<vmem_shared>>)
      %dma_wait3A_687 = arith.constant 1 : i32
      %dma_wait3A_688 = arith.constant 64 : i32
      %dma_wait3A_689 = arith.constant 0 : i32
      %dma_wait3A_690 = tpu.memref_slice %arg7[%dma_wait3A_688, %dma_wait3A_689] : memref<256x128xf32, #tpu.memory_space<vmem>> -> memref<64x128xf32, #tpu.memory_space<vmem>>
      %dma_wait3A_691 = arith.constant 0 : i32
      %dma_wait3A_692 = tpu.memref_slice %arg10[%dma_wait3A_687, %dma_wait3A_691] : memref<4x64xi32, #tpu.memory_space<vmem>> -> memref<1x64xi32, #tpu.memory_space<vmem>>
      %dma_wait3A_693 = tpu.memref_squeeze %dma_wait3A_692 : memref<1x64xi32, #tpu.memory_space<vmem>> -> memref<64xi32, #tpu.memory_space<vmem>>
      %dma_wait3A_694 = arith.constant 0 : i32
      %dma_wait3A_695 = arith.constant 0 : i32
      %dma_wait3A_696 = tpu.memref_slice %arg11[%dma_wait3A_694, %dma_wait3A_695] : memref<10240x128xf32, #tpu.memory_space<vmem_shared>> -> memref<10240x128xf32, #tpu.memory_space<vmem_shared>>
      tpu.wait_indirect_dma semaphore(%arg21 : memref<!tpu.dma_semaphore, #tpu.memory_space<semaphore_mem>>) src(%dma_wait3A_690 : memref<64x128xf32, #tpu.memory_space<vmem>>) dst(%dma_wait3A_696 : memref<10240x128xf32, #tpu.memory_space<vmem_shared>>)
      %dma_wait3A_697 = arith.constant 2 : i32
      %dma_wait3A_698 = arith.constant 128 : i32
      %dma_wait3A_699 = arith.constant 0 : i32
      %dma_wait3A_700 = tpu.memref_slice %arg7[%dma_wait3A_698, %dma_wait3A_699] : memref<256x128xf32, #tpu.memory_space<vmem>> -> memref<64x128xf32, #tpu.memory_space<vmem>>
      %dma_wait3A_701 = arith.constant 0 : i32
      %dma_wait3A_702 = tpu.memref_slice %arg10[%dma_wait3A_697, %dma_wait3A_701] : memref<4x64xi32, #tpu.memory_space<vmem>> -> memref<1x64xi32, #tpu.memory_space<vmem>>
      %dma_wait3A_703 = tpu.memref_squeeze %dma_wait3A_702 : memref<1x64xi32, #tpu.memory_space<vmem>> -> memref<64xi32, #tpu.memory_space<vmem>>
      %dma_wait3A_704 = arith.constant 0 : i32
      %dma_wait3A_705 = arith.constant 0 : i32
      %dma_wait3A_706 = tpu.memref_slice %arg11[%dma_wait3A_704, %dma_wait3A_705] : memref<10240x128xf32, #tpu.memory_space<vmem_shared>> -> memref<10240x128xf32, #tpu.memory_space<vmem_shared>>
      tpu.wait_indirect_dma semaphore(%arg22 : memref<!tpu.dma_semaphore, #tpu.memory_space<semaphore_mem>>) src(%dma_wait3A_700 : memref<64x128xf32, #tpu.memory_space<vmem>>) dst(%dma_wait3A_706 : memref<10240x128xf32, #tpu.memory_space<vmem_shared>>)
      %dma_wait3A_707 = arith.constant 3 : i32
      %dma_wait3A_708 = arith.constant 192 : i32
      %dma_wait3A_709 = arith.constant 0 : i32
      %dma_wait3A_710 = tpu.memref_slice %arg7[%dma_wait3A_708, %dma_wait3A_709] : memref<256x128xf32, #tpu.memory_space<vmem>> -> memref<64x128xf32, #tpu.memory_space<vmem>>
      %dma_wait3A_711 = arith.constant 0 : i32
      %dma_wait3A_712 = tpu.memref_slice %arg10[%dma_wait3A_707, %dma_wait3A_711] : memref<4x64xi32, #tpu.memory_space<vmem>> -> memref<1x64xi32, #tpu.memory_space<vmem>>
      %dma_wait3A_713 = tpu.memref_squeeze %dma_wait3A_712 : memref<1x64xi32, #tpu.memory_space<vmem>> -> memref<64xi32, #tpu.memory_space<vmem>>
      %dma_wait3A_714 = arith.constant 0 : i32
      %dma_wait3A_715 = arith.constant 0 : i32
      %dma_wait3A_716 = tpu.memref_slice %arg11[%dma_wait3A_714, %dma_wait3A_715] : memref<10240x128xf32, #tpu.memory_space<vmem_shared>> -> memref<10240x128xf32, #tpu.memory_space<vmem_shared>>
      tpu.wait_indirect_dma semaphore(%arg23 : memref<!tpu.dma_semaphore, #tpu.memory_space<semaphore_mem>>) src(%dma_wait3A_710 : memref<64x128xf32, #tpu.memory_space<vmem>>) dst(%dma_wait3A_716 : memref<10240x128xf32, #tpu.memory_space<vmem_shared>>)
      %barrier3A_717 = arith.constant 0 : index
      tpu.barrier barrier_id(%barrier3A_717)
      %scan3A_718 = arith.constant 0 : i32
      %scan3A_719 = arith.constant 0 : i32
      %scan3A_720 = arith.constant 5 : i32
      %scan3A_721 = arith.addi %scan3A_719, %scan3A_720 : i32
      %scan3A_722 = arith.constant 1 : i32
      %scan3A_723 = scf.for %scan3A_727 = %scan3A_719 to %scan3A_721 step %scan3A_722 iter_args(%scan3A_728 = %scan3A_718) -> (i32)  : i32 {
        %mul3A_729 = arith.constant 128 : i32
        %mul3A_730 = arith.muli %scan3A_727, %mul3A_729 : i32
        %add3A_731 = arith.addi %add3A, %mul3A_730 : i32
        %mul3A_732 = arith.constant 640 : i32
        %mul3A_733 = arith.muli %arg1, %mul3A_732 : i32
        %mul3A_734 = arith.constant 128 : i32
        %mul3A_735 = arith.muli %scan3A_727, %mul3A_734 : i32
        %add3A_736 = arith.addi %mul3A_733, %mul3A_735 : i32
        "tpu.region"() ({
          %run_scoped3A = tpu.sem_alloc : memref<!tpu.dma_semaphore, #tpu.memory_space<semaphore_mem>>
          %dma_start3A_745 = arith.constant 0 : i32
          %dma_start3A_746 = arith.constant 0 : i32
          %dma_start3A_747 = tpu.memref_slice %arg7[%dma_start3A_745, %dma_start3A_746] : memref<256x128xf32, #tpu.memory_space<vmem>> -> memref<128x128xf32, #tpu.memory_space<vmem>>
          %dma_start3A_748 = arith.constant 0 : i32
          %dma_start3A_749 = tpu.memref_slice %arg11[%add3A_736, %dma_start3A_748] : memref<10240x128xf32, #tpu.memory_space<vmem_shared>> -> memref<128x128xf32, #tpu.memory_space<vmem_shared>>
          %dma_start3A_750 = arith.constant 0 : i32
          %dma_start3A_751 = arith.constant 0 : i32
          %dma_start3A_752 = tpu.memref_slice %arg7[%dma_start3A_750, %dma_start3A_751] : memref<256x128xf32, #tpu.memory_space<vmem>> -> memref<128x128xf32, #tpu.memory_space<vmem>>
          %dma_start3A_753 = arith.constant 0 : i32
          %dma_start3A_754 = tpu.memref_slice %arg11[%add3A_736, %dma_start3A_753] : memref<10240x128xf32, #tpu.memory_space<vmem_shared>> -> memref<128x128xf32, #tpu.memory_space<vmem_shared>>
          tpu.enqueue_dma source(%dma_start3A_754 : memref<128x128xf32, #tpu.memory_space<vmem_shared>>) target(%dma_start3A_752 : memref<128x128xf32, #tpu.memory_space<vmem>>) target_semaphore(%run_scoped3A : memref<!tpu.dma_semaphore, #tpu.memory_space<semaphore_mem>>)
          %dma_wait3A_755 = arith.constant 0 : i32
          %dma_wait3A_756 = arith.constant 0 : i32
          %dma_wait3A_757 = tpu.memref_slice %arg7[%dma_wait3A_755, %dma_wait3A_756] : memref<256x128xf32, #tpu.memory_space<vmem>> -> memref<128x128xf32, #tpu.memory_space<vmem>>
          %dma_wait3A_758 = arith.constant 0 : i32
          %dma_wait3A_759 = tpu.memref_slice %arg11[%add3A_736, %dma_wait3A_758] : memref<10240x128xf32, #tpu.memory_space<vmem_shared>> -> memref<128x128xf32, #tpu.memory_space<vmem_shared>>
          %dma_wait3A_760 = arith.constant 0 : i32
          %dma_wait3A_761 = arith.constant 0 : i32
          %dma_wait3A_762 = tpu.memref_slice %arg7[%dma_wait3A_760, %dma_wait3A_761] : memref<256x128xf32, #tpu.memory_space<vmem>> -> memref<128x128xf32, #tpu.memory_space<vmem>>
          %dma_wait3A_763 = arith.constant 0 : i32
          %dma_wait3A_764 = tpu.memref_slice %arg11[%add3A_736, %dma_wait3A_763] : memref<10240x128xf32, #tpu.memory_space<vmem_shared>> -> memref<128x128xf32, #tpu.memory_space<vmem_shared>>
          tpu.wait_dma2 semaphore(%run_scoped3A : memref<!tpu.dma_semaphore, #tpu.memory_space<semaphore_mem>>) src(%dma_wait3A_764 : memref<128x128xf32, #tpu.memory_space<vmem_shared>>) dst(%dma_wait3A_762 : memref<128x128xf32, #tpu.memory_space<vmem>>)
          tpu.yield
        }) : () -> ()
        "tpu.region"() ({
          %run_scoped3A = tpu.sem_alloc : memref<!tpu.dma_semaphore, #tpu.memory_space<semaphore_mem>>
          %dma_start3A_745 = arith.constant 128 : i32
          %dma_start3A_746 = arith.constant 0 : i32
          %dma_start3A_747 = tpu.memref_slice %arg7[%dma_start3A_745, %dma_start3A_746] : memref<256x128xf32, #tpu.memory_space<vmem>> -> memref<128x128xf32, #tpu.memory_space<vmem>>
          %dma_start3A_748 = arith.constant 0 : i32
          %dma_start3A_749 = tpu.memref_slice %arg2[%add3A_731, %dma_start3A_748] : memref<20480x128xf32, #tpu.memory_space<hbm>> -> memref<128x128xf32, #tpu.memory_space<hbm>>
          %dma_start3A_750 = arith.constant 128 : i32
          %dma_start3A_751 = arith.constant 0 : i32
          %dma_start3A_752 = tpu.memref_slice %arg7[%dma_start3A_750, %dma_start3A_751] : memref<256x128xf32, #tpu.memory_space<vmem>> -> memref<128x128xf32, #tpu.memory_space<vmem>>
          %dma_start3A_753 = arith.constant 0 : i32
          %dma_start3A_754 = tpu.memref_slice %arg2[%add3A_731, %dma_start3A_753] : memref<20480x128xf32, #tpu.memory_space<hbm>> -> memref<128x128xf32, #tpu.memory_space<hbm>>
          tpu.enqueue_dma source(%dma_start3A_754 : memref<128x128xf32, #tpu.memory_space<hbm>>) target(%dma_start3A_752 : memref<128x128xf32, #tpu.memory_space<vmem>>) target_semaphore(%run_scoped3A : memref<!tpu.dma_semaphore, #tpu.memory_space<semaphore_mem>>)
          %dma_wait3A_755 = arith.constant 128 : i32
          %dma_wait3A_756 = arith.constant 0 : i32
          %dma_wait3A_757 = tpu.memref_slice %arg7[%dma_wait3A_755, %dma_wait3A_756] : memref<256x128xf32, #tpu.memory_space<vmem>> -> memref<128x128xf32, #tpu.memory_space<vmem>>
          %dma_wait3A_758 = arith.constant 0 : i32
          %dma_wait3A_759 = tpu.memref_slice %arg2[%add3A_731, %dma_wait3A_758] : memref<20480x128xf32, #tpu.memory_space<hbm>> -> memref<128x128xf32, #tpu.memory_space<hbm>>
          %dma_wait3A_760 = arith.constant 128 : i32
          %dma_wait3A_761 = arith.constant 0 : i32
          %dma_wait3A_762 = tpu.memref_slice %arg7[%dma_wait3A_760, %dma_wait3A_761] : memref<256x128xf32, #tpu.memory_space<vmem>> -> memref<128x128xf32, #tpu.memory_space<vmem>>
          %dma_wait3A_763 = arith.constant 0 : i32
          %dma_wait3A_764 = tpu.memref_slice %arg2[%add3A_731, %dma_wait3A_763] : memref<20480x128xf32, #tpu.memory_space<hbm>> -> memref<128x128xf32, #tpu.memory_space<hbm>>
          tpu.wait_dma2 semaphore(%run_scoped3A : memref<!tpu.dma_semaphore, #tpu.memory_space<semaphore_mem>>) src(%dma_wait3A_764 : memref<128x128xf32, #tpu.memory_space<hbm>>) dst(%dma_wait3A_762 : memref<128x128xf32, #tpu.memory_space<vmem>>)
          tpu.yield
        }) : () -> ()
        %scan3A_737 = arith.constant 0 : i32
        %scan3A_738 = arith.constant 0 : i32
        %scan3A_739 = arith.constant 128 : i32
        %scan3A_740 = arith.addi %scan3A_738, %scan3A_739 : i32
        %scan3A_741 = arith.constant 1 : i32
        %scan3A_742 = scf.for %scan3A_745 = %scan3A_738 to %scan3A_740 step %scan3A_741 iter_args(%scan3A_746 = %scan3A_737) -> (i32)  : i32 {
          %get3A_747 = arith.index_cast %scan3A_745 : i32 to index
          %get3A_748 = arith.constant 0 : index
          %get3A_749 = tpu.vector_load %arg7[%get3A_747, %get3A_748] {strides = array<i32>} : memref<256x128xf32, #tpu.memory_space<vmem>>, vector<1x16xf32>,
          %get3A_750 = vector.shape_cast %get3A_749 : vector<1x16xf32> to vector<16xf32>
          %mul3A_751 = arith.constant 0.899999976 : f32
          %mul3A_752 = vector.broadcast %mul3A_751 : f32 to vector<16xf32>
          %mul3A_753 = arith.mulf %get3A_750, %mul3A_752 : vector<16xf32>
          %swap3A_754 = arith.index_cast %scan3A_745 : i32 to index
          %swap3A_755 = arith.constant 0 : index
          %swap3A_756 = tpu.vector_load %arg7[%swap3A_754, %swap3A_755] {strides = array<i32>} : memref<256x128xf32, #tpu.memory_space<vmem>>, vector<1x16xf32>,
          %swap3A_757 = vector.shape_cast %swap3A_756 : vector<1x16xf32> to vector<16xf32>
          %swap3A_758 = vector.shape_cast %mul3A_753 : vector<16xf32> to vector<1x16xf32>
          tpu.vector_store %arg7[%swap3A_754, %swap3A_755], %swap3A_758 {strides = array<i32>} : memref<256x128xf32, #tpu.memory_space<vmem>>, vector<1x16xf32>,
          %add3A_759 = arith.constant 128 : i32
          %add3A_760 = arith.addi %add3A_759, %scan3A_745 : i32
          %get3A_761 = arith.index_cast %add3A_760 : i32 to index
          %get3A_762 = arith.constant 0 : index
          %get3A_763 = tpu.vector_load %arg7[%get3A_761, %get3A_762] {strides = array<i32>} : memref<256x128xf32, #tpu.memory_space<vmem>>, vector<1x16xf32>,
          %get3A_764 = vector.shape_cast %get3A_763 : vector<1x16xf32> to vector<16xf32>
          %mul3A_765 = arith.constant 0.111111112 : f32
          %mul3A_766 = vector.broadcast %mul3A_765 : f32 to vector<16xf32>
          %mul3A_767 = arith.mulf %get3A_764, %mul3A_766 : vector<16xf32>
          %add3A_768 = arith.constant 128 : i32
          %add3A_769 = arith.addi %add3A_768, %scan3A_745 : i32
          %swap3A_770 = arith.index_cast %add3A_769 : i32 to index
          %swap3A_771 = arith.constant 0 : index
          %swap3A_772 = tpu.vector_load %arg7[%swap3A_770, %swap3A_771] {strides = array<i32>} : memref<256x128xf32, #tpu.memory_space<vmem>>, vector<1x16xf32>,
          %swap3A_773 = vector.shape_cast %swap3A_772 : vector<1x16xf32> to vector<16xf32>
          %swap3A_774 = vector.shape_cast %mul3A_767 : vector<16xf32> to vector<1x16xf32>
          tpu.vector_store %arg7[%swap3A_770, %swap3A_771], %swap3A_774 {strides = array<i32>} : memref<256x128xf32, #tpu.memory_space<vmem>>, vector<1x16xf32>,
          %get3A_775 = arith.index_cast %scan3A_745 : i32 to index
          %get3A_776 = arith.constant 16 : index
          %get3A_777 = tpu.vector_load %arg7[%get3A_775, %get3A_776] {strides = array<i32>} : memref<256x128xf32, #tpu.memory_space<vmem>>, vector<1x16xf32>,
          %get3A_778 = vector.shape_cast %get3A_777 : vector<1x16xf32> to vector<16xf32>
          %mul3A_779 = arith.constant 0.899999976 : f32
          %mul3A_780 = vector.broadcast %mul3A_779 : f32 to vector<16xf32>
          %mul3A_781 = arith.mulf %get3A_778, %mul3A_780 : vector<16xf32>
          %swap3A_782 = arith.index_cast %scan3A_745 : i32 to index
          %swap3A_783 = arith.constant 16 : index
          %swap3A_784 = tpu.vector_load %arg7[%swap3A_782, %swap3A_783] {strides = array<i32>} : memref<256x128xf32, #tpu.memory_space<vmem>>, vector<1x16xf32>,
          %swap3A_785 = vector.shape_cast %swap3A_784 : vector<1x16xf32> to vector<16xf32>
          %swap3A_786 = vector.shape_cast %mul3A_781 : vector<16xf32> to vector<1x16xf32>
          tpu.vector_store %arg7[%swap3A_782, %swap3A_783], %swap3A_786 {strides = array<i32>} : memref<256x128xf32, #tpu.memory_space<vmem>>, vector<1x16xf32>,
          %add3A_787 = arith.constant 128 : i32
          %add3A_788 = arith.addi %add3A_787, %scan3A_745 : i32
          %get3A_789 = arith.index_cast %add3A_788 : i32 to index
          %get3A_790 = arith.constant 16 : index
          %get3A_791 = tpu.vector_load %arg7[%get3A_789, %get3A_790] {strides = array<i32>} : memref<256x128xf32, #tpu.memory_space<vmem>>, vector<1x16xf32>,
          %get3A_792 = vector.shape_cast %get3A_791 : vector<1x16xf32> to vector<16xf32>
          %mul3A_793 = arith.constant 0.111111112 : f32
          %mul3A_794 = vector.broadcast %mul3A_793 : f32 to vector<16xf32>
          %mul3A_795 = arith.mulf %get3A_792, %mul3A_794 : vector<16xf32>
          %add3A_796 = arith.constant 128 : i32
          %add3A_797 = arith.addi %add3A_796, %scan3A_745 : i32
          %swap3A_798 = arith.index_cast %add3A_797 : i32 to index
          %swap3A_799 = arith.constant 16 : index
          %swap3A_800 = tpu.vector_load %arg7[%swap3A_798, %swap3A_799] {strides = array<i32>} : memref<256x128xf32, #tpu.memory_space<vmem>>, vector<1x16xf32>,
          %swap3A_801 = vector.shape_cast %swap3A_800 : vector<1x16xf32> to vector<16xf32>
          %swap3A_802 = vector.shape_cast %mul3A_795 : vector<16xf32> to vector<1x16xf32>
          tpu.vector_store %arg7[%swap3A_798, %swap3A_799], %swap3A_802 {strides = array<i32>} : memref<256x128xf32, #tpu.memory_space<vmem>>, vector<1x16xf32>,
          %get3A_803 = arith.index_cast %scan3A_745 : i32 to index
          %get3A_804 = arith.constant 32 : index
          %get3A_805 = tpu.vector_load %arg7[%get3A_803, %get3A_804] {strides = array<i32>} : memref<256x128xf32, #tpu.memory_space<vmem>>, vector<1x16xf32>,
          %get3A_806 = vector.shape_cast %get3A_805 : vector<1x16xf32> to vector<16xf32>
          %mul3A_807 = arith.constant 0.899999976 : f32
          %mul3A_808 = vector.broadcast %mul3A_807 : f32 to vector<16xf32>
          %mul3A_809 = arith.mulf %get3A_806, %mul3A_808 : vector<16xf32>
          %swap3A_810 = arith.index_cast %scan3A_745 : i32 to index
          %swap3A_811 = arith.constant 32 : index
          %swap3A_812 = tpu.vector_load %arg7[%swap3A_810, %swap3A_811] {strides = array<i32>} : memref<256x128xf32, #tpu.memory_space<vmem>>, vector<1x16xf32>,
          %swap3A_813 = vector.shape_cast %swap3A_812 : vector<1x16xf32> to vector<16xf32>
          %swap3A_814 = vector.shape_cast %mul3A_809 : vector<16xf32> to vector<1x16xf32>
          tpu.vector_store %arg7[%swap3A_810, %swap3A_811], %swap3A_814 {strides = array<i32>} : memref<256x128xf32, #tpu.memory_space<vmem>>, vector<1x16xf32>,
          %add3A_815 = arith.constant 128 : i32
          %add3A_816 = arith.addi %add3A_815, %scan3A_745 : i32
          %get3A_817 = arith.index_cast %add3A_816 : i32 to index
          %get3A_818 = arith.constant 32 : index
          %get3A_819 = tpu.vector_load %arg7[%get3A_817, %get3A_818] {strides = array<i32>} : memref<256x128xf32, #tpu.memory_space<vmem>>, vector<1x16xf32>,
          %get3A_820 = vector.shape_cast %get3A_819 : vector<1x16xf32> to vector<16xf32>
          %mul3A_821 = arith.constant 0.111111112 : f32
          %mul3A_822 = vector.broadcast %mul3A_821 : f32 to vector<16xf32>
          %mul3A_823 = arith.mulf %get3A_820, %mul3A_822 : vector<16xf32>
          %add3A_824 = arith.constant 128 : i32
          %add3A_825 = arith.addi %add3A_824, %scan3A_745 : i32
          %swap3A_826 = arith.index_cast %add3A_825 : i32 to index
          %swap3A_827 = arith.constant 32 : index
          %swap3A_828 = tpu.vector_load %arg7[%swap3A_826, %swap3A_827] {strides = array<i32>} : memref<256x128xf32, #tpu.memory_space<vmem>>, vector<1x16xf32>,
          %swap3A_829 = vector.shape_cast %swap3A_828 : vector<1x16xf32> to vector<16xf32>
          %swap3A_830 = vector.shape_cast %mul3A_823 : vector<16xf32> to vector<1x16xf32>
          tpu.vector_store %arg7[%swap3A_826, %swap3A_827], %swap3A_830 {strides = array<i32>} : memref<256x128xf32, #tpu.memory_space<vmem>>, vector<1x16xf32>,
          %get3A_831 = arith.index_cast %scan3A_745 : i32 to index
          %get3A_832 = arith.constant 48 : index
          %get3A_833 = tpu.vector_load %arg7[%get3A_831, %get3A_832] {strides = array<i32>} : memref<256x128xf32, #tpu.memory_space<vmem>>, vector<1x16xf32>,
          %get3A_834 = vector.shape_cast %get3A_833 : vector<1x16xf32> to vector<16xf32>
          %mul3A_835 = arith.constant 0.899999976 : f32
          %mul3A_836 = vector.broadcast %mul3A_835 : f32 to vector<16xf32>
          %mul3A_837 = arith.mulf %get3A_834, %mul3A_836 : vector<16xf32>
          %swap3A_838 = arith.index_cast %scan3A_745 : i32 to index
          %swap3A_839 = arith.constant 48 : index
          %swap3A_840 = tpu.vector_load %arg7[%swap3A_838, %swap3A_839] {strides = array<i32>} : memref<256x128xf32, #tpu.memory_space<vmem>>, vector<1x16xf32>,
          %swap3A_841 = vector.shape_cast %swap3A_840 : vector<1x16xf32> to vector<16xf32>
          %swap3A_842 = vector.shape_cast %mul3A_837 : vector<16xf32> to vector<1x16xf32>
          tpu.vector_store %arg7[%swap3A_838, %swap3A_839], %swap3A_842 {strides = array<i32>} : memref<256x128xf32, #tpu.memory_space<vmem>>, vector<1x16xf32>,
          %add3A_843 = arith.constant 128 : i32
          %add3A_844 = arith.addi %add3A_843, %scan3A_745 : i32
          %get3A_845 = arith.index_cast %add3A_844 : i32 to index
          %get3A_846 = arith.constant 48 : index
          %get3A_847 = tpu.vector_load %arg7[%get3A_845, %get3A_846] {strides = array<i32>} : memref<256x128xf32, #tpu.memory_space<vmem>>, vector<1x16xf32>,
          %get3A_848 = vector.shape_cast %get3A_847 : vector<1x16xf32> to vector<16xf32>
          %mul3A_849 = arith.constant 0.111111112 : f32
          %mul3A_850 = vector.broadcast %mul3A_849 : f32 to vector<16xf32>
          %mul3A_851 = arith.mulf %get3A_848, %mul3A_850 : vector<16xf32>
          %add3A_852 = arith.constant 128 : i32
          %add3A_853 = arith.addi %add3A_852, %scan3A_745 : i32
          %swap3A_854 = arith.index_cast %add3A_853 : i32 to index
          %swap3A_855 = arith.constant 48 : index
          %swap3A_856 = tpu.vector_load %arg7[%swap3A_854, %swap3A_855] {strides = array<i32>} : memref<256x128xf32, #tpu.memory_space<vmem>>, vector<1x16xf32>,
          %swap3A_857 = vector.shape_cast %swap3A_856 : vector<1x16xf32> to vector<16xf32>
          %swap3A_858 = vector.shape_cast %mul3A_851 : vector<16xf32> to vector<1x16xf32>
          tpu.vector_store %arg7[%swap3A_854, %swap3A_855], %swap3A_858 {strides = array<i32>} : memref<256x128xf32, #tpu.memory_space<vmem>>, vector<1x16xf32>,
          %get3A_859 = arith.index_cast %scan3A_745 : i32 to index
          %get3A_860 = arith.constant 64 : index
          %get3A_861 = tpu.vector_load %arg7[%get3A_859, %get3A_860] {strides = array<i32>} : memref<256x128xf32, #tpu.memory_space<vmem>>, vector<1x16xf32>,
          %get3A_862 = vector.shape_cast %get3A_861 : vector<1x16xf32> to vector<16xf32>
          %mul3A_863 = arith.constant 0.899999976 : f32
          %mul3A_864 = vector.broadcast %mul3A_863 : f32 to vector<16xf32>
          %mul3A_865 = arith.mulf %get3A_862, %mul3A_864 : vector<16xf32>
          %swap3A_866 = arith.index_cast %scan3A_745 : i32 to index
          %swap3A_867 = arith.constant 64 : index
          %swap3A_868 = tpu.vector_load %arg7[%swap3A_866, %swap3A_867] {strides = array<i32>} : memref<256x128xf32, #tpu.memory_space<vmem>>, vector<1x16xf32>,
          %swap3A_869 = vector.shape_cast %swap3A_868 : vector<1x16xf32> to vector<16xf32>
          %swap3A_870 = vector.shape_cast %mul3A_865 : vector<16xf32> to vector<1x16xf32>
          tpu.vector_store %arg7[%swap3A_866, %swap3A_867], %swap3A_870 {strides = array<i32>} : memref<256x128xf32, #tpu.memory_space<vmem>>, vector<1x16xf32>,
          %add3A_871 = arith.constant 128 : i32
          %add3A_872 = arith.addi %add3A_871, %scan3A_745 : i32
          %get3A_873 = arith.index_cast %add3A_872 : i32 to index
          %get3A_874 = arith.constant 64 : index
          %get3A_875 = tpu.vector_load %arg7[%get3A_873, %get3A_874] {strides = array<i32>} : memref<256x128xf32, #tpu.memory_space<vmem>>, vector<1x16xf32>,
          %get3A_876 = vector.shape_cast %get3A_875 : vector<1x16xf32> to vector<16xf32>
          %mul3A_877 = arith.constant 0.111111112 : f32
          %mul3A_878 = vector.broadcast %mul3A_877 : f32 to vector<16xf32>
          %mul3A_879 = arith.mulf %get3A_876, %mul3A_878 : vector<16xf32>
          %add3A_880 = arith.constant 128 : i32
          %add3A_881 = arith.addi %add3A_880, %scan3A_745 : i32
          %swap3A_882 = arith.index_cast %add3A_881 : i32 to index
          %swap3A_883 = arith.constant 64 : index
          %swap3A_884 = tpu.vector_load %arg7[%swap3A_882, %swap3A_883] {strides = array<i32>} : memref<256x128xf32, #tpu.memory_space<vmem>>, vector<1x16xf32>,
          %swap3A_885 = vector.shape_cast %swap3A_884 : vector<1x16xf32> to vector<16xf32>
          %swap3A_886 = vector.shape_cast %mul3A_879 : vector<16xf32> to vector<1x16xf32>
          tpu.vector_store %arg7[%swap3A_882, %swap3A_883], %swap3A_886 {strides = array<i32>} : memref<256x128xf32, #tpu.memory_space<vmem>>, vector<1x16xf32>,
          %get3A_887 = arith.index_cast %scan3A_745 : i32 to index
          %get3A_888 = arith.constant 80 : index
          %get3A_889 = tpu.vector_load %arg7[%get3A_887, %get3A_888] {strides = array<i32>} : memref<256x128xf32, #tpu.memory_space<vmem>>, vector<1x16xf32>,
          %get3A_890 = vector.shape_cast %get3A_889 : vector<1x16xf32> to vector<16xf32>
          %mul3A_891 = arith.constant 0.899999976 : f32
          %mul3A_892 = vector.broadcast %mul3A_891 : f32 to vector<16xf32>
          %mul3A_893 = arith.mulf %get3A_890, %mul3A_892 : vector<16xf32>
          %swap3A_894 = arith.index_cast %scan3A_745 : i32 to index
          %swap3A_895 = arith.constant 80 : index
          %swap3A_896 = tpu.vector_load %arg7[%swap3A_894, %swap3A_895] {strides = array<i32>} : memref<256x128xf32, #tpu.memory_space<vmem>>, vector<1x16xf32>,
          %swap3A_897 = vector.shape_cast %swap3A_896 : vector<1x16xf32> to vector<16xf32>
          %swap3A_898 = vector.shape_cast %mul3A_893 : vector<16xf32> to vector<1x16xf32>
          tpu.vector_store %arg7[%swap3A_894, %swap3A_895], %swap3A_898 {strides = array<i32>} : memref<256x128xf32, #tpu.memory_space<vmem>>, vector<1x16xf32>,
          %add3A_899 = arith.constant 128 : i32
          %add3A_900 = arith.addi %add3A_899, %scan3A_745 : i32
          %get3A_901 = arith.index_cast %add3A_900 : i32 to index
          %get3A_902 = arith.constant 80 : index
          %get3A_903 = tpu.vector_load %arg7[%get3A_901, %get3A_902] {strides = array<i32>} : memref<256x128xf32, #tpu.memory_space<vmem>>, vector<1x16xf32>,
          %get3A_904 = vector.shape_cast %get3A_903 : vector<1x16xf32> to vector<16xf32>
          %mul3A_905 = arith.constant 0.111111112 : f32
          %mul3A_906 = vector.broadcast %mul3A_905 : f32 to vector<16xf32>
          %mul3A_907 = arith.mulf %get3A_904, %mul3A_906 : vector<16xf32>
          %add3A_908 = arith.constant 128 : i32
          %add3A_909 = arith.addi %add3A_908, %scan3A_745 : i32
          %swap3A_910 = arith.index_cast %add3A_909 : i32 to index
          %swap3A_911 = arith.constant 80 : index
          %swap3A_912 = tpu.vector_load %arg7[%swap3A_910, %swap3A_911] {strides = array<i32>} : memref<256x128xf32, #tpu.memory_space<vmem>>, vector<1x16xf32>,
          %swap3A_913 = vector.shape_cast %swap3A_912 : vector<1x16xf32> to vector<16xf32>
          %swap3A_914 = vector.shape_cast %mul3A_907 : vector<16xf32> to vector<1x16xf32>
          tpu.vector_store %arg7[%swap3A_910, %swap3A_911], %swap3A_914 {strides = array<i32>} : memref<256x128xf32, #tpu.memory_space<vmem>>, vector<1x16xf32>,
          %get3A_915 = arith.index_cast %scan3A_745 : i32 to index
          %get3A_916 = arith.constant 96 : index
          %get3A_917 = tpu.vector_load %arg7[%get3A_915, %get3A_916] {strides = array<i32>} : memref<256x128xf32, #tpu.memory_space<vmem>>, vector<1x16xf32>,
          %get3A_918 = vector.shape_cast %get3A_917 : vector<1x16xf32> to vector<16xf32>
          %mul3A_919 = arith.constant 0.899999976 : f32
          %mul3A_920 = vector.broadcast %mul3A_919 : f32 to vector<16xf32>
          %mul3A_921 = arith.mulf %get3A_918, %mul3A_920 : vector<16xf32>
          %swap3A_922 = arith.index_cast %scan3A_745 : i32 to index
          %swap3A_923 = arith.constant 96 : index
          %swap3A_924 = tpu.vector_load %arg7[%swap3A_922, %swap3A_923] {strides = array<i32>} : memref<256x128xf32, #tpu.memory_space<vmem>>, vector<1x16xf32>,
          %swap3A_925 = vector.shape_cast %swap3A_924 : vector<1x16xf32> to vector<16xf32>
          %swap3A_926 = vector.shape_cast %mul3A_921 : vector<16xf32> to vector<1x16xf32>
          tpu.vector_store %arg7[%swap3A_922, %swap3A_923], %swap3A_926 {strides = array<i32>} : memref<256x128xf32, #tpu.memory_space<vmem>>, vector<1x16xf32>,
          %add3A_927 = arith.constant 128 : i32
          %add3A_928 = arith.addi %add3A_927, %scan3A_745 : i32
          %get3A_929 = arith.index_cast %add3A_928 : i32 to index
          %get3A_930 = arith.constant 96 : index
          %get3A_931 = tpu.vector_load %arg7[%get3A_929, %get3A_930] {strides = array<i32>} : memref<256x128xf32, #tpu.memory_space<vmem>>, vector<1x16xf32>,
          %get3A_932 = vector.shape_cast %get3A_931 : vector<1x16xf32> to vector<16xf32>
          %mul3A_933 = arith.constant 0.111111112 : f32
          %mul3A_934 = vector.broadcast %mul3A_933 : f32 to vector<16xf32>
          %mul3A_935 = arith.mulf %get3A_932, %mul3A_934 : vector<16xf32>
          %add3A_936 = arith.constant 128 : i32
          %add3A_937 = arith.addi %add3A_936, %scan3A_745 : i32
          %swap3A_938 = arith.index_cast %add3A_937 : i32 to index
          %swap3A_939 = arith.constant 96 : index
          %swap3A_940 = tpu.vector_load %arg7[%swap3A_938, %swap3A_939] {strides = array<i32>} : memref<256x128xf32, #tpu.memory_space<vmem>>, vector<1x16xf32>,
          %swap3A_941 = vector.shape_cast %swap3A_940 : vector<1x16xf32> to vector<16xf32>
          %swap3A_942 = vector.shape_cast %mul3A_935 : vector<16xf32> to vector<1x16xf32>
          tpu.vector_store %arg7[%swap3A_938, %swap3A_939], %swap3A_942 {strides = array<i32>} : memref<256x128xf32, #tpu.memory_space<vmem>>, vector<1x16xf32>,
          %get3A_943 = arith.index_cast %scan3A_745 : i32 to index
          %get3A_944 = arith.constant 112 : index
          %get3A_945 = tpu.vector_load %arg7[%get3A_943, %get3A_944] {strides = array<i32>} : memref<256x128xf32, #tpu.memory_space<vmem>>, vector<1x16xf32>,
          %get3A_946 = vector.shape_cast %get3A_945 : vector<1x16xf32> to vector<16xf32>
          %mul3A_947 = arith.constant 0.899999976 : f32
          %mul3A_948 = vector.broadcast %mul3A_947 : f32 to vector<16xf32>
          %mul3A_949 = arith.mulf %get3A_946, %mul3A_948 : vector<16xf32>
          %swap3A_950 = arith.index_cast %scan3A_745 : i32 to index
          %swap3A_951 = arith.constant 112 : index
          %swap3A_952 = tpu.vector_load %arg7[%swap3A_950, %swap3A_951] {strides = array<i32>} : memref<256x128xf32, #tpu.memory_space<vmem>>, vector<1x16xf32>,
          %swap3A_953 = vector.shape_cast %swap3A_952 : vector<1x16xf32> to vector<16xf32>
          %swap3A_954 = vector.shape_cast %mul3A_949 : vector<16xf32> to vector<1x16xf32>
          tpu.vector_store %arg7[%swap3A_950, %swap3A_951], %swap3A_954 {strides = array<i32>} : memref<256x128xf32, #tpu.memory_space<vmem>>, vector<1x16xf32>,
          %add3A_955 = arith.constant 128 : i32
          %add3A_956 = arith.addi %add3A_955, %scan3A_745 : i32
          %get3A_957 = arith.index_cast %add3A_956 : i32 to index
          %get3A_958 = arith.constant 112 : index
          %get3A_959 = tpu.vector_load %arg7[%get3A_957, %get3A_958] {strides = array<i32>} : memref<256x128xf32, #tpu.memory_space<vmem>>, vector<1x16xf32>,
          %get3A_960 = vector.shape_cast %get3A_959 : vector<1x16xf32> to vector<16xf32>
          %mul3A_961 = arith.constant 0.111111112 : f32
          %mul3A_962 = vector.broadcast %mul3A_961 : f32 to vector<16xf32>
          %mul3A_963 = arith.mulf %get3A_960, %mul3A_962 : vector<16xf32>
          %add3A_964 = arith.constant 128 : i32
          %add3A_965 = arith.addi %add3A_964, %scan3A_745 : i32
          %swap3A_966 = arith.index_cast %add3A_965 : i32 to index
          %swap3A_967 = arith.constant 112 : index
          %swap3A_968 = tpu.vector_load %arg7[%swap3A_966, %swap3A_967] {strides = array<i32>} : memref<256x128xf32, #tpu.memory_space<vmem>>, vector<1x16xf32>,
          %swap3A_969 = vector.shape_cast %swap3A_968 : vector<1x16xf32> to vector<16xf32>
          %swap3A_970 = vector.shape_cast %mul3A_963 : vector<16xf32> to vector<1x16xf32>
          tpu.vector_store %arg7[%swap3A_966, %swap3A_967], %swap3A_970 {strides = array<i32>} : memref<256x128xf32, #tpu.memory_space<vmem>>, vector<1x16xf32>,
          %scan3A_971 = arith.constant 0 : i32
          scf.yield %scan3A_971 : i32
        }
        %scan3A_743 = arith.constant 128 : i32
        "tpu.region"() ({
          %run_scoped3A = tpu.sem_alloc : memref<!tpu.dma_semaphore, #tpu.memory_space<semaphore_mem>>
          %dma_start3A_745 = arith.constant 0 : i32
          %dma_start3A_746 = arith.constant 0 : i32
          %dma_start3A_747 = tpu.memref_slice %arg7[%dma_start3A_745, %dma_start3A_746] : memref<256x128xf32, #tpu.memory_space<vmem>> -> memref<128x128xf32, #tpu.memory_space<vmem>>
          %dma_start3A_748 = arith.constant 0 : i32
          %dma_start3A_749 = tpu.memref_slice %arg5[%add3A_731, %dma_start3A_748] : memref<20480x128xf32, #tpu.memory_space<hbm>> -> memref<128x128xf32, #tpu.memory_space<hbm>>
          %dma_start3A_750 = arith.constant 0 : i32
          %dma_start3A_751 = tpu.memref_slice %arg5[%add3A_731, %dma_start3A_750] : memref<20480x128xf32, #tpu.memory_space<hbm>> -> memref<128x128xf32, #tpu.memory_space<hbm>>
          %dma_start3A_752 = arith.constant 0 : i32
          %dma_start3A_753 = arith.constant 0 : i32
          %dma_start3A_754 = tpu.memref_slice %arg7[%dma_start3A_752, %dma_start3A_753] : memref<256x128xf32, #tpu.memory_space<vmem>> -> memref<128x128xf32, #tpu.memory_space<vmem>>
          tpu.enqueue_dma source(%dma_start3A_754 : memref<128x128xf32, #tpu.memory_space<vmem>>) target(%dma_start3A_751 : memref<128x128xf32, #tpu.memory_space<hbm>>) target_semaphore(%run_scoped3A : memref<!tpu.dma_semaphore, #tpu.memory_space<semaphore_mem>>)
          %dma_wait3A_755 = arith.constant 0 : i32
          %dma_wait3A_756 = arith.constant 0 : i32
          %dma_wait3A_757 = tpu.memref_slice %arg7[%dma_wait3A_755, %dma_wait3A_756] : memref<256x128xf32, #tpu.memory_space<vmem>> -> memref<128x128xf32, #tpu.memory_space<vmem>>
          %dma_wait3A_758 = arith.constant 0 : i32
          %dma_wait3A_759 = tpu.memref_slice %arg5[%add3A_731, %dma_wait3A_758] : memref<20480x128xf32, #tpu.memory_space<hbm>> -> memref<128x128xf32, #tpu.memory_space<hbm>>
          %dma_wait3A_760 = arith.constant 0 : i32
          %dma_wait3A_761 = tpu.memref_slice %arg5[%add3A_731, %dma_wait3A_760] : memref<20480x128xf32, #tpu.memory_space<hbm>> -> memref<128x128xf32, #tpu.memory_space<hbm>>
          %dma_wait3A_762 = arith.constant 0 : i32
          %dma_wait3A_763 = arith.constant 0 : i32
          %dma_wait3A_764 = tpu.memref_slice %arg7[%dma_wait3A_762, %dma_wait3A_763] : memref<256x128xf32, #tpu.memory_space<vmem>> -> memref<128x128xf32, #tpu.memory_space<vmem>>
          tpu.wait_dma2 semaphore(%run_scoped3A : memref<!tpu.dma_semaphore, #tpu.memory_space<semaphore_mem>>) src(%dma_wait3A_764 : memref<128x128xf32, #tpu.memory_space<vmem>>) dst(%dma_wait3A_761 : memref<128x128xf32, #tpu.memory_space<hbm>>)
          tpu.yield
        }) : () -> ()
        "tpu.region"() ({
          %run_scoped3A = tpu.sem_alloc : memref<!tpu.dma_semaphore, #tpu.memory_space<semaphore_mem>>
          %dma_start3A_745 = arith.constant 128 : i32
          %dma_start3A_746 = arith.constant 0 : i32
          %dma_start3A_747 = tpu.memref_slice %arg7[%dma_start3A_745, %dma_start3A_746] : memref<256x128xf32, #tpu.memory_space<vmem>> -> memref<128x128xf32, #tpu.memory_space<vmem>>
          %dma_start3A_748 = arith.constant 0 : i32
          %dma_start3A_749 = tpu.memref_slice %arg11[%add3A_736, %dma_start3A_748] : memref<10240x128xf32, #tpu.memory_space<vmem_shared>> -> memref<128x128xf32, #tpu.memory_space<vmem_shared>>
          %dma_start3A_750 = arith.constant 0 : i32
          %dma_start3A_751 = tpu.memref_slice %arg11[%add3A_736, %dma_start3A_750] : memref<10240x128xf32, #tpu.memory_space<vmem_shared>> -> memref<128x128xf32, #tpu.memory_space<vmem_shared>>
          %dma_start3A_752 = arith.constant 128 : i32
          %dma_start3A_753 = arith.constant 0 : i32
          %dma_start3A_754 = tpu.memref_slice %arg7[%dma_start3A_752, %dma_start3A_753] : memref<256x128xf32, #tpu.memory_space<vmem>> -> memref<128x128xf32, #tpu.memory_space<vmem>>
          tpu.enqueue_dma source(%dma_start3A_754 : memref<128x128xf32, #tpu.memory_space<vmem>>) target(%dma_start3A_751 : memref<128x128xf32, #tpu.memory_space<vmem_shared>>) target_semaphore(%run_scoped3A : memref<!tpu.dma_semaphore, #tpu.memory_space<semaphore_mem>>)
          %dma_wait3A_755 = arith.constant 128 : i32
          %dma_wait3A_756 = arith.constant 0 : i32
          %dma_wait3A_757 = tpu.memref_slice %arg7[%dma_wait3A_755, %dma_wait3A_756] : memref<256x128xf32, #tpu.memory_space<vmem>> -> memref<128x128xf32, #tpu.memory_space<vmem>>
          %dma_wait3A_758 = arith.constant 0 : i32
          %dma_wait3A_759 = tpu.memref_slice %arg11[%add3A_736, %dma_wait3A_758] : memref<10240x128xf32, #tpu.memory_space<vmem_shared>> -> memref<128x128xf32, #tpu.memory_space<vmem_shared>>
          %dma_wait3A_760 = arith.constant 0 : i32
          %dma_wait3A_761 = tpu.memref_slice %arg11[%add3A_736, %dma_wait3A_760] : memref<10240x128xf32, #tpu.memory_space<vmem_shared>> -> memref<128x128xf32, #tpu.memory_space<vmem_shared>>
          %dma_wait3A_762 = arith.constant 128 : i32
          %dma_wait3A_763 = arith.constant 0 : i32
          %dma_wait3A_764 = tpu.memref_slice %arg7[%dma_wait3A_762, %dma_wait3A_763] : memref<256x128xf32, #tpu.memory_space<vmem>> -> memref<128x128xf32, #tpu.memory_space<vmem>>
          tpu.wait_dma2 semaphore(%run_scoped3A : memref<!tpu.dma_semaphore, #tpu.memory_space<semaphore_mem>>) src(%dma_wait3A_764 : memref<128x128xf32, #tpu.memory_space<vmem>>) dst(%dma_wait3A_761 : memref<128x128xf32, #tpu.memory_space<vmem_shared>>)
          tpu.yield
        }) : () -> ()
        %scan3A_744 = arith.constant 0 : i32
        scf.yield %scan3A_744 : i32
      }
      %scan3A_724 = arith.constant 5 : i32
      %barrier3A_725 = arith.constant 0 : index
      tpu.barrier barrier_id(%barrier3A_725)
      %scan3A_726 = arith.constant 0 : i32
      scf.yield %scan3A_726 : i32
    }
    %scan3A_21 = arith.constant 10 : i32
    return
  }
}

module attributes {stable_mosaic.version = 14 : i64} {
  func.func @_lin_body(%arg0: memref<10240x256xf32, #tpu.memory_space<vmem>>, %arg1: memref<256x256xf32, #tpu.memory_space<vmem>>, %arg2: memref<1x256xf32, #tpu.memory_space<vmem>>, %arg3: memref<256x256xf32, #tpu.memory_space<vmem>>, %arg4: memref<1x256xf32, #tpu.memory_space<vmem>>, %arg5: memref<2x10240x128xf32, #tpu.memory_space<vmem>>) attributes {dimension_semantics = [], scalar_prefetch = 0 : i64, scratch_operands = 0 : i64, tpu.core_type = #tpu.core_type<tc>} {
    %get3A = arith.constant 0 : index
    %get3A_0 = arith.constant 0 : index
    %get3A_1 = vector.load %arg0[%get3A, %get3A_0] : memref<10240x256xf32, #tpu.memory_space<vmem>>, vector<10240x256xf32>
    %get3A_2 = arith.constant 0 : index
    %get3A_3 = arith.constant 0 : index
    %get3A_4 = vector.load %arg1[%get3A_2, %get3A_3] : memref<256x256xf32, #tpu.memory_space<vmem>>, vector<256x256xf32>
    %dot_general3A = arith.constant dense<0.000000e+00> : vector<10240x256xf32>
    %dot_general3A_5 = tpu.matmul %get3A_1, %get3A_4, %dot_general3A {dimension_numbers = #tpu.dot_dimension_numbers<[1], [1], [0], [0], [0, 0, 1, 0], [], []>, transpose_lhs_hint = false} : vector<10240x256xf32>, vector<256x256xf32>, vector<10240x256xf32> -> vector<10240x256xf32>
    %get3A_6 = arith.constant 0 : index
    %get3A_7 = arith.constant 0 : index
    %get3A_8 = vector.load %arg2[%get3A_6, %get3A_7] : memref<1x256xf32, #tpu.memory_space<vmem>>, vector<1x256xf32>
    %add3A = vector.broadcast %get3A_8 : vector<1x256xf32> to vector<10240x256xf32>
    %add3A_9 = arith.addf %dot_general3A_5, %add3A : vector<10240x256xf32>
    %get3A_10 = arith.constant 0 : index
    %get3A_11 = arith.constant 0 : index
    %get3A_12 = vector.load %arg3[%get3A_10, %get3A_11] : memref<256x256xf32, #tpu.memory_space<vmem>>, vector<256x256xf32>
    %dot_general3A_13 = arith.constant dense<0.000000e+00> : vector<10240x256xf32>
    %dot_general3A_14 = tpu.matmul %add3A_9, %get3A_12, %dot_general3A_13 {dimension_numbers = #tpu.dot_dimension_numbers<[1], [1], [0], [0], [0, 0, 1, 0], [], []>, transpose_lhs_hint = false} : vector<10240x256xf32>, vector<256x256xf32>, vector<10240x256xf32> -> vector<10240x256xf32>
    %get3A_15 = arith.constant 0 : index
    %get3A_16 = arith.constant 0 : index
    %get3A_17 = vector.load %arg4[%get3A_15, %get3A_16] : memref<1x256xf32, #tpu.memory_space<vmem>>, vector<1x256xf32>
    %add3A_18 = vector.broadcast %get3A_17 : vector<1x256xf32> to vector<10240x256xf32>
    %add3A_19 = arith.addf %dot_general3A_14, %add3A_18 : vector<10240x256xf32>
    %slice3A = vector.extract_strided_slice %add3A_19 {offsets = [0, 0], sizes = [10240, 128], strides = [1, 1]} : vector<10240x256xf32> to vector<10240x128xf32>
    %swap3A = arith.constant 0 : index
    %swap3A_20 = arith.constant 0 : index
    %swap3A_21 = arith.constant 0 : index
    %swap3A_22 = vector.load %arg5[%swap3A, %swap3A_20, %swap3A_21] : memref<2x10240x128xf32, #tpu.memory_space<vmem>>, vector<1x10240x128xf32>
    %swap3A_23 = vector.shape_cast %swap3A_22 : vector<1x10240x128xf32> to vector<10240x128xf32>
    %swap3A_24 = vector.shape_cast %slice3A : vector<10240x128xf32> to vector<1x10240x128xf32>
    tpu.vector_store %arg5[%swap3A, %swap3A_20, %swap3A_21], %swap3A_24 {strides = array<i32>} : memref<2x10240x128xf32, #tpu.memory_space<vmem>>, vector<1x10240x128xf32>,
    %slice3A_25 = vector.extract_strided_slice %add3A_19 {offsets = [0, 128], sizes = [10240, 128], strides = [1, 1]} : vector<10240x256xf32> to vector<10240x128xf32>
    %swap3A_26 = arith.constant 1 : index
    %swap3A_27 = arith.constant 0 : index
    %swap3A_28 = arith.constant 0 : index
    %swap3A_29 = vector.load %arg5[%swap3A_26, %swap3A_27, %swap3A_28] : memref<2x10240x128xf32, #tpu.memory_space<vmem>>, vector<1x10240x128xf32>
    %swap3A_30 = vector.shape_cast %swap3A_29 : vector<1x10240x128xf32> to vector<10240x128xf32>
    %swap3A_31 = vector.shape_cast %slice3A_25 : vector<10240x128xf32> to vector<1x10240x128xf32>
    tpu.vector_store %arg5[%swap3A_26, %swap3A_27, %swap3A_28], %swap3A_31 {strides = array<i32>} : memref<2x10240x128xf32, #tpu.memory_space<vmem>>, vector<1x10240x128xf32>,
    return
  }
}

module attributes {stable_mosaic.version = 14 : i64} {
  func.func @_head_body(%arg0: memref<2x10240x128xf32, #tpu.memory_space<vmem>>, %arg1: memref<1x10240xi32, #tpu.memory_space<vmem>>, %arg2: memref<256x256xf32, #tpu.memory_space<vmem>>, %arg3: memref<1x256xf32, #tpu.memory_space<vmem>>, %arg4: memref<128x256xf32, #tpu.memory_space<vmem>>, %arg5: memref<1x128xf32, #tpu.memory_space<vmem>>, %arg6: memref<64x128xf32, #tpu.memory_space<vmem>>) attributes {dimension_semantics = [], scalar_prefetch = 0 : i64, scratch_operands = 0 : i64, tpu.core_type = #tpu.core_type<tc>} {
    %get3A = arith.constant 0 : index
    %get3A_0 = arith.constant 0 : index
    %get3A_1 = vector.load %arg1[%get3A, %get3A_0] : memref<1x10240xi32, #tpu.memory_space<vmem>>, vector<1x10240xi32>
    %iota3A = tpu.iota {dimensions = array<i32: 0>} : vector<64x10240xi32>
    %eq3A = vector.broadcast %get3A_1 : vector<1x10240xi32> to vector<64x10240xi32>
    %eq3A_2 = arith.cmpi eq, %iota3A, %eq3A : vector<64x10240xi32>
    %convert_element_type3A = arith.extui %eq3A_2 : vector<64x10240xi1> to vector<64x10240xi32>
    %convert_element_type3A_3 = arith.sitofp %convert_element_type3A : vector<64x10240xi32> to vector<64x10240xf32>
    %get3A_4 = arith.constant 0 : index
    %get3A_5 = arith.constant 0 : index
    %get3A_6 = arith.constant 0 : index
    %get3A_7 = vector.load %arg0[%get3A_4, %get3A_5, %get3A_6] : memref<2x10240x128xf32, #tpu.memory_space<vmem>>, vector<1x10240x128xf32>
    %get3A_8 = vector.shape_cast %get3A_7 : vector<1x10240x128xf32> to vector<10240x128xf32>
    %dot_general3A = arith.constant dense<0.000000e+00> : vector<64x128xf32>
    %dot_general3A_9 = tpu.matmul %convert_element_type3A_3, %get3A_8, %dot_general3A {dimension_numbers = #tpu.dot_dimension_numbers<[1], [0], [0], [1], [0, 0, 1, 1], [], []>, transpose_lhs_hint = false} : vector<64x10240xf32>, vector<10240x128xf32>, vector<64x128xf32> -> vector<64x128xf32>
    %get3A_10 = arith.constant 1 : index
    %get3A_11 = arith.constant 0 : index
    %get3A_12 = arith.constant 0 : index
    %get3A_13 = vector.load %arg0[%get3A_10, %get3A_11, %get3A_12] : memref<2x10240x128xf32, #tpu.memory_space<vmem>>, vector<1x10240x128xf32>
    %get3A_14 = vector.shape_cast %get3A_13 : vector<1x10240x128xf32> to vector<10240x128xf32>
    %dot_general3A_15 = arith.constant dense<0.000000e+00> : vector<64x128xf32>
    %dot_general3A_16 = tpu.matmul %convert_element_type3A_3, %get3A_14, %dot_general3A_15 {dimension_numbers = #tpu.dot_dimension_numbers<[1], [0], [0], [1], [0, 0, 1, 1], [], []>, transpose_lhs_hint = false} : vector<64x10240xf32>, vector<10240x128xf32>, vector<64x128xf32> -> vector<64x128xf32>
    %concatenate3A = tpu.concatenate %dot_general3A_9, %dot_general3A_16 in 1 : vector<64x128xf32>, vector<64x128xf32> -> vector<64x256xf32>
    %get3A_17 = arith.constant 0 : index
    %get3A_18 = arith.constant 0 : index
    %get3A_19 = vector.load %arg2[%get3A_17, %get3A_18] : memref<256x256xf32, #tpu.memory_space<vmem>>, vector<256x256xf32>
    %dot_general3A_20 = arith.constant dense<0.000000e+00> : vector<64x256xf32>
    %dot_general3A_21 = tpu.matmul %concatenate3A, %get3A_19, %dot_general3A_20 {dimension_numbers = #tpu.dot_dimension_numbers<[1], [1], [0], [0], [0, 0, 1, 0], [], []>, transpose_lhs_hint = false} : vector<64x256xf32>, vector<256x256xf32>, vector<64x256xf32> -> vector<64x256xf32>
    %get3A_22 = arith.constant 0 : index
    %get3A_23 = arith.constant 0 : index
    %get3A_24 = vector.load %arg3[%get3A_22, %get3A_23] : memref<1x256xf32, #tpu.memory_space<vmem>>, vector<1x256xf32>
    %add3A = vector.broadcast %get3A_24 : vector<1x256xf32> to vector<64x256xf32>
    %add3A_25 = arith.addf %dot_general3A_21, %add3A : vector<64x256xf32>
    %max3A = arith.constant 0.000000e+00 : f32
    %max3A_26 = vector.broadcast %max3A : f32 to vector<64x256xf32>
    %max3A_27 = arith.maximumf %add3A_25, %max3A_26 : vector<64x256xf32>
    %get3A_28 = arith.constant 0 : index
    %get3A_29 = arith.constant 0 : index
    %get3A_30 = vector.load %arg4[%get3A_28, %get3A_29] : memref<128x256xf32, #tpu.memory_space<vmem>>, vector<128x256xf32>
    %dot_general3A_31 = arith.constant dense<0.000000e+00> : vector<64x128xf32>
    %dot_general3A_32 = tpu.matmul %max3A_27, %get3A_30, %dot_general3A_31 {dimension_numbers = #tpu.dot_dimension_numbers<[1], [1], [0], [0], [0, 0, 1, 0], [], []>, transpose_lhs_hint = false} : vector<64x256xf32>, vector<128x256xf32>, vector<64x128xf32> -> vector<64x128xf32>
    %get3A_33 = arith.constant 0 : index
    %get3A_34 = arith.constant 0 : index
    %get3A_35 = vector.load %arg5[%get3A_33, %get3A_34] : memref<1x128xf32, #tpu.memory_space<vmem>>, vector<1x128xf32>
    %add3A_36 = vector.broadcast %get3A_35 : vector<1x128xf32> to vector<64x128xf32>
    %add3A_37 = arith.addf %dot_general3A_32, %add3A_36 : vector<64x128xf32>
    %iota3A_38 = tpu.iota {dimensions = array<i32: 1>} : vector<64x128xi32>
    %lt3A = arith.constant 10 : i32
    %lt3A_39 = vector.broadcast %lt3A : i32 to vector<64x128xi32>
    %lt3A_40 = arith.cmpi slt, %iota3A_38, %lt3A_39 : vector<64x128xi32>
    %jit3A = arith.constant 0xFF800000 : f32
    %broadcast_in_dim3A = vector.broadcast %jit3A : f32 to vector<64x128xf32>
    %select_n3A = arith.select %lt3A_40, %add3A_37, %broadcast_in_dim3A : vector<64x128xi1>, vector<64x128xf32>
    %reduce_max3A = arith.constant dense<0xFF800000> : vector<64xf32>
    %reduce_max3A_41 = vector.multi_reduction <maximumf>, %select_n3A, %reduce_max3A [1] : vector<64x128xf32> to vector<64xf32>
    %broadcast_in_dim3A_42 = vector.shape_cast %reduce_max3A_41 : vector<64xf32> to vector<64x1xf32>
    %sub3A = vector.broadcast %broadcast_in_dim3A_42 : vector<64x1xf32> to vector<64x128xf32>
    %sub3A_43 = arith.subf %select_n3A, %sub3A : vector<64x128xf32>
    %exp3A = math.exp %sub3A_43 : vector<64x128xf32>
    %jit3A_44 = arith.constant 0.000000e+00 : f32
    %broadcast_in_dim3A_45 = vector.broadcast %jit3A_44 : f32 to vector<64x128xf32>
    %select_n3A_46 = arith.select %lt3A_40, %exp3A, %broadcast_in_dim3A_45 : vector<64x128xi1>, vector<64x128xf32>
    %reduce_sum3A = arith.constant dense<0.000000e+00> : vector<64xf32>
    %reduce_sum3A_47 = vector.multi_reduction <add>, %select_n3A_46, %reduce_sum3A [1] : vector<64x128xf32> to vector<64xf32>
    %broadcast_in_dim3A_48 = vector.shape_cast %reduce_sum3A_47 : vector<64xf32> to vector<64x1xf32>
    %log3A = math.log %broadcast_in_dim3A_48 : vector<64x1xf32>
    %add3A_49 = arith.addf %log3A, %broadcast_in_dim3A_42 : vector<64x1xf32>
    %sub3A_50 = vector.broadcast %add3A_49 : vector<64x1xf32> to vector<64x128xf32>
    %sub3A_51 = arith.subf %add3A_37, %sub3A_50 : vector<64x128xf32>
    %swap3A = arith.constant 0 : index
    %swap3A_52 = arith.constant 0 : index
    %swap3A_53 = vector.load %arg6[%swap3A, %swap3A_52] : memref<64x128xf32, #tpu.memory_space<vmem>>, vector<64x128xf32>
    tpu.vector_store %arg6[%swap3A, %swap3A_52], %sub3A_51 {strides = array<i32>} : memref<64x128xf32, #tpu.memory_space<vmem>>, vector<64x128xf32>,
    return
  }
}

</mosaic_0001>

<sc_bundles>
// kernel: kernel.5.cloned.1.call-start
scs
__scs_entry_jumppad:
0x0: {  	(pc) =	sbr.rel $0x88, $3  }
0x1: {  	(tag) =	ssettag $0x0;
	lr =	simm.s32 $0x1  }
0x2: {  	[smem:$0x3F95] =	sst lr;
	_ =	strace $0xD0000000  }
0x3: {  	_ = 	snop  }
0x4: {  	_ = 	snop  }
0x5: {  	_ = 	snop  }
0x6: {  	_ = 	snop  }
0x7: {  	_ = 	snop  }
__scs_overlays_trampoline_lowered:
0x8: {  	[smem:$0x3FA4] =	sst s0  }
0x9: {  	[smem:$0x3FA5] =	sst s1  }
0xa: {  	[smem:$0x3FA6] =	sst s2  }
0xb: {  	[smem:$0x3FA7] =	sst s3  }
0xc: {  	[smem:$0x3FA8] =	sst s4  }
0xd: {  	[smem:$0x3FA9] =	sst s5  }
0xe: {  	[smem:$0x3FAA] =	sst s6  }
0xf: {  	[smem:$0x3FAB] =	sst s7  }
0x10: {  	[smem:$0x3FAC] =	sst s8  }
0x11: {  	[smem:$0x3FAD] =	sst s9;
	s0 =	simm.s32 @!p0 $0x0  }
0x12: {  	s1 =	sld [smem:$0x3F93];
	s0 =	simm.s32 @p0 $0x1  }
0x13: {  	[smem:$0x3FAE] =	sst s0;
	s0 =	simm.s32 @!p1 $0x0  }
0x14: {  	s2 =	sld [smem:$0x3F92];
	s0 =	simm.s32 @p1 $0x1  }
0x15: {  	[smem:$0x3FAF] =	sst s0;
	s0 =	simm.s32 @!p2 $0x0  }
0x16: {  	s3 =	sld [smem:$0x3FDB];
	s0 =	simm.s32 @p2 $0x1  }
0x17: {  	s4 =	simm.s32 $0x1BF5;
	[smem:$0x3FB1] =	sst s0  }
0x18: {  	s0 =	sld [smem:$0x3F94];
	_ =	swait.ge [sflag:s4], $0x0  }
0x19: {  	s7 =	sld [smem:$0x3F95]  }
0x1a: {  	s8 =	sadd.s32 $0xFFFFE003, lr  }
0x1b: {  	s9 =	sadd.s32 $0xFFFFFEF7, lr;
	s5 =	simm.s32 $0xFFFFFFFF;
	p2 =	slt.u32 s8, $0xFFFFF086  }
0x1c: {  	p1 =	slt.u32 s9, $0xF7A;
	s5 =	simm.s32 @!p2 $0x0  }
0x1d: {  	s5 =	simm.s32 @p1 $0x1;
	p0 =	seq.s32 s7, s2  }
0x1e: {  	s7 =	smul.u32 @!p0 $0xF7A, s2;
	p2 =	seq.s32 @!p0 s5, $0x0  }
0x1f: {  	s9 =	smul.u32 $0xF7A, s1;
	s8 =	simm.s32 @!p0 $0x1BF5;
	p2 =	por !p2, p0  }
0x20: {  	[sflag:s8] =	ssyncset.s32 @!p0 $0xFFFFF086;
	s6 =	sadd.s32 @!p0 s3, s7;
	s7 =	simm.s32 @!p0 $0x108  }
0x21: {  	s3 =	sadd.s32 s3, s9;
	s6 =	sadd.s32 @!p0 $0x88, s6;
	s7 =	simm.s32 @p2 $0x1082  }
0x22: {  	[simem:s7], [sflag:s8] =	dma.local @!p0 [hbm:s6], $0xF7A  }
0x23: {  	s9 =	sor.u32 $0xD0000000, s2;
	s6 =	simm.s32 $0x108;
	_ =	swait.ge @!p0 [sflag:s8], $0x0  }
0x24: {  	s3 =	sadd.s32 $0x88, s3;
	s6 =	simm.s32 @!p1 $0x1082;
	[sflag:s4] =	ssyncset.s32 $0xFFFFF086  }
0x25: {  	[simem:s6], [sflag:s4] =	dma.local [hbm:s3], $0xF7A  }
0x26: {  	[smem:$0x3F95] =	sst s1;
	(tag) =	ssettag s2;
	_ =	strace s9  }
0x27: {  	s1 =	sld [smem:$0x3FA5]  }
0x28: {  	s2 =	sld [smem:$0x3FA6]  }
0x29: {  	s4 =	sld [smem:$0x3FA8]  }
0x2a: {  	p0 =	seq.s32 s5, $0x0;
	s5 =	sld [smem:$0x3FA9]  }
0x2b: {  	s6 =	sld [smem:$0x3FAA]  }
0x2c: {  	s7 =	sld [smem:$0x3FAB]  }
0x2d: {  	s3 =	simm.s32 $0x108;
	s8 =	sld [smem:$0x3FAC]  }
0x2e: {  	s3 =	simm.s32 @!p0 $0x1082;
	s9 =	sld [smem:$0x3FAD]  }
0x2f: {  	lr =	sadd.s32 s0, s3;
	s0 =	sld [smem:$0x3FA4]  }
0x30: {  	s3 =	sld [smem:$0x3FA7]  }
0x31: {  	[smem:$0x3FB0] =	sst s10  }
0x32: {  	s10 =	sld [smem:$0x3FAE];
	_ =	sdelay $0x3  }
0x33: {  	p0 =	seq.s32 s10, $0x1;
	s10 =	sld [smem:$0x3FB0];
	_ =	sdelay $0x3  }
0x34: {  	[smem:$0x3FB0] =	sst s10  }
0x35: {  	s10 =	sld [smem:$0x3FAF];
	_ =	sdelay $0x3  }
0x36: {  	p1 =	seq.s32 s10, $0x1;
	s10 =	sld [smem:$0x3FB0];
	_ =	sdelay $0x3  }
0x37: {  	[smem:$0x3FB0] =	sst s10  }
0x38: {  	s10 =	sld [smem:$0x3FB1]  }
0x39: {  	_ = 	snop;
	(pc) =	sbr.ind lr, $3  }
0x3a: {  	_ = 	snop  }
0x3b: {  	_ = 	snop  }
0x3c: {  	p2 =	seq.s32 s10, $0x1;
	s10 =	sld [smem:$0x3FB0]  }
0x3d: {  	_ =	shalt  }
0x3e: {  	_ =	shalt  }
0x3f: {  	_ =	shalt  }
0x40: {  	_ =	shalt  }
0x41: {  	_ =	shalt  }
0x42: {  	_ =	shalt  }
0x43: {  	_ =	shalt  }
0x44: {  	_ =	shalt  }
0x45: {  	_ =	shalt  }
0x46: {  	_ =	shalt  }
0x47: {  	_ =	shalt  }
0x48: {  	_ =	shalt  }
0x49: {  	_ =	shalt  }
0x4a: {  	_ =	shalt  }
0x4b: {  	_ =	shalt  }
0x4c: {  	_ =	shalt  }
0x4d: {  	_ =	shalt  }
0x4e: {  	_ =	shalt  }
0x4f: {  	_ =	shalt  }
0x50: {  	_ =	shalt  }
0x51: {  	_ =	shalt  }
0x52: {  	_ =	shalt  }
0x53: {  	_ =	shalt  }
0x54: {  	_ =	shalt  }
0x55: {  	_ =	shalt  }
0x56: {  	_ =	shalt  }
0x57: {  	_ =	shalt  }
0x58: {  	_ =	shalt  }
0x59: {  	_ =	shalt  }
0x5a: {  	_ =	shalt  }
0x5b: {  	_ =	shalt  }
0x5c: {  	_ =	shalt  }
0x5d: {  	_ =	shalt  }
0x5e: {  	_ =	shalt  }
0x5f: {  	_ =	shalt  }
0x60: {  	_ =	shalt  }
0x61: {  	_ =	shalt  }
0x62: {  	_ =	shalt  }
0x63: {  	_ =	shalt  }
0x64: {  	_ =	shalt  }
0x65: {  	_ =	shalt  }
0x66: {  	_ =	shalt  }
0x67: {  	_ =	shalt  }
0x68: {  	_ =	shalt  }
0x69: {  	_ =	shalt  }
0x6a: {  	_ =	shalt  }
0x6b: {  	_ =	shalt  }
0x6c: {  	_ =	shalt  }
0x6d: {  	_ =	shalt  }
0x6e: {  	_ =	shalt  }
0x6f: {  	_ =	shalt  }
0x70: {  	_ =	shalt  }
0x71: {  	_ =	shalt  }
0x72: {  	_ =	shalt  }
0x73: {  	_ =	shalt  }
0x74: {  	_ =	shalt  }
0x75: {  	_ =	shalt  }
0x76: {  	_ =	shalt  }
0x77: {  	_ =	shalt  }
0x78: {  	_ =	shalt  }
0x79: {  	_ =	shalt  }
0x7a: {  	_ =	shalt  }
0x7b: {  	_ =	shalt  }
0x7c: {  	_ =	shalt  }
0x7d: {  	_ =	shalt  }
0x7e: {  	_ =	shalt  }
0x7f: {  	_ =	shalt  }
0x80: {  	_ =	shalt  }
0x81: {  	_ =	shalt  }
0x82: {  	_ =	shalt  }
0x83: {  	_ =	shalt  }
0x84: {  	_ =	shalt  }
0x85: {  	_ =	shalt  }
0x86: {  	_ =	shalt  }
0x87: {  	_ =	shalt  }
.Lfunc_end0:
.L_simem_size_0:
called_computation_lowered:
.L_overlay_start_0:
0x88: {  	s2 =	sld [smem:$0x3FD9]  }
0x89: {  	s3 =	sld [smem:$0x3FFE];
	_ =	sdelay $0x1  }
0x8a: {  	s1 =	srdreg.scid  }
0x8b: {  	s0 =	sand.u32 $0x1, s1  }
0x8c: {  	s16 =	sshll.u32 s0, $0xA;
	s2 =	sadd.s32 s3, s2  }
0x8d: {  	s2 =	sadd.s32 s2, s16  }
0x8e: {  	[smem:$0x3FBC] =	sst s2  }
0x8f: {  	_ = 	snop  }
0x90: {  	(tm) =	ssettm $0x1  }
0x91: {  	s17 =	sld [smem:$0x3FFB];
	_ =	sdelay $0x3  }
0x92: {  	_ =	strace s17  }
0x93: {  	s2 =	sld [smem:$0x3FFC];
	_ =	sdelay $0x3  }
0x94: {  	_ =	strace s2  }
0x95: {  	s2 =	sld [smem:$0x3FFD];
	_ =	sdelay $0x3  }
0x96: {  	_ =	strace s2  }
0x97: {  	_ =	strace $0x8FFFFFFF  }
0x98: {  	s18 =	sld [smem:$0x3FDB];
	_ =	sdelay $0x1  }
0x99: {  	s19 =	simm.s32 $_scs_section_size  }
0x9a: {  	s4 =	simm.s32 $_size__tile_overlayer_lowered;
	s5 =	simm.s32 $_tile_overlayer_lowered  }
0x9b: {  	s22 =	simm.s32 $0x1BFF;
	s21 =	sshll.u32 s5, $0x1;
	s2 =	sadd.s32 s19, s18  }
0x9c: {  	s6 =	simm.s32 $0x0;
	s20 =	sshll.u32 s4, $0x1;
	s4 =	sadd.s32 s21, s2  }
0x9d: {  	[timem:s6], [sflag:s22] =	dma.local [hbm:s4], s20  }
0x9e: {  	_ =	swait.ge [sflag:s22], s20  }
0x9f: {  	s3 =	ssub.s32 $0x0, s20;
	[sflag:s22] =	ssyncset.done $0x0  }
0xa0: {  	[sflag:s22] =	ssyncadd.s32 s3;
	_ =	sdelay $0x1  }
0xa1: {  	s23 =	simm.s32 $0x1B8B  }
0xa2: {  	_ =	swait.ge [sflag:s23], $0x1  }
0xa3: {  	[sflag:s23] =	ssyncset.done $0x0  }
0xa4: {  	s25 =	simm.s32 $0x1B8E;
	s24 =	sld [smem:$0x3FFE];
	[sflag:s23] =	ssyncadd.s32 $0xFFFFFFFF  }
0xa5: {  	s26 =	simm.s32 $execute0_lowered;
	[smem:$0x3FD2] =	sst s25  }
0xa6: {  	s4 =	sshll.u32 s26, $0x1;
	_ =	strace $0x80000046;
	[dreg:$0x1] =	wrdreg $0xFFFFFFFF  }
0xa7: {  	s28 =	simm.s32 $_size_execute0_lowered;
	s2 =	sadd.s32 s2, s4;
	[dreg:$0x0] =	wrdreg $0x0  }
0xa8: {  	s4 =	sshll.u32 s28, $0x1;
	[dreg:$0x2] =	wrdreg s2  }
0xa9: {  	[dreg:$0x3] =	wrdreg s4  }
0xaa: {  	[dreg:$0x4] =	wrdreg $0xC0  }
0xab: {  	_ =	task [dreg:s6], $0x5FFFF  }
0xac: {  	[dreg:$0x1] =	wrdreg $0xFFFFFFFF  }
0xad: {  	[dreg:$0x0] =	wrdreg $0x60  }
0xae: {  	[dreg:$0x2] =	wrdreg s24  }
0xaf: {  	[dreg:$0x3] =	wrdreg $0xBC000  }
0xb0: {  	[dreg:$0x4] =	wrdreg $0x9  }
0xb1: {  	_ =	task.clear_ibuf [dreg:s6], $0x5FFFF;
	_ =	strace $0x90000046  }
0xb2: {  	s29 =	simm.s32 $0x9;
	_ =	strace $0x80000048  }
0xb3: {  	_ =	swait.ge [sflag:s29], $0x1  }
0xb4: {  	[sflag:s29] =	ssyncadd.s32 $0xFFFFFFFF  }
0xb5: {  	_ =	strace $0x90000048  }
0xb6: {  	_ =	sfence  }
0xb7: {  	s30 =	sld [smem:$0x0];
	_ =	sdelay $0x2  }
0xb8: {  	s31 =	sshll.u32 s1, $0xD;
	s1 =	sshrl.u32 s1, $0x2  }
0xb9: {  	s3 =	sand.u32 $0x4000, s31;
	s1 =	sadd.s32 s1, s30  }
0xba: {  	s0 =	sor.u32 s3, s0;
	s1 =	sshll.u32 s1, $0x11  }
0xbb: {  	s0 =	sor.u32 s1, s0  }
0xbc: {  	s0 =	sadd.s32 $0x8F2B, s0  }
0xbd: {  	[sflag:s0] =	ssyncadd.remote.s32 $0x1  }
0xbe: {  	_ =	sfence.sel $0xFFFF  }
0xbf: {  	[dreg:$0x0] =	wrdreg $0xFFFFFFFF;
	(pc) =	sbr.abs _section_cstart, $3  }
0xc0: {  	[dreg:$0x1] =	wrdreg $0xFFFFFFFF  }
0xc1: {  	_ =	task.clear_ibuf [dreg:s6], $0x2FFFF;
	_ =	strace $0x9FFFFFFF  }
0xc2: {  	(tm) =	ssettm $0x7FFFFFFF  }
0xc3: {  	_ =	shalt  }
tec
execute0_lowered:
.L_overlay_start_1:
0x0: {  	(tag) =	ssettag $0x1  }
0x1: {  	s0 =	rddreg [dreg:$0x0]  }
0x2: {  	s2 =	rddreg [dreg:$0x1];
	s23 =	simm.s32 $0x0  }
0x3: {  	s9 =	stileid.u32;
	s1 =	srdreg.scid;
	s16 =	simm.s32 $0xD  }
0x4: {  	s17 =	simm.s32 $0x6800;
	s18 =	simm.s32 $0x40;
	s31 =	simm.s32 $0x4800  }
0x5: {  	s11 =	simm.s32 $0x2;
	s15 =	simm.s32 $0x6;
	s13 =	simm.s32 $0x9  }
0x6: {  	s14 =	simm.s32 $0x3;
	s10 =	simm.s32 $0x7;
	s3 =	smul.u32 $0x500, s9  }
0x7: {  	s19 =	simm.s32 $0xA;
	[smem:$0x7FF] =	sst s23;
	s30 =	smul.u32 $0x280, s9  }
0x8: {  	s1 =	sand.u32 $0x1, s1;
	s29 =	sadd.s32 $0x56E00, s0;
	s8 =	smul.u32 $0x5000, s9  }
0x9: {  	s6 =	sadd.s32 $0x1E00, s0;
	s7 =	sadd.s32 $0xA6E00, s0;
	s9 =	smul.u32 $0xA0, s9  }
0xa: {  	_ =	strace $0x80000047;
	s4 =	smul.u32 $0x2800, s1;
	s1 =	ssub.s32 $0x2, s1  }
0xb: {  	[dreg:$0x3] =	wrdreg s29;
	s3 =	sadd.s32 s3, s0;
	s5 =	sshrl.u32 s1, $0x1  }
0xc: {  	s22 =	sadd.s32 s6, s8;
	[dreg:$0x4] =	wrdreg s30;
	s20 =	ssub.s32 s1, s5  }
0xd: {  	s21 =	sadd.s32 s30, s4;
	s24 =	sadd.s32 $0x51E00, s3;
	[dreg:$0x6] =	wrdreg s22  }
0xe: {  	s25 =	sadd.s32 $0x80, s22;
	s26 =	sadd.s32 $0x100, s22;
	[dreg:$0x7] =	wrdreg s24  }
0xf: {  	s28 =	sadd.s32 $0x180, s22;
	s22 =	simm.s32 $0x8;
	[dreg:$0x8] =	wrdreg s25  }
0x10: {  	s3 =	simm.s32 $0x0;
	s8 =	smov.u32 s21;
	[dreg:$0x9] =	wrdreg s26  }
0x11: {  	[dreg:$0xa] =	wrdreg s28;
	s0 =	smax.u32 s20, $0x1;
	s20 =	simm.s32 $0x2800  }
0x12: {  	s21 =	simm.s32 $0x4;
	s25 =	simm.s32 $0xB;
	[dreg:$0xb] =	wrdreg s0  }
0x13: {  	v0 =	vmov s4;
	s26 =	simm.s32 $0xC;
	s0 =	simm.s32 $0x5;
	[dreg:$0x5] =	wrdreg s8  }
.LBB2_1:
0x14: {  	[dreg:$0xc] =	wrdreg s3  }
0x15: {  	s1 =	rddreg [dreg:$0x7]  }
0x16: {  	[tilespmem:s23], [sflag:$0xD] =	stream.linear.gather [hbm4b:s1+s23], $0x2800, $0x38;
	[tilespmem:$0x1FC00] =	vst v63  }
0x17: {  	_ =	swait.ge [sflag:s16], $0x2800  }
0x18: {  	[sflag:s16] =	ssyncset.done $0x0  }
0x19: {  	s1 =	simm.s32 $0x0;
	[sflag:s16] =	ssyncadd.s32 $0xFFFFD800  }
.LBB2_2:
0x1a: {  	s3 =	sshll.u32 s1, $0x7  }
0x1b: {  	s4 =	sadd.s32 s8, s3  }
0x1c: {  	s4 =	sshll.u32 s4, $0x4  }
0x1d: {  	s28 =	simm.s32 $0x0;
	s5 =	sadd.s32 s29, s4  }
0x1e: {  	[tilespmem:s17], [sflag:$0xD] =	stream.linear.gather [hbm4b:s5+s28], $0x4000, $0x38;
	[tilespmem:$0x1FC00] =	vst v63  }
0x1f: {  	_ =	swait.ge [sflag:s16], $0x4000  }
0x20: {  	[sflag:s16] =	ssyncset.done $0x0  }
0x21: {  	s4 =	sadd.s32 s7, s4;
	[sflag:s16] =	ssyncadd.s32 $0xFFFFC000  }
0x22: {  	[hbm4b:s4+s28] =	stream.linear.scatter [tilespmem:s17], [sflag:$0xD], $0x4000, $0x38;
	[tilespmem:$0x1FC00] =	vst v63  }
0x23: {  	_ =	swait.ge [sflag:s16], $0x4000  }
0x24: {  	[sflag:s16] =	ssyncset.done $0x0  }
0x25: {  	s4 =	simm.s32 $0x0;
	[sflag:s16] =	ssyncadd.s32 $0xFFFFC000  }
0x26: {  	v4 =	vld [tilespmem:s4+$0x6800]  }
0x27: {  	v6 =	vld [tilespmem:s4+$0x6810]  }
0x28: {  	v5 =	vld [tilespmem:s4+$0x6820]  }
0x29: {  	v3 =	vld [tilespmem:s4+$0x6830]  }
0x2a: {  	v1 =	vld [tilespmem:s4+$0x6840]  }
0x2b: {  	v2 =	vld [tilespmem:s4+$0x6850];
	v7 =	vmul.f32 $1.111111120e-01, v4  }
0x2c: {  	s5 =	simm.s32 $0x200;
	v6 =	vmul.f32 $1.111111120e-01, v6;
	v4 =	vld [tilespmem:s4+$0x6860]  }
.LBB2_3:
0x2d: {  	s8 =	sshra.s32 s5, $0x2;
	p0 =	sne.s32 s5, $0xFE00;
	[tilespmem:s4+$0x6800] =	vst v7;
	v5 =	vmul.f32 $1.111111120e-01, v5;
	v7 =	vld [tilespmem:s4+$0x6870]  }
0x2e: {  	v8 =	vld [tilespmem:s8+$0x6800];
	[tilespmem:s4+$0x6810] =	vst v6;
	v3 =	vmul.f32 $1.111111120e-01, v3  }
0x2f: {  	v6 =	vld [tilespmem:s8+$0x6810];
	[tilespmem:s4+$0x6820] =	vst v5;
	v1 =	vmul.f32 $1.111111120e-01, v1  }
.Ltmp0:
0x30: {  	v5 =	vld [tilespmem:s8+$0x6820];
	[tilespmem:s4+$0x6830] =	vst v3;
	v2 =	vmul.f32 $1.111111120e-01, v2;
	(pc) =	sbr.rel @p0 .LBB2_3-.Ltmp0, $4  }
0x31: {  	v3 =	vld [tilespmem:s8+$0x6830];
	[tilespmem:s4+$0x6840] =	vst v1;
	v4 =	vmul.f32 $1.111111120e-01, v4  }
0x32: {  	v1 =	vld [tilespmem:s8+$0x6840];
	[tilespmem:s4+$0x6850] =	vst v2;
	v9 =	vmul.f32 $1.111111120e-01, v7  }
0x33: {  	v7 =	vmul.f32 $1.111111120e-01, v8;
	v2 =	vld [tilespmem:s8+$0x6850];
	[tilespmem:s4+$0x6860] =	vst v4  }
0x34: {  	s5 =	sadd.s32 $0x200, s5;
	v6 =	vmul.f32 $1.111111120e-01, v6;
	v4 =	vld [tilespmem:s8+$0x6860];
	[tilespmem:s4+$0x6870] =	vst v9;
	s4 =	smov.u32 s8  }
0x35: {  	[tilespmem:s4+$0x6800] =	vst v7;
	v5 =	vmul.f32 $1.111111120e-01, v5;
	v63 =	vld [tilespmem:s4+$0x6870]  }
0x36: {  	[tilespmem:s4+$0x6810] =	vst v6;
	v3 =	vmul.f32 $1.111111120e-01, v3  }
0x37: {  	[tilespmem:s4+$0x6820] =	vst v5;
	v1 =	vmul.f32 $1.111111120e-01, v1  }
0x38: {  	[tilespmem:s4+$0x6830] =	vst v3;
	v2 =	vmul.f32 $1.111111120e-01, v2  }
0x39: {  	s3 =	sadd.s32 s30, s3;
	[tilespmem:s4+$0x6840] =	vst v1;
	v1 =	vmul.f32 $1.111111120e-01, v4  }
0x3a: {  	s1 =	sadd.s32 $0x1, s1;
	s3 =	sshll.u32 s3, $0x7;
	[tilespmem:s4+$0x6850] =	vst v2;
	v2 =	vmul.f32 $1.111111120e-01, v63  }
0x3b: {  	p0 =	sne.s32 s1, $0x5;
	s3 =	sand.u32 $0x3FFFFF80, s3;
	[tilespmem:s4+$0x6860] =	vst v1  }
.Ltmp1:
0x3c: {  	s3 =	sadd.s32 s3, s2;
	[tilespmem:s4+$0x6870] =	vst v2;
	(pc) =	sbr.rel @p0 .LBB2_2-.Ltmp1, $4  }
0x3d: {  	[spmem:s3] =	stream.linear.scatter [tilespmem:s17], [sflag:$0xD], $0x4000, $0x38;
	[tilespmem:$0x1FC00] =	vst v63  }
0x3e: {  	_ =	swait.ge [sflag:s16], $0x4000  }
0x3f: {  	[sflag:s16] =	ssyncset.done $0x0  }
0x40: {  	s8 =	rddreg [dreg:$0x5];
	[sflag:s16] =	ssyncadd.s32 $0xFFFFC000  }
0x41: {  	[bflag:$0x0] =	sbarrier.arrive $0xFFFF;
	s1 =	simm.s32 $0x0  }
.LBB2_6:
0x42: {  	v1 =	vld [tilespmem:$0x0];
	_ =	sdelay $0x1  }
0x43: {  	v2 =	vld [tilespmem:$0x10];
	_ =	sdelay $0x1  }
0x44: {  	v3 =	vld [tilespmem:$0x20]  }
0x45: {  	v4 =	vand.u32 $0xFFFF, v1  }
0x46: {  	v5 =	vld [tilespmem:$0x30];
	v4 =	vadd.s32 v0, v4  }
0x47: {  	v1 =	vshrl.u32 v1, $0x10;
	[tilespmem:$0xB800] =	vst v4;
	v4 =	vand.u32 $0xFFFF, v2  }
0x48: {  	[tilespmem:$0xBA00] =	vst v1;
	v1 =	vadd.s32 v0, v4  }
0x49: {  	[tilespmem:$0xB810] =	vst v1;
	v1 =	vshrl.u32 v2, $0x10;
	v2 =	vand.u32 $0xFFFF, v3  }
0x4a: {  	[tilespmem:$0xBA10] =	vst v1;
	v1 =	vadd.s32 v0, v2  }
0x4b: {  	v2 =	vand.u32 $0xFFFF, v5;
	[tilespmem:$0xB820] =	vst v1;
	v1 =	vshrl.u32 v3, $0x10  }
0x4c: {  	[tilespmem:$0xBA20] =	vst v1;
	v1 =	vadd.s32 v0, v2  }
0x4d: {  	[tilespmem:$0xB830] =	vst v1;
	v1 =	vshrl.u32 v5, $0x10  }
0x4e: {  	s5 =	simm.s32 $0xB800;
	[tilespmem:$0xBA30] =	vst v1  }
0x4f: {  	[tilespmem:s20], [sflag:$0x1] =	stream.indirect.gather [hbm4b:s7+s18], $0x80, s5, s18, $0xb8;
	[tilespmem:$0x1FC00] =	vst v63  }
0x50: {  	s8 =	rddreg [dreg:$0x6];
	s3 =	simm.s32 $0xA800;
	s4 =	simm.s32 $0x0  }
0x51: {  	[tilespmem:s3], [sflag:$0x5] =	stream.linear.gather [hbm4b:s8+s4], $0x400, $0x38;
	[tilespmem:$0x1FC00] =	vst v63  }
0x52: {  	v1 =	vld [tilespmem:$0x40];
	_ =	sdelay $0x1  }
0x53: {  	v2 =	vld [tilespmem:$0x50];
	_ =	sdelay $0x1  }
0x54: {  	v3 =	vld [tilespmem:$0x60]  }
0x55: {  	v4 =	vand.u32 $0xFFFF, v1  }
0x56: {  	v5 =	vld [tilespmem:$0x70];
	v4 =	vadd.s32 v0, v4  }
0x57: {  	v1 =	vshrl.u32 v1, $0x10;
	[tilespmem:$0xB880] =	vst v4;
	v4 =	vand.u32 $0xFFFF, v2  }
0x58: {  	[tilespmem:$0xBA80] =	vst v1;
	v1 =	vadd.s32 v0, v4  }
0x59: {  	[tilespmem:$0xB890] =	vst v1;
	v1 =	vshrl.u32 v2, $0x10;
	v2 =	vand.u32 $0xFFFF, v3  }
0x5a: {  	[tilespmem:$0xBA90] =	vst v1;
	v1 =	vadd.s32 v0, v2  }
0x5b: {  	v2 =	vand.u32 $0xFFFF, v5;
	[tilespmem:$0xB8A0] =	vst v1;
	v1 =	vshrl.u32 v3, $0x10  }
0x5c: {  	[tilespmem:$0xBAA0] =	vst v1;
	v1 =	vadd.s32 v0, v2  }
0x5d: {  	[tilespmem:$0xB8B0] =	vst v1;
	v1 =	vshrl.u32 v5, $0x10  }
0x5e: {  	s12 =	simm.s32 $0xB880;
	[tilespmem:$0xBAB0] =	vst v1  }
0x5f: {  	[tilespmem:s31], [sflag:$0x2] =	stream.indirect.gather [hbm4b:s7+s18], $0x80, s12, s18, $0xb8;
	[tilespmem:$0x1FC00] =	vst v63  }
0x60: {  	s23 =	rddreg [dreg:$0x8];
	s24 =	simm.s32 $0xAC00  }
0x61: {  	[tilespmem:s24], [sflag:$0x6] =	stream.linear.gather [hbm4b:s23+s4], $0x400, $0x38;
	[tilespmem:$0x1FC00] =	vst v63  }
0x62: {  	v1 =	vld [tilespmem:$0x80];
	_ =	sdelay $0x1  }
0x63: {  	v2 =	vld [tilespmem:$0x90];
	_ =	sdelay $0x1  }
0x64: {  	v3 =	vld [tilespmem:$0xA0]  }
0x65: {  	v4 =	vand.u32 $0xFFFF, v1  }
0x66: {  	v5 =	vld [tilespmem:$0xB0];
	v4 =	vadd.s32 v0, v4  }
0x67: {  	v1 =	vshrl.u32 v1, $0x10;
	[tilespmem:$0xB900] =	vst v4;
	v4 =	vand.u32 $0xFFFF, v2  }
0x68: {  	[tilespmem:$0xBB00] =	vst v1;
	v1 =	vadd.s32 v0, v4  }
0x69: {  	[tilespmem:$0xB910] =	vst v1;
	v1 =	vshrl.u32 v2, $0x10;
	v2 =	vand.u32 $0xFFFF, v3  }
0x6a: {  	[tilespmem:$0xBB10] =	vst v1;
	v1 =	vadd.s32 v0, v2  }
0x6b: {  	v2 =	vand.u32 $0xFFFF, v5;
	[tilespmem:$0xB920] =	vst v1;
	v1 =	vshrl.u32 v3, $0x10  }
0x6c: {  	[tilespmem:$0xBB20] =	vst v1;
	v1 =	vadd.s32 v0, v2  }
0x6d: {  	[tilespmem:$0xB930] =	vst v1;
	v1 =	vshrl.u32 v5, $0x10  }
0x6e: {  	s28 =	simm.s32 $0xB900;
	[tilespmem:$0xBB30] =	vst v1  }
0x6f: {  	[tilespmem:s17], [sflag:$0x3] =	stream.indirect.gather [hbm4b:s7+s18], $0x80, s28, s18, $0xb8;
	[tilespmem:$0x1FC00] =	vst v63  }
0x70: {  	s29 =	rddreg [dreg:$0x9];
	s30 =	simm.s32 $0xB000  }
0x71: {  	[tilespmem:s30], [sflag:$0x7] =	stream.linear.gather [hbm4b:s29+s4], $0x400, $0x38;
	[tilespmem:$0x1FC00] =	vst v63  }
0x72: {  	v1 =	vld [tilespmem:$0xC0];
	_ =	sdelay $0x1  }
0x73: {  	v2 =	vld [tilespmem:$0xD0];
	_ =	sdelay $0x1  }
0x74: {  	v3 =	vld [tilespmem:$0xE0]  }
0x75: {  	v4 =	vand.u32 $0xFFFF, v1  }
0x76: {  	v5 =	vld [tilespmem:$0xF0];
	v4 =	vadd.s32 v0, v4  }
0x77: {  	v1 =	vshrl.u32 v1, $0x10;
	[tilespmem:$0xB980] =	vst v4;
	v4 =	vand.u32 $0xFFFF, v2  }
0x78: {  	[tilespmem:$0xBB80] =	vst v1;
	v1 =	vadd.s32 v0, v4  }
0x79: {  	[tilespmem:$0xB990] =	vst v1;
	v1 =	vshrl.u32 v2, $0x10;
	v2 =	vand.u32 $0xFFFF, v3  }
0x7a: {  	[tilespmem:$0xBB90] =	vst v1;
	v1 =	vadd.s32 v0, v2  }
0x7b: {  	v2 =	vand.u32 $0xFFFF, v5;
	[tilespmem:$0xB9A0] =	vst v1;
	v1 =	vshrl.u32 v3, $0x10  }
0x7c: {  	[tilespmem:$0xBBA0] =	vst v1;
	v1 =	vadd.s32 v0, v2  }
0x7d: {  	[tilespmem:$0xB9B0] =	vst v1;
	v1 =	vshrl.u32 v5, $0x10  }
0x7e: {  	[dreg:$0xd] =	wrdreg s1;
	s5 =	simm.s32 $0xB980;
	s8 =	simm.s32 $0x8800;
	[tilespmem:$0xBBB0] =	vst v1  }
0x7f: {  	[tilespmem:s8], [sflag:$0x4] =	stream.indirect.gather [hbm4b:s7+s18], $0x80, s5, s18, $0xb8;
	[tilespmem:$0x1FC00] =	vst v63  }
0x80: {  	s12 =	rddreg [dreg:$0xa];
	s23 =	simm.s32 $0xB400;
	s24 =	simm.s32 $0x1  }
0x81: {  	[tilespmem:s23], [sflag:$0x8] =	stream.linear.gather [hbm4b:s12+s4], $0x400, $0x38;
	[tilespmem:$0x1FC00] =	vst v63  }
0x82: {  	_ =	swait.ge [sflag:s24], $0x2000  }
0x83: {  	[sflag:s24] =	ssyncset.done $0x0  }
0x84: {  	[sflag:s24] =	ssyncadd.s32 $0xFFFFE000  }
0x85: {  	s1 =	simm.s32 $0x2880;
	s28 =	sand.u32 $0xE00, s4;
	_ =	swait.ge [sflag:s0], $0x400  }
0x86: {  	s29 =	simm.s32 $0x0;
	s4 =	sshrl.u32 s28, $0x2;
	[sflag:s0] =	ssyncset.done $0x0  }
0x87: {  	s3 =	sand.u32 $0x60, s29;
	s4 =	sor.u32 $0xA800, s4;
	[sflag:s0] =	ssyncadd.s32 $0xFFFFFC00  }
0x88: {  	s3 =	sor.u32 s3, s4;
	v1 =	vld [tilespmem:s1+$0xFFFFFF80]  }
0x89: {  	v3 =	vld [tilespmem:s3+$0x0]  }
0x8a: {  	v2 =	vld [tilespmem:s1+$0xFFFFFFA0]  }
0x8b: {  	v4 =	vld [tilespmem:s1+$0xFFFFFFB0]  }
0x8c: {  	v5 =	vld [tilespmem:s1+$0xFFFFFFF0]  }
0x8d: {  	v6 =	vld [tilespmem:s1+$0xFFFFFFD0]  }
0x8e: {  	v7 =	vld [tilespmem:s1+$0xFFFFFF90];
	v1 =	vmul.f32 v1, v3  }
0x8f: {  	v8 =	vld [tilespmem:s1+$0xFFFFFFC0];
	v2 =	vmul.f32 v2, v3  }
0x90: {  	v9 =	vld [tilespmem:s1+$0xFFFFFFE0];
	[tilespmem:s1+$0xFFFFFF80] =	vst v1;
	v1 =	vmul.f32 v4, v3  }
0x91: {  	[tilespmem:s1+$0xFFFFFFA0] =	vst v2;
	v2 =	vmul.f32 v5, v3  }
0x92: {  	v4 =	vmul.f32 v6, v3;
	[tilespmem:s1+$0xFFFFFFB0] =	vst v1  }
0x93: {  	v6 =	vmul.f32 v7, v3;
	[tilespmem:s1+$0xFFFFFFF0] =	vst v2;
	v1 =	vld [tilespmem:s1+$0x60]  }
0x94: {  	s30 =	simm.s32 $0x10;
	s5 =	simm.s32 $0x2980;
	[tilespmem:s1+$0xFFFFFFD0] =	vst v4;
	v2 =	vld [tilespmem:s1+$0x50]  }
0x95: {  	s12 =	simm.s32 $0x0;
	s24 =	simm.s32 $0x30;
	s3 =	sand.u32 $0x70, s30;
	v5 =	vmul.f32 v9, v3;
	v4 =	vmul.f32 v8, v3;
	[tilespmem:s1+$0xFFFFFF90] =	vst v6;
	v3 =	vld [tilespmem:s1+$0x30]  }
.LBB2_7:
0x96: {  	s23 =	sand.u32 $0x70, s24  }
0x97: {  	[tilespmem:s1+$0xFFFFFFE0] =	vst v5;
	v5 =	vld [tilespmem:s1+$0x0];
	s12 =	sadd.s32 $0x80, s12;
	s28 =	smov.u32 s24;
	s8 =	sadd.s32 $0x20, s24  }
0x98: {  	p0 =	sne.s32 s24, $0x3F0;
	s4 =	sor.u32 s3, s4;
	[tilespmem:s1+$0xFFFFFFC0] =	vst v4;
	v4 =	vld [tilespmem:s1+$0x10];
	s3 =	smov.u32 s23  }
0x99: {  	v6 =	vld [tilespmem:s4+$0x0]  }
0x9a: {  	v7 =	vld [tilespmem:s1+$0x20]  }
0x9b: {  	v8 =	vld [tilespmem:s1+$0x40]  }
0x9c: {  	v9 =	vld [tilespmem:s1+$0x70];
	_ =	sdelay $0x1  }
0x9d: {  	v5 =	vmul.f32 v5, v6;
	v4 =	vmul.f32 v4, v6  }
0x9e: {  	v3 =	vmul.f32 v3, v6;
	v7 =	vmul.f32 v7, v6  }
0x9f: {  	v2 =	vmul.f32 v2, v6;
	[tilespmem:s1+$0x0] =	vst v5;
	v5 =	vmul.f32 v8, v6  }
0xa0: {  	v1 =	vmul.f32 v1, v6;
	[tilespmem:s1+$0x30] =	vst v3;
	v3 =	vmul.f32 v9, v6  }
0xa1: {  	s4 =	sand.u32 $0xE00, s12;
	[tilespmem:s1+$0x40] =	vst v5  }
0xa2: {  	s23 =	sadd.s32 $0xFFFFFFF0, s28;
	s4 =	sshrl.u32 s4, $0x2;
	[tilespmem:s1+$0x50] =	vst v2  }
0xa3: {  	s23 =	sand.u32 $0x60, s23;
	s4 =	sor.u32 $0xA800, s4;
	v2 =	vld [tilespmem:s5+$0xFFFFFFD0];
	[tilespmem:s1+$0x20] =	vst v7  }
0xa4: {  	s23 =	sor.u32 s23, s4;
	v5 =	vld [tilespmem:s5+$0xFFFFFFA0];
	[tilespmem:s1+$0x60] =	vst v1  }
0xa5: {  	v1 =	vld [tilespmem:s5+$0xFFFFFF90];
	[tilespmem:s1+$0x10] =	vst v4  }
0xa6: {  	v4 =	vld [tilespmem:s5+$0xFFFFFF80];
	[tilespmem:s1+$0x70] =	vst v3;
	s1 =	smov.u32 s5  }
0xa7: {  	v3 =	vld [tilespmem:s23+$0x0]  }
0xa8: {  	v6 =	vld [tilespmem:s5+$0xFFFFFFC0]  }
0xa9: {  	v7 =	vld [tilespmem:s5+$0xFFFFFFB0]  }
0xaa: {  	v8 =	vld [tilespmem:s5+$0xFFFFFFF0]  }
0xab: {  	v9 =	vld [tilespmem:s5+$0xFFFFFFE0]  }
0xac: {  	v10 =	vmul.f32 v4, v3;
	v11 =	vmul.f32 v1, v3  }
0xad: {  	v1 =	vmul.f32 v5, v3;
	v4 =	vmul.f32 v6, v3  }
0xae: {  	v2 =	vmul.f32 v2, v3;
	[tilespmem:s5+$0xFFFFFF80] =	vst v10;
	v5 =	vmul.f32 v7, v3  }
.Ltmp2:
0xaf: {  	[tilespmem:s5+$0xFFFFFFA0] =	vst v1;
	v1 =	vmul.f32 v8, v3;
	(pc) =	sbr.rel @p0 .LBB2_7-.Ltmp2, $4  }
0xb0: {  	[tilespmem:s5+$0xFFFFFFB0] =	vst v5;
	v5 =	vmul.f32 v9, v3  }
0xb1: {  	[tilespmem:s5+$0xFFFFFFF0] =	vst v1;
	v1 =	vld [tilespmem:s5+$0x60]  }
0xb2: {  	[tilespmem:s5+$0xFFFFFFD0] =	vst v2;
	v2 =	vld [tilespmem:s5+$0x50]  }
0xb3: {  	s24 =	smov.u32 s8;
	s5 =	sadd.s32 $0x100, s5;
	[tilespmem:s1+$0xFFFFFF90] =	vst v11;
	v3 =	vld [tilespmem:s1+$0x30]  }
0xb4: {  	[tilespmem:s1+$0xFFFFFFE0] =	vst v5  }
0xb5: {  	v5 =	vld [tilespmem:s1+$0x0];
	[tilespmem:s1+$0xFFFFFFC0] =	vst v4;
	s3 =	sor.u32 s3, s4  }
0xb6: {  	v4 =	vld [tilespmem:s3+$0x0];
	_ =	sdelay $0x3  }
0xb7: {  	v6 =	vld [tilespmem:s1+$0x40]  }
0xb8: {  	v7 =	vld [tilespmem:s1+$0x20];
	v5 =	vmul.f32 v5, v4  }
0xb9: {  	v8 =	vld [tilespmem:s1+$0x10];
	v3 =	vmul.f32 v3, v4  }
0xba: {  	v9 =	vld [tilespmem:s1+$0x70];
	v2 =	vmul.f32 v2, v4;
	[tilespmem:s1+$0x0] =	vst v5  }
0xbb: {  	v1 =	vmul.f32 v1, v4;
	[tilespmem:s1+$0x30] =	vst v3  }
0xbc: {  	v5 =	vmul.f32 v6, v4;
	[tilespmem:s1+$0x50] =	vst v2  }
0xbd: {  	v3 =	vmul.f32 v7, v4;
	[tilespmem:s1+$0x60] =	vst v1  }
0xbe: {  	v2 =	vmul.f32 v8, v4;
	[tilespmem:s1+$0x40] =	vst v5  }
0xbf: {  	[tilespmem:s1+$0x20] =	vst v3;
	v3 =	vmul.f32 v9, v4  }
0xc0: {  	[tilespmem:s1+$0x10] =	vst v2  }
0xc1: {  	s29 =	simm.s32 $0xBA00;
	[tilespmem:s1+$0x70] =	vst v3  }
0xc2: {  	[spmem:s2] =	stream.indirect.scatter.add.f32 [tilespmem:s20], [sflag:$0x9], $0x80, s29, s18, $0xb8;
	[tilespmem:$0x1FC00] =	vst v63  }
0xc3: {  	_ =	swait.ge [sflag:s11], $0x2000  }
0xc4: {  	[sflag:s11] =	ssyncset.done $0x0  }
0xc5: {  	[sflag:s11] =	ssyncadd.s32 $0xFFFFE000  }
0xc6: {  	_ =	swait.ge [sflag:s15], $0x400  }
0xc7: {  	[sflag:s15] =	ssyncset.done $0x0  }
0xc8: {  	s1 =	simm.s32 $0x48F0;
	[sflag:s15] =	ssyncadd.s32 $0xFFFFFC00  }
0xc9: {  	s3 =	simm.s32 $0x0;
	v2 =	vld [tilespmem:s1+$0xFFFFFF50]  }
0xca: {  	s30 =	sand.u32 $0xE00, s3;
	v3 =	vld [tilespmem:s1+$0xFFFFFF20]  }
0xcb: {  	s5 =	sand.u32 $0x60, s3;
	s4 =	sshrl.u32 s30, $0x2;
	v1 =	vld [tilespmem:s1+$0xFFFFFF40]  }
0xcc: {  	s5 =	sor.u32 s5, s4;
	v4 =	vld [tilespmem:s1+$0xFFFFFF70]  }
0xcd: {  	v6 =	vld [tilespmem:s5+$0xAC00]  }
0xce: {  	v5 =	vld [tilespmem:s1+$0xFFFFFF10]  }
0xcf: {  	v7 =	vld [tilespmem:s1+$0xFFFFFF30]  }
0xd0: {  	v62 =	vld [tilespmem:s1+$0xFFFFFF60]  }
0xd1: {  	v63 =	vld [tilespmem:s1+$0xFFFFFF80]  }
0xd2: {  	v4 =	vmul.f32 v4, v6  }
0xd3: {  	v10 =	vmul.f32 v1, v6  }
0xd4: {  	v1 =	vmul.f32 v5, v6;
	v11 =	vmul.f32 v2, v6;
	[tilespmem:s1+$0xFFFFFF70] =	vst v4  }
0xd5: {  	v5 =	vmul.f32 v3, v6;
	v3 =	vmul.f32 v7, v6;
	[tilespmem:s1+$0xFFFFFF40] =	vst v10  }
0xd6: {  	s8 =	simm.s32 $0x48F0;
	s4 =	simm.s32 $0x80;
	v2 =	vmul.f32 v62, v6;
	v4 =	vmul.f32 v63, v6;
	[tilespmem:s1+$0xFFFFFF50] =	vst v11  }
.LBB2_9:
0xd7: {  	p0 =	sne.s32 s4, $0xF80;
	[tilespmem:s1+$0xFFFFFF20] =	vst v5;
	v5 =	vld [tilespmem:s1+$0xFFFFFFF0];
	s3 =	sadd.s32 $0x20, s3;
	s8 =	sadd.s32 $0x100, s8  }
0xd8: {  	s12 =	smov.u32 s4;
	s4 =	sadd.s32 $0x80, s4;
	[tilespmem:s1+$0xFFFFFF10] =	vst v1;
	v1 =	vld [tilespmem:s1+$0x0]  }
0xd9: {  	[tilespmem:s1+$0xFFFFFF30] =	vst v3;
	v3 =	vld [tilespmem:s1+$0xFFFFFFD0]  }
0xda: {  	[tilespmem:s1+$0xFFFFFF80] =	vst v4;
	v4 =	vld [tilespmem:s1+$0xFFFFFFE0]  }
0xdb: {  	[tilespmem:s1+$0xFFFFFF60] =	vst v2;
	v2 =	vld [tilespmem:s1+$0xFFFFFF90]  }
0xdc: {  	v6 =	vld [tilespmem:s5+$0xAC10]  }
0xdd: {  	v7 =	vld [tilespmem:s1+$0xFFFFFFB0]  }
0xde: {  	v8 =	vld [tilespmem:s1+$0xFFFFFFA0]  }
0xdf: {  	v9 =	vld [tilespmem:s1+$0xFFFFFFC0];
	_ =	sdelay $0x1  }
0xe0: {  	v2 =	vmul.f32 v2, v6;
	v1 =	vmul.f32 v1, v6  }
0xe1: {  	v4 =	vmul.f32 v4, v6;
	v7 =	vmul.f32 v7, v6  }
0xe2: {  	s5 =	sand.u32 $0xE00, s12;
	v3 =	vmul.f32 v3, v6;
	v8 =	vmul.f32 v8, v6;
	[tilespmem:s1+$0x0] =	vst v1  }
0xe3: {  	s12 =	sand.u32 $0x60, s3;
	s5 =	sshrl.u32 s5, $0x2;
	[tilespmem:s1+$0xFFFFFF90] =	vst v2;
	v1 =	vmul.f32 v9, v6;
	v2 =	vmul.f32 v5, v6  }
0xe4: {  	s5 =	sor.u32 s12, s5;
	[tilespmem:s1+$0xFFFFFFE0] =	vst v4  }
0xe5: {  	v4 =	vld [tilespmem:s8+$0xFFFFFF50];
	[tilespmem:s1+$0xFFFFFFD0] =	vst v3  }
0xe6: {  	v3 =	vld [tilespmem:s8+$0xFFFFFF20];
	[tilespmem:s1+$0xFFFFFFF0] =	vst v2  }
0xe7: {  	v2 =	vld [tilespmem:s8+$0xFFFFFF40];
	[tilespmem:s1+$0xFFFFFFB0] =	vst v7  }
0xe8: {  	v5 =	vld [tilespmem:s8+$0xFFFFFF70];
	[tilespmem:s1+$0xFFFFFFC0] =	vst v1  }
0xe9: {  	v1 =	vld [tilespmem:s8+$0xFFFFFF10];
	[tilespmem:s1+$0xFFFFFFA0] =	vst v8;
	s1 =	smov.u32 s8  }
0xea: {  	v6 =	vld [tilespmem:s5+$0xAC00]  }
0xeb: {  	v7 =	vld [tilespmem:s8+$0xFFFFFF30]  }
0xec: {  	v8 =	vld [tilespmem:s8+$0xFFFFFF60]  }
0xed: {  	v9 =	vld [tilespmem:s8+$0xFFFFFF80];
	_ =	sdelay $0x1  }
.Ltmp3:
0xee: {  	v1 =	vmul.f32 v1, v6;
	v10 =	vmul.f32 v5, v6;
	(pc) =	sbr.rel @p0 .LBB2_9-.Ltmp3, $4  }
0xef: {  	v5 =	vmul.f32 v3, v6;
	v2 =	vmul.f32 v2, v6  }
0xf0: {  	v3 =	vmul.f32 v7, v6;
	v7 =	vmul.f32 v4, v6;
	[tilespmem:s8+$0xFFFFFF70] =	vst v10  }
0xf1: {  	[tilespmem:s8+$0xFFFFFF40] =	vst v2;
	v2 =	vmul.f32 v8, v6;
	v4 =	vmul.f32 v9, v6  }
0xf2: {  	[tilespmem:s8+$0xFFFFFF50] =	vst v7  }
0xf3: {  	[tilespmem:s1+$0xFFFFFF20] =	vst v5  }
0xf4: {  	[tilespmem:s1+$0xFFFFFF10] =	vst v1  }
0xf5: {  	[tilespmem:s1+$0xFFFFFF30] =	vst v3  }
0xf6: {  	[tilespmem:s1+$0xFFFFFF80] =	vst v4  }
0xf7: {  	v1 =	vld [tilespmem:s1+$0x0];
	[tilespmem:s1+$0xFFFFFF60] =	vst v2  }
0xf8: {  	v2 =	vld [tilespmem:s5+$0xAC10]  }
0xf9: {  	v3 =	vld [tilespmem:s1+$0xFFFFFF90]  }
0xfa: {  	v61 =	vld [tilespmem:s1+$0xFFFFFFE0]  }
0xfb: {  	v7 =	vld [tilespmem:s1+$0xFFFFFFB0]  }
0xfc: {  	v62 =	vld [tilespmem:s1+$0xFFFFFFD0]  }
0xfd: {  	v6 =	vld [tilespmem:s1+$0xFFFFFFF0];
	v1 =	vmul.f32 v1, v2  }
0xfe: {  	v8 =	vld [tilespmem:s1+$0xFFFFFFC0];
	v3 =	vmul.f32 v3, v2  }
0xff: {  	v9 =	vld [tilespmem:s1+$0xFFFFFFA0];
	v4 =	vmul.f32 v61, v2;
	[tilespmem:s1+$0x0] =	vst v1  }
0x100: {  	v63 =	vmul.f32 v7, v2;
	[tilespmem:s1+$0xFFFFFF90] =	vst v3  }
0x101: {  	v1 =	vmul.f32 v62, v2;
	[tilespmem:s1+$0xFFFFFFE0] =	vst v4  }
0x102: {  	v3 =	vmul.f32 v6, v2;
	[tilespmem:s1+$0xFFFFFFB0] =	vst v63  }
0x103: {  	[tilespmem:s1+$0xFFFFFFD0] =	vst v1;
	v1 =	vmul.f32 v8, v2  }
0x104: {  	[tilespmem:s1+$0xFFFFFFF0] =	vst v3;
	v2 =	vmul.f32 v9, v2  }
0x105: {  	[tilespmem:s1+$0xFFFFFFC0] =	vst v1  }
0x106: {  	s29 =	simm.s32 $0xBA80;
	s28 =	simm.s32 $0x0;
	s30 =	simm.s32 $0x0;
	[tilespmem:s1+$0xFFFFFFA0] =	vst v2  }
0x107: {  	[spmem:s2] =	stream.indirect.scatter.add.f32 [tilespmem:s31], [sflag:$0xA], $0x80, s29, s18, $0xb8;
	[tilespmem:$0x1FC00] =	vst v63  }
.LBB2_11:
0x108: {  	s1 =	sshll.u32 s30, $0x2  }
0x109: {  	_ =	swait.ge [sflag:s13], $0x2000;
	s3 =	sadd.s32 $0x4, s1  }
0x10a: {  	[sflag:s13] =	ssyncset.done $0x0;
	s4 =	sshll.u32 s3, $0x6  }
0x10b: {  	[sflag:s13] =	ssyncadd.s32 $0xFFFFE000;
	s4 =	sand.u32 $0x3FFFFF00, s4  }
0x10c: {  	v1 =	vld [tilespmem:s4+$0x0];
	_ =	sdelay $0x4  }
0x10d: {  	v2 =	vand.u32 $0xFFFF, v1;
	v1 =	vshrl.u32 v1, $0x10  }
0x10e: {  	v2 =	vadd.s32 v0, v2;
	[tilespmem:$0xBA00] =	vst v1  }
0x10f: {  	[tilespmem:$0xB800] =	vst v2  }
0x110: {  	v1 =	vld [tilespmem:s4+$0x10];
	_ =	sdelay $0x4  }
0x111: {  	v2 =	vand.u32 $0xFFFF, v1;
	v1 =	vshrl.u32 v1, $0x10  }
0x112: {  	v2 =	vadd.s32 v0, v2;
	[tilespmem:$0xBA10] =	vst v1  }
0x113: {  	[tilespmem:$0xB810] =	vst v2  }
0x114: {  	v1 =	vld [tilespmem:s4+$0x20];
	_ =	sdelay $0x4  }
0x115: {  	v2 =	vand.u32 $0xFFFF, v1;
	v1 =	vshrl.u32 v1, $0x10  }
0x116: {  	v2 =	vadd.s32 v0, v2;
	[tilespmem:$0xBA20] =	vst v1  }
0x117: {  	[tilespmem:$0xB820] =	vst v2  }
0x118: {  	v1 =	vld [tilespmem:s4+$0x30];
	_ =	sdelay $0x4  }
0x119: {  	v2 =	vand.u32 $0xFFFF, v1;
	v1 =	vshrl.u32 v1, $0x10  }
0x11a: {  	s3 =	sadd.s32 s9, s3;
	v2 =	vadd.s32 v0, v2;
	[tilespmem:$0xBA30] =	vst v1  }
0x11b: {  	s12 =	simm.s32 $0xB800;
	s3 =	sshll.u32 s3, $0x7;
	[tilespmem:$0xB830] =	vst v2  }
0x11c: {  	[tilespmem:s20], [sflag:$0x1] =	stream.indirect.gather [hbm4b:s7+s18], $0x80, s12, s18, $0xb8;
	[tilespmem:$0x1FC00] =	vst v63  }
0x11d: {  	s23 =	simm.s32 $0xA800;
	s3 =	sadd.s32 s6, s3  }
0x11e: {  	[tilespmem:s23], [sflag:$0x5] =	stream.linear.gather [hbm4b:s3+s28], $0x400, $0x38;
	[tilespmem:$0x1FC00] =	vst v63  }
0x11f: {  	_ =	swait.ge [sflag:s14], $0x2000  }
0x120: {  	[sflag:s14] =	ssyncset.done $0x0  }
0x121: {  	[sflag:s14] =	ssyncadd.s32 $0xFFFFE000  }
0x122: {  	_ =	swait.ge [sflag:s10], $0x400  }
0x123: {  	s24 =	sand.u32 $0xE00, s28;
	s29 =	sand.u32 $0x60, s28;
	[sflag:s10] =	ssyncset.done $0x0  }
0x124: {  	s12 =	simm.s32 $0x0;
	s3 =	sshrl.u32 s24, $0x2;
	[sflag:s10] =	ssyncadd.s32 $0xFFFFFC00  }
0x125: {  	s4 =	sor.u32 s29, s3;
	v2 =	vld [tilespmem:s12+$0x6820]  }
0x126: {  	v3 =	vld [tilespmem:s4+$0xB000]  }
0x127: {  	v4 =	vld [tilespmem:s12+$0x6810]  }
0x128: {  	v1 =	vld [tilespmem:s12+$0x6830]  }
0x129: {  	v6 =	vld [tilespmem:s12+$0x6850]  }
0x12a: {  	v5 =	vld [tilespmem:s12+$0x6870]  }
0x12b: {  	v7 =	vld [tilespmem:s12+$0x6800];
	v2 =	vmul.f32 v2, v3  }
0x12c: {  	v9 =	vld [tilespmem:s12+$0x6840];
	v4 =	vmul.f32 v4, v3  }
0x12d: {  	v8 =	vld [tilespmem:s12+$0x6860];
	v1 =	vmul.f32 v1, v3;
	[tilespmem:s12+$0x6820] =	vst v2  }
0x12e: {  	v6 =	vmul.f32 v6, v3;
	[tilespmem:s12+$0x6810] =	vst v4  }
0x12f: {  	v63 =	vld [tilespmem:s12+$0x68D0];
	v2 =	vmul.f32 v5, v3;
	[tilespmem:s12+$0x6830] =	vst v1  }
0x130: {  	v10 =	vld [tilespmem:s12+$0x68C0];
	v4 =	vmul.f32 v7, v3;
	[tilespmem:s12+$0x6850] =	vst v6  }
0x131: {  	v5 =	vmul.f32 v9, v3;
	v6 =	vld [tilespmem:s12+$0x6890];
	[tilespmem:s12+$0x6870] =	vst v2  }
0x132: {  	v3 =	vmul.f32 v8, v3;
	v2 =	vld [tilespmem:s12+$0x68A0];
	[tilespmem:s12+$0x6800] =	vst v4  }
0x133: {  	s3 =	simm.s32 $0x100;
	v4 =	vld [tilespmem:s12+$0x6880];
	[tilespmem:s12+$0x6840] =	vst v5  }
0x134: {  	v1 =	vld [tilespmem:s3+$0x6830];
	[tilespmem:s12+$0x6860] =	vst v3  }
0x135: {  	v8 =	vld [tilespmem:s4+$0xB010]  }
0x136: {  	v5 =	vld [tilespmem:s12+$0x68B0]  }
0x137: {  	v11 =	vld [tilespmem:s12+$0x68F0]  }
0x138: {  	v7 =	vld [tilespmem:s12+$0x68E0];
	_ =	sdelay $0x1  }
0x139: {  	s4 =	simm.s32 $0x80;
	v4 =	vmul.f32 v4, v8;
	v3 =	vmul.f32 v6, v8  }
0x13a: {  	s5 =	simm.s32 $0x20;
	s8 =	sand.u32 $0xE00, s4;
	v6 =	vmul.f32 v2, v8;
	v5 =	vmul.f32 v5, v8  }
0x13b: {  	s23 =	sand.u32 $0x60, s5;
	s24 =	sshrl.u32 s8, $0x2;
	v2 =	vmul.f32 v10, v8;
	[tilespmem:s12+$0x6880] =	vst v4;
	v4 =	vmul.f32 v63, v8  }
0x13c: {  	s8 =	simm.s32 $0x800;
	s24 =	sor.u32 s23, s24;
	[tilespmem:s12+$0x68A0] =	vst v6;
	v6 =	vmul.f32 v7, v8;
	v7 =	vmul.f32 v11, v8  }
.LBB2_12:
0x13d: {  	p0 =	sne.s32 s8, $0x7C00;
	s5 =	sadd.s32 $0x20, s5;
	s4 =	sadd.s32 $0x80, s4;
	[tilespmem:s12+$0x68B0] =	vst v5  }
0x13e: {  	s23 =	smov.u32 s8;
	s8 =	sadd.s32 $0x400, s8;
	[tilespmem:s12+$0x68F0] =	vst v7  }
0x13f: {  	[tilespmem:s12+$0x6890] =	vst v3  }
0x140: {  	v3 =	vld [tilespmem:s3+$0x6870];
	[tilespmem:s12+$0x68E0] =	vst v6  }
0x141: {  	v5 =	vld [tilespmem:s3+$0x6820];
	[tilespmem:s12+$0x68D0] =	vst v4  }
0x142: {  	v4 =	vld [tilespmem:s3+$0x6850];
	[tilespmem:s12+$0x68C0] =	vst v2;
	s12 =	smov.u32 s3  }
0x143: {  	v2 =	vld [tilespmem:s24+$0xB000]  }
0x144: {  	v6 =	vld [tilespmem:s12+$0x6810]  }
0x145: {  	v7 =	vld [tilespmem:s12+$0x6800]  }
0x146: {  	v8 =	vld [tilespmem:s12+$0x6860]  }
0x147: {  	v9 =	vld [tilespmem:s12+$0x6840]  }
0x148: {  	v5 =	vmul.f32 v5, v2;
	v4 =	vmul.f32 v4, v2  }
0x149: {  	s3 =	sand.u32 $0xE00, s4;
	v1 =	vmul.f32 v1, v2;
	v6 =	vmul.f32 v6, v2  }
0x14a: {  	s29 =	sand.u32 $0x60, s5;
	s3 =	sshrl.u32 s3, $0x2;
	v3 =	vmul.f32 v3, v2;
	v7 =	vmul.f32 v7, v2;
	[tilespmem:s12+$0x6820] =	vst v5  }
0x14b: {  	s29 =	sor.u32 s29, s3;
	[tilespmem:s12+$0x6810] =	vst v6;
	v5 =	vmul.f32 v8, v2  }
0x14c: {  	v2 =	vmul.f32 v9, v2;
	[tilespmem:s12+$0x6870] =	vst v3;
	v6 =	vld [tilespmem:s12+$0x68A0]  }
0x14d: {  	s3 =	sshra.s32 s23, $0x2;
	[tilespmem:s12+$0x6800] =	vst v7;
	v3 =	vld [tilespmem:s12+$0x6880]  }
0x14e: {  	[tilespmem:s12+$0x6840] =	vst v2;
	v2 =	vld [tilespmem:s12+$0x68B0]  }
0x14f: {  	[tilespmem:s12+$0x6830] =	vst v1;
	v7 =	vld [tilespmem:s12+$0x68E0]  }
0x150: {  	[tilespmem:s12+$0x6850] =	vst v4;
	v4 =	vld [tilespmem:s12+$0x6890]  }
0x151: {  	v1 =	vld [tilespmem:s3+$0x6830];
	[tilespmem:s12+$0x6860] =	vst v5  }
0x152: {  	v8 =	vld [tilespmem:s24+$0xB010];
	s24 =	smov.u32 s29  }
0x153: {  	v9 =	vld [tilespmem:s12+$0x68D0]  }
0x154: {  	v10 =	vld [tilespmem:s12+$0x68C0]  }
0x155: {  	v11 =	vld [tilespmem:s12+$0x68F0]  }
.Ltmp4:
0x156: {  	(pc) =	sbr.rel @p0 .LBB2_12-.Ltmp4, $4  }
0x157: {  	v12 =	vmul.f32 v3, v8;
	v3 =	vmul.f32 v4, v8  }
0x158: {  	v6 =	vmul.f32 v6, v8;
	v5 =	vmul.f32 v2, v8  }
0x159: {  	v4 =	vmul.f32 v9, v8;
	[tilespmem:s12+$0x6880] =	vst v12;
	v2 =	vmul.f32 v10, v8  }
0x15a: {  	[tilespmem:s12+$0x68A0] =	vst v6;
	v6 =	vmul.f32 v7, v8;
	v7 =	vmul.f32 v11, v8  }
0x15b: {  	[tilespmem:s12+$0x68B0] =	vst v5  }
0x15c: {  	[tilespmem:s12+$0x6890] =	vst v3  }
0x15d: {  	[tilespmem:s12+$0x68F0] =	vst v7  }
0x15e: {  	v3 =	vld [tilespmem:s3+$0x6870];
	[tilespmem:s12+$0x68E0] =	vst v6  }
0x15f: {  	v5 =	vld [tilespmem:s3+$0x6820];
	[tilespmem:s12+$0x68D0] =	vst v4  }
0x160: {  	v4 =	vld [tilespmem:s3+$0x6850];
	[tilespmem:s12+$0x68C0] =	vst v2  }
0x161: {  	v2 =	vld [tilespmem:s24+$0xB000]  }
0x162: {  	v6 =	vld [tilespmem:s3+$0x6810];
	_ =	sdelay $0x3  }
0x163: {  	v7 =	vld [tilespmem:s3+$0x6800];
	v5 =	vmul.f32 v5, v2  }
0x164: {  	v9 =	vld [tilespmem:s3+$0x6840];
	v6 =	vmul.f32 v6, v2  }
0x165: {  	v8 =	vld [tilespmem:s3+$0x6860];
	v3 =	vmul.f32 v3, v2;
	[tilespmem:s3+$0x6820] =	vst v5  }
0x166: {  	v1 =	vmul.f32 v1, v2;
	[tilespmem:s3+$0x6810] =	vst v6  }
0x167: {  	v4 =	vmul.f32 v4, v2;
	[tilespmem:s3+$0x6870] =	vst v3  }
0x168: {  	v5 =	vmul.f32 v7, v2;
	[tilespmem:s3+$0x6830] =	vst v1  }
0x169: {  	v6 =	vmul.f32 v9, v2;
	[tilespmem:s3+$0x6850] =	vst v4  }
0x16a: {  	v2 =	vmul.f32 v8, v2;
	[tilespmem:s3+$0x6800] =	vst v5  }
0x16b: {  	[tilespmem:s3+$0x6840] =	vst v6  }
0x16c: {  	v5 =	vld [tilespmem:s3+$0x6880];
	[tilespmem:s3+$0x6860] =	vst v2  }
0x16d: {  	v2 =	vld [tilespmem:s24+$0xB010]  }
0x16e: {  	v3 =	vld [tilespmem:s3+$0x68A0]  }
0x16f: {  	v6 =	vld [tilespmem:s3+$0x68B0]  }
0x170: {  	v4 =	vld [tilespmem:s3+$0x6890]  }
0x171: {  	v7 =	vld [tilespmem:s3+$0x68F0]  }
0x172: {  	v1 =	vld [tilespmem:s3+$0x68E0];
	v5 =	vmul.f32 v5, v2  }
0x173: {  	v8 =	vld [tilespmem:s3+$0x68D0];
	v3 =	vmul.f32 v3, v2  }
0x174: {  	v61 =	vld [tilespmem:s3+$0x68C0];
	v6 =	vmul.f32 v6, v2;
	[tilespmem:s3+$0x6880] =	vst v5  }
0x175: {  	v4 =	vmul.f32 v4, v2;
	[tilespmem:s3+$0x68A0] =	vst v3  }
0x176: {  	v3 =	vmul.f32 v7, v2;
	[tilespmem:s3+$0x68B0] =	vst v6  }
0x177: {  	v1 =	vmul.f32 v1, v2;
	[tilespmem:s3+$0x6890] =	vst v4  }
0x178: {  	[tilespmem:s3+$0x68F0] =	vst v3;
	v3 =	vmul.f32 v8, v2  }
0x179: {  	[tilespmem:s3+$0x68E0] =	vst v1;
	v2 =	vmul.f32 v61, v2  }
0x17a: {  	[tilespmem:s3+$0x68D0] =	vst v3  }
0x17b: {  	s8 =	simm.s32 $0xBB00;
	[tilespmem:s3+$0x68C0] =	vst v2  }
0x17c: {  	[spmem:s2] =	stream.indirect.scatter.add.f32 [tilespmem:s17], [sflag:$0xB], $0x80, s8, s18, $0xb8;
	[tilespmem:$0x1FC00] =	vst v63  }
0x17d: {  	s12 =	sadd.s32 $0x5, s1;
	_ =	swait.ge [sflag:s19], $0x2000  }
0x17e: {  	s4 =	sshll.u32 s12, $0x6;
	[sflag:s19] =	ssyncset.done $0x0  }
0x17f: {  	s4 =	sand.u32 $0x7F00, s4;
	[sflag:s19] =	ssyncadd.s32 $0xFFFFE000  }
0x180: {  	v1 =	vld [tilespmem:s4+$0x40];
	_ =	sdelay $0x4  }
0x181: {  	v2 =	vand.u32 $0xFFFF, v1;
	v1 =	vshrl.u32 v1, $0x10  }
0x182: {  	v2 =	vadd.s32 v0, v2;
	[tilespmem:$0xBA80] =	vst v1  }
0x183: {  	[tilespmem:$0xB880] =	vst v2  }
0x184: {  	v1 =	vld [tilespmem:s4+$0x50];
	_ =	sdelay $0x4  }
0x185: {  	v2 =	vand.u32 $0xFFFF, v1;
	v1 =	vshrl.u32 v1, $0x10  }
0x186: {  	v2 =	vadd.s32 v0, v2;
	[tilespmem:$0xBA90] =	vst v1  }
0x187: {  	[tilespmem:$0xB890] =	vst v2  }
0x188: {  	v1 =	vld [tilespmem:s4+$0x60];
	_ =	sdelay $0x4  }
0x189: {  	v2 =	vand.u32 $0xFFFF, v1;
	v1 =	vshrl.u32 v1, $0x10  }
0x18a: {  	v2 =	vadd.s32 v0, v2;
	[tilespmem:$0xBAA0] =	vst v1  }
0x18b: {  	[tilespmem:$0xB8A0] =	vst v2  }
0x18c: {  	v1 =	vld [tilespmem:s4+$0x70];
	_ =	sdelay $0x4  }
0x18d: {  	v2 =	vand.u32 $0xFFFF, v1;
	v1 =	vshrl.u32 v1, $0x10  }
0x18e: {  	s3 =	sadd.s32 s9, s12;
	v2 =	vadd.s32 v0, v2;
	[tilespmem:$0xBAB0] =	vst v1  }
0x18f: {  	s23 =	simm.s32 $0xB880;
	s3 =	sshll.u32 s3, $0x7;
	[tilespmem:$0xB8B0] =	vst v2  }
0x190: {  	[tilespmem:s31], [sflag:$0x2] =	stream.indirect.gather [hbm4b:s7+s18], $0x80, s23, s18, $0xb8;
	[tilespmem:$0x1FC00] =	vst v63  }
0x191: {  	s5 =	simm.s32 $0xAC00;
	s24 =	simm.s32 $0x0;
	s3 =	sadd.s32 s6, s3  }
0x192: {  	[tilespmem:s5], [sflag:$0x6] =	stream.linear.gather [hbm4b:s3+s24], $0x400, $0x38;
	[tilespmem:$0x1FC00] =	vst v63  }
0x193: {  	_ =	swait.ge [sflag:s21], $0x2000  }
0x194: {  	[sflag:s21] =	ssyncset.done $0x0  }
0x195: {  	[sflag:s21] =	ssyncadd.s32 $0xFFFFE000  }
0x196: {  	_ =	swait.ge [sflag:s22], $0x400  }
0x197: {  	s29 =	sand.u32 $0xE00, s24;
	s12 =	simm.s32 $0x0;
	[sflag:s22] =	ssyncset.done $0x0  }
0x198: {  	s4 =	sand.u32 $0x60, s24;
	s3 =	sshrl.u32 s29, $0x2;
	[sflag:s22] =	ssyncadd.s32 $0xFFFFFC00  }
0x199: {  	s4 =	sor.u32 s4, s3;
	v2 =	vld [tilespmem:s12+$0x8820]  }
0x19a: {  	v3 =	vld [tilespmem:s4+$0xB400]  }
0x19b: {  	v4 =	vld [tilespmem:s12+$0x8810]  }
0x19c: {  	v1 =	vld [tilespmem:s12+$0x8830]  }
0x19d: {  	v6 =	vld [tilespmem:s12+$0x8850]  }
0x19e: {  	v5 =	vld [tilespmem:s12+$0x8870]  }
0x19f: {  	v7 =	vld [tilespmem:s12+$0x8800];
	v2 =	vmul.f32 v2, v3  }
0x1a0: {  	v62 =	vld [tilespmem:s12+$0x8840];
	v4 =	vmul.f32 v4, v3  }
0x1a1: {  	v8 =	vld [tilespmem:s12+$0x8860];
	v1 =	vmul.f32 v1, v3;
	[tilespmem:s12+$0x8820] =	vst v2  }
0x1a2: {  	v6 =	vmul.f32 v6, v3;
	[tilespmem:s12+$0x8810] =	vst v4  }
0x1a3: {  	v63 =	vld [tilespmem:s12+$0x88D0];
	v2 =	vmul.f32 v5, v3;
	[tilespmem:s12+$0x8830] =	vst v1  }
0x1a4: {  	v10 =	vld [tilespmem:s12+$0x88C0];
	v4 =	vmul.f32 v7, v3;
	[tilespmem:s12+$0x8850] =	vst v6  }
0x1a5: {  	v5 =	vmul.f32 v62, v3;
	v6 =	vld [tilespmem:s12+$0x8890];
	[tilespmem:s12+$0x8870] =	vst v2  }
0x1a6: {  	v3 =	vmul.f32 v8, v3;
	v2 =	vld [tilespmem:s12+$0x88A0];
	[tilespmem:s12+$0x8800] =	vst v4  }
0x1a7: {  	s3 =	simm.s32 $0x100;
	v4 =	vld [tilespmem:s12+$0x8880];
	[tilespmem:s12+$0x8840] =	vst v5  }
0x1a8: {  	v1 =	vld [tilespmem:s3+$0x8830];
	[tilespmem:s12+$0x8860] =	vst v3  }
0x1a9: {  	v8 =	vld [tilespmem:s4+$0xB410]  }
0x1aa: {  	v5 =	vld [tilespmem:s12+$0x88B0]  }
0x1ab: {  	v11 =	vld [tilespmem:s12+$0x88F0]  }
0x1ac: {  	v7 =	vld [tilespmem:s12+$0x88E0];
	_ =	sdelay $0x1  }
0x1ad: {  	s4 =	simm.s32 $0x80;
	v4 =	vmul.f32 v4, v8;
	v3 =	vmul.f32 v6, v8  }
0x1ae: {  	s5 =	simm.s32 $0x20;
	s8 =	sand.u32 $0xE00, s4;
	v6 =	vmul.f32 v2, v8;
	v5 =	vmul.f32 v5, v8  }
0x1af: {  	s23 =	sand.u32 $0x60, s5;
	s31 =	sshrl.u32 s8, $0x2;
	v2 =	vmul.f32 v10, v8;
	[tilespmem:s12+$0x8880] =	vst v4;
	v4 =	vmul.f32 v63, v8  }
0x1b0: {  	s8 =	simm.s32 $0x800;
	s24 =	sor.u32 s23, s31;
	[tilespmem:s12+$0x88A0] =	vst v6;
	v6 =	vmul.f32 v7, v8;
	v7 =	vmul.f32 v11, v8  }
.LBB2_14:
0x1b1: {  	p0 =	sne.s32 s8, $0x7C00;
	s5 =	sadd.s32 $0x20, s5;
	s4 =	sadd.s32 $0x80, s4;
	[tilespmem:s12+$0x88B0] =	vst v5  }
0x1b2: {  	s23 =	smov.u32 s8;
	s8 =	sadd.s32 $0x400, s8;
	[tilespmem:s12+$0x88F0] =	vst v7  }
0x1b3: {  	[tilespmem:s12+$0x8890] =	vst v3  }
0x1b4: {  	v3 =	vld [tilespmem:s3+$0x8870];
	[tilespmem:s12+$0x88E0] =	vst v6  }
0x1b5: {  	v5 =	vld [tilespmem:s3+$0x8820];
	[tilespmem:s12+$0x88D0] =	vst v4  }
0x1b6: {  	v4 =	vld [tilespmem:s3+$0x8850];
	[tilespmem:s12+$0x88C0] =	vst v2;
	s12 =	smov.u32 s3  }
0x1b7: {  	v2 =	vld [tilespmem:s24+$0xB400]  }
0x1b8: {  	v6 =	vld [tilespmem:s12+$0x8810]  }
0x1b9: {  	v7 =	vld [tilespmem:s12+$0x8800]  }
0x1ba: {  	v8 =	vld [tilespmem:s12+$0x8860]  }
0x1bb: {  	v9 =	vld [tilespmem:s12+$0x8840]  }
0x1bc: {  	v5 =	vmul.f32 v5, v2;
	v4 =	vmul.f32 v4, v2  }
0x1bd: {  	s3 =	sand.u32 $0xE00, s4;
	v1 =	vmul.f32 v1, v2;
	v6 =	vmul.f32 v6, v2  }
0x1be: {  	s29 =	sand.u32 $0x60, s5;
	s3 =	sshrl.u32 s3, $0x2;
	v3 =	vmul.f32 v3, v2;
	v7 =	vmul.f32 v7, v2;
	[tilespmem:s12+$0x8820] =	vst v5  }
0x1bf: {  	s29 =	sor.u32 s29, s3;
	[tilespmem:s12+$0x8810] =	vst v6;
	v5 =	vmul.f32 v8, v2  }
0x1c0: {  	v2 =	vmul.f32 v9, v2;
	[tilespmem:s12+$0x8870] =	vst v3;
	v6 =	vld [tilespmem:s12+$0x88A0]  }
0x1c1: {  	s3 =	sshra.s32 s23, $0x2;
	[tilespmem:s12+$0x8800] =	vst v7;
	v3 =	vld [tilespmem:s12+$0x8880]  }
0x1c2: {  	[tilespmem:s12+$0x8840] =	vst v2;
	v2 =	vld [tilespmem:s12+$0x88B0]  }
0x1c3: {  	[tilespmem:s12+$0x8830] =	vst v1;
	v7 =	vld [tilespmem:s12+$0x88E0]  }
0x1c4: {  	[tilespmem:s12+$0x8850] =	vst v4;
	v4 =	vld [tilespmem:s12+$0x8890]  }
0x1c5: {  	v1 =	vld [tilespmem:s3+$0x8830];
	[tilespmem:s12+$0x8860] =	vst v5  }
0x1c6: {  	v8 =	vld [tilespmem:s24+$0xB410];
	s24 =	smov.u32 s29  }
0x1c7: {  	v9 =	vld [tilespmem:s12+$0x88D0]  }
0x1c8: {  	v10 =	vld [tilespmem:s12+$0x88C0]  }
0x1c9: {  	v11 =	vld [tilespmem:s12+$0x88F0]  }
.Ltmp5:
0x1ca: {  	(pc) =	sbr.rel @p0 .LBB2_14-.Ltmp5, $4  }
0x1cb: {  	v12 =	vmul.f32 v3, v8;
	v3 =	vmul.f32 v4, v8  }
0x1cc: {  	v6 =	vmul.f32 v6, v8;
	v5 =	vmul.f32 v2, v8  }
0x1cd: {  	v4 =	vmul.f32 v9, v8;
	[tilespmem:s12+$0x8880] =	vst v12;
	v2 =	vmul.f32 v10, v8  }
0x1ce: {  	[tilespmem:s12+$0x88A0] =	vst v6;
	v6 =	vmul.f32 v7, v8;
	v7 =	vmul.f32 v11, v8  }
0x1cf: {  	[tilespmem:s12+$0x88B0] =	vst v5  }
0x1d0: {  	[tilespmem:s12+$0x8890] =	vst v3  }
0x1d1: {  	[tilespmem:s12+$0x88F0] =	vst v7  }
0x1d2: {  	v3 =	vld [tilespmem:s3+$0x8870];
	[tilespmem:s12+$0x88E0] =	vst v6  }
0x1d3: {  	v5 =	vld [tilespmem:s3+$0x8820];
	[tilespmem:s12+$0x88D0] =	vst v4  }
0x1d4: {  	v4 =	vld [tilespmem:s3+$0x8850];
	[tilespmem:s12+$0x88C0] =	vst v2  }
0x1d5: {  	v2 =	vld [tilespmem:s24+$0xB400]  }
0x1d6: {  	v6 =	vld [tilespmem:s3+$0x8810];
	_ =	sdelay $0x3  }
0x1d7: {  	v7 =	vld [tilespmem:s3+$0x8800];
	v5 =	vmul.f32 v5, v2  }
0x1d8: {  	v9 =	vld [tilespmem:s3+$0x8840];
	v6 =	vmul.f32 v6, v2  }
0x1d9: {  	v8 =	vld [tilespmem:s3+$0x8860];
	v3 =	vmul.f32 v3, v2;
	[tilespmem:s3+$0x8820] =	vst v5  }
0x1da: {  	v1 =	vmul.f32 v1, v2;
	[tilespmem:s3+$0x8810] =	vst v6  }
0x1db: {  	v4 =	vmul.f32 v4, v2;
	[tilespmem:s3+$0x8870] =	vst v3  }
0x1dc: {  	v5 =	vmul.f32 v7, v2;
	[tilespmem:s3+$0x8830] =	vst v1  }
0x1dd: {  	v6 =	vmul.f32 v9, v2;
	[tilespmem:s3+$0x8850] =	vst v4  }
0x1de: {  	v2 =	vmul.f32 v8, v2;
	[tilespmem:s3+$0x8800] =	vst v5  }
0x1df: {  	[tilespmem:s3+$0x8840] =	vst v6  }
0x1e0: {  	v5 =	vld [tilespmem:s3+$0x8880];
	[tilespmem:s3+$0x8860] =	vst v2  }
0x1e1: {  	v2 =	vld [tilespmem:s24+$0xB410]  }
0x1e2: {  	v3 =	vld [tilespmem:s3+$0x88A0]  }
0x1e3: {  	v6 =	vld [tilespmem:s3+$0x88B0]  }
0x1e4: {  	v4 =	vld [tilespmem:s3+$0x8890]  }
0x1e5: {  	v7 =	vld [tilespmem:s3+$0x88F0]  }
0x1e6: {  	v1 =	vld [tilespmem:s3+$0x88E0];
	v5 =	vmul.f32 v5, v2  }
0x1e7: {  	v60 =	vld [tilespmem:s3+$0x88D0];
	v3 =	vmul.f32 v3, v2  }
0x1e8: {  	v61 =	vld [tilespmem:s3+$0x88C0];
	v6 =	vmul.f32 v6, v2;
	[tilespmem:s3+$0x8880] =	vst v5  }
0x1e9: {  	v4 =	vmul.f32 v4, v2;
	[tilespmem:s3+$0x88A0] =	vst v3  }
0x1ea: {  	v3 =	vmul.f32 v7, v2;
	[tilespmem:s3+$0x88B0] =	vst v6  }
0x1eb: {  	v1 =	vmul.f32 v1, v2;
	[tilespmem:s3+$0x8890] =	vst v4  }
0x1ec: {  	[tilespmem:s3+$0x88F0] =	vst v3;
	v3 =	vmul.f32 v60, v2  }
0x1ed: {  	[tilespmem:s3+$0x88E0] =	vst v1;
	v2 =	vmul.f32 v61, v2  }
0x1ee: {  	[tilespmem:s3+$0x88D0] =	vst v3  }
0x1ef: {  	s29 =	simm.s32 $0x8800;
	s4 =	simm.s32 $0xBB80;
	[tilespmem:s3+$0x88C0] =	vst v2  }
0x1f0: {  	[spmem:s2] =	stream.indirect.scatter.add.f32 [tilespmem:s29], [sflag:$0xC], $0x80, s4, s18, $0xb8;
	[tilespmem:$0x1FC00] =	vst v63  }
0x1f1: {  	s31 =	sadd.s32 $0x6, s1;
	_ =	swait.ge [sflag:s25], $0x2000  }
0x1f2: {  	s5 =	sshll.u32 s31, $0x6;
	[sflag:s25] =	ssyncset.done $0x0  }
0x1f3: {  	s4 =	sand.u32 $0x3FFFFFC0, s5;
	[sflag:s25] =	ssyncadd.s32 $0xFFFFE000  }
0x1f4: {  	v1 =	vld [tilespmem:s4+$0x0];
	_ =	sdelay $0x4  }
0x1f5: {  	v2 =	vand.u32 $0xFFFF, v1;
	v1 =	vshrl.u32 v1, $0x10  }
0x1f6: {  	v2 =	vadd.s32 v0, v2;
	[tilespmem:$0xBB00] =	vst v1  }
0x1f7: {  	[tilespmem:$0xB900] =	vst v2  }
0x1f8: {  	v1 =	vld [tilespmem:s4+$0x10];
	_ =	sdelay $0x4  }
0x1f9: {  	v2 =	vand.u32 $0xFFFF, v1;
	v1 =	vshrl.u32 v1, $0x10  }
0x1fa: {  	v2 =	vadd.s32 v0, v2;
	[tilespmem:$0xBB10] =	vst v1  }
0x1fb: {  	[tilespmem:$0xB910] =	vst v2  }
0x1fc: {  	v1 =	vld [tilespmem:s4+$0x20];
	_ =	sdelay $0x4  }
0x1fd: {  	v2 =	vand.u32 $0xFFFF, v1;
	v1 =	vshrl.u32 v1, $0x10  }
0x1fe: {  	v2 =	vadd.s32 v0, v2;
	[tilespmem:$0xBB20] =	vst v1  }
0x1ff: {  	[tilespmem:$0xB920] =	vst v2  }
0x200: {  	v1 =	vld [tilespmem:s4+$0x30];
	_ =	sdelay $0x4  }
0x201: {  	v2 =	vand.u32 $0xFFFF, v1;
	v1 =	vshrl.u32 v1, $0x10  }
0x202: {  	s3 =	sadd.s32 s9, s31;
	v2 =	vadd.s32 v0, v2;
	[tilespmem:$0xBB30] =	vst v1  }
0x203: {  	s8 =	simm.s32 $0xB900;
	s23 =	simm.s32 $0x1;
	s3 =	sshll.u32 s3, $0x7;
	[tilespmem:$0xB930] =	vst v2  }
0x204: {  	[tilespmem:s17], [sflag:$0x3] =	stream.indirect.gather [hbm4b:s7+s18], $0x80, s8, s18, $0xb8;
	[tilespmem:$0x1FC00] =	vst v63  }
0x205: {  	s5 =	simm.s32 $0xB000;
	s12 =	sadd.s32 s6, s3;
	s3 =	simm.s32 $0x0  }
0x206: {  	[tilespmem:s5], [sflag:$0x7] =	stream.linear.gather [hbm4b:s12+s3], $0x400, $0x38;
	[tilespmem:$0x1FC00] =	vst v63  }
0x207: {  	_ =	swait.ge [sflag:s23], $0x2000  }
0x208: {  	[sflag:s23] =	ssyncset.done $0x0  }
0x209: {  	[sflag:s23] =	ssyncadd.s32 $0xFFFFE000  }
0x20a: {  	s29 =	simm.s32 $0x0;
	s24 =	sand.u32 $0xE00, s3;
	_ =	swait.ge [sflag:s0], $0x400  }
0x20b: {  	s4 =	sshrl.u32 s24, $0x2;
	s8 =	sand.u32 $0x60, s29;
	[sflag:s0] =	ssyncset.done $0x0  }
0x20c: {  	s12 =	simm.s32 $0x2880;
	s5 =	sor.u32 $0xA800, s4;
	[sflag:s0] =	ssyncadd.s32 $0xFFFFFC00  }
0x20d: {  	s4 =	sor.u32 s8, s5;
	v1 =	vld [tilespmem:s12+$0xFFFFFF80]  }
0x20e: {  	v3 =	vld [tilespmem:s4+$0x0]  }
0x20f: {  	v2 =	vld [tilespmem:s12+$0xFFFFFFA0]  }
0x210: {  	v4 =	vld [tilespmem:s12+$0xFFFFFFB0]  }
0x211: {  	v5 =	vld [tilespmem:s12+$0xFFFFFFF0]  }
0x212: {  	v6 =	vld [tilespmem:s12+$0xFFFFFFD0]  }
0x213: {  	v7 =	vld [tilespmem:s12+$0xFFFFFF90];
	v1 =	vmul.f32 v1, v3  }
0x214: {  	v62 =	vld [tilespmem:s12+$0xFFFFFFC0];
	v2 =	vmul.f32 v2, v3  }
0x215: {  	v63 =	vld [tilespmem:s12+$0xFFFFFFE0];
	[tilespmem:s12+$0xFFFFFF80] =	vst v1;
	v1 =	vmul.f32 v4, v3  }
0x216: {  	[tilespmem:s12+$0xFFFFFFA0] =	vst v2;
	v2 =	vmul.f32 v5, v3  }
0x217: {  	v4 =	vmul.f32 v6, v3;
	[tilespmem:s12+$0xFFFFFFB0] =	vst v1  }
0x218: {  	v6 =	vmul.f32 v7, v3;
	[tilespmem:s12+$0xFFFFFFF0] =	vst v2;
	v1 =	vld [tilespmem:s12+$0x60]  }
0x219: {  	s31 =	simm.s32 $0x10;
	[tilespmem:s12+$0xFFFFFFD0] =	vst v4;
	v2 =	vld [tilespmem:s12+$0x50]  }
0x21a: {  	s24 =	simm.s32 $0x30;
	s8 =	simm.s32 $0x2980;
	s4 =	sand.u32 $0x70, s31;
	v5 =	vmul.f32 v63, v3;
	v4 =	vmul.f32 v62, v3;
	[tilespmem:s12+$0xFFFFFF90] =	vst v6;
	v3 =	vld [tilespmem:s12+$0x30]  }
.LBB2_16:
0x21b: {  	s29 =	sand.u32 $0x70, s24  }
0x21c: {  	[tilespmem:s12+$0xFFFFFFE0] =	vst v5;
	v5 =	vld [tilespmem:s12+$0x0];
	s3 =	sadd.s32 $0x80, s3;
	s31 =	smov.u32 s24;
	s23 =	sadd.s32 $0x20, s24  }
0x21d: {  	p0 =	sne.s32 s24, $0x3F0;
	s5 =	sor.u32 s4, s5;
	[tilespmem:s12+$0xFFFFFFC0] =	vst v4;
	v4 =	vld [tilespmem:s12+$0x10];
	s4 =	smov.u32 s29  }
0x21e: {  	v6 =	vld [tilespmem:s5+$0x0]  }
0x21f: {  	v7 =	vld [tilespmem:s12+$0x20]  }
0x220: {  	v8 =	vld [tilespmem:s12+$0x40]  }
0x221: {  	v9 =	vld [tilespmem:s12+$0x70];
	_ =	sdelay $0x1  }
0x222: {  	v5 =	vmul.f32 v5, v6;
	v4 =	vmul.f32 v4, v6  }
0x223: {  	v3 =	vmul.f32 v3, v6;
	v7 =	vmul.f32 v7, v6  }
0x224: {  	v2 =	vmul.f32 v2, v6;
	[tilespmem:s12+$0x0] =	vst v5;
	v5 =	vmul.f32 v8, v6  }
0x225: {  	v1 =	vmul.f32 v1, v6;
	[tilespmem:s12+$0x30] =	vst v3;
	v3 =	vmul.f32 v9, v6  }
0x226: {  	s5 =	sand.u32 $0xE00, s3;
	[tilespmem:s12+$0x40] =	vst v5  }
0x227: {  	s24 =	sadd.s32 $0xFFFFFFF0, s31;
	s5 =	sshrl.u32 s5, $0x2;
	[tilespmem:s12+$0x50] =	vst v2  }
0x228: {  	s24 =	sand.u32 $0x60, s24;
	s5 =	sor.u32 $0xA800, s5;
	v2 =	vld [tilespmem:s8+$0xFFFFFFD0];
	[tilespmem:s12+$0x20] =	vst v7  }
0x229: {  	s24 =	sor.u32 s24, s5;
	v5 =	vld [tilespmem:s8+$0xFFFFFFA0];
	[tilespmem:s12+$0x60] =	vst v1  }
0x22a: {  	v1 =	vld [tilespmem:s8+$0xFFFFFF90];
	[tilespmem:s12+$0x10] =	vst v4  }
0x22b: {  	v4 =	vld [tilespmem:s8+$0xFFFFFF80];
	[tilespmem:s12+$0x70] =	vst v3;
	s12 =	smov.u32 s8  }
0x22c: {  	v3 =	vld [tilespmem:s24+$0x0]  }
0x22d: {  	v6 =	vld [tilespmem:s8+$0xFFFFFFC0]  }
0x22e: {  	v7 =	vld [tilespmem:s8+$0xFFFFFFB0]  }
0x22f: {  	v8 =	vld [tilespmem:s8+$0xFFFFFFF0]  }
0x230: {  	v9 =	vld [tilespmem:s8+$0xFFFFFFE0]  }
0x231: {  	v10 =	vmul.f32 v4, v3;
	v11 =	vmul.f32 v1, v3  }
0x232: {  	v1 =	vmul.f32 v5, v3;
	v4 =	vmul.f32 v6, v3  }
0x233: {  	v2 =	vmul.f32 v2, v3;
	[tilespmem:s8+$0xFFFFFF80] =	vst v10;
	v5 =	vmul.f32 v7, v3  }
.Ltmp6:
0x234: {  	[tilespmem:s8+$0xFFFFFFA0] =	vst v1;
	v1 =	vmul.f32 v8, v3;
	(pc) =	sbr.rel @p0 .LBB2_16-.Ltmp6, $4  }
0x235: {  	[tilespmem:s8+$0xFFFFFFB0] =	vst v5;
	v5 =	vmul.f32 v9, v3  }
0x236: {  	[tilespmem:s8+$0xFFFFFFF0] =	vst v1;
	v1 =	vld [tilespmem:s8+$0x60]  }
0x237: {  	[tilespmem:s8+$0xFFFFFFD0] =	vst v2;
	v2 =	vld [tilespmem:s8+$0x50]  }
0x238: {  	s24 =	smov.u32 s23;
	s8 =	sadd.s32 $0x100, s8;
	[tilespmem:s12+$0xFFFFFF90] =	vst v11;
	v3 =	vld [tilespmem:s12+$0x30]  }
0x239: {  	[tilespmem:s12+$0xFFFFFFE0] =	vst v5  }
0x23a: {  	v5 =	vld [tilespmem:s12+$0x0];
	[tilespmem:s12+$0xFFFFFFC0] =	vst v4;
	s3 =	sor.u32 s4, s5  }
0x23b: {  	v4 =	vld [tilespmem:s3+$0x0];
	_ =	sdelay $0x3  }
0x23c: {  	v6 =	vld [tilespmem:s12+$0x40]  }
0x23d: {  	v7 =	vld [tilespmem:s12+$0x20];
	v5 =	vmul.f32 v5, v4  }
0x23e: {  	v8 =	vld [tilespmem:s12+$0x10];
	v3 =	vmul.f32 v3, v4  }
0x23f: {  	v9 =	vld [tilespmem:s12+$0x70];
	v2 =	vmul.f32 v2, v4;
	[tilespmem:s12+$0x0] =	vst v5  }
0x240: {  	v1 =	vmul.f32 v1, v4;
	[tilespmem:s12+$0x30] =	vst v3  }
0x241: {  	v5 =	vmul.f32 v6, v4;
	[tilespmem:s12+$0x50] =	vst v2  }
0x242: {  	v3 =	vmul.f32 v7, v4;
	[tilespmem:s12+$0x60] =	vst v1  }
0x243: {  	v2 =	vmul.f32 v8, v4;
	[tilespmem:s12+$0x40] =	vst v5  }
0x244: {  	[tilespmem:s12+$0x20] =	vst v3;
	v3 =	vmul.f32 v9, v4  }
0x245: {  	[tilespmem:s12+$0x10] =	vst v2  }
0x246: {  	s5 =	simm.s32 $0xBA00;
	[tilespmem:s12+$0x70] =	vst v3  }
0x247: {  	[spmem:s2] =	stream.indirect.scatter.add.f32 [tilespmem:s20], [sflag:$0x9], $0x80, s5, s18, $0xb8;
	[tilespmem:$0x1FC00] =	vst v63  }
0x248: {  	s1 =	sadd.s32 $0x7, s1;
	_ =	swait.ge [sflag:s26], $0x2000  }
0x249: {  	s8 =	sshll.u32 s1, $0x6;
	[sflag:s26] =	ssyncset.done $0x0  }
0x24a: {  	s3 =	sand.u32 $0x7F80, s8;
	[sflag:s26] =	ssyncadd.s32 $0xFFFFE000  }
0x24b: {  	v1 =	vld [tilespmem:s3+$0x40];
	_ =	sdelay $0x4  }
0x24c: {  	v2 =	vand.u32 $0xFFFF, v1;
	v1 =	vshrl.u32 v1, $0x10  }
0x24d: {  	v2 =	vadd.s32 v0, v2;
	[tilespmem:$0xBB80] =	vst v1  }
0x24e: {  	[tilespmem:$0xB980] =	vst v2  }
0x24f: {  	v1 =	vld [tilespmem:s3+$0x50];
	_ =	sdelay $0x4  }
0x250: {  	v2 =	vand.u32 $0xFFFF, v1;
	v1 =	vshrl.u32 v1, $0x10  }
0x251: {  	v2 =	vadd.s32 v0, v2;
	[tilespmem:$0xBB90] =	vst v1  }
0x252: {  	[tilespmem:$0xB990] =	vst v2  }
0x253: {  	v1 =	vld [tilespmem:s3+$0x60];
	_ =	sdelay $0x4  }
0x254: {  	v2 =	vand.u32 $0xFFFF, v1;
	v1 =	vshrl.u32 v1, $0x10  }
0x255: {  	v2 =	vadd.s32 v0, v2;
	[tilespmem:$0xBBA0] =	vst v1  }
0x256: {  	[tilespmem:$0xB9A0] =	vst v2  }
0x257: {  	v1 =	vld [tilespmem:s3+$0x70];
	_ =	sdelay $0x4  }
0x258: {  	v2 =	vand.u32 $0xFFFF, v1;
	v1 =	vshrl.u32 v1, $0x10  }
0x259: {  	s1 =	sadd.s32 s9, s1;
	v2 =	vadd.s32 v0, v2;
	[tilespmem:$0xBBB0] =	vst v1  }
0x25a: {  	s23 =	simm.s32 $0x8800;
	s1 =	sshll.u32 s1, $0x7;
	s12 =	simm.s32 $0xB980;
	[tilespmem:$0xB9B0] =	vst v2  }
0x25b: {  	[tilespmem:s23], [sflag:$0x4] =	stream.indirect.gather [hbm4b:s7+s18], $0x80, s12, s18, $0xb8;
	[tilespmem:$0x1FC00] =	vst v63  }
0x25c: {  	s24 =	simm.s32 $0xB400;
	s1 =	sadd.s32 s6, s1;
	s3 =	simm.s32 $0x0  }
0x25d: {  	[tilespmem:s24], [sflag:$0x8] =	stream.linear.gather [hbm4b:s1+s3], $0x400, $0x38;
	[tilespmem:$0x1FC00] =	vst v63  }
0x25e: {  	_ =	swait.ge [sflag:s11], $0x2000  }
0x25f: {  	[sflag:s11] =	ssyncset.done $0x0  }
0x260: {  	[sflag:s11] =	ssyncadd.s32 $0xFFFFE000  }
0x261: {  	_ =	swait.ge [sflag:s15], $0x400  }
0x262: {  	[sflag:s15] =	ssyncset.done $0x0  }
0x263: {  	s1 =	simm.s32 $0x48F0;
	[sflag:s15] =	ssyncadd.s32 $0xFFFFFC00  }
0x264: {  	v2 =	vld [tilespmem:s1+$0xFFFFFF50]  }
0x265: {  	s29 =	sand.u32 $0xE00, s3;
	v3 =	vld [tilespmem:s1+$0xFFFFFF20]  }
0x266: {  	s31 =	sand.u32 $0x60, s3;
	s4 =	sshrl.u32 s29, $0x2;
	v1 =	vld [tilespmem:s1+$0xFFFFFF40]  }
0x267: {  	s5 =	sor.u32 s31, s4;
	v4 =	vld [tilespmem:s1+$0xFFFFFF70]  }
0x268: {  	v6 =	vld [tilespmem:s5+$0xAC00]  }
0x269: {  	v5 =	vld [tilespmem:s1+$0xFFFFFF10]  }
0x26a: {  	v7 =	vld [tilespmem:s1+$0xFFFFFF30]  }
0x26b: {  	v62 =	vld [tilespmem:s1+$0xFFFFFF60]  }
0x26c: {  	v63 =	vld [tilespmem:s1+$0xFFFFFF80]  }
0x26d: {  	v4 =	vmul.f32 v4, v6  }
0x26e: {  	v10 =	vmul.f32 v1, v6  }
0x26f: {  	v1 =	vmul.f32 v5, v6;
	v11 =	vmul.f32 v2, v6;
	[tilespmem:s1+$0xFFFFFF70] =	vst v4  }
0x270: {  	v5 =	vmul.f32 v3, v6;
	v3 =	vmul.f32 v7, v6;
	[tilespmem:s1+$0xFFFFFF40] =	vst v10  }
0x271: {  	s8 =	simm.s32 $0x48F0;
	s4 =	simm.s32 $0x80;
	v2 =	vmul.f32 v62, v6;
	v4 =	vmul.f32 v63, v6;
	[tilespmem:s1+$0xFFFFFF50] =	vst v11  }
.LBB2_18:
0x272: {  	p0 =	sne.s32 s4, $0xF80;
	[tilespmem:s1+$0xFFFFFF20] =	vst v5;
	v5 =	vld [tilespmem:s1+$0xFFFFFFF0];
	s3 =	sadd.s32 $0x20, s3;
	s8 =	sadd.s32 $0x100, s8  }
0x273: {  	s12 =	smov.u32 s4;
	s4 =	sadd.s32 $0x80, s4;
	[tilespmem:s1+$0xFFFFFF10] =	vst v1;
	v1 =	vld [tilespmem:s1+$0x0]  }
0x274: {  	[tilespmem:s1+$0xFFFFFF30] =	vst v3;
	v3 =	vld [tilespmem:s1+$0xFFFFFFD0]  }
0x275: {  	[tilespmem:s1+$0xFFFFFF80] =	vst v4;
	v4 =	vld [tilespmem:s1+$0xFFFFFFE0]  }
0x276: {  	[tilespmem:s1+$0xFFFFFF60] =	vst v2;
	v2 =	vld [tilespmem:s1+$0xFFFFFF90]  }
0x277: {  	v6 =	vld [tilespmem:s5+$0xAC10]  }
0x278: {  	v7 =	vld [tilespmem:s1+$0xFFFFFFB0]  }
0x279: {  	v8 =	vld [tilespmem:s1+$0xFFFFFFA0]  }
0x27a: {  	v9 =	vld [tilespmem:s1+$0xFFFFFFC0];
	_ =	sdelay $0x1  }
0x27b: {  	v2 =	vmul.f32 v2, v6;
	v1 =	vmul.f32 v1, v6  }
0x27c: {  	v4 =	vmul.f32 v4, v6;
	v7 =	vmul.f32 v7, v6  }
0x27d: {  	s5 =	sand.u32 $0xE00, s12;
	v3 =	vmul.f32 v3, v6;
	v8 =	vmul.f32 v8, v6;
	[tilespmem:s1+$0x0] =	vst v1  }
0x27e: {  	s12 =	sand.u32 $0x60, s3;
	s5 =	sshrl.u32 s5, $0x2;
	[tilespmem:s1+$0xFFFFFF90] =	vst v2;
	v1 =	vmul.f32 v9, v6;
	v2 =	vmul.f32 v5, v6  }
0x27f: {  	s5 =	sor.u32 s12, s5;
	[tilespmem:s1+$0xFFFFFFE0] =	vst v4  }
0x280: {  	v4 =	vld [tilespmem:s8+$0xFFFFFF50];
	[tilespmem:s1+$0xFFFFFFD0] =	vst v3  }
0x281: {  	v3 =	vld [tilespmem:s8+$0xFFFFFF20];
	[tilespmem:s1+$0xFFFFFFF0] =	vst v2  }
0x282: {  	v2 =	vld [tilespmem:s8+$0xFFFFFF40];
	[tilespmem:s1+$0xFFFFFFB0] =	vst v7  }
0x283: {  	v5 =	vld [tilespmem:s8+$0xFFFFFF70];
	[tilespmem:s1+$0xFFFFFFC0] =	vst v1  }
0x284: {  	v1 =	vld [tilespmem:s8+$0xFFFFFF10];
	[tilespmem:s1+$0xFFFFFFA0] =	vst v8;
	s1 =	smov.u32 s8  }
0x285: {  	v6 =	vld [tilespmem:s5+$0xAC00]  }
0x286: {  	v7 =	vld [tilespmem:s8+$0xFFFFFF30]  }
0x287: {  	v8 =	vld [tilespmem:s8+$0xFFFFFF60]  }
0x288: {  	v9 =	vld [tilespmem:s8+$0xFFFFFF80];
	_ =	sdelay $0x1  }
.Ltmp7:
0x289: {  	v1 =	vmul.f32 v1, v6;
	v10 =	vmul.f32 v5, v6;
	(pc) =	sbr.rel @p0 .LBB2_18-.Ltmp7, $4  }
0x28a: {  	v5 =	vmul.f32 v3, v6;
	v2 =	vmul.f32 v2, v6  }
0x28b: {  	v3 =	vmul.f32 v7, v6;
	v7 =	vmul.f32 v4, v6;
	[tilespmem:s8+$0xFFFFFF70] =	vst v10  }
0x28c: {  	[tilespmem:s8+$0xFFFFFF40] =	vst v2;
	v2 =	vmul.f32 v8, v6;
	v4 =	vmul.f32 v9, v6  }
0x28d: {  	[tilespmem:s8+$0xFFFFFF50] =	vst v7  }
0x28e: {  	[tilespmem:s1+$0xFFFFFF20] =	vst v5  }
0x28f: {  	[tilespmem:s1+$0xFFFFFF10] =	vst v1  }
0x290: {  	[tilespmem:s1+$0xFFFFFF30] =	vst v3  }
0x291: {  	[tilespmem:s1+$0xFFFFFF80] =	vst v4  }
0x292: {  	v1 =	vld [tilespmem:s1+$0x0];
	[tilespmem:s1+$0xFFFFFF60] =	vst v2  }
0x293: {  	v2 =	vld [tilespmem:s5+$0xAC10]  }
0x294: {  	v3 =	vld [tilespmem:s1+$0xFFFFFF90]  }
0x295: {  	v61 =	vld [tilespmem:s1+$0xFFFFFFE0]  }
0x296: {  	v7 =	vld [tilespmem:s1+$0xFFFFFFB0]  }
0x297: {  	v62 =	vld [tilespmem:s1+$0xFFFFFFD0]  }
0x298: {  	v6 =	vld [tilespmem:s1+$0xFFFFFFF0];
	v1 =	vmul.f32 v1, v2  }
0x299: {  	v8 =	vld [tilespmem:s1+$0xFFFFFFC0];
	v3 =	vmul.f32 v3, v2  }
0x29a: {  	v9 =	vld [tilespmem:s1+$0xFFFFFFA0];
	v4 =	vmul.f32 v61, v2;
	[tilespmem:s1+$0x0] =	vst v1  }
0x29b: {  	v63 =	vmul.f32 v7, v2;
	[tilespmem:s1+$0xFFFFFF90] =	vst v3  }
0x29c: {  	s30 =	sadd.s32 $0x1, s30;
	v1 =	vmul.f32 v62, v2;
	[tilespmem:s1+$0xFFFFFFE0] =	vst v4  }
0x29d: {  	p0 =	sne.s32 s30, $0x27;
	v3 =	vmul.f32 v6, v2;
	[tilespmem:s1+$0xFFFFFFB0] =	vst v63  }
.Ltmp8:
0x29e: {  	[tilespmem:s1+$0xFFFFFFD0] =	vst v1;
	v1 =	vmul.f32 v8, v2;
	(pc) =	sbr.rel @p0 .LBB2_11-.Ltmp8, $4  }
0x29f: {  	[tilespmem:s1+$0xFFFFFFF0] =	vst v3;
	v2 =	vmul.f32 v9, v2  }
0x2a0: {  	[tilespmem:s1+$0xFFFFFFC0] =	vst v1  }
0x2a1: {  	s31 =	simm.s32 $0x4800;
	s29 =	simm.s32 $0xBA80;
	[tilespmem:s1+$0xFFFFFFA0] =	vst v2  }
0x2a2: {  	[spmem:s2] =	stream.indirect.scatter.add.f32 [tilespmem:s31], [sflag:$0xA], $0x80, s29, s18, $0xb8;
	[tilespmem:$0x1FC00] =	vst v63  }
0x2a3: {  	_ =	swait.ge [sflag:s14], $0x2000  }
0x2a4: {  	[sflag:s14] =	ssyncset.done $0x0  }
0x2a5: {  	[sflag:s14] =	ssyncadd.s32 $0xFFFFE000  }
0x2a6: {  	s3 =	simm.s32 $0x0;
	_ =	swait.ge [sflag:s10], $0x400  }
0x2a7: {  	s1 =	simm.s32 $0x0;
	s4 =	sand.u32 $0xE00, s3;
	[sflag:s10] =	ssyncset.done $0x0  }
0x2a8: {  	s3 =	sand.u32 $0x60, s3;
	s4 =	sshrl.u32 s4, $0x2;
	[sflag:s10] =	ssyncadd.s32 $0xFFFFFC00  }
0x2a9: {  	s4 =	sor.u32 s3, s4;
	v2 =	vld [tilespmem:s1+$0x6820]  }
0x2aa: {  	v3 =	vld [tilespmem:s4+$0xB000]  }
0x2ab: {  	v4 =	vld [tilespmem:s1+$0x6810]  }
0x2ac: {  	v1 =	vld [tilespmem:s1+$0x6830]  }
0x2ad: {  	v6 =	vld [tilespmem:s1+$0x6850]  }
0x2ae: {  	v5 =	vld [tilespmem:s1+$0x6870]  }
0x2af: {  	v7 =	vld [tilespmem:s1+$0x6800];
	v2 =	vmul.f32 v2, v3  }
0x2b0: {  	v9 =	vld [tilespmem:s1+$0x6840];
	v4 =	vmul.f32 v4, v3  }
0x2b1: {  	v8 =	vld [tilespmem:s1+$0x6860];
	v1 =	vmul.f32 v1, v3;
	[tilespmem:s1+$0x6820] =	vst v2  }
0x2b2: {  	v6 =	vmul.f32 v6, v3;
	[tilespmem:s1+$0x6810] =	vst v4  }
0x2b3: {  	v63 =	vld [tilespmem:s1+$0x68D0];
	v2 =	vmul.f32 v5, v3;
	[tilespmem:s1+$0x6830] =	vst v1  }
0x2b4: {  	v10 =	vld [tilespmem:s1+$0x68C0];
	v4 =	vmul.f32 v7, v3;
	[tilespmem:s1+$0x6850] =	vst v6  }
0x2b5: {  	v5 =	vmul.f32 v9, v3;
	v6 =	vld [tilespmem:s1+$0x6890];
	[tilespmem:s1+$0x6870] =	vst v2  }
0x2b6: {  	v3 =	vmul.f32 v8, v3;
	v2 =	vld [tilespmem:s1+$0x68A0];
	[tilespmem:s1+$0x6800] =	vst v4  }
0x2b7: {  	s3 =	simm.s32 $0x100;
	v4 =	vld [tilespmem:s1+$0x6880];
	[tilespmem:s1+$0x6840] =	vst v5  }
0x2b8: {  	v1 =	vld [tilespmem:s3+$0x6830];
	[tilespmem:s1+$0x6860] =	vst v3  }
0x2b9: {  	v8 =	vld [tilespmem:s4+$0xB010]  }
0x2ba: {  	v5 =	vld [tilespmem:s1+$0x68B0]  }
0x2bb: {  	v11 =	vld [tilespmem:s1+$0x68F0]  }
0x2bc: {  	v7 =	vld [tilespmem:s1+$0x68E0];
	_ =	sdelay $0x1  }
0x2bd: {  	s4 =	simm.s32 $0x80;
	v4 =	vmul.f32 v4, v8;
	v3 =	vmul.f32 v6, v8  }
0x2be: {  	s5 =	simm.s32 $0x20;
	s8 =	sand.u32 $0xE00, s4;
	v6 =	vmul.f32 v2, v8;
	v5 =	vmul.f32 v5, v8  }
0x2bf: {  	s12 =	sand.u32 $0x60, s5;
	s23 =	sshrl.u32 s8, $0x2;
	v2 =	vmul.f32 v10, v8;
	[tilespmem:s1+$0x6880] =	vst v4;
	v4 =	vmul.f32 v63, v8  }
0x2c0: {  	s8 =	simm.s32 $0x800;
	s12 =	sor.u32 s12, s23;
	[tilespmem:s1+$0x68A0] =	vst v6;
	v6 =	vmul.f32 v7, v8;
	v7 =	vmul.f32 v11, v8  }
.LBB2_21:
0x2c1: {  	p0 =	sne.s32 s8, $0x7C00;
	s5 =	sadd.s32 $0x20, s5;
	s4 =	sadd.s32 $0x80, s4;
	[tilespmem:s1+$0x68B0] =	vst v5  }
0x2c2: {  	s23 =	smov.u32 s8;
	s8 =	sadd.s32 $0x400, s8;
	[tilespmem:s1+$0x68F0] =	vst v7  }
0x2c3: {  	[tilespmem:s1+$0x6890] =	vst v3  }
0x2c4: {  	v3 =	vld [tilespmem:s3+$0x6870];
	[tilespmem:s1+$0x68E0] =	vst v6  }
0x2c5: {  	v5 =	vld [tilespmem:s3+$0x6820];
	[tilespmem:s1+$0x68D0] =	vst v4  }
0x2c6: {  	v4 =	vld [tilespmem:s3+$0x6850];
	[tilespmem:s1+$0x68C0] =	vst v2;
	s1 =	smov.u32 s3  }
0x2c7: {  	v2 =	vld [tilespmem:s12+$0xB000]  }
0x2c8: {  	v6 =	vld [tilespmem:s1+$0x6810]  }
0x2c9: {  	v7 =	vld [tilespmem:s1+$0x6800]  }
0x2ca: {  	v8 =	vld [tilespmem:s1+$0x6860]  }
0x2cb: {  	v9 =	vld [tilespmem:s1+$0x6840]  }
0x2cc: {  	v5 =	vmul.f32 v5, v2;
	v4 =	vmul.f32 v4, v2  }
0x2cd: {  	s3 =	sand.u32 $0xE00, s4;
	v1 =	vmul.f32 v1, v2;
	v6 =	vmul.f32 v6, v2  }
0x2ce: {  	s24 =	sand.u32 $0x60, s5;
	s3 =	sshrl.u32 s3, $0x2;
	v3 =	vmul.f32 v3, v2;
	v7 =	vmul.f32 v7, v2;
	[tilespmem:s1+$0x6820] =	vst v5  }
0x2cf: {  	s24 =	sor.u32 s24, s3;
	[tilespmem:s1+$0x6810] =	vst v6;
	v5 =	vmul.f32 v8, v2  }
0x2d0: {  	v2 =	vmul.f32 v9, v2;
	[tilespmem:s1+$0x6870] =	vst v3;
	v6 =	vld [tilespmem:s1+$0x68A0]  }
0x2d1: {  	s3 =	sshra.s32 s23, $0x2;
	[tilespmem:s1+$0x6800] =	vst v7;
	v3 =	vld [tilespmem:s1+$0x6880]  }
0x2d2: {  	[tilespmem:s1+$0x6840] =	vst v2;
	v2 =	vld [tilespmem:s1+$0x68B0]  }
0x2d3: {  	[tilespmem:s1+$0x6830] =	vst v1;
	v7 =	vld [tilespmem:s1+$0x68E0]  }
0x2d4: {  	[tilespmem:s1+$0x6850] =	vst v4;
	v4 =	vld [tilespmem:s1+$0x6890]  }
0x2d5: {  	v1 =	vld [tilespmem:s3+$0x6830];
	[tilespmem:s1+$0x6860] =	vst v5  }
0x2d6: {  	v8 =	vld [tilespmem:s12+$0xB010];
	s12 =	smov.u32 s24  }
0x2d7: {  	v9 =	vld [tilespmem:s1+$0x68D0]  }
0x2d8: {  	v10 =	vld [tilespmem:s1+$0x68C0]  }
0x2d9: {  	v11 =	vld [tilespmem:s1+$0x68F0]  }
.Ltmp9:
0x2da: {  	(pc) =	sbr.rel @p0 .LBB2_21-.Ltmp9, $4  }
0x2db: {  	v12 =	vmul.f32 v3, v8;
	v3 =	vmul.f32 v4, v8  }
0x2dc: {  	v6 =	vmul.f32 v6, v8;
	v5 =	vmul.f32 v2, v8  }
0x2dd: {  	v4 =	vmul.f32 v9, v8;
	[tilespmem:s1+$0x6880] =	vst v12;
	v2 =	vmul.f32 v10, v8  }
0x2de: {  	[tilespmem:s1+$0x68A0] =	vst v6;
	v6 =	vmul.f32 v7, v8;
	v7 =	vmul.f32 v11, v8  }
0x2df: {  	[tilespmem:s1+$0x68B0] =	vst v5  }
0x2e0: {  	[tilespmem:s1+$0x6890] =	vst v3  }
0x2e1: {  	[tilespmem:s1+$0x68F0] =	vst v7  }
0x2e2: {  	v3 =	vld [tilespmem:s3+$0x6870];
	[tilespmem:s1+$0x68E0] =	vst v6  }
0x2e3: {  	v5 =	vld [tilespmem:s3+$0x6820];
	[tilespmem:s1+$0x68D0] =	vst v4  }
0x2e4: {  	v4 =	vld [tilespmem:s3+$0x6850];
	[tilespmem:s1+$0x68C0] =	vst v2  }
0x2e5: {  	v2 =	vld [tilespmem:s12+$0xB000]  }
0x2e6: {  	v6 =	vld [tilespmem:s3+$0x6810];
	_ =	sdelay $0x3  }
0x2e7: {  	v7 =	vld [tilespmem:s3+$0x6800];
	v5 =	vmul.f32 v5, v2  }
0x2e8: {  	v9 =	vld [tilespmem:s3+$0x6840];
	v6 =	vmul.f32 v6, v2  }
0x2e9: {  	v8 =	vld [tilespmem:s3+$0x6860];
	v3 =	vmul.f32 v3, v2;
	[tilespmem:s3+$0x6820] =	vst v5  }
0x2ea: {  	v1 =	vmul.f32 v1, v2;
	[tilespmem:s3+$0x6810] =	vst v6  }
0x2eb: {  	v4 =	vmul.f32 v4, v2;
	[tilespmem:s3+$0x6870] =	vst v3  }
0x2ec: {  	v5 =	vmul.f32 v7, v2;
	[tilespmem:s3+$0x6830] =	vst v1  }
0x2ed: {  	v6 =	vmul.f32 v9, v2;
	[tilespmem:s3+$0x6850] =	vst v4  }
0x2ee: {  	v2 =	vmul.f32 v8, v2;
	[tilespmem:s3+$0x6800] =	vst v5  }
0x2ef: {  	[tilespmem:s3+$0x6840] =	vst v6  }
0x2f0: {  	v5 =	vld [tilespmem:s3+$0x6880];
	[tilespmem:s3+$0x6860] =	vst v2  }
0x2f1: {  	v2 =	vld [tilespmem:s12+$0xB010]  }
0x2f2: {  	v3 =	vld [tilespmem:s3+$0x68A0]  }
0x2f3: {  	v6 =	vld [tilespmem:s3+$0x68B0]  }
0x2f4: {  	v4 =	vld [tilespmem:s3+$0x6890]  }
0x2f5: {  	v7 =	vld [tilespmem:s3+$0x68F0]  }
0x2f6: {  	v1 =	vld [tilespmem:s3+$0x68E0];
	v5 =	vmul.f32 v5, v2  }
0x2f7: {  	v8 =	vld [tilespmem:s3+$0x68D0];
	v3 =	vmul.f32 v3, v2  }
0x2f8: {  	v61 =	vld [tilespmem:s3+$0x68C0];
	v6 =	vmul.f32 v6, v2;
	[tilespmem:s3+$0x6880] =	vst v5  }
0x2f9: {  	v4 =	vmul.f32 v4, v2;
	[tilespmem:s3+$0x68A0] =	vst v3  }
0x2fa: {  	v3 =	vmul.f32 v7, v2;
	[tilespmem:s3+$0x68B0] =	vst v6  }
0x2fb: {  	v1 =	vmul.f32 v1, v2;
	[tilespmem:s3+$0x6890] =	vst v4  }
0x2fc: {  	[tilespmem:s3+$0x68F0] =	vst v3;
	v3 =	vmul.f32 v8, v2  }
0x2fd: {  	[tilespmem:s3+$0x68E0] =	vst v1;
	v2 =	vmul.f32 v61, v2  }
0x2fe: {  	[tilespmem:s3+$0x68D0] =	vst v3  }
0x2ff: {  	s23 =	simm.s32 $0xBB00;
	[tilespmem:s3+$0x68C0] =	vst v2  }
0x300: {  	[spmem:s2] =	stream.indirect.scatter.add.f32 [tilespmem:s17], [sflag:$0xB], $0x80, s23, s18, $0xb8;
	[tilespmem:$0x1FC00] =	vst v63  }
0x301: {  	_ =	swait.ge [sflag:s21], $0x2000  }
0x302: {  	[sflag:s21] =	ssyncset.done $0x0  }
0x303: {  	s24 =	simm.s32 $0x0;
	[sflag:s21] =	ssyncadd.s32 $0xFFFFE000  }
0x304: {  	s4 =	sand.u32 $0xE00, s24;
	_ =	swait.ge [sflag:s22], $0x400  }
0x305: {  	s4 =	sshrl.u32 s4, $0x2;
	[sflag:s22] =	ssyncset.done $0x0  }
0x306: {  	s1 =	simm.s32 $0x0;
	s3 =	sand.u32 $0x60, s24;
	[sflag:s22] =	ssyncadd.s32 $0xFFFFFC00  }
0x307: {  	s4 =	sor.u32 s3, s4;
	v2 =	vld [tilespmem:s1+$0x8820]  }
0x308: {  	v3 =	vld [tilespmem:s4+$0xB400]  }
0x309: {  	v4 =	vld [tilespmem:s1+$0x8810]  }
0x30a: {  	v1 =	vld [tilespmem:s1+$0x8830]  }
0x30b: {  	v6 =	vld [tilespmem:s1+$0x8850]  }
0x30c: {  	v5 =	vld [tilespmem:s1+$0x8870]  }
0x30d: {  	v7 =	vld [tilespmem:s1+$0x8800];
	v2 =	vmul.f32 v2, v3  }
0x30e: {  	v62 =	vld [tilespmem:s1+$0x8840];
	v4 =	vmul.f32 v4, v3  }
0x30f: {  	v8 =	vld [tilespmem:s1+$0x8860];
	v1 =	vmul.f32 v1, v3;
	[tilespmem:s1+$0x8820] =	vst v2  }
0x310: {  	v6 =	vmul.f32 v6, v3;
	[tilespmem:s1+$0x8810] =	vst v4  }
0x311: {  	v63 =	vld [tilespmem:s1+$0x88D0];
	v2 =	vmul.f32 v5, v3;
	[tilespmem:s1+$0x8830] =	vst v1  }
0x312: {  	v10 =	vld [tilespmem:s1+$0x88C0];
	v4 =	vmul.f32 v7, v3;
	[tilespmem:s1+$0x8850] =	vst v6  }
0x313: {  	v5 =	vmul.f32 v62, v3;
	v6 =	vld [tilespmem:s1+$0x8890];
	[tilespmem:s1+$0x8870] =	vst v2  }
0x314: {  	v3 =	vmul.f32 v8, v3;
	v2 =	vld [tilespmem:s1+$0x88A0];
	[tilespmem:s1+$0x8800] =	vst v4  }
0x315: {  	s3 =	simm.s32 $0x100;
	v4 =	vld [tilespmem:s1+$0x8880];
	[tilespmem:s1+$0x8840] =	vst v5  }
0x316: {  	v1 =	vld [tilespmem:s3+$0x8830];
	[tilespmem:s1+$0x8860] =	vst v3  }
0x317: {  	v8 =	vld [tilespmem:s4+$0xB410]  }
0x318: {  	v5 =	vld [tilespmem:s1+$0x88B0]  }
0x319: {  	v11 =	vld [tilespmem:s1+$0x88F0]  }
0x31a: {  	v7 =	vld [tilespmem:s1+$0x88E0];
	_ =	sdelay $0x1  }
0x31b: {  	s4 =	simm.s32 $0x80;
	v4 =	vmul.f32 v4, v8;
	v3 =	vmul.f32 v6, v8  }
0x31c: {  	s5 =	simm.s32 $0x20;
	s8 =	sand.u32 $0xE00, s4;
	v6 =	vmul.f32 v2, v8;
	v5 =	vmul.f32 v5, v8  }
0x31d: {  	s28 =	sand.u32 $0x60, s5;
	s29 =	rddreg [dreg:$0x3];
	s23 =	sshrl.u32 s8, $0x2;
	v2 =	vmul.f32 v10, v8;
	[tilespmem:s1+$0x8880] =	vst v4;
	v4 =	vmul.f32 v63, v8  }
0x31e: {  	s30 =	rddreg [dreg:$0x4];
	s8 =	simm.s32 $0x800;
	s12 =	sor.u32 s28, s23;
	[tilespmem:s1+$0x88A0] =	vst v6;
	v6 =	vmul.f32 v7, v8;
	v7 =	vmul.f32 v11, v8  }
.LBB2_23:
0x31f: {  	p0 =	sne.s32 s8, $0x7C00;
	s5 =	sadd.s32 $0x20, s5;
	s4 =	sadd.s32 $0x80, s4;
	[tilespmem:s1+$0x88B0] =	vst v5  }
0x320: {  	s23 =	smov.u32 s8;
	s8 =	sadd.s32 $0x400, s8;
	[tilespmem:s1+$0x88F0] =	vst v7  }
0x321: {  	[tilespmem:s1+$0x8890] =	vst v3  }
0x322: {  	v3 =	vld [tilespmem:s3+$0x8870];
	[tilespmem:s1+$0x88E0] =	vst v6  }
0x323: {  	v5 =	vld [tilespmem:s3+$0x8820];
	[tilespmem:s1+$0x88D0] =	vst v4  }
0x324: {  	v4 =	vld [tilespmem:s3+$0x8850];
	[tilespmem:s1+$0x88C0] =	vst v2;
	s1 =	smov.u32 s3  }
0x325: {  	v2 =	vld [tilespmem:s12+$0xB400]  }
0x326: {  	v6 =	vld [tilespmem:s1+$0x8810]  }
0x327: {  	v7 =	vld [tilespmem:s1+$0x8800]  }
0x328: {  	v8 =	vld [tilespmem:s1+$0x8860]  }
0x329: {  	v9 =	vld [tilespmem:s1+$0x8840]  }
0x32a: {  	v5 =	vmul.f32 v5, v2;
	v4 =	vmul.f32 v4, v2  }
0x32b: {  	s3 =	sand.u32 $0xE00, s4;
	v1 =	vmul.f32 v1, v2;
	v6 =	vmul.f32 v6, v2  }
0x32c: {  	s24 =	sand.u32 $0x60, s5;
	s3 =	sshrl.u32 s3, $0x2;
	v3 =	vmul.f32 v3, v2;
	v7 =	vmul.f32 v7, v2;
	[tilespmem:s1+$0x8820] =	vst v5  }
0x32d: {  	s24 =	sor.u32 s24, s3;
	[tilespmem:s1+$0x8810] =	vst v6;
	v5 =	vmul.f32 v8, v2  }
0x32e: {  	v2 =	vmul.f32 v9, v2;
	[tilespmem:s1+$0x8870] =	vst v3;
	v6 =	vld [tilespmem:s1+$0x88A0]  }
0x32f: {  	s3 =	sshra.s32 s23, $0x2;
	[tilespmem:s1+$0x8800] =	vst v7;
	v3 =	vld [tilespmem:s1+$0x8880]  }
0x330: {  	[tilespmem:s1+$0x8840] =	vst v2;
	v2 =	vld [tilespmem:s1+$0x88B0]  }
0x331: {  	[tilespmem:s1+$0x8830] =	vst v1;
	v7 =	vld [tilespmem:s1+$0x88E0]  }
0x332: {  	[tilespmem:s1+$0x8850] =	vst v4;
	v4 =	vld [tilespmem:s1+$0x8890]  }
0x333: {  	v1 =	vld [tilespmem:s3+$0x8830];
	[tilespmem:s1+$0x8860] =	vst v5  }
0x334: {  	v8 =	vld [tilespmem:s12+$0xB410];
	s12 =	smov.u32 s24  }
0x335: {  	v9 =	vld [tilespmem:s1+$0x88D0]  }
0x336: {  	v10 =	vld [tilespmem:s1+$0x88C0]  }
0x337: {  	v11 =	vld [tilespmem:s1+$0x88F0]  }
.Ltmp10:
0x338: {  	(pc) =	sbr.rel @p0 .LBB2_23-.Ltmp10, $4  }
0x339: {  	v12 =	vmul.f32 v3, v8;
	v3 =	vmul.f32 v4, v8  }
0x33a: {  	v6 =	vmul.f32 v6, v8;
	v5 =	vmul.f32 v2, v8  }
0x33b: {  	v4 =	vmul.f32 v9, v8;
	[tilespmem:s1+$0x8880] =	vst v12;
	v2 =	vmul.f32 v10, v8  }
0x33c: {  	[tilespmem:s1+$0x88A0] =	vst v6;
	v6 =	vmul.f32 v7, v8;
	v7 =	vmul.f32 v11, v8  }
0x33d: {  	[tilespmem:s1+$0x88B0] =	vst v5  }
0x33e: {  	[tilespmem:s1+$0x8890] =	vst v3  }
0x33f: {  	[tilespmem:s1+$0x88F0] =	vst v7  }
0x340: {  	v3 =	vld [tilespmem:s3+$0x8870];
	[tilespmem:s1+$0x88E0] =	vst v6  }
0x341: {  	v5 =	vld [tilespmem:s3+$0x8820];
	[tilespmem:s1+$0x88D0] =	vst v4  }
0x342: {  	v4 =	vld [tilespmem:s3+$0x8850];
	[tilespmem:s1+$0x88C0] =	vst v2  }
0x343: {  	v2 =	vld [tilespmem:s12+$0xB400]  }
0x344: {  	v6 =	vld [tilespmem:s3+$0x8810];
	_ =	sdelay $0x1  }
0x345: {  	v7 =	vld [tilespmem:s3+$0x8800]  }
0x346: {  	v9 =	vld [tilespmem:s3+$0x8840]  }
0x347: {  	v5 =	vmul.f32 v5, v2  }
0x348: {  	v6 =	vmul.f32 v6, v2  }
0x349: {  	v8 =	vld [tilespmem:s3+$0x8860];
	v3 =	vmul.f32 v3, v2;
	[tilespmem:s3+$0x8820] =	vst v5  }
0x34a: {  	v56 =	vmul.f32 v7, v2;
	[tilespmem:s3+$0x8810] =	vst v6  }
0x34b: {  	v57 =	vmul.f32 v9, v2;
	[tilespmem:s3+$0x8870] =	vst v3  }
0x34c: {  	v1 =	vmul.f32 v1, v2;
	[tilespmem:s3+$0x8800] =	vst v56  }
0x34d: {  	v4 =	vmul.f32 v4, v2;
	[tilespmem:s3+$0x8840] =	vst v57  }
0x34e: {  	v2 =	vmul.f32 v8, v2;
	[tilespmem:s3+$0x8830] =	vst v1  }
0x34f: {  	[tilespmem:s3+$0x8850] =	vst v4  }
0x350: {  	v58 =	vld [tilespmem:s3+$0x8880];
	[tilespmem:s3+$0x8860] =	vst v2  }
0x351: {  	v2 =	vld [tilespmem:s12+$0xB410]  }
0x352: {  	v3 =	vld [tilespmem:s3+$0x88A0]  }
0x353: {  	v59 =	vld [tilespmem:s3+$0x88B0]  }
0x354: {  	v60 =	vld [tilespmem:s3+$0x8890]  }
0x355: {  	v61 =	vld [tilespmem:s3+$0x88F0]  }
0x356: {  	v1 =	vld [tilespmem:s3+$0x88E0];
	v5 =	vmul.f32 v58, v2  }
0x357: {  	v62 =	vld [tilespmem:s3+$0x88D0];
	v3 =	vmul.f32 v3, v2  }
0x358: {  	v63 =	vld [tilespmem:s3+$0x88C0];
	v6 =	vmul.f32 v59, v2;
	[tilespmem:s3+$0x8880] =	vst v5  }
0x359: {  	v4 =	vmul.f32 v60, v2;
	[tilespmem:s3+$0x88A0] =	vst v3  }
0x35a: {  	v3 =	vmul.f32 v61, v2;
	[tilespmem:s3+$0x88B0] =	vst v6  }
0x35b: {  	v1 =	vmul.f32 v1, v2;
	[tilespmem:s3+$0x8890] =	vst v4  }
0x35c: {  	[tilespmem:s3+$0x88F0] =	vst v3;
	v3 =	vmul.f32 v62, v2  }
0x35d: {  	[tilespmem:s3+$0x88E0] =	vst v1;
	v2 =	vmul.f32 v63, v2  }
0x35e: {  	[tilespmem:s3+$0x88D0] =	vst v3  }
0x35f: {  	s24 =	simm.s32 $0x8800;
	s28 =	simm.s32 $0xBB80;
	[tilespmem:s3+$0x88C0] =	vst v2  }
0x360: {  	[spmem:s2] =	stream.indirect.scatter.add.f32 [tilespmem:s24], [sflag:$0xC], $0x80, s28, s18, $0xb8;
	[tilespmem:$0x1FC00] =	vst v63  }
0x361: {  	_ =	swait.ge [sflag:s13], $0x2000  }
0x362: {  	[sflag:s13] =	ssyncset.done $0x0  }
0x363: {  	[sflag:s13] =	ssyncadd.s32 $0xFFFFE000  }
0x364: {  	_ =	swait.ge [sflag:s19], $0x2000  }
0x365: {  	[sflag:s19] =	ssyncset.done $0x0  }
0x366: {  	[sflag:s19] =	ssyncadd.s32 $0xFFFFE000  }
0x367: {  	_ =	swait.ge [sflag:s25], $0x2000  }
0x368: {  	[sflag:s25] =	ssyncset.done $0x0  }
0x369: {  	[sflag:s25] =	ssyncadd.s32 $0xFFFFE000  }
0x36a: {  	_ =	swait.ge [sflag:s26], $0x2000  }
0x36b: {  	[sflag:s26] =	ssyncset.done $0x0  }
0x36c: {  	[sflag:s26] =	ssyncadd.s32 $0xFFFFE000  }
0x36d: {  	s23 =	simm.s32 $0x0;
	[bflag:$0x0] =	sbarrier.arrive $0xFFFF  }
0x36e: {  	s1 =	simm.s32 $0x0;
	s12 =	simm.s32 $0x0;
	s8 =	rddreg [dreg:$0x5]  }
.LBB2_25:
0x36f: {  	s4 =	sshll.u32 s12, $0x7  }
0x370: {  	s3 =	sadd.s32 s30, s4  }
0x371: {  	s3 =	sshll.u32 s3, $0x7  }
0x372: {  	s3 =	sand.u32 $0x3FFFFF80, s3  }
0x373: {  	s3 =	sadd.s32 s3, s2  }
0x374: {  	[tilespmem:s20], [sflag:$0xD] =	stream.linear.gather [spmem:s3], $0x4000, $0x38;
	[tilespmem:$0x1FC00] =	vst v63  }
0x375: {  	s4 =	sadd.s32 s8, s4;
	_ =	swait.ge [sflag:s16], $0x4000  }
0x376: {  	s24 =	sshll.u32 s4, $0x4;
	[sflag:s16] =	ssyncset.done $0x0  }
0x377: {  	s4 =	sadd.s32 s29, s24;
	[sflag:s16] =	ssyncadd.s32 $0xFFFFC000  }
0x378: {  	[tilespmem:s17], [sflag:$0xD] =	stream.linear.gather [hbm4b:s4+s1], $0x4000, $0x38;
	[tilespmem:$0x1FC00] =	vst v63  }
0x379: {  	_ =	swait.ge [sflag:s16], $0x4000  }
0x37a: {  	[sflag:s16] =	ssyncset.done $0x0  }
0x37b: {  	s28 =	simm.s32 $0x0;
	[sflag:s16] =	ssyncadd.s32 $0xFFFFC000  }
0x37c: {  	v1 =	vld [tilespmem:s28+$0x2800]  }
0x37d: {  	v2 =	vld [tilespmem:s28+$0x6800]  }
0x37e: {  	v3 =	vld [tilespmem:s28+$0x2810]  }
0x37f: {  	v4 =	vld [tilespmem:s28+$0x6810]  }
0x380: {  	v5 =	vld [tilespmem:s28+$0x2820]  }
0x381: {  	v6 =	vld [tilespmem:s28+$0x6820];
	v1 =	vmul.f32 $8.999999760e-01, v1  }
0x382: {  	v7 =	vld [tilespmem:s28+$0x2830];
	v2 =	vmul.f32 $1.111111120e-01, v2  }
0x383: {  	v8 =	vld [tilespmem:s28+$0x6830];
	[tilespmem:s28+$0x2800] =	vst v1;
	v1 =	vmul.f32 $8.999999760e-01, v3  }
0x384: {  	v9 =	vld [tilespmem:s28+$0x2840];
	[tilespmem:s28+$0x6800] =	vst v2;
	v2 =	vmul.f32 $1.111111120e-01, v4  }
0x385: {  	v10 =	vld [tilespmem:s28+$0x6840];
	[tilespmem:s28+$0x2810] =	vst v1;
	v1 =	vmul.f32 $8.999999760e-01, v5  }
0x386: {  	v3 =	vmul.f32 $1.111111120e-01, v6;
	[tilespmem:s28+$0x6810] =	vst v2;
	v2 =	vld [tilespmem:s28+$0x2850]  }
0x387: {  	v4 =	vmul.f32 $8.999999760e-01, v7;
	[tilespmem:s28+$0x2820] =	vst v1;
	v1 =	vld [tilespmem:s28+$0x6850]  }
0x388: {  	[tilespmem:s28+$0x6820] =	vst v3;
	v3 =	vld [tilespmem:s28+$0x2860];
	v5 =	vmul.f32 $1.111111120e-01, v8  }
0x389: {  	v7 =	vmul.f32 $8.999999760e-01, v9;
	[tilespmem:s28+$0x2830] =	vst v4;
	v4 =	vld [tilespmem:s28+$0x6860]  }
0x38a: {  	s4 =	simm.s32 $0x200;
	v6 =	vmul.f32 $1.111111120e-01, v10;
	[tilespmem:s28+$0x6830] =	vst v5;
	v5 =	vld [tilespmem:s28+$0x2870]  }
.LBB2_26:
0x38b: {  	s5 =	sshra.s32 s4, $0x2;
	p0 =	sne.s32 s4, $0xFE00;
	[tilespmem:s28+$0x2840] =	vst v7;
	v2 =	vmul.f32 $8.999999760e-01, v2;
	v7 =	vld [tilespmem:s28+$0x6870]  }
0x38c: {  	v8 =	vld [tilespmem:s5+$0x2800];
	[tilespmem:s28+$0x6840] =	vst v6;
	v1 =	vmul.f32 $1.111111120e-01, v1  }
0x38d: {  	v6 =	vld [tilespmem:s5+$0x6800];
	[tilespmem:s28+$0x2850] =	vst v2;
	v2 =	vmul.f32 $8.999999760e-01, v3  }
0x38e: {  	v3 =	vld [tilespmem:s5+$0x2810];
	[tilespmem:s28+$0x6850] =	vst v1;
	v1 =	vmul.f32 $1.111111120e-01, v4  }
0x38f: {  	v4 =	vld [tilespmem:s5+$0x6810];
	[tilespmem:s28+$0x2860] =	vst v2;
	v2 =	vmul.f32 $8.999999760e-01, v5  }
0x390: {  	v5 =	vld [tilespmem:s5+$0x2820];
	[tilespmem:s28+$0x6860] =	vst v1;
	v1 =	vmul.f32 $1.111111120e-01, v7  }
0x391: {  	v7 =	vmul.f32 $8.999999760e-01, v8;
	v8 =	vld [tilespmem:s5+$0x6820];
	[tilespmem:s28+$0x2870] =	vst v2  }
0x392: {  	v2 =	vmul.f32 $1.111111120e-01, v6;
	v6 =	vld [tilespmem:s5+$0x2830];
	[tilespmem:s28+$0x6870] =	vst v1;
	s28 =	smov.u32 s5  }
0x393: {  	[tilespmem:s28+$0x2800] =	vst v7;
	v1 =	vmul.f32 $8.999999760e-01, v3;
	v3 =	vld [tilespmem:s28+$0x6830]  }
0x394: {  	[tilespmem:s28+$0x6800] =	vst v2;
	v2 =	vmul.f32 $1.111111120e-01, v4;
	v4 =	vld [tilespmem:s28+$0x2840]  }
0x395: {  	[tilespmem:s28+$0x2810] =	vst v1;
	v1 =	vmul.f32 $8.999999760e-01, v5;
	v5 =	vld [tilespmem:s28+$0x6840]  }
.Ltmp11:
0x396: {  	[tilespmem:s28+$0x6810] =	vst v2;
	v7 =	vmul.f32 $1.111111120e-01, v8;
	v2 =	vld [tilespmem:s28+$0x2850];
	(pc) =	sbr.rel @p0 .LBB2_26-.Ltmp11, $4  }
0x397: {  	[tilespmem:s28+$0x2820] =	vst v1;
	v6 =	vmul.f32 $8.999999760e-01, v6;
	v1 =	vld [tilespmem:s28+$0x6850]  }
0x398: {  	[tilespmem:s28+$0x6820] =	vst v7;
	v8 =	vmul.f32 $1.111111120e-01, v3;
	v3 =	vld [tilespmem:s28+$0x2860]  }
0x399: {  	[tilespmem:s28+$0x2830] =	vst v6;
	v7 =	vmul.f32 $8.999999760e-01, v4;
	v4 =	vld [tilespmem:s28+$0x6860]  }
0x39a: {  	s4 =	sadd.s32 $0x200, s4;
	[tilespmem:s28+$0x6830] =	vst v8;
	v6 =	vmul.f32 $1.111111120e-01, v5;
	v5 =	vld [tilespmem:s28+$0x2870]  }
0x39b: {  	[tilespmem:s28+$0x2840] =	vst v7;
	v2 =	vmul.f32 $8.999999760e-01, v2;
	v63 =	vld [tilespmem:s28+$0x6870]  }
0x39c: {  	[tilespmem:s28+$0x6840] =	vst v6;
	v1 =	vmul.f32 $1.111111120e-01, v1  }
0x39d: {  	[tilespmem:s28+$0x2850] =	vst v2;
	v2 =	vmul.f32 $8.999999760e-01, v3  }
0x39e: {  	[tilespmem:s28+$0x6850] =	vst v1;
	v1 =	vmul.f32 $1.111111120e-01, v4  }
0x39f: {  	[tilespmem:s28+$0x2860] =	vst v2;
	v2 =	vmul.f32 $8.999999760e-01, v5  }
0x3a0: {  	[tilespmem:s28+$0x6860] =	vst v1;
	v1 =	vmul.f32 $1.111111120e-01, v63  }
0x3a1: {  	[tilespmem:s28+$0x2870] =	vst v2  }
0x3a2: {  	s4 =	sadd.s32 s7, s24;
	[tilespmem:s28+$0x6870] =	vst v1  }
0x3a3: {  	[hbm4b:s4+s23] =	stream.linear.scatter [tilespmem:s20], [sflag:$0xD], $0x4000, $0x38;
	[tilespmem:$0x1FC00] =	vst v63  }
0x3a4: {  	s12 =	sadd.s32 $0x1, s12;
	_ =	swait.ge [sflag:s16], $0x4000  }
0x3a5: {  	p0 =	sne.s32 s12, $0x5;
	[sflag:s16] =	ssyncset.done $0x0  }
.Ltmp12:
0x3a6: {  	[sflag:s16] =	ssyncadd.s32 $0xFFFFC000;
	(pc) =	sbr.rel @p0 .LBB2_25-.Ltmp12, $4  }
0x3a7: {  	[spmem:s3] =	stream.linear.scatter [tilespmem:s17], [sflag:$0xD], $0x4000, $0x38;
	[tilespmem:$0x1FC00] =	vst v63  }
0x3a8: {  	_ =	swait.ge [sflag:s16], $0x4000  }
0x3a9: {  	[sflag:s16] =	ssyncset.done $0x0  }
0x3aa: {  	[sflag:s16] =	ssyncadd.s32 $0xFFFFC000  }
0x3ab: {  	s1 =	rddreg [dreg:$0xd]  }
0x3ac: {  	s1 =	sadd.s32 $0x1, s1  }
0x3ad: {  	p0 =	sne.s32 s1, $0xA  }
.Ltmp13:
0x3ae: {  	_ = 	snop;
	(pc) =	sbr.rel @p0 .LBB2_6-.Ltmp13, $2  }
0x3af: {  	_ =	sdelay $0x1  }
0x3b0: {  	[bflag:$0x0] =	sbarrier.arrive $0xFFFF;
	_ =	sdelay $0x1  }
0x3b1: {  	s3 =	rddreg [dreg:$0xc]  }
0x3b2: {  	s1 =	rddreg [dreg:$0xb];
	s3 =	sadd.s32 $0x1, s3  }
0x3b3: {  	p0 =	sne.s32 s3, s1  }
.Ltmp14:
0x3b4: {  	_ = 	snop;
	(pc) =	sbr.rel @p0 .LBB2_1-.Ltmp14, $1  }
0x3b5: {  	_ =	sdelay $0x3  }
0x3b6: {  	_ =	sfence.sel $0x180000  }
0x3b7: {  	[bflag:$0x0] =	sbarrier.arrive $0xFFFF  }
0x3b8: {  	_ =	strace $0x90000047  }
0x3b9: {  	s0 =	stileid.u32;
	[bflag:$0x2] =	sbarrier.arrive $0xFFFF  }
0x3ba: {  	p0 =	sne.s32 s0, $0x0;
	s0 =	rddreg [dreg:$0x2]  }
0x3bb: {  	s0 =	sadd.s32 @!p0 $0x100000, s0  }
0x3bc: {  	[sflag:s0] =	ssyncadd.tile.s32 @!p0 $0x1;
	_ =	shalt  }
.Lfunc_end2:
_tile_overlayer_lowered:
.L_overlay_start_2:
0x3bd: {  	(tag) =	ssettag $0x2  }
0x3be: {  	s0 =	rddreg [dreg:$0x0];
	s2 =	stileid.u32  }
0x3bf: {  	s1 =	rddreg [dreg:$0x1];
	p0 =	sne.s32 s2, $0x0  }
0x3c0: {  	s3 =	rddreg [dreg:$0x2];
	[bflag:$0x3] =	sbarrier.arrive $0xFFFF;
	s2 =	simm.s32 @!p0 $0x1C0D  }
0x3c1: {  	[timem:s3], [sflag:s2] =	dma.local @!p0 [hbm:s0], s1  }
0x3c2: {  	s0 =	simm.s32 @!p0 $0xD  }
0x3c3: {  	_ =	swait.ge @!p0 [sflag:s0], s1  }
0x3c4: {  	s1 =	ssub.s32 @!p0 $0x0, s1;
	[sflag:s0] =	ssyncset.done @!p0 $0x0  }
0x3c5: {  	[sflag:s0] =	ssyncadd.s32 @!p0 s1  }
0x3c6: {  	[bflag:$0x3] =	sbarrier.arrive $0xFFFF  }
0x3c7: {  	_ =	shalt  }

</sc_bundles>
